<compile_context>
chip_gen: v7x
topology: tpu7x:2x2x1
jax: 0.10.2.dev20260603
libtpu: 0.0.44.dev20260713+nightly
codegen_flags: <defaults>
</compile_context>

<pallas_src>
import functools
import math

import jax
import jax.numpy as jnp
from jax import lax
from jax.experimental import pallas as pl
from jax.experimental.pallas import tpu as pltpu
from jax.experimental.pallas import tpu_sc as plsc

_D = 128
_SEQ = 200
_BATCH = 4096
_SCALE = math.sqrt(float(_D))
_NC, _NS, _L = 2, 16, 16
_NW = _NC * _NS
_ROWS_PER_W = _BATCH // _NW
_NBUF = 4

_PREP_BLK = 2000


def _prep_body(tab_ref, out_ref):
    i = pl.program_id(0)
    rows = lax.broadcasted_iota(jnp.int32, (_PREP_BLK, 1), 0) + i * _PREP_BLK
    scale = jnp.where(rows == 0, 0.0, _SCALE)
    out_ref[...] = tab_ref[...] * scale


def _prep_table(table):
    n_rows = table.shape[0]
    grid = n_rows // _PREP_BLK
    return pl.pallas_call(
        _prep_body,
        grid=(grid,),
        in_specs=[pl.BlockSpec((_PREP_BLK, _D), lambda i: (i, 0))],
        out_specs=pl.BlockSpec((_PREP_BLK, _D), lambda i: (i, 0)),
        out_shape=jax.ShapeDtypeStruct((n_rows, _D), jnp.float32),
    )(table)


@functools.partial(
    pl.kernel,
    out_type=jax.ShapeDtypeStruct((_BATCH, _SEQ, _D), jnp.float32),
    mesh=plsc.VectorSubcoreMesh(
        core_axis_name="c", subcore_axis_name="s", num_cores=_NC, num_subcores=_NS
    ),
    scratch_types=[
        pltpu.VMEM((_SEQ, _D), jnp.float32),
        pltpu.VMEM((_NBUF, _SEQ), jnp.int32),
        pltpu.VMEM((_NBUF, _SEQ, _D), jnp.float32),
        pltpu.SemaphoreType.DMA((_NBUF,)),
        pltpu.SemaphoreType.DMA((_NBUF,)),
        pltpu.SemaphoreType.DMA((_NBUF,)),
    ],
)
def _sc_gather(
    table_hbm, batch_hbm, pos_hbm, out_hbm, pos_v, idx_v, gbuf, isem, gsem, ssem
):
    wid = lax.axis_index("s") * _NC + lax.axis_index("c")
    base = wid * _ROWS_PER_W
    pltpu.sync_copy(pos_hbm, pos_v)

    def fire_idx(r, b):
        pltpu.async_copy(batch_hbm.at[base + r], idx_v.at[b], isem.at[b])

    def wait_idx(b):
        pltpu.make_async_copy(batch_hbm.at[base], idx_v.at[b], isem.at[b]).wait()

    def fire_gather(b):
        pltpu.async_copy(
            table_hbm.at[idx_v.at[b, pl.ds(0, 128)]],
            gbuf.at[b, pl.ds(0, 128)],
            gsem.at[b],
        )
        pltpu.async_copy(
            table_hbm.at[idx_v.at[b, pl.ds(128, 72)]],
            gbuf.at[b, pl.ds(128, 72)],
            gsem.at[b],
        )

    def wait_gather(b):
        pltpu.make_async_copy(
            table_hbm.at[idx_v.at[b, pl.ds(0, 128)]],
            gbuf.at[b, pl.ds(0, 128)],
            gsem.at[b],
        ).wait()
        pltpu.make_async_copy(
            table_hbm.at[idx_v.at[b, pl.ds(128, 72)]],
            gbuf.at[b, pl.ds(128, 72)],
            gsem.at[b],
        ).wait()

    def add_pos(b):
        @plsc.parallel_loop(0, _SEQ, 1, unroll=4)
        def _(r2):
            for j in range(_D // _L):
                plsc.addupdate(
                    gbuf.at[b, r2, pl.ds(j * _L, _L)], pos_v[r2, pl.ds(j * _L, _L)]
                )

    def fire_scatter(r, b):
        pltpu.async_copy(gbuf.at[b], out_hbm.at[base + r], ssem.at[b])

    def wait_scatter(b):
        pltpu.make_async_copy(gbuf.at[b], out_hbm.at[base], ssem.at[b]).wait()

    for b in range(_NBUF):
        fire_idx(b, b)
    for b in range(2):
        wait_idx(b)
        fire_gather(b)

    def iteration(r, b, do_wait_scatter, do_fire_gather, do_fire_idx):
        b2 = (b + 2) % _NBUF
        wait_gather(b)
        add_pos(b)
        fire_scatter(r, b)
        if do_wait_scatter:
            wait_scatter(b2)
        if do_fire_gather:
            wait_idx(b2)
            fire_gather(b2)
        if do_fire_idx:
            fire_idx(r + 4, b)

    for b in range(_NBUF):
        iteration(b, b, b >= 2, True, True)

    @pl.loop(_NBUF, _ROWS_PER_W - _NBUF, step=_NBUF)
    def _(r0):
        for b in range(_NBUF):
            iteration(r0 + b, b, True, True, True)

    for b in range(_NBUF):
        iteration(_ROWS_PER_W - _NBUF + b, b, True, b < 2, False)

    wait_scatter(2)
    wait_scatter(3)


def kernel(batch, table, pos_enc):
    table_eff = _prep_table(table)
    return _sc_gather(table_eff, batch, pos_enc)

# --- scband reference (transcript-rebuilt; emitter-appended) ---
"""Pipeline reference for scband-positional-embedding-31370441130349 (READ-ONLY COPY).

The authoritative reference and input builder live on the scoring server;
editing this copy changes nothing except your own understanding.
"""

import math
import jax, jax.numpy as jnp
import numpy as np

SZ_ALPH = 100000
SZ_EMB = 128
MAX_LEN = 200
PADDING_IDX = 0
BATCH = 4096
SEQ = 200


def make_pos_enc(sz_emb, max_len):
    pos_enc = np.zeros((max_len, sz_emb), dtype=np.float32)
    position = np.arange(0, max_len, dtype=np.float32)[:, None]
    div_term = np.exp(np.arange(0, sz_emb, 2, dtype=np.float32) * (-math.log(10000.0) / sz_emb))
    pos_enc[:, 0::2] = np.sin(position * div_term)
    pos_enc[:, 1::2] = np.cos(position * div_term[: sz_emb // 2])
    return jnp.asarray(pos_enc)


def setup_inputs(seed: int = 0) -> dict:
    key = jax.random.key(seed)
    k_idx, k_tab = jax.random.split(key)
    batch = jax.random.randint(k_idx, (BATCH, SEQ), 0, SZ_ALPH, dtype=jnp.int64 if jax.config.jax_enable_x64 else jnp.int32)
    table = jax.random.normal(k_tab, (SZ_ALPH, SZ_EMB), dtype=jnp.float32)
    pos_enc = make_pos_enc(SZ_EMB, MAX_LEN)
    return {"batch": batch, "table": table, "pos_enc": pos_enc}


def reference(batch, table, pos_enc):
    # nn.Embedding with padding_idx=0: row 0 is zero
    table_eff = table.at[PADDING_IDX].set(0.0)
    emb = jnp.take(table_eff, batch, axis=0) * math.sqrt(SZ_EMB)
    # PositionalEncoding: add pos_enc[:seq_len], broadcast over batch; dropout p=0.0 -> identity
    out = emb + pos_enc[: emb.shape[1]][None, :, :]
    return out

if __name__ == "__main__":
    import jax
    _d = setup_inputs()
    print(jax.jit(kernel)(*tuple(_d.values())))

</pallas_src>

<mosaic_0001>
#map = affine_map<(d0, d1) -> (0, 0)>
#map1 = affine_map<(d0, d1) -> (0, 0, 0)>
module attributes {stable_mosaic.version = 14 : i64} {
  func.func @_sc_gather(%arg0: i32, %arg1: i32, %arg2: memref<100000x128xf32, #tpu.memory_space<hbm>>, %arg3: memref<4096x200xi32, #tpu.memory_space<hbm>>, %arg4: memref<200x128xf32, #tpu.memory_space<hbm>>, %arg5: memref<4096x200x128xf32, #tpu.memory_space<hbm>>, %arg6: memref<200x128xf32, #tpu.memory_space<vmem>>, %arg7: memref<4x200xi32, #tpu.memory_space<vmem>>, %arg8: memref<4x200x128xf32, #tpu.memory_space<vmem>>, %arg9: memref<4x!tpu.dma_semaphore, #tpu.memory_space<semaphore_mem>>, %arg10: memref<4x!tpu.dma_semaphore, #tpu.memory_space<semaphore_mem>>, %arg11: memref<4x!tpu.dma_semaphore, #tpu.memory_space<semaphore_mem>>) attributes {dimension_semantics = [#tpu.dimension_semantics<core_parallel>, #tpu.dimension_semantics<subcore_parallel>], iteration_bounds = array<i64: 2, 16>, scalar_prefetch = 0 : i64, scratch_operands = 6 : i64, tpu.core_type = #tpu.core_type<sc_vector_subcore>, window_params = [{transform_indices = #map}, {transform_indices = #map}, {transform_indices = #map}, {transform_indices = #map1}]} {
    %mul3A = arith.constant 2 : i32
    %mul3A_0 = arith.muli %arg1, %mul3A : i32
    %add3A = arith.addi %mul3A_0, %arg0 : i32
    %mul3A_1 = arith.constant 128 : i32
    %mul3A_2 = arith.muli %add3A, %mul3A_1 : i32
    "tpu.region"() ({
      %run_scoped3A = tpu.sem_alloc : memref<!tpu.dma_semaphore, #tpu.memory_space<semaphore_mem>>
      tpu.enqueue_dma source(%arg4 : memref<200x128xf32, #tpu.memory_space<hbm>>) target(%arg6 : memref<200x128xf32, #tpu.memory_space<vmem>>) target_semaphore(%run_scoped3A : memref<!tpu.dma_semaphore, #tpu.memory_space<semaphore_mem>>)
      tpu.wait_dma2 semaphore(%run_scoped3A : memref<!tpu.dma_semaphore, #tpu.memory_space<semaphore_mem>>) src(%arg4 : memref<200x128xf32, #tpu.memory_space<hbm>>) dst(%arg6 : memref<200x128xf32, #tpu.memory_space<vmem>>)
      tpu.yield
    }) : () -> ()
    %add3A_3 = arith.constant 0 : i32
    %add3A_4 = arith.addi %mul3A_2, %add3A_3 : i32
    %dma_start3A = arith.constant 0 : i32
    %dma_start3A_5 = arith.constant 0 : i32
    %dma_start3A_6 = arith.constant 0 : i32
    %dma_start3A_7 = tpu.memref_slice %arg7[%dma_start3A, %dma_start3A_6] : memref<4x200xi32, #tpu.memory_space<vmem>> -> memref<1x200xi32, #tpu.memory_space<vmem>>
    %dma_start3A_8 = tpu.memref_squeeze %dma_start3A_7 : memref<1x200xi32, #tpu.memory_space<vmem>> -> memref<200xi32, #tpu.memory_space<vmem>>
    %dma_start3A_9 = arith.constant 0 : i32
    %dma_start3A_10 = tpu.memref_slice %arg3[%add3A_4, %dma_start3A_9] : memref<4096x200xi32, #tpu.memory_space<hbm>> -> memref<1x200xi32, #tpu.memory_space<hbm>>
    %dma_start3A_11 = tpu.memref_squeeze %dma_start3A_10 : memref<1x200xi32, #tpu.memory_space<hbm>> -> memref<200xi32, #tpu.memory_space<hbm>>
    %dma_start3A_12 = tpu.memref_slice %arg9[%dma_start3A_5] : memref<4x!tpu.dma_semaphore, #tpu.memory_space<semaphore_mem>> -> memref<1x!tpu.dma_semaphore, #tpu.memory_space<semaphore_mem>>
    %dma_start3A_13 = tpu.memref_squeeze %dma_start3A_12 : memref<1x!tpu.dma_semaphore, #tpu.memory_space<semaphore_mem>> -> memref<!tpu.dma_semaphore, #tpu.memory_space<semaphore_mem>>
    %dma_start3A_14 = arith.constant 0 : i32
    %dma_start3A_15 = tpu.memref_slice %arg7[%dma_start3A, %dma_start3A_14] : memref<4x200xi32, #tpu.memory_space<vmem>> -> memref<1x200xi32, #tpu.memory_space<vmem>>
    %dma_start3A_16 = tpu.memref_squeeze %dma_start3A_15 : memref<1x200xi32, #tpu.memory_space<vmem>> -> memref<200xi32, #tpu.memory_space<vmem>>
    %dma_start3A_17 = arith.constant 0 : i32
    %dma_start3A_18 = tpu.memref_slice %arg3[%add3A_4, %dma_start3A_17] : memref<4096x200xi32, #tpu.memory_space<hbm>> -> memref<1x200xi32, #tpu.memory_space<hbm>>
    %dma_start3A_19 = tpu.memref_squeeze %dma_start3A_18 : memref<1x200xi32, #tpu.memory_space<hbm>> -> memref<200xi32, #tpu.memory_space<hbm>>
    tpu.enqueue_dma source(%dma_start3A_19 : memref<200xi32, #tpu.memory_space<hbm>>) target(%dma_start3A_16 : memref<200xi32, #tpu.memory_space<vmem>>) target_semaphore(%dma_start3A_13 : memref<!tpu.dma_semaphore, #tpu.memory_space<semaphore_mem>>)
    %add3A_20 = arith.constant 1 : i32
    %add3A_21 = arith.addi %mul3A_2, %add3A_20 : i32
    %dma_start3A_22 = arith.constant 1 : i32
    %dma_start3A_23 = arith.constant 1 : i32
    %dma_start3A_24 = arith.constant 0 : i32
    %dma_start3A_25 = tpu.memref_slice %arg7[%dma_start3A_22, %dma_start3A_24] : memref<4x200xi32, #tpu.memory_space<vmem>> -> memref<1x200xi32, #tpu.memory_space<vmem>>
    %dma_start3A_26 = tpu.memref_squeeze %dma_start3A_25 : memref<1x200xi32, #tpu.memory_space<vmem>> -> memref<200xi32, #tpu.memory_space<vmem>>
    %dma_start3A_27 = arith.constant 0 : i32
    %dma_start3A_28 = tpu.memref_slice %arg3[%add3A_21, %dma_start3A_27] : memref<4096x200xi32, #tpu.memory_space<hbm>> -> memref<1x200xi32, #tpu.memory_space<hbm>>
    %dma_start3A_29 = tpu.memref_squeeze %dma_start3A_28 : memref<1x200xi32, #tpu.memory_space<hbm>> -> memref<200xi32, #tpu.memory_space<hbm>>
    %dma_start3A_30 = tpu.memref_slice %arg9[%dma_start3A_23] : memref<4x!tpu.dma_semaphore, #tpu.memory_space<semaphore_mem>> -> memref<1x!tpu.dma_semaphore, #tpu.memory_space<semaphore_mem>>
    %dma_start3A_31 = tpu.memref_squeeze %dma_start3A_30 : memref<1x!tpu.dma_semaphore, #tpu.memory_space<semaphore_mem>> -> memref<!tpu.dma_semaphore, #tpu.memory_space<semaphore_mem>>
    %dma_start3A_32 = arith.constant 0 : i32
    %dma_start3A_33 = tpu.memref_slice %arg7[%dma_start3A_22, %dma_start3A_32] : memref<4x200xi32, #tpu.memory_space<vmem>> -> memref<1x200xi32, #tpu.memory_space<vmem>>
    %dma_start3A_34 = tpu.memref_squeeze %dma_start3A_33 : memref<1x200xi32, #tpu.memory_space<vmem>> -> memref<200xi32, #tpu.memory_space<vmem>>
    %dma_start3A_35 = arith.constant 0 : i32
    %dma_start3A_36 = tpu.memref_slice %arg3[%add3A_21, %dma_start3A_35] : memref<4096x200xi32, #tpu.memory_space<hbm>> -> memref<1x200xi32, #tpu.memory_space<hbm>>
    %dma_start3A_37 = tpu.memref_squeeze %dma_start3A_36 : memref<1x200xi32, #tpu.memory_space<hbm>> -> memref<200xi32, #tpu.memory_space<hbm>>
    tpu.enqueue_dma source(%dma_start3A_37 : memref<200xi32, #tpu.memory_space<hbm>>) target(%dma_start3A_34 : memref<200xi32, #tpu.memory_space<vmem>>) target_semaphore(%dma_start3A_31 : memref<!tpu.dma_semaphore, #tpu.memory_space<semaphore_mem>>)
    %add3A_38 = arith.constant 2 : i32
    %add3A_39 = arith.addi %mul3A_2, %add3A_38 : i32
    %dma_start3A_40 = arith.constant 2 : i32
    %dma_start3A_41 = arith.constant 2 : i32
    %dma_start3A_42 = arith.constant 0 : i32
    %dma_start3A_43 = tpu.memref_slice %arg7[%dma_start3A_40, %dma_start3A_42] : memref<4x200xi32, #tpu.memory_space<vmem>> -> memref<1x200xi32, #tpu.memory_space<vmem>>
    %dma_start3A_44 = tpu.memref_squeeze %dma_start3A_43 : memref<1x200xi32, #tpu.memory_space<vmem>> -> memref<200xi32, #tpu.memory_space<vmem>>
    %dma_start3A_45 = arith.constant 0 : i32
    %dma_start3A_46 = tpu.memref_slice %arg3[%add3A_39, %dma_start3A_45] : memref<4096x200xi32, #tpu.memory_space<hbm>> -> memref<1x200xi32, #tpu.memory_space<hbm>>
    %dma_start3A_47 = tpu.memref_squeeze %dma_start3A_46 : memref<1x200xi32, #tpu.memory_space<hbm>> -> memref<200xi32, #tpu.memory_space<hbm>>
    %dma_start3A_48 = tpu.memref_slice %arg9[%dma_start3A_41] : memref<4x!tpu.dma_semaphore, #tpu.memory_space<semaphore_mem>> -> memref<1x!tpu.dma_semaphore, #tpu.memory_space<semaphore_mem>>
    %dma_start3A_49 = tpu.memref_squeeze %dma_start3A_48 : memref<1x!tpu.dma_semaphore, #tpu.memory_space<semaphore_mem>> -> memref<!tpu.dma_semaphore, #tpu.memory_space<semaphore_mem>>
    %dma_start3A_50 = arith.constant 0 : i32
    %dma_start3A_51 = tpu.memref_slice %arg7[%dma_start3A_40, %dma_start3A_50] : memref<4x200xi32, #tpu.memory_space<vmem>> -> memref<1x200xi32, #tpu.memory_space<vmem>>
    %dma_start3A_52 = tpu.memref_squeeze %dma_start3A_51 : memref<1x200xi32, #tpu.memory_space<vmem>> -> memref<200xi32, #tpu.memory_space<vmem>>
    %dma_start3A_53 = arith.constant 0 : i32
    %dma_start3A_54 = tpu.memref_slice %arg3[%add3A_39, %dma_start3A_53] : memref<4096x200xi32, #tpu.memory_space<hbm>> -> memref<1x200xi32, #tpu.memory_space<hbm>>
    %dma_start3A_55 = tpu.memref_squeeze %dma_start3A_54 : memref<1x200xi32, #tpu.memory_space<hbm>> -> memref<200xi32, #tpu.memory_space<hbm>>
    tpu.enqueue_dma source(%dma_start3A_55 : memref<200xi32, #tpu.memory_space<hbm>>) target(%dma_start3A_52 : memref<200xi32, #tpu.memory_space<vmem>>) target_semaphore(%dma_start3A_49 : memref<!tpu.dma_semaphore, #tpu.memory_space<semaphore_mem>>)
    %add3A_56 = arith.constant 3 : i32
    %add3A_57 = arith.addi %mul3A_2, %add3A_56 : i32
    %dma_start3A_58 = arith.constant 3 : i32
    %dma_start3A_59 = arith.constant 3 : i32
    %dma_start3A_60 = arith.constant 0 : i32
    %dma_start3A_61 = tpu.memref_slice %arg7[%dma_start3A_58, %dma_start3A_60] : memref<4x200xi32, #tpu.memory_space<vmem>> -> memref<1x200xi32, #tpu.memory_space<vmem>>
    %dma_start3A_62 = tpu.memref_squeeze %dma_start3A_61 : memref<1x200xi32, #tpu.memory_space<vmem>> -> memref<200xi32, #tpu.memory_space<vmem>>
    %dma_start3A_63 = arith.constant 0 : i32
    %dma_start3A_64 = tpu.memref_slice %arg3[%add3A_57, %dma_start3A_63] : memref<4096x200xi32, #tpu.memory_space<hbm>> -> memref<1x200xi32, #tpu.memory_space<hbm>>
    %dma_start3A_65 = tpu.memref_squeeze %dma_start3A_64 : memref<1x200xi32, #tpu.memory_space<hbm>> -> memref<200xi32, #tpu.memory_space<hbm>>
    %dma_start3A_66 = tpu.memref_slice %arg9[%dma_start3A_59] : memref<4x!tpu.dma_semaphore, #tpu.memory_space<semaphore_mem>> -> memref<1x!tpu.dma_semaphore, #tpu.memory_space<semaphore_mem>>
    %dma_start3A_67 = tpu.memref_squeeze %dma_start3A_66 : memref<1x!tpu.dma_semaphore, #tpu.memory_space<semaphore_mem>> -> memref<!tpu.dma_semaphore, #tpu.memory_space<semaphore_mem>>
    %dma_start3A_68 = arith.constant 0 : i32
    %dma_start3A_69 = tpu.memref_slice %arg7[%dma_start3A_58, %dma_start3A_68] : memref<4x200xi32, #tpu.memory_space<vmem>> -> memref<1x200xi32, #tpu.memory_space<vmem>>
    %dma_start3A_70 = tpu.memref_squeeze %dma_start3A_69 : memref<1x200xi32, #tpu.memory_space<vmem>> -> memref<200xi32, #tpu.memory_space<vmem>>
    %dma_start3A_71 = arith.constant 0 : i32
    %dma_start3A_72 = tpu.memref_slice %arg3[%add3A_57, %dma_start3A_71] : memref<4096x200xi32, #tpu.memory_space<hbm>> -> memref<1x200xi32, #tpu.memory_space<hbm>>
    %dma_start3A_73 = tpu.memref_squeeze %dma_start3A_72 : memref<1x200xi32, #tpu.memory_space<hbm>> -> memref<200xi32, #tpu.memory_space<hbm>>
    tpu.enqueue_dma source(%dma_start3A_73 : memref<200xi32, #tpu.memory_space<hbm>>) target(%dma_start3A_70 : memref<200xi32, #tpu.memory_space<vmem>>) target_semaphore(%dma_start3A_67 : memref<!tpu.dma_semaphore, #tpu.memory_space<semaphore_mem>>)
    %dma_wait3A = arith.constant 0 : i32
    %dma_wait3A_74 = arith.constant 0 : i32
    %dma_wait3A_75 = arith.constant 0 : i32
    %dma_wait3A_76 = tpu.memref_slice %arg7[%dma_wait3A, %dma_wait3A_75] : memref<4x200xi32, #tpu.memory_space<vmem>> -> memref<1x200xi32, #tpu.memory_space<vmem>>
    %dma_wait3A_77 = tpu.memref_squeeze %dma_wait3A_76 : memref<1x200xi32, #tpu.memory_space<vmem>> -> memref<200xi32, #tpu.memory_space<vmem>>
    %dma_wait3A_78 = arith.constant 0 : i32
    %dma_wait3A_79 = tpu.memref_slice %arg3[%mul3A_2, %dma_wait3A_78] : memref<4096x200xi32, #tpu.memory_space<hbm>> -> memref<1x200xi32, #tpu.memory_space<hbm>>
    %dma_wait3A_80 = tpu.memref_squeeze %dma_wait3A_79 : memref<1x200xi32, #tpu.memory_space<hbm>> -> memref<200xi32, #tpu.memory_space<hbm>>
    %dma_wait3A_81 = tpu.memref_slice %arg9[%dma_wait3A_74] : memref<4x!tpu.dma_semaphore, #tpu.memory_space<semaphore_mem>> -> memref<1x!tpu.dma_semaphore, #tpu.memory_space<semaphore_mem>>
    %dma_wait3A_82 = tpu.memref_squeeze %dma_wait3A_81 : memref<1x!tpu.dma_semaphore, #tpu.memory_space<semaphore_mem>> -> memref<!tpu.dma_semaphore, #tpu.memory_space<semaphore_mem>>
    %dma_wait3A_83 = arith.constant 0 : i32
    %dma_wait3A_84 = tpu.memref_slice %arg7[%dma_wait3A, %dma_wait3A_83] : memref<4x200xi32, #tpu.memory_space<vmem>> -> memref<1x200xi32, #tpu.memory_space<vmem>>
    %dma_wait3A_85 = tpu.memref_squeeze %dma_wait3A_84 : memref<1x200xi32, #tpu.memory_space<vmem>> -> memref<200xi32, #tpu.memory_space<vmem>>
    %dma_wait3A_86 = arith.constant 0 : i32
    %dma_wait3A_87 = tpu.memref_slice %arg3[%mul3A_2, %dma_wait3A_86] : memref<4096x200xi32, #tpu.memory_space<hbm>> -> memref<1x200xi32, #tpu.memory_space<hbm>>
    %dma_wait3A_88 = tpu.memref_squeeze %dma_wait3A_87 : memref<1x200xi32, #tpu.memory_space<hbm>> -> memref<200xi32, #tpu.memory_space<hbm>>
    tpu.wait_dma2 semaphore(%dma_wait3A_82 : memref<!tpu.dma_semaphore, #tpu.memory_space<semaphore_mem>>) src(%dma_wait3A_88 : memref<200xi32, #tpu.memory_space<hbm>>) dst(%dma_wait3A_85 : memref<200xi32, #tpu.memory_space<vmem>>)
    %dma_start3A_89 = arith.constant 0 : i32
    %dma_start3A_90 = arith.constant 0 : i32
    %dma_start3A_91 = arith.constant 0 : i32
    %dma_start3A_92 = arith.constant 0 : i32
    %dma_start3A_93 = arith.constant 0 : i32
    %dma_start3A_94 = tpu.memref_slice %arg8[%dma_start3A_90, %dma_start3A_92, %dma_start3A_93] : memref<4x200x128xf32, #tpu.memory_space<vmem>> -> memref<1x128x128xf32, #tpu.memory_space<vmem>>
    %dma_start3A_95 = tpu.memref_squeeze %dma_start3A_94 : memref<1x128x128xf32, #tpu.memory_space<vmem>> -> memref<128x128xf32, #tpu.memory_space<vmem>>
    %dma_start3A_96 = arith.constant 0 : i32
    %dma_start3A_97 = tpu.memref_slice %arg7[%dma_start3A_89, %dma_start3A_96] : memref<4x200xi32, #tpu.memory_space<vmem>> -> memref<1x128xi32, #tpu.memory_space<vmem>>
    %dma_start3A_98 = tpu.memref_squeeze %dma_start3A_97 : memref<1x128xi32, #tpu.memory_space<vmem>> -> memref<128xi32, #tpu.memory_space<vmem>>
    %dma_start3A_99 = arith.constant 0 : i32
    %dma_start3A_100 = arith.constant 0 : i32
    %dma_start3A_101 = tpu.memref_slice %arg2[%dma_start3A_99, %dma_start3A_100] : memref<100000x128xf32, #tpu.memory_space<hbm>> -> memref<100000x128xf32, #tpu.memory_space<hbm>>
    %dma_start3A_102 = tpu.memref_slice %arg10[%dma_start3A_91] : memref<4x!tpu.dma_semaphore, #tpu.memory_space<semaphore_mem>> -> memref<1x!tpu.dma_semaphore, #tpu.memory_space<semaphore_mem>>
    %dma_start3A_103 = tpu.memref_squeeze %dma_start3A_102 : memref<1x!tpu.dma_semaphore, #tpu.memory_space<semaphore_mem>> -> memref<!tpu.dma_semaphore, #tpu.memory_space<semaphore_mem>>
    tpu.enqueue_indirect_dma source(%dma_start3A_101 : memref<100000x128xf32, #tpu.memory_space<hbm>>) target(%dma_start3A_95 : memref<128x128xf32, #tpu.memory_space<vmem>>) offsets(%dma_start3A_98 : memref<128xi32, #tpu.memory_space<vmem>>) semaphore(%dma_start3A_103 : memref<!tpu.dma_semaphore, #tpu.memory_space<semaphore_mem>>)
    %dma_start3A_104 = arith.constant 0 : i32
    %dma_start3A_105 = arith.constant 0 : i32
    %dma_start3A_106 = arith.constant 0 : i32
    %dma_start3A_107 = arith.constant 128 : i32
    %dma_start3A_108 = arith.constant 0 : i32
    %dma_start3A_109 = tpu.memref_slice %arg8[%dma_start3A_105, %dma_start3A_107, %dma_start3A_108] : memref<4x200x128xf32, #tpu.memory_space<vmem>> -> memref<1x72x128xf32, #tpu.memory_space<vmem>>
    %dma_start3A_110 = tpu.memref_squeeze %dma_start3A_109 : memref<1x72x128xf32, #tpu.memory_space<vmem>> -> memref<72x128xf32, #tpu.memory_space<vmem>>
    %dma_start3A_111 = arith.constant 128 : i32
    %dma_start3A_112 = tpu.memref_slice %arg7[%dma_start3A_104, %dma_start3A_111] : memref<4x200xi32, #tpu.memory_space<vmem>> -> memref<1x72xi32, #tpu.memory_space<vmem>>
    %dma_start3A_113 = tpu.memref_squeeze %dma_start3A_112 : memref<1x72xi32, #tpu.memory_space<vmem>> -> memref<72xi32, #tpu.memory_space<vmem>>
    %dma_start3A_114 = arith.constant 0 : i32
    %dma_start3A_115 = arith.constant 0 : i32
    %dma_start3A_116 = tpu.memref_slice %arg2[%dma_start3A_114, %dma_start3A_115] : memref<100000x128xf32, #tpu.memory_space<hbm>> -> memref<100000x128xf32, #tpu.memory_space<hbm>>
    %dma_start3A_117 = tpu.memref_slice %arg10[%dma_start3A_106] : memref<4x!tpu.dma_semaphore, #tpu.memory_space<semaphore_mem>> -> memref<1x!tpu.dma_semaphore, #tpu.memory_space<semaphore_mem>>
    %dma_start3A_118 = tpu.memref_squeeze %dma_start3A_117 : memref<1x!tpu.dma_semaphore, #tpu.memory_space<semaphore_mem>> -> memref<!tpu.dma_semaphore, #tpu.memory_space<semaphore_mem>>
    tpu.enqueue_indirect_dma source(%dma_start3A_116 : memref<100000x128xf32, #tpu.memory_space<hbm>>) target(%dma_start3A_110 : memref<72x128xf32, #tpu.memory_space<vmem>>) offsets(%dma_start3A_113 : memref<72xi32, #tpu.memory_space<vmem>>) semaphore(%dma_start3A_118 : memref<!tpu.dma_semaphore, #tpu.memory_space<semaphore_mem>>)
    %dma_wait3A_119 = arith.constant 1 : i32
    %dma_wait3A_120 = arith.constant 1 : i32
    %dma_wait3A_121 = arith.constant 0 : i32
    %dma_wait3A_122 = tpu.memref_slice %arg7[%dma_wait3A_119, %dma_wait3A_121] : memref<4x200xi32, #tpu.memory_space<vmem>> -> memref<1x200xi32, #tpu.memory_space<vmem>>
    %dma_wait3A_123 = tpu.memref_squeeze %dma_wait3A_122 : memref<1x200xi32, #tpu.memory_space<vmem>> -> memref<200xi32, #tpu.memory_space<vmem>>
    %dma_wait3A_124 = arith.constant 0 : i32
    %dma_wait3A_125 = tpu.memref_slice %arg3[%mul3A_2, %dma_wait3A_124] : memref<4096x200xi32, #tpu.memory_space<hbm>> -> memref<1x200xi32, #tpu.memory_space<hbm>>
    %dma_wait3A_126 = tpu.memref_squeeze %dma_wait3A_125 : memref<1x200xi32, #tpu.memory_space<hbm>> -> memref<200xi32, #tpu.memory_space<hbm>>
    %dma_wait3A_127 = tpu.memref_slice %arg9[%dma_wait3A_120] : memref<4x!tpu.dma_semaphore, #tpu.memory_space<semaphore_mem>> -> memref<1x!tpu.dma_semaphore, #tpu.memory_space<semaphore_mem>>
    %dma_wait3A_128 = tpu.memref_squeeze %dma_wait3A_127 : memref<1x!tpu.dma_semaphore, #tpu.memory_space<semaphore_mem>> -> memref<!tpu.dma_semaphore, #tpu.memory_space<semaphore_mem>>
    %dma_wait3A_129 = arith.constant 0 : i32
    %dma_wait3A_130 = tpu.memref_slice %arg7[%dma_wait3A_119, %dma_wait3A_129] : memref<4x200xi32, #tpu.memory_space<vmem>> -> memref<1x200xi32, #tpu.memory_space<vmem>>
    %dma_wait3A_131 = tpu.memref_squeeze %dma_wait3A_130 : memref<1x200xi32, #tpu.memory_space<vmem>> -> memref<200xi32, #tpu.memory_space<vmem>>
    %dma_wait3A_132 = arith.constant 0 : i32
    %dma_wait3A_133 = tpu.memref_slice %arg3[%mul3A_2, %dma_wait3A_132] : memref<4096x200xi32, #tpu.memory_space<hbm>> -> memref<1x200xi32, #tpu.memory_space<hbm>>
    %dma_wait3A_134 = tpu.memref_squeeze %dma_wait3A_133 : memref<1x200xi32, #tpu.memory_space<hbm>> -> memref<200xi32, #tpu.memory_space<hbm>>
    tpu.wait_dma2 semaphore(%dma_wait3A_128 : memref<!tpu.dma_semaphore, #tpu.memory_space<semaphore_mem>>) src(%dma_wait3A_134 : memref<200xi32, #tpu.memory_space<hbm>>) dst(%dma_wait3A_131 : memref<200xi32, #tpu.memory_space<vmem>>)
    %dma_start3A_135 = arith.constant 1 : i32
    %dma_start3A_136 = arith.constant 1 : i32
    %dma_start3A_137 = arith.constant 1 : i32
    %dma_start3A_138 = arith.constant 0 : i32
    %dma_start3A_139 = arith.constant 0 : i32
    %dma_start3A_140 = tpu.memref_slice %arg8[%dma_start3A_136, %dma_start3A_138, %dma_start3A_139] : memref<4x200x128xf32, #tpu.memory_space<vmem>> -> memref<1x128x128xf32, #tpu.memory_space<vmem>>
    %dma_start3A_141 = tpu.memref_squeeze %dma_start3A_140 : memref<1x128x128xf32, #tpu.memory_space<vmem>> -> memref<128x128xf32, #tpu.memory_space<vmem>>
    %dma_start3A_142 = arith.constant 0 : i32
    %dma_start3A_143 = tpu.memref_slice %arg7[%dma_start3A_135, %dma_start3A_142] : memref<4x200xi32, #tpu.memory_space<vmem>> -> memref<1x128xi32, #tpu.memory_space<vmem>>
    %dma_start3A_144 = tpu.memref_squeeze %dma_start3A_143 : memref<1x128xi32, #tpu.memory_space<vmem>> -> memref<128xi32, #tpu.memory_space<vmem>>
    %dma_start3A_145 = arith.constant 0 : i32
    %dma_start3A_146 = arith.constant 0 : i32
    %dma_start3A_147 = tpu.memref_slice %arg2[%dma_start3A_145, %dma_start3A_146] : memref<100000x128xf32, #tpu.memory_space<hbm>> -> memref<100000x128xf32, #tpu.memory_space<hbm>>
    %dma_start3A_148 = tpu.memref_slice %arg10[%dma_start3A_137] : memref<4x!tpu.dma_semaphore, #tpu.memory_space<semaphore_mem>> -> memref<1x!tpu.dma_semaphore, #tpu.memory_space<semaphore_mem>>
    %dma_start3A_149 = tpu.memref_squeeze %dma_start3A_148 : memref<1x!tpu.dma_semaphore, #tpu.memory_space<semaphore_mem>> -> memref<!tpu.dma_semaphore, #tpu.memory_space<semaphore_mem>>
    tpu.enqueue_indirect_dma source(%dma_start3A_147 : memref<100000x128xf32, #tpu.memory_space<hbm>>) target(%dma_start3A_141 : memref<128x128xf32, #tpu.memory_space<vmem>>) offsets(%dma_start3A_144 : memref<128xi32, #tpu.memory_space<vmem>>) semaphore(%dma_start3A_149 : memref<!tpu.dma_semaphore, #tpu.memory_space<semaphore_mem>>)
    %dma_start3A_150 = arith.constant 1 : i32
    %dma_start3A_151 = arith.constant 1 : i32
    %dma_start3A_152 = arith.constant 1 : i32
    %dma_start3A_153 = arith.constant 128 : i32
    %dma_start3A_154 = arith.constant 0 : i32
    %dma_start3A_155 = tpu.memref_slice %arg8[%dma_start3A_151, %dma_start3A_153, %dma_start3A_154] : memref<4x200x128xf32, #tpu.memory_space<vmem>> -> memref<1x72x128xf32, #tpu.memory_space<vmem>>
    %dma_start3A_156 = tpu.memref_squeeze %dma_start3A_155 : memref<1x72x128xf32, #tpu.memory_space<vmem>> -> memref<72x128xf32, #tpu.memory_space<vmem>>
    %dma_start3A_157 = arith.constant 128 : i32
    %dma_start3A_158 = tpu.memref_slice %arg7[%dma_start3A_150, %dma_start3A_157] : memref<4x200xi32, #tpu.memory_space<vmem>> -> memref<1x72xi32, #tpu.memory_space<vmem>>
    %dma_start3A_159 = tpu.memref_squeeze %dma_start3A_158 : memref<1x72xi32, #tpu.memory_space<vmem>> -> memref<72xi32, #tpu.memory_space<vmem>>
    %dma_start3A_160 = arith.constant 0 : i32
    %dma_start3A_161 = arith.constant 0 : i32
    %dma_start3A_162 = tpu.memref_slice %arg2[%dma_start3A_160, %dma_start3A_161] : memref<100000x128xf32, #tpu.memory_space<hbm>> -> memref<100000x128xf32, #tpu.memory_space<hbm>>
    %dma_start3A_163 = tpu.memref_slice %arg10[%dma_start3A_152] : memref<4x!tpu.dma_semaphore, #tpu.memory_space<semaphore_mem>> -> memref<1x!tpu.dma_semaphore, #tpu.memory_space<semaphore_mem>>
    %dma_start3A_164 = tpu.memref_squeeze %dma_start3A_163 : memref<1x!tpu.dma_semaphore, #tpu.memory_space<semaphore_mem>> -> memref<!tpu.dma_semaphore, #tpu.memory_space<semaphore_mem>>
    tpu.enqueue_indirect_dma source(%dma_start3A_162 : memref<100000x128xf32, #tpu.memory_space<hbm>>) target(%dma_start3A_156 : memref<72x128xf32, #tpu.memory_space<vmem>>) offsets(%dma_start3A_159 : memref<72xi32, #tpu.memory_space<vmem>>) semaphore(%dma_start3A_164 : memref<!tpu.dma_semaphore, #tpu.memory_space<semaphore_mem>>)
    %dma_wait3A_165 = arith.constant 0 : i32
    %dma_wait3A_166 = arith.constant 0 : i32
    %dma_wait3A_167 = arith.constant 0 : i32
    %dma_wait3A_168 = arith.constant 0 : i32
    %dma_wait3A_169 = arith.constant 0 : i32
    %dma_wait3A_170 = tpu.memref_slice %arg8[%dma_wait3A_166, %dma_wait3A_168, %dma_wait3A_169] : memref<4x200x128xf32, #tpu.memory_space<vmem>> -> memref<1x128x128xf32, #tpu.memory_space<vmem>>
    %dma_wait3A_171 = tpu.memref_squeeze %dma_wait3A_170 : memref<1x128x128xf32, #tpu.memory_space<vmem>> -> memref<128x128xf32, #tpu.memory_space<vmem>>
    %dma_wait3A_172 = arith.constant 0 : i32
    %dma_wait3A_173 = tpu.memref_slice %arg7[%dma_wait3A_165, %dma_wait3A_172] : memref<4x200xi32, #tpu.memory_space<vmem>> -> memref<1x128xi32, #tpu.memory_space<vmem>>
    %dma_wait3A_174 = tpu.memref_squeeze %dma_wait3A_173 : memref<1x128xi32, #tpu.memory_space<vmem>> -> memref<128xi32, #tpu.memory_space<vmem>>
    %dma_wait3A_175 = arith.constant 0 : i32
    %dma_wait3A_176 = arith.constant 0 : i32
    %dma_wait3A_177 = tpu.memref_slice %arg2[%dma_wait3A_175, %dma_wait3A_176] : memref<100000x128xf32, #tpu.memory_space<hbm>> -> memref<100000x128xf32, #tpu.memory_space<hbm>>
    %dma_wait3A_178 = tpu.memref_slice %arg10[%dma_wait3A_167] : memref<4x!tpu.dma_semaphore, #tpu.memory_space<semaphore_mem>> -> memref<1x!tpu.dma_semaphore, #tpu.memory_space<semaphore_mem>>
    %dma_wait3A_179 = tpu.memref_squeeze %dma_wait3A_178 : memref<1x!tpu.dma_semaphore, #tpu.memory_space<semaphore_mem>> -> memref<!tpu.dma_semaphore, #tpu.memory_space<semaphore_mem>>
    tpu.wait_indirect_dma semaphore(%dma_wait3A_179 : memref<!tpu.dma_semaphore, #tpu.memory_space<semaphore_mem>>) src(%dma_wait3A_177 : memref<100000x128xf32, #tpu.memory_space<hbm>>) dst(%dma_wait3A_171 : memref<128x128xf32, #tpu.memory_space<vmem>>)
    %dma_wait3A_180 = arith.constant 0 : i32
    %dma_wait3A_181 = arith.constant 0 : i32
    %dma_wait3A_182 = arith.constant 0 : i32
    %dma_wait3A_183 = arith.constant 128 : i32
    %dma_wait3A_184 = arith.constant 0 : i32
    %dma_wait3A_185 = tpu.memref_slice %arg8[%dma_wait3A_181, %dma_wait3A_183, %dma_wait3A_184] : memref<4x200x128xf32, #tpu.memory_space<vmem>> -> memref<1x72x128xf32, #tpu.memory_space<vmem>>
    %dma_wait3A_186 = tpu.memref_squeeze %dma_wait3A_185 : memref<1x72x128xf32, #tpu.memory_space<vmem>> -> memref<72x128xf32, #tpu.memory_space<vmem>>
    %dma_wait3A_187 = arith.constant 128 : i32
    %dma_wait3A_188 = tpu.memref_slice %arg7[%dma_wait3A_180, %dma_wait3A_187] : memref<4x200xi32, #tpu.memory_space<vmem>> -> memref<1x72xi32, #tpu.memory_space<vmem>>
    %dma_wait3A_189 = tpu.memref_squeeze %dma_wait3A_188 : memref<1x72xi32, #tpu.memory_space<vmem>> -> memref<72xi32, #tpu.memory_space<vmem>>
    %dma_wait3A_190 = arith.constant 0 : i32
    %dma_wait3A_191 = arith.constant 0 : i32
    %dma_wait3A_192 = tpu.memref_slice %arg2[%dma_wait3A_190, %dma_wait3A_191] : memref<100000x128xf32, #tpu.memory_space<hbm>> -> memref<100000x128xf32, #tpu.memory_space<hbm>>
    %dma_wait3A_193 = tpu.memref_slice %arg10[%dma_wait3A_182] : memref<4x!tpu.dma_semaphore, #tpu.memory_space<semaphore_mem>> -> memref<1x!tpu.dma_semaphore, #tpu.memory_space<semaphore_mem>>
    %dma_wait3A_194 = tpu.memref_squeeze %dma_wait3A_193 : memref<1x!tpu.dma_semaphore, #tpu.memory_space<semaphore_mem>> -> memref<!tpu.dma_semaphore, #tpu.memory_space<semaphore_mem>>
    tpu.wait_indirect_dma semaphore(%dma_wait3A_194 : memref<!tpu.dma_semaphore, #tpu.memory_space<semaphore_mem>>) src(%dma_wait3A_192 : memref<100000x128xf32, #tpu.memory_space<hbm>>) dst(%dma_wait3A_186 : memref<72x128xf32, #tpu.memory_space<vmem>>)
    %parallel_loop3A = arith.constant 0 : i32
    %parallel_loop3A_195 = arith.constant 200 : i32
    %parallel_loop3A_196 = arith.constant 1 : i32
    scf.for %parallel_loop3A_1116 = %parallel_loop3A to %parallel_loop3A_195 step %parallel_loop3A_196  : i32 {
      %parallel_loop3A_1117 = arith.index_cast %parallel_loop3A_1116 : i32 to index
      %parallel_loop3A_1118 = arith.constant 0 : index
      %parallel_loop3A_1119 = tpu.vector_load %arg6[%parallel_loop3A_1117, %parallel_loop3A_1118] {strides = array<i32>} : memref<200x128xf32, #tpu.memory_space<vmem>>, vector<1x16xf32>,
      %parallel_loop3A_1120 = vector.shape_cast %parallel_loop3A_1119 : vector<1x16xf32> to vector<16xf32>
      %parallel_loop3A_1121 = arith.constant 0 : i32
      %parallel_loop3A_1122 = arith.index_cast %parallel_loop3A_1121 : i32 to index
      %parallel_loop3A_1123 = arith.index_cast %parallel_loop3A_1116 : i32 to index
      %parallel_loop3A_1124 = arith.constant 0 : index
      %parallel_loop3A_1125 = tpu.vector_load %arg8[%parallel_loop3A_1122, %parallel_loop3A_1123, %parallel_loop3A_1124] {strides = array<i32>} : memref<4x200x128xf32, #tpu.memory_space<vmem>>, vector<1x1x16xf32>,
      %parallel_loop3A_1126 = vector.shape_cast %parallel_loop3A_1125 : vector<1x1x16xf32> to vector<16xf32>
      %parallel_loop3A_1127 = vector.shape_cast %parallel_loop3A_1120 : vector<16xf32> to vector<1x1x16xf32>
      tpu.vector_store %arg8[%parallel_loop3A_1122, %parallel_loop3A_1123, %parallel_loop3A_1124], %parallel_loop3A_1127 {add = true, strides = array<i32>} : memref<4x200x128xf32, #tpu.memory_space<vmem>>, vector<1x1x16xf32>,
      %parallel_loop3A_1128 = arith.index_cast %parallel_loop3A_1116 : i32 to index
      %parallel_loop3A_1129 = arith.constant 16 : index
      %parallel_loop3A_1130 = tpu.vector_load %arg6[%parallel_loop3A_1128, %parallel_loop3A_1129] {strides = array<i32>} : memref<200x128xf32, #tpu.memory_space<vmem>>, vector<1x16xf32>,
      %parallel_loop3A_1131 = vector.shape_cast %parallel_loop3A_1130 : vector<1x16xf32> to vector<16xf32>
      %parallel_loop3A_1132 = arith.constant 0 : i32
      %parallel_loop3A_1133 = arith.index_cast %parallel_loop3A_1132 : i32 to index
      %parallel_loop3A_1134 = arith.index_cast %parallel_loop3A_1116 : i32 to index
      %parallel_loop3A_1135 = arith.constant 16 : index
      %parallel_loop3A_1136 = tpu.vector_load %arg8[%parallel_loop3A_1133, %parallel_loop3A_1134, %parallel_loop3A_1135] {strides = array<i32>} : memref<4x200x128xf32, #tpu.memory_space<vmem>>, vector<1x1x16xf32>,
      %parallel_loop3A_1137 = vector.shape_cast %parallel_loop3A_1136 : vector<1x1x16xf32> to vector<16xf32>
      %parallel_loop3A_1138 = vector.shape_cast %parallel_loop3A_1131 : vector<16xf32> to vector<1x1x16xf32>
      tpu.vector_store %arg8[%parallel_loop3A_1133, %parallel_loop3A_1134, %parallel_loop3A_1135], %parallel_loop3A_1138 {add = true, strides = array<i32>} : memref<4x200x128xf32, #tpu.memory_space<vmem>>, vector<1x1x16xf32>,
      %parallel_loop3A_1139 = arith.index_cast %parallel_loop3A_1116 : i32 to index
      %parallel_loop3A_1140 = arith.constant 32 : index
      %parallel_loop3A_1141 = tpu.vector_load %arg6[%parallel_loop3A_1139, %parallel_loop3A_1140] {strides = array<i32>} : memref<200x128xf32, #tpu.memory_space<vmem>>, vector<1x16xf32>,
      %parallel_loop3A_1142 = vector.shape_cast %parallel_loop3A_1141 : vector<1x16xf32> to vector<16xf32>
      %parallel_loop3A_1143 = arith.constant 0 : i32
      %parallel_loop3A_1144 = arith.index_cast %parallel_loop3A_1143 : i32 to index
      %parallel_loop3A_1145 = arith.index_cast %parallel_loop3A_1116 : i32 to index
      %parallel_loop3A_1146 = arith.constant 32 : index
      %parallel_loop3A_1147 = tpu.vector_load %arg8[%parallel_loop3A_1144, %parallel_loop3A_1145, %parallel_loop3A_1146] {strides = array<i32>} : memref<4x200x128xf32, #tpu.memory_space<vmem>>, vector<1x1x16xf32>,
      %parallel_loop3A_1148 = vector.shape_cast %parallel_loop3A_1147 : vector<1x1x16xf32> to vector<16xf32>
      %parallel_loop3A_1149 = vector.shape_cast %parallel_loop3A_1142 : vector<16xf32> to vector<1x1x16xf32>
      tpu.vector_store %arg8[%parallel_loop3A_1144, %parallel_loop3A_1145, %parallel_loop3A_1146], %parallel_loop3A_1149 {add = true, strides = array<i32>} : memref<4x200x128xf32, #tpu.memory_space<vmem>>, vector<1x1x16xf32>,
      %parallel_loop3A_1150 = arith.index_cast %parallel_loop3A_1116 : i32 to index
      %parallel_loop3A_1151 = arith.constant 48 : index
      %parallel_loop3A_1152 = tpu.vector_load %arg6[%parallel_loop3A_1150, %parallel_loop3A_1151] {strides = array<i32>} : memref<200x128xf32, #tpu.memory_space<vmem>>, vector<1x16xf32>,
      %parallel_loop3A_1153 = vector.shape_cast %parallel_loop3A_1152 : vector<1x16xf32> to vector<16xf32>
      %parallel_loop3A_1154 = arith.constant 0 : i32
      %parallel_loop3A_1155 = arith.index_cast %parallel_loop3A_1154 : i32 to index
      %parallel_loop3A_1156 = arith.index_cast %parallel_loop3A_1116 : i32 to index
      %parallel_loop3A_1157 = arith.constant 48 : index
      %parallel_loop3A_1158 = tpu.vector_load %arg8[%parallel_loop3A_1155, %parallel_loop3A_1156, %parallel_loop3A_1157] {strides = array<i32>} : memref<4x200x128xf32, #tpu.memory_space<vmem>>, vector<1x1x16xf32>,
      %parallel_loop3A_1159 = vector.shape_cast %parallel_loop3A_1158 : vector<1x1x16xf32> to vector<16xf32>
      %parallel_loop3A_1160 = vector.shape_cast %parallel_loop3A_1153 : vector<16xf32> to vector<1x1x16xf32>
      tpu.vector_store %arg8[%parallel_loop3A_1155, %parallel_loop3A_1156, %parallel_loop3A_1157], %parallel_loop3A_1160 {add = true, strides = array<i32>} : memref<4x200x128xf32, #tpu.memory_space<vmem>>, vector<1x1x16xf32>,
      %parallel_loop3A_1161 = arith.index_cast %parallel_loop3A_1116 : i32 to index
      %parallel_loop3A_1162 = arith.constant 64 : index
      %parallel_loop3A_1163 = tpu.vector_load %arg6[%parallel_loop3A_1161, %parallel_loop3A_1162] {strides = array<i32>} : memref<200x128xf32, #tpu.memory_space<vmem>>, vector<1x16xf32>,
      %parallel_loop3A_1164 = vector.shape_cast %parallel_loop3A_1163 : vector<1x16xf32> to vector<16xf32>
      %parallel_loop3A_1165 = arith.constant 0 : i32
      %parallel_loop3A_1166 = arith.index_cast %parallel_loop3A_1165 : i32 to index
      %parallel_loop3A_1167 = arith.index_cast %parallel_loop3A_1116 : i32 to index
      %parallel_loop3A_1168 = arith.constant 64 : index
      %parallel_loop3A_1169 = tpu.vector_load %arg8[%parallel_loop3A_1166, %parallel_loop3A_1167, %parallel_loop3A_1168] {strides = array<i32>} : memref<4x200x128xf32, #tpu.memory_space<vmem>>, vector<1x1x16xf32>,
      %parallel_loop3A_1170 = vector.shape_cast %parallel_loop3A_1169 : vector<1x1x16xf32> to vector<16xf32>
      %parallel_loop3A_1171 = vector.shape_cast %parallel_loop3A_1164 : vector<16xf32> to vector<1x1x16xf32>
      tpu.vector_store %arg8[%parallel_loop3A_1166, %parallel_loop3A_1167, %parallel_loop3A_1168], %parallel_loop3A_1171 {add = true, strides = array<i32>} : memref<4x200x128xf32, #tpu.memory_space<vmem>>, vector<1x1x16xf32>,
      %parallel_loop3A_1172 = arith.index_cast %parallel_loop3A_1116 : i32 to index
      %parallel_loop3A_1173 = arith.constant 80 : index
      %parallel_loop3A_1174 = tpu.vector_load %arg6[%parallel_loop3A_1172, %parallel_loop3A_1173] {strides = array<i32>} : memref<200x128xf32, #tpu.memory_space<vmem>>, vector<1x16xf32>,
      %parallel_loop3A_1175 = vector.shape_cast %parallel_loop3A_1174 : vector<1x16xf32> to vector<16xf32>
      %parallel_loop3A_1176 = arith.constant 0 : i32
      %parallel_loop3A_1177 = arith.index_cast %parallel_loop3A_1176 : i32 to index
      %parallel_loop3A_1178 = arith.index_cast %parallel_loop3A_1116 : i32 to index
      %parallel_loop3A_1179 = arith.constant 80 : index
      %parallel_loop3A_1180 = tpu.vector_load %arg8[%parallel_loop3A_1177, %parallel_loop3A_1178, %parallel_loop3A_1179] {strides = array<i32>} : memref<4x200x128xf32, #tpu.memory_space<vmem>>, vector<1x1x16xf32>,
      %parallel_loop3A_1181 = vector.shape_cast %parallel_loop3A_1180 : vector<1x1x16xf32> to vector<16xf32>
      %parallel_loop3A_1182 = vector.shape_cast %parallel_loop3A_1175 : vector<16xf32> to vector<1x1x16xf32>
      tpu.vector_store %arg8[%parallel_loop3A_1177, %parallel_loop3A_1178, %parallel_loop3A_1179], %parallel_loop3A_1182 {add = true, strides = array<i32>} : memref<4x200x128xf32, #tpu.memory_space<vmem>>, vector<1x1x16xf32>,
      %parallel_loop3A_1183 = arith.index_cast %parallel_loop3A_1116 : i32 to index
      %parallel_loop3A_1184 = arith.constant 96 : index
      %parallel_loop3A_1185 = tpu.vector_load %arg6[%parallel_loop3A_1183, %parallel_loop3A_1184] {strides = array<i32>} : memref<200x128xf32, #tpu.memory_space<vmem>>, vector<1x16xf32>,
      %parallel_loop3A_1186 = vector.shape_cast %parallel_loop3A_1185 : vector<1x16xf32> to vector<16xf32>
      %parallel_loop3A_1187 = arith.constant 0 : i32
      %parallel_loop3A_1188 = arith.index_cast %parallel_loop3A_1187 : i32 to index
      %parallel_loop3A_1189 = arith.index_cast %parallel_loop3A_1116 : i32 to index
      %parallel_loop3A_1190 = arith.constant 96 : index
      %parallel_loop3A_1191 = tpu.vector_load %arg8[%parallel_loop3A_1188, %parallel_loop3A_1189, %parallel_loop3A_1190] {strides = array<i32>} : memref<4x200x128xf32, #tpu.memory_space<vmem>>, vector<1x1x16xf32>,
      %parallel_loop3A_1192 = vector.shape_cast %parallel_loop3A_1191 : vector<1x1x16xf32> to vector<16xf32>
      %parallel_loop3A_1193 = vector.shape_cast %parallel_loop3A_1186 : vector<16xf32> to vector<1x1x16xf32>
      tpu.vector_store %arg8[%parallel_loop3A_1188, %parallel_loop3A_1189, %parallel_loop3A_1190], %parallel_loop3A_1193 {add = true, strides = array<i32>} : memref<4x200x128xf32, #tpu.memory_space<vmem>>, vector<1x1x16xf32>,
      %parallel_loop3A_1194 = arith.index_cast %parallel_loop3A_1116 : i32 to index
      %parallel_loop3A_1195 = arith.constant 112 : index
      %parallel_loop3A_1196 = tpu.vector_load %arg6[%parallel_loop3A_1194, %parallel_loop3A_1195] {strides = array<i32>} : memref<200x128xf32, #tpu.memory_space<vmem>>, vector<1x16xf32>,
      %parallel_loop3A_1197 = vector.shape_cast %parallel_loop3A_1196 : vector<1x16xf32> to vector<16xf32>
      %parallel_loop3A_1198 = arith.constant 0 : i32
      %parallel_loop3A_1199 = arith.index_cast %parallel_loop3A_1198 : i32 to index
      %parallel_loop3A_1200 = arith.index_cast %parallel_loop3A_1116 : i32 to index
      %parallel_loop3A_1201 = arith.constant 112 : index
      %parallel_loop3A_1202 = tpu.vector_load %arg8[%parallel_loop3A_1199, %parallel_loop3A_1200, %parallel_loop3A_1201] {strides = array<i32>} : memref<4x200x128xf32, #tpu.memory_space<vmem>>, vector<1x1x16xf32>,
      %parallel_loop3A_1203 = vector.shape_cast %parallel_loop3A_1202 : vector<1x1x16xf32> to vector<16xf32>
      %parallel_loop3A_1204 = vector.shape_cast %parallel_loop3A_1197 : vector<16xf32> to vector<1x1x16xf32>
      tpu.vector_store %arg8[%parallel_loop3A_1199, %parallel_loop3A_1200, %parallel_loop3A_1201], %parallel_loop3A_1204 {add = true, strides = array<i32>} : memref<4x200x128xf32, #tpu.memory_space<vmem>>, vector<1x1x16xf32>,
    } {sc.loop_unroll_factor = 4 : i64, sc.parallel_access}
    %add3A_197 = arith.constant 0 : i32
    %add3A_198 = arith.addi %mul3A_2, %add3A_197 : i32
    %dma_start3A_199 = arith.constant 0 : i32
    %dma_start3A_200 = arith.constant 0 : i32
    %dma_start3A_201 = arith.constant 0 : i32
    %dma_start3A_202 = arith.constant 0 : i32
    %dma_start3A_203 = tpu.memref_slice %arg8[%dma_start3A_199, %dma_start3A_201, %dma_start3A_202] : memref<4x200x128xf32, #tpu.memory_space<vmem>> -> memref<1x200x128xf32, #tpu.memory_space<vmem>>
    %dma_start3A_204 = tpu.memref_squeeze %dma_start3A_203 : memref<1x200x128xf32, #tpu.memory_space<vmem>> -> memref<200x128xf32, #tpu.memory_space<vmem>>
    %dma_start3A_205 = arith.constant 0 : i32
    %dma_start3A_206 = arith.constant 0 : i32
    %dma_start3A_207 = tpu.memref_slice %arg5[%add3A_198, %dma_start3A_205, %dma_start3A_206] : memref<4096x200x128xf32, #tpu.memory_space<hbm>> -> memref<1x200x128xf32, #tpu.memory_space<hbm>>
    %dma_start3A_208 = tpu.memref_squeeze %dma_start3A_207 : memref<1x200x128xf32, #tpu.memory_space<hbm>> -> memref<200x128xf32, #tpu.memory_space<hbm>>
    %dma_start3A_209 = tpu.memref_slice %arg11[%dma_start3A_200] : memref<4x!tpu.dma_semaphore, #tpu.memory_space<semaphore_mem>> -> memref<1x!tpu.dma_semaphore, #tpu.memory_space<semaphore_mem>>
    %dma_start3A_210 = tpu.memref_squeeze %dma_start3A_209 : memref<1x!tpu.dma_semaphore, #tpu.memory_space<semaphore_mem>> -> memref<!tpu.dma_semaphore, #tpu.memory_space<semaphore_mem>>
    %dma_start3A_211 = arith.constant 0 : i32
    %dma_start3A_212 = arith.constant 0 : i32
    %dma_start3A_213 = tpu.memref_slice %arg5[%add3A_198, %dma_start3A_211, %dma_start3A_212] : memref<4096x200x128xf32, #tpu.memory_space<hbm>> -> memref<1x200x128xf32, #tpu.memory_space<hbm>>
    %dma_start3A_214 = tpu.memref_squeeze %dma_start3A_213 : memref<1x200x128xf32, #tpu.memory_space<hbm>> -> memref<200x128xf32, #tpu.memory_space<hbm>>
    %dma_start3A_215 = arith.constant 0 : i32
    %dma_start3A_216 = arith.constant 0 : i32
    %dma_start3A_217 = tpu.memref_slice %arg8[%dma_start3A_199, %dma_start3A_215, %dma_start3A_216] : memref<4x200x128xf32, #tpu.memory_space<vmem>> -> memref<1x200x128xf32, #tpu.memory_space<vmem>>
    %dma_start3A_218 = tpu.memref_squeeze %dma_start3A_217 : memref<1x200x128xf32, #tpu.memory_space<vmem>> -> memref<200x128xf32, #tpu.memory_space<vmem>>
    tpu.enqueue_dma source(%dma_start3A_218 : memref<200x128xf32, #tpu.memory_space<vmem>>) target(%dma_start3A_214 : memref<200x128xf32, #tpu.memory_space<hbm>>) target_semaphore(%dma_start3A_210 : memref<!tpu.dma_semaphore, #tpu.memory_space<semaphore_mem>>)
    %dma_wait3A_219 = arith.constant 2 : i32
    %dma_wait3A_220 = arith.constant 2 : i32
    %dma_wait3A_221 = arith.constant 0 : i32
    %dma_wait3A_222 = tpu.memref_slice %arg7[%dma_wait3A_219, %dma_wait3A_221] : memref<4x200xi32, #tpu.memory_space<vmem>> -> memref<1x200xi32, #tpu.memory_space<vmem>>
    %dma_wait3A_223 = tpu.memref_squeeze %dma_wait3A_222 : memref<1x200xi32, #tpu.memory_space<vmem>> -> memref<200xi32, #tpu.memory_space<vmem>>
    %dma_wait3A_224 = arith.constant 0 : i32
    %dma_wait3A_225 = tpu.memref_slice %arg3[%mul3A_2, %dma_wait3A_224] : memref<4096x200xi32, #tpu.memory_space<hbm>> -> memref<1x200xi32, #tpu.memory_space<hbm>>
    %dma_wait3A_226 = tpu.memref_squeeze %dma_wait3A_225 : memref<1x200xi32, #tpu.memory_space<hbm>> -> memref<200xi32, #tpu.memory_space<hbm>>
    %dma_wait3A_227 = tpu.memref_slice %arg9[%dma_wait3A_220] : memref<4x!tpu.dma_semaphore, #tpu.memory_space<semaphore_mem>> -> memref<1x!tpu.dma_semaphore, #tpu.memory_space<semaphore_mem>>
    %dma_wait3A_228 = tpu.memref_squeeze %dma_wait3A_227 : memref<1x!tpu.dma_semaphore, #tpu.memory_space<semaphore_mem>> -> memref<!tpu.dma_semaphore, #tpu.memory_space<semaphore_mem>>
    %dma_wait3A_229 = arith.constant 0 : i32
    %dma_wait3A_230 = tpu.memref_slice %arg7[%dma_wait3A_219, %dma_wait3A_229] : memref<4x200xi32, #tpu.memory_space<vmem>> -> memref<1x200xi32, #tpu.memory_space<vmem>>
    %dma_wait3A_231 = tpu.memref_squeeze %dma_wait3A_230 : memref<1x200xi32, #tpu.memory_space<vmem>> -> memref<200xi32, #tpu.memory_space<vmem>>
    %dma_wait3A_232 = arith.constant 0 : i32
    %dma_wait3A_233 = tpu.memref_slice %arg3[%mul3A_2, %dma_wait3A_232] : memref<4096x200xi32, #tpu.memory_space<hbm>> -> memref<1x200xi32, #tpu.memory_space<hbm>>
    %dma_wait3A_234 = tpu.memref_squeeze %dma_wait3A_233 : memref<1x200xi32, #tpu.memory_space<hbm>> -> memref<200xi32, #tpu.memory_space<hbm>>
    tpu.wait_dma2 semaphore(%dma_wait3A_228 : memref<!tpu.dma_semaphore, #tpu.memory_space<semaphore_mem>>) src(%dma_wait3A_234 : memref<200xi32, #tpu.memory_space<hbm>>) dst(%dma_wait3A_231 : memref<200xi32, #tpu.memory_space<vmem>>)
    %dma_start3A_235 = arith.constant 2 : i32
    %dma_start3A_236 = arith.constant 2 : i32
    %dma_start3A_237 = arith.constant 2 : i32
    %dma_start3A_238 = arith.constant 0 : i32
    %dma_start3A_239 = arith.constant 0 : i32
    %dma_start3A_240 = tpu.memref_slice %arg8[%dma_start3A_236, %dma_start3A_238, %dma_start3A_239] : memref<4x200x128xf32, #tpu.memory_space<vmem>> -> memref<1x128x128xf32, #tpu.memory_space<vmem>>
    %dma_start3A_241 = tpu.memref_squeeze %dma_start3A_240 : memref<1x128x128xf32, #tpu.memory_space<vmem>> -> memref<128x128xf32, #tpu.memory_space<vmem>>
    %dma_start3A_242 = arith.constant 0 : i32
    %dma_start3A_243 = tpu.memref_slice %arg7[%dma_start3A_235, %dma_start3A_242] : memref<4x200xi32, #tpu.memory_space<vmem>> -> memref<1x128xi32, #tpu.memory_space<vmem>>
    %dma_start3A_244 = tpu.memref_squeeze %dma_start3A_243 : memref<1x128xi32, #tpu.memory_space<vmem>> -> memref<128xi32, #tpu.memory_space<vmem>>
    %dma_start3A_245 = arith.constant 0 : i32
    %dma_start3A_246 = arith.constant 0 : i32
    %dma_start3A_247 = tpu.memref_slice %arg2[%dma_start3A_245, %dma_start3A_246] : memref<100000x128xf32, #tpu.memory_space<hbm>> -> memref<100000x128xf32, #tpu.memory_space<hbm>>
    %dma_start3A_248 = tpu.memref_slice %arg10[%dma_start3A_237] : memref<4x!tpu.dma_semaphore, #tpu.memory_space<semaphore_mem>> -> memref<1x!tpu.dma_semaphore, #tpu.memory_space<semaphore_mem>>
    %dma_start3A_249 = tpu.memref_squeeze %dma_start3A_248 : memref<1x!tpu.dma_semaphore, #tpu.memory_space<semaphore_mem>> -> memref<!tpu.dma_semaphore, #tpu.memory_space<semaphore_mem>>
    tpu.enqueue_indirect_dma source(%dma_start3A_247 : memref<100000x128xf32, #tpu.memory_space<hbm>>) target(%dma_start3A_241 : memref<128x128xf32, #tpu.memory_space<vmem>>) offsets(%dma_start3A_244 : memref<128xi32, #tpu.memory_space<vmem>>) semaphore(%dma_start3A_249 : memref<!tpu.dma_semaphore, #tpu.memory_space<semaphore_mem>>)
    %dma_start3A_250 = arith.constant 2 : i32
    %dma_start3A_251 = arith.constant 2 : i32
    %dma_start3A_252 = arith.constant 2 : i32
    %dma_start3A_253 = arith.constant 128 : i32
    %dma_start3A_254 = arith.constant 0 : i32
    %dma_start3A_255 = tpu.memref_slice %arg8[%dma_start3A_251, %dma_start3A_253, %dma_start3A_254] : memref<4x200x128xf32, #tpu.memory_space<vmem>> -> memref<1x72x128xf32, #tpu.memory_space<vmem>>
    %dma_start3A_256 = tpu.memref_squeeze %dma_start3A_255 : memref<1x72x128xf32, #tpu.memory_space<vmem>> -> memref<72x128xf32, #tpu.memory_space<vmem>>
    %dma_start3A_257 = arith.constant 128 : i32
    %dma_start3A_258 = tpu.memref_slice %arg7[%dma_start3A_250, %dma_start3A_257] : memref<4x200xi32, #tpu.memory_space<vmem>> -> memref<1x72xi32, #tpu.memory_space<vmem>>
    %dma_start3A_259 = tpu.memref_squeeze %dma_start3A_258 : memref<1x72xi32, #tpu.memory_space<vmem>> -> memref<72xi32, #tpu.memory_space<vmem>>
    %dma_start3A_260 = arith.constant 0 : i32
    %dma_start3A_261 = arith.constant 0 : i32
    %dma_start3A_262 = tpu.memref_slice %arg2[%dma_start3A_260, %dma_start3A_261] : memref<100000x128xf32, #tpu.memory_space<hbm>> -> memref<100000x128xf32, #tpu.memory_space<hbm>>
    %dma_start3A_263 = tpu.memref_slice %arg10[%dma_start3A_252] : memref<4x!tpu.dma_semaphore, #tpu.memory_space<semaphore_mem>> -> memref<1x!tpu.dma_semaphore, #tpu.memory_space<semaphore_mem>>
    %dma_start3A_264 = tpu.memref_squeeze %dma_start3A_263 : memref<1x!tpu.dma_semaphore, #tpu.memory_space<semaphore_mem>> -> memref<!tpu.dma_semaphore, #tpu.memory_space<semaphore_mem>>
    tpu.enqueue_indirect_dma source(%dma_start3A_262 : memref<100000x128xf32, #tpu.memory_space<hbm>>) target(%dma_start3A_256 : memref<72x128xf32, #tpu.memory_space<vmem>>) offsets(%dma_start3A_259 : memref<72xi32, #tpu.memory_space<vmem>>) semaphore(%dma_start3A_264 : memref<!tpu.dma_semaphore, #tpu.memory_space<semaphore_mem>>)
    %add3A_265 = arith.constant 4 : i32
    %add3A_266 = arith.addi %mul3A_2, %add3A_265 : i32
    %dma_start3A_267 = arith.constant 0 : i32
    %dma_start3A_268 = arith.constant 0 : i32
    %dma_start3A_269 = arith.constant 0 : i32
    %dma_start3A_270 = tpu.memref_slice %arg7[%dma_start3A_267, %dma_start3A_269] : memref<4x200xi32, #tpu.memory_space<vmem>> -> memref<1x200xi32, #tpu.memory_space<vmem>>
    %dma_start3A_271 = tpu.memref_squeeze %dma_start3A_270 : memref<1x200xi32, #tpu.memory_space<vmem>> -> memref<200xi32, #tpu.memory_space<vmem>>
    %dma_start3A_272 = arith.constant 0 : i32
    %dma_start3A_273 = tpu.memref_slice %arg3[%add3A_266, %dma_start3A_272] : memref<4096x200xi32, #tpu.memory_space<hbm>> -> memref<1x200xi32, #tpu.memory_space<hbm>>
    %dma_start3A_274 = tpu.memref_squeeze %dma_start3A_273 : memref<1x200xi32, #tpu.memory_space<hbm>> -> memref<200xi32, #tpu.memory_space<hbm>>
    %dma_start3A_275 = tpu.memref_slice %arg9[%dma_start3A_268] : memref<4x!tpu.dma_semaphore, #tpu.memory_space<semaphore_mem>> -> memref<1x!tpu.dma_semaphore, #tpu.memory_space<semaphore_mem>>
    %dma_start3A_276 = tpu.memref_squeeze %dma_start3A_275 : memref<1x!tpu.dma_semaphore, #tpu.memory_space<semaphore_mem>> -> memref<!tpu.dma_semaphore, #tpu.memory_space<semaphore_mem>>
    %dma_start3A_277 = arith.constant 0 : i32
    %dma_start3A_278 = tpu.memref_slice %arg7[%dma_start3A_267, %dma_start3A_277] : memref<4x200xi32, #tpu.memory_space<vmem>> -> memref<1x200xi32, #tpu.memory_space<vmem>>
    %dma_start3A_279 = tpu.memref_squeeze %dma_start3A_278 : memref<1x200xi32, #tpu.memory_space<vmem>> -> memref<200xi32, #tpu.memory_space<vmem>>
    %dma_start3A_280 = arith.constant 0 : i32
    %dma_start3A_281 = tpu.memref_slice %arg3[%add3A_266, %dma_start3A_280] : memref<4096x200xi32, #tpu.memory_space<hbm>> -> memref<1x200xi32, #tpu.memory_space<hbm>>
    %dma_start3A_282 = tpu.memref_squeeze %dma_start3A_281 : memref<1x200xi32, #tpu.memory_space<hbm>> -> memref<200xi32, #tpu.memory_space<hbm>>
    tpu.enqueue_dma source(%dma_start3A_282 : memref<200xi32, #tpu.memory_space<hbm>>) target(%dma_start3A_279 : memref<200xi32, #tpu.memory_space<vmem>>) target_semaphore(%dma_start3A_276 : memref<!tpu.dma_semaphore, #tpu.memory_space<semaphore_mem>>)
    %dma_wait3A_283 = arith.constant 1 : i32
    %dma_wait3A_284 = arith.constant 1 : i32
    %dma_wait3A_285 = arith.constant 1 : i32
    %dma_wait3A_286 = arith.constant 0 : i32
    %dma_wait3A_287 = arith.constant 0 : i32
    %dma_wait3A_288 = tpu.memref_slice %arg8[%dma_wait3A_284, %dma_wait3A_286, %dma_wait3A_287] : memref<4x200x128xf32, #tpu.memory_space<vmem>> -> memref<1x128x128xf32, #tpu.memory_space<vmem>>
    %dma_wait3A_289 = tpu.memref_squeeze %dma_wait3A_288 : memref<1x128x128xf32, #tpu.memory_space<vmem>> -> memref<128x128xf32, #tpu.memory_space<vmem>>
    %dma_wait3A_290 = arith.constant 0 : i32
    %dma_wait3A_291 = tpu.memref_slice %arg7[%dma_wait3A_283, %dma_wait3A_290] : memref<4x200xi32, #tpu.memory_space<vmem>> -> memref<1x128xi32, #tpu.memory_space<vmem>>
    %dma_wait3A_292 = tpu.memref_squeeze %dma_wait3A_291 : memref<1x128xi32, #tpu.memory_space<vmem>> -> memref<128xi32, #tpu.memory_space<vmem>>
    %dma_wait3A_293 = arith.constant 0 : i32
    %dma_wait3A_294 = arith.constant 0 : i32
    %dma_wait3A_295 = tpu.memref_slice %arg2[%dma_wait3A_293, %dma_wait3A_294] : memref<100000x128xf32, #tpu.memory_space<hbm>> -> memref<100000x128xf32, #tpu.memory_space<hbm>>
    %dma_wait3A_296 = tpu.memref_slice %arg10[%dma_wait3A_285] : memref<4x!tpu.dma_semaphore, #tpu.memory_space<semaphore_mem>> -> memref<1x!tpu.dma_semaphore, #tpu.memory_space<semaphore_mem>>
    %dma_wait3A_297 = tpu.memref_squeeze %dma_wait3A_296 : memref<1x!tpu.dma_semaphore, #tpu.memory_space<semaphore_mem>> -> memref<!tpu.dma_semaphore, #tpu.memory_space<semaphore_mem>>
    tpu.wait_indirect_dma semaphore(%dma_wait3A_297 : memref<!tpu.dma_semaphore, #tpu.memory_space<semaphore_mem>>) src(%dma_wait3A_295 : memref<100000x128xf32, #tpu.memory_space<hbm>>) dst(%dma_wait3A_289 : memref<128x128xf32, #tpu.memory_space<vmem>>)
    %dma_wait3A_298 = arith.constant 1 : i32
    %dma_wait3A_299 = arith.constant 1 : i32
    %dma_wait3A_300 = arith.constant 1 : i32
    %dma_wait3A_301 = arith.constant 128 : i32
    %dma_wait3A_302 = arith.constant 0 : i32
    %dma_wait3A_303 = tpu.memref_slice %arg8[%dma_wait3A_299, %dma_wait3A_301, %dma_wait3A_302] : memref<4x200x128xf32, #tpu.memory_space<vmem>> -> memref<1x72x128xf32, #tpu.memory_space<vmem>>
    %dma_wait3A_304 = tpu.memref_squeeze %dma_wait3A_303 : memref<1x72x128xf32, #tpu.memory_space<vmem>> -> memref<72x128xf32, #tpu.memory_space<vmem>>
    %dma_wait3A_305 = arith.constant 128 : i32
    %dma_wait3A_306 = tpu.memref_slice %arg7[%dma_wait3A_298, %dma_wait3A_305] : memref<4x200xi32, #tpu.memory_space<vmem>> -> memref<1x72xi32, #tpu.memory_space<vmem>>
    %dma_wait3A_307 = tpu.memref_squeeze %dma_wait3A_306 : memref<1x72xi32, #tpu.memory_space<vmem>> -> memref<72xi32, #tpu.memory_space<vmem>>
    %dma_wait3A_308 = arith.constant 0 : i32
    %dma_wait3A_309 = arith.constant 0 : i32
    %dma_wait3A_310 = tpu.memref_slice %arg2[%dma_wait3A_308, %dma_wait3A_309] : memref<100000x128xf32, #tpu.memory_space<hbm>> -> memref<100000x128xf32, #tpu.memory_space<hbm>>
    %dma_wait3A_311 = tpu.memref_slice %arg10[%dma_wait3A_300] : memref<4x!tpu.dma_semaphore, #tpu.memory_space<semaphore_mem>> -> memref<1x!tpu.dma_semaphore, #tpu.memory_space<semaphore_mem>>
    %dma_wait3A_312 = tpu.memref_squeeze %dma_wait3A_311 : memref<1x!tpu.dma_semaphore, #tpu.memory_space<semaphore_mem>> -> memref<!tpu.dma_semaphore, #tpu.memory_space<semaphore_mem>>
    tpu.wait_indirect_dma semaphore(%dma_wait3A_312 : memref<!tpu.dma_semaphore, #tpu.memory_space<semaphore_mem>>) src(%dma_wait3A_310 : memref<100000x128xf32, #tpu.memory_space<hbm>>) dst(%dma_wait3A_304 : memref<72x128xf32, #tpu.memory_space<vmem>>)
    %parallel_loop3A_313 = arith.constant 0 : i32
    %parallel_loop3A_314 = arith.constant 200 : i32
    %parallel_loop3A_315 = arith.constant 1 : i32
    scf.for %parallel_loop3A_1116 = %parallel_loop3A_313 to %parallel_loop3A_314 step %parallel_loop3A_315  : i32 {
      %parallel_loop3A_1117 = arith.index_cast %parallel_loop3A_1116 : i32 to index
      %parallel_loop3A_1118 = arith.constant 0 : index
      %parallel_loop3A_1119 = tpu.vector_load %arg6[%parallel_loop3A_1117, %parallel_loop3A_1118] {strides = array<i32>} : memref<200x128xf32, #tpu.memory_space<vmem>>, vector<1x16xf32>,
      %parallel_loop3A_1120 = vector.shape_cast %parallel_loop3A_1119 : vector<1x16xf32> to vector<16xf32>
      %parallel_loop3A_1121 = arith.constant 1 : i32
      %parallel_loop3A_1122 = arith.index_cast %parallel_loop3A_1121 : i32 to index
      %parallel_loop3A_1123 = arith.index_cast %parallel_loop3A_1116 : i32 to index
      %parallel_loop3A_1124 = arith.constant 0 : index
      %parallel_loop3A_1125 = tpu.vector_load %arg8[%parallel_loop3A_1122, %parallel_loop3A_1123, %parallel_loop3A_1124] {strides = array<i32>} : memref<4x200x128xf32, #tpu.memory_space<vmem>>, vector<1x1x16xf32>,
      %parallel_loop3A_1126 = vector.shape_cast %parallel_loop3A_1125 : vector<1x1x16xf32> to vector<16xf32>
      %parallel_loop3A_1127 = vector.shape_cast %parallel_loop3A_1120 : vector<16xf32> to vector<1x1x16xf32>
      tpu.vector_store %arg8[%parallel_loop3A_1122, %parallel_loop3A_1123, %parallel_loop3A_1124], %parallel_loop3A_1127 {add = true, strides = array<i32>} : memref<4x200x128xf32, #tpu.memory_space<vmem>>, vector<1x1x16xf32>,
      %parallel_loop3A_1128 = arith.index_cast %parallel_loop3A_1116 : i32 to index
      %parallel_loop3A_1129 = arith.constant 16 : index
      %parallel_loop3A_1130 = tpu.vector_load %arg6[%parallel_loop3A_1128, %parallel_loop3A_1129] {strides = array<i32>} : memref<200x128xf32, #tpu.memory_space<vmem>>, vector<1x16xf32>,
      %parallel_loop3A_1131 = vector.shape_cast %parallel_loop3A_1130 : vector<1x16xf32> to vector<16xf32>
      %parallel_loop3A_1132 = arith.constant 1 : i32
      %parallel_loop3A_1133 = arith.index_cast %parallel_loop3A_1132 : i32 to index
      %parallel_loop3A_1134 = arith.index_cast %parallel_loop3A_1116 : i32 to index
      %parallel_loop3A_1135 = arith.constant 16 : index
      %parallel_loop3A_1136 = tpu.vector_load %arg8[%parallel_loop3A_1133, %parallel_loop3A_1134, %parallel_loop3A_1135] {strides = array<i32>} : memref<4x200x128xf32, #tpu.memory_space<vmem>>, vector<1x1x16xf32>,
      %parallel_loop3A_1137 = vector.shape_cast %parallel_loop3A_1136 : vector<1x1x16xf32> to vector<16xf32>
      %parallel_loop3A_1138 = vector.shape_cast %parallel_loop3A_1131 : vector<16xf32> to vector<1x1x16xf32>
      tpu.vector_store %arg8[%parallel_loop3A_1133, %parallel_loop3A_1134, %parallel_loop3A_1135], %parallel_loop3A_1138 {add = true, strides = array<i32>} : memref<4x200x128xf32, #tpu.memory_space<vmem>>, vector<1x1x16xf32>,
      %parallel_loop3A_1139 = arith.index_cast %parallel_loop3A_1116 : i32 to index
      %parallel_loop3A_1140 = arith.constant 32 : index
      %parallel_loop3A_1141 = tpu.vector_load %arg6[%parallel_loop3A_1139, %parallel_loop3A_1140] {strides = array<i32>} : memref<200x128xf32, #tpu.memory_space<vmem>>, vector<1x16xf32>,
      %parallel_loop3A_1142 = vector.shape_cast %parallel_loop3A_1141 : vector<1x16xf32> to vector<16xf32>
      %parallel_loop3A_1143 = arith.constant 1 : i32
      %parallel_loop3A_1144 = arith.index_cast %parallel_loop3A_1143 : i32 to index
      %parallel_loop3A_1145 = arith.index_cast %parallel_loop3A_1116 : i32 to index
      %parallel_loop3A_1146 = arith.constant 32 : index
      %parallel_loop3A_1147 = tpu.vector_load %arg8[%parallel_loop3A_1144, %parallel_loop3A_1145, %parallel_loop3A_1146] {strides = array<i32>} : memref<4x200x128xf32, #tpu.memory_space<vmem>>, vector<1x1x16xf32>,
      %parallel_loop3A_1148 = vector.shape_cast %parallel_loop3A_1147 : vector<1x1x16xf32> to vector<16xf32>
      %parallel_loop3A_1149 = vector.shape_cast %parallel_loop3A_1142 : vector<16xf32> to vector<1x1x16xf32>
      tpu.vector_store %arg8[%parallel_loop3A_1144, %parallel_loop3A_1145, %parallel_loop3A_1146], %parallel_loop3A_1149 {add = true, strides = array<i32>} : memref<4x200x128xf32, #tpu.memory_space<vmem>>, vector<1x1x16xf32>,
      %parallel_loop3A_1150 = arith.index_cast %parallel_loop3A_1116 : i32 to index
      %parallel_loop3A_1151 = arith.constant 48 : index
      %parallel_loop3A_1152 = tpu.vector_load %arg6[%parallel_loop3A_1150, %parallel_loop3A_1151] {strides = array<i32>} : memref<200x128xf32, #tpu.memory_space<vmem>>, vector<1x16xf32>,
      %parallel_loop3A_1153 = vector.shape_cast %parallel_loop3A_1152 : vector<1x16xf32> to vector<16xf32>
      %parallel_loop3A_1154 = arith.constant 1 : i32
      %parallel_loop3A_1155 = arith.index_cast %parallel_loop3A_1154 : i32 to index
      %parallel_loop3A_1156 = arith.index_cast %parallel_loop3A_1116 : i32 to index
      %parallel_loop3A_1157 = arith.constant 48 : index
      %parallel_loop3A_1158 = tpu.vector_load %arg8[%parallel_loop3A_1155, %parallel_loop3A_1156, %parallel_loop3A_1157] {strides = array<i32>} : memref<4x200x128xf32, #tpu.memory_space<vmem>>, vector<1x1x16xf32>,
      %parallel_loop3A_1159 = vector.shape_cast %parallel_loop3A_1158 : vector<1x1x16xf32> to vector<16xf32>
      %parallel_loop3A_1160 = vector.shape_cast %parallel_loop3A_1153 : vector<16xf32> to vector<1x1x16xf32>
      tpu.vector_store %arg8[%parallel_loop3A_1155, %parallel_loop3A_1156, %parallel_loop3A_1157], %parallel_loop3A_1160 {add = true, strides = array<i32>} : memref<4x200x128xf32, #tpu.memory_space<vmem>>, vector<1x1x16xf32>,
      %parallel_loop3A_1161 = arith.index_cast %parallel_loop3A_1116 : i32 to index
      %parallel_loop3A_1162 = arith.constant 64 : index
      %parallel_loop3A_1163 = tpu.vector_load %arg6[%parallel_loop3A_1161, %parallel_loop3A_1162] {strides = array<i32>} : memref<200x128xf32, #tpu.memory_space<vmem>>, vector<1x16xf32>,
      %parallel_loop3A_1164 = vector.shape_cast %parallel_loop3A_1163 : vector<1x16xf32> to vector<16xf32>
      %parallel_loop3A_1165 = arith.constant 1 : i32
      %parallel_loop3A_1166 = arith.index_cast %parallel_loop3A_1165 : i32 to index
      %parallel_loop3A_1167 = arith.index_cast %parallel_loop3A_1116 : i32 to index
      %parallel_loop3A_1168 = arith.constant 64 : index
      %parallel_loop3A_1169 = tpu.vector_load %arg8[%parallel_loop3A_1166, %parallel_loop3A_1167, %parallel_loop3A_1168] {strides = array<i32>} : memref<4x200x128xf32, #tpu.memory_space<vmem>>, vector<1x1x16xf32>,
      %parallel_loop3A_1170 = vector.shape_cast %parallel_loop3A_1169 : vector<1x1x16xf32> to vector<16xf32>
      %parallel_loop3A_1171 = vector.shape_cast %parallel_loop3A_1164 : vector<16xf32> to vector<1x1x16xf32>
      tpu.vector_store %arg8[%parallel_loop3A_1166, %parallel_loop3A_1167, %parallel_loop3A_1168], %parallel_loop3A_1171 {add = true, strides = array<i32>} : memref<4x200x128xf32, #tpu.memory_space<vmem>>, vector<1x1x16xf32>,
      %parallel_loop3A_1172 = arith.index_cast %parallel_loop3A_1116 : i32 to index
      %parallel_loop3A_1173 = arith.constant 80 : index
      %parallel_loop3A_1174 = tpu.vector_load %arg6[%parallel_loop3A_1172, %parallel_loop3A_1173] {strides = array<i32>} : memref<200x128xf32, #tpu.memory_space<vmem>>, vector<1x16xf32>,
      %parallel_loop3A_1175 = vector.shape_cast %parallel_loop3A_1174 : vector<1x16xf32> to vector<16xf32>
      %parallel_loop3A_1176 = arith.constant 1 : i32
      %parallel_loop3A_1177 = arith.index_cast %parallel_loop3A_1176 : i32 to index
      %parallel_loop3A_1178 = arith.index_cast %parallel_loop3A_1116 : i32 to index
      %parallel_loop3A_1179 = arith.constant 80 : index
      %parallel_loop3A_1180 = tpu.vector_load %arg8[%parallel_loop3A_1177, %parallel_loop3A_1178, %parallel_loop3A_1179] {strides = array<i32>} : memref<4x200x128xf32, #tpu.memory_space<vmem>>, vector<1x1x16xf32>,
      %parallel_loop3A_1181 = vector.shape_cast %parallel_loop3A_1180 : vector<1x1x16xf32> to vector<16xf32>
      %parallel_loop3A_1182 = vector.shape_cast %parallel_loop3A_1175 : vector<16xf32> to vector<1x1x16xf32>
      tpu.vector_store %arg8[%parallel_loop3A_1177, %parallel_loop3A_1178, %parallel_loop3A_1179], %parallel_loop3A_1182 {add = true, strides = array<i32>} : memref<4x200x128xf32, #tpu.memory_space<vmem>>, vector<1x1x16xf32>,
      %parallel_loop3A_1183 = arith.index_cast %parallel_loop3A_1116 : i32 to index
      %parallel_loop3A_1184 = arith.constant 96 : index
      %parallel_loop3A_1185 = tpu.vector_load %arg6[%parallel_loop3A_1183, %parallel_loop3A_1184] {strides = array<i32>} : memref<200x128xf32, #tpu.memory_space<vmem>>, vector<1x16xf32>,
      %parallel_loop3A_1186 = vector.shape_cast %parallel_loop3A_1185 : vector<1x16xf32> to vector<16xf32>
      %parallel_loop3A_1187 = arith.constant 1 : i32
      %parallel_loop3A_1188 = arith.index_cast %parallel_loop3A_1187 : i32 to index
      %parallel_loop3A_1189 = arith.index_cast %parallel_loop3A_1116 : i32 to index
      %parallel_loop3A_1190 = arith.constant 96 : index
      %parallel_loop3A_1191 = tpu.vector_load %arg8[%parallel_loop3A_1188, %parallel_loop3A_1189, %parallel_loop3A_1190] {strides = array<i32>} : memref<4x200x128xf32, #tpu.memory_space<vmem>>, vector<1x1x16xf32>,
      %parallel_loop3A_1192 = vector.shape_cast %parallel_loop3A_1191 : vector<1x1x16xf32> to vector<16xf32>
      %parallel_loop3A_1193 = vector.shape_cast %parallel_loop3A_1186 : vector<16xf32> to vector<1x1x16xf32>
      tpu.vector_store %arg8[%parallel_loop3A_1188, %parallel_loop3A_1189, %parallel_loop3A_1190], %parallel_loop3A_1193 {add = true, strides = array<i32>} : memref<4x200x128xf32, #tpu.memory_space<vmem>>, vector<1x1x16xf32>,
      %parallel_loop3A_1194 = arith.index_cast %parallel_loop3A_1116 : i32 to index
      %parallel_loop3A_1195 = arith.constant 112 : index
      %parallel_loop3A_1196 = tpu.vector_load %arg6[%parallel_loop3A_1194, %parallel_loop3A_1195] {strides = array<i32>} : memref<200x128xf32, #tpu.memory_space<vmem>>, vector<1x16xf32>,
      %parallel_loop3A_1197 = vector.shape_cast %parallel_loop3A_1196 : vector<1x16xf32> to vector<16xf32>
      %parallel_loop3A_1198 = arith.constant 1 : i32
      %parallel_loop3A_1199 = arith.index_cast %parallel_loop3A_1198 : i32 to index
      %parallel_loop3A_1200 = arith.index_cast %parallel_loop3A_1116 : i32 to index
      %parallel_loop3A_1201 = arith.constant 112 : index
      %parallel_loop3A_1202 = tpu.vector_load %arg8[%parallel_loop3A_1199, %parallel_loop3A_1200, %parallel_loop3A_1201] {strides = array<i32>} : memref<4x200x128xf32, #tpu.memory_space<vmem>>, vector<1x1x16xf32>,
      %parallel_loop3A_1203 = vector.shape_cast %parallel_loop3A_1202 : vector<1x1x16xf32> to vector<16xf32>
      %parallel_loop3A_1204 = vector.shape_cast %parallel_loop3A_1197 : vector<16xf32> to vector<1x1x16xf32>
      tpu.vector_store %arg8[%parallel_loop3A_1199, %parallel_loop3A_1200, %parallel_loop3A_1201], %parallel_loop3A_1204 {add = true, strides = array<i32>} : memref<4x200x128xf32, #tpu.memory_space<vmem>>, vector<1x1x16xf32>,
    } {sc.loop_unroll_factor = 4 : i64, sc.parallel_access}
    %add3A_316 = arith.constant 1 : i32
    %add3A_317 = arith.addi %mul3A_2, %add3A_316 : i32
    %dma_start3A_318 = arith.constant 1 : i32
    %dma_start3A_319 = arith.constant 1 : i32
    %dma_start3A_320 = arith.constant 0 : i32
    %dma_start3A_321 = arith.constant 0 : i32
    %dma_start3A_322 = tpu.memref_slice %arg8[%dma_start3A_318, %dma_start3A_320, %dma_start3A_321] : memref<4x200x128xf32, #tpu.memory_space<vmem>> -> memref<1x200x128xf32, #tpu.memory_space<vmem>>
    %dma_start3A_323 = tpu.memref_squeeze %dma_start3A_322 : memref<1x200x128xf32, #tpu.memory_space<vmem>> -> memref<200x128xf32, #tpu.memory_space<vmem>>
    %dma_start3A_324 = arith.constant 0 : i32
    %dma_start3A_325 = arith.constant 0 : i32
    %dma_start3A_326 = tpu.memref_slice %arg5[%add3A_317, %dma_start3A_324, %dma_start3A_325] : memref<4096x200x128xf32, #tpu.memory_space<hbm>> -> memref<1x200x128xf32, #tpu.memory_space<hbm>>
    %dma_start3A_327 = tpu.memref_squeeze %dma_start3A_326 : memref<1x200x128xf32, #tpu.memory_space<hbm>> -> memref<200x128xf32, #tpu.memory_space<hbm>>
    %dma_start3A_328 = tpu.memref_slice %arg11[%dma_start3A_319] : memref<4x!tpu.dma_semaphore, #tpu.memory_space<semaphore_mem>> -> memref<1x!tpu.dma_semaphore, #tpu.memory_space<semaphore_mem>>
    %dma_start3A_329 = tpu.memref_squeeze %dma_start3A_328 : memref<1x!tpu.dma_semaphore, #tpu.memory_space<semaphore_mem>> -> memref<!tpu.dma_semaphore, #tpu.memory_space<semaphore_mem>>
    %dma_start3A_330 = arith.constant 0 : i32
    %dma_start3A_331 = arith.constant 0 : i32
    %dma_start3A_332 = tpu.memref_slice %arg5[%add3A_317, %dma_start3A_330, %dma_start3A_331] : memref<4096x200x128xf32, #tpu.memory_space<hbm>> -> memref<1x200x128xf32, #tpu.memory_space<hbm>>
    %dma_start3A_333 = tpu.memref_squeeze %dma_start3A_332 : memref<1x200x128xf32, #tpu.memory_space<hbm>> -> memref<200x128xf32, #tpu.memory_space<hbm>>
    %dma_start3A_334 = arith.constant 0 : i32
    %dma_start3A_335 = arith.constant 0 : i32
    %dma_start3A_336 = tpu.memref_slice %arg8[%dma_start3A_318, %dma_start3A_334, %dma_start3A_335] : memref<4x200x128xf32, #tpu.memory_space<vmem>> -> memref<1x200x128xf32, #tpu.memory_space<vmem>>
    %dma_start3A_337 = tpu.memref_squeeze %dma_start3A_336 : memref<1x200x128xf32, #tpu.memory_space<vmem>> -> memref<200x128xf32, #tpu.memory_space<vmem>>
    tpu.enqueue_dma source(%dma_start3A_337 : memref<200x128xf32, #tpu.memory_space<vmem>>) target(%dma_start3A_333 : memref<200x128xf32, #tpu.memory_space<hbm>>) target_semaphore(%dma_start3A_329 : memref<!tpu.dma_semaphore, #tpu.memory_space<semaphore_mem>>)
    %dma_wait3A_338 = arith.constant 3 : i32
    %dma_wait3A_339 = arith.constant 3 : i32
    %dma_wait3A_340 = arith.constant 0 : i32
    %dma_wait3A_341 = tpu.memref_slice %arg7[%dma_wait3A_338, %dma_wait3A_340] : memref<4x200xi32, #tpu.memory_space<vmem>> -> memref<1x200xi32, #tpu.memory_space<vmem>>
    %dma_wait3A_342 = tpu.memref_squeeze %dma_wait3A_341 : memref<1x200xi32, #tpu.memory_space<vmem>> -> memref<200xi32, #tpu.memory_space<vmem>>
    %dma_wait3A_343 = arith.constant 0 : i32
    %dma_wait3A_344 = tpu.memref_slice %arg3[%mul3A_2, %dma_wait3A_343] : memref<4096x200xi32, #tpu.memory_space<hbm>> -> memref<1x200xi32, #tpu.memory_space<hbm>>
    %dma_wait3A_345 = tpu.memref_squeeze %dma_wait3A_344 : memref<1x200xi32, #tpu.memory_space<hbm>> -> memref<200xi32, #tpu.memory_space<hbm>>
    %dma_wait3A_346 = tpu.memref_slice %arg9[%dma_wait3A_339] : memref<4x!tpu.dma_semaphore, #tpu.memory_space<semaphore_mem>> -> memref<1x!tpu.dma_semaphore, #tpu.memory_space<semaphore_mem>>
    %dma_wait3A_347 = tpu.memref_squeeze %dma_wait3A_346 : memref<1x!tpu.dma_semaphore, #tpu.memory_space<semaphore_mem>> -> memref<!tpu.dma_semaphore, #tpu.memory_space<semaphore_mem>>
    %dma_wait3A_348 = arith.constant 0 : i32
    %dma_wait3A_349 = tpu.memref_slice %arg7[%dma_wait3A_338, %dma_wait3A_348] : memref<4x200xi32, #tpu.memory_space<vmem>> -> memref<1x200xi32, #tpu.memory_space<vmem>>
    %dma_wait3A_350 = tpu.memref_squeeze %dma_wait3A_349 : memref<1x200xi32, #tpu.memory_space<vmem>> -> memref<200xi32, #tpu.memory_space<vmem>>
    %dma_wait3A_351 = arith.constant 0 : i32
    %dma_wait3A_352 = tpu.memref_slice %arg3[%mul3A_2, %dma_wait3A_351] : memref<4096x200xi32, #tpu.memory_space<hbm>> -> memref<1x200xi32, #tpu.memory_space<hbm>>
    %dma_wait3A_353 = tpu.memref_squeeze %dma_wait3A_352 : memref<1x200xi32, #tpu.memory_space<hbm>> -> memref<200xi32, #tpu.memory_space<hbm>>
    tpu.wait_dma2 semaphore(%dma_wait3A_347 : memref<!tpu.dma_semaphore, #tpu.memory_space<semaphore_mem>>) src(%dma_wait3A_353 : memref<200xi32, #tpu.memory_space<hbm>>) dst(%dma_wait3A_350 : memref<200xi32, #tpu.memory_space<vmem>>)
    %dma_start3A_354 = arith.constant 3 : i32
    %dma_start3A_355 = arith.constant 3 : i32
    %dma_start3A_356 = arith.constant 3 : i32
    %dma_start3A_357 = arith.constant 0 : i32
    %dma_start3A_358 = arith.constant 0 : i32
    %dma_start3A_359 = tpu.memref_slice %arg8[%dma_start3A_355, %dma_start3A_357, %dma_start3A_358] : memref<4x200x128xf32, #tpu.memory_space<vmem>> -> memref<1x128x128xf32, #tpu.memory_space<vmem>>
    %dma_start3A_360 = tpu.memref_squeeze %dma_start3A_359 : memref<1x128x128xf32, #tpu.memory_space<vmem>> -> memref<128x128xf32, #tpu.memory_space<vmem>>
    %dma_start3A_361 = arith.constant 0 : i32
    %dma_start3A_362 = tpu.memref_slice %arg7[%dma_start3A_354, %dma_start3A_361] : memref<4x200xi32, #tpu.memory_space<vmem>> -> memref<1x128xi32, #tpu.memory_space<vmem>>
    %dma_start3A_363 = tpu.memref_squeeze %dma_start3A_362 : memref<1x128xi32, #tpu.memory_space<vmem>> -> memref<128xi32, #tpu.memory_space<vmem>>
    %dma_start3A_364 = arith.constant 0 : i32
    %dma_start3A_365 = arith.constant 0 : i32
    %dma_start3A_366 = tpu.memref_slice %arg2[%dma_start3A_364, %dma_start3A_365] : memref<100000x128xf32, #tpu.memory_space<hbm>> -> memref<100000x128xf32, #tpu.memory_space<hbm>>
    %dma_start3A_367 = tpu.memref_slice %arg10[%dma_start3A_356] : memref<4x!tpu.dma_semaphore, #tpu.memory_space<semaphore_mem>> -> memref<1x!tpu.dma_semaphore, #tpu.memory_space<semaphore_mem>>
    %dma_start3A_368 = tpu.memref_squeeze %dma_start3A_367 : memref<1x!tpu.dma_semaphore, #tpu.memory_space<semaphore_mem>> -> memref<!tpu.dma_semaphore, #tpu.memory_space<semaphore_mem>>
    tpu.enqueue_indirect_dma source(%dma_start3A_366 : memref<100000x128xf32, #tpu.memory_space<hbm>>) target(%dma_start3A_360 : memref<128x128xf32, #tpu.memory_space<vmem>>) offsets(%dma_start3A_363 : memref<128xi32, #tpu.memory_space<vmem>>) semaphore(%dma_start3A_368 : memref<!tpu.dma_semaphore, #tpu.memory_space<semaphore_mem>>)
    %dma_start3A_369 = arith.constant 3 : i32
    %dma_start3A_370 = arith.constant 3 : i32
    %dma_start3A_371 = arith.constant 3 : i32
    %dma_start3A_372 = arith.constant 128 : i32
    %dma_start3A_373 = arith.constant 0 : i32
    %dma_start3A_374 = tpu.memref_slice %arg8[%dma_start3A_370, %dma_start3A_372, %dma_start3A_373] : memref<4x200x128xf32, #tpu.memory_space<vmem>> -> memref<1x72x128xf32, #tpu.memory_space<vmem>>
    %dma_start3A_375 = tpu.memref_squeeze %dma_start3A_374 : memref<1x72x128xf32, #tpu.memory_space<vmem>> -> memref<72x128xf32, #tpu.memory_space<vmem>>
    %dma_start3A_376 = arith.constant 128 : i32
    %dma_start3A_377 = tpu.memref_slice %arg7[%dma_start3A_369, %dma_start3A_376] : memref<4x200xi32, #tpu.memory_space<vmem>> -> memref<1x72xi32, #tpu.memory_space<vmem>>
    %dma_start3A_378 = tpu.memref_squeeze %dma_start3A_377 : memref<1x72xi32, #tpu.memory_space<vmem>> -> memref<72xi32, #tpu.memory_space<vmem>>
    %dma_start3A_379 = arith.constant 0 : i32
    %dma_start3A_380 = arith.constant 0 : i32
    %dma_start3A_381 = tpu.memref_slice %arg2[%dma_start3A_379, %dma_start3A_380] : memref<100000x128xf32, #tpu.memory_space<hbm>> -> memref<100000x128xf32, #tpu.memory_space<hbm>>
    %dma_start3A_382 = tpu.memref_slice %arg10[%dma_start3A_371] : memref<4x!tpu.dma_semaphore, #tpu.memory_space<semaphore_mem>> -> memref<1x!tpu.dma_semaphore, #tpu.memory_space<semaphore_mem>>
    %dma_start3A_383 = tpu.memref_squeeze %dma_start3A_382 : memref<1x!tpu.dma_semaphore, #tpu.memory_space<semaphore_mem>> -> memref<!tpu.dma_semaphore, #tpu.memory_space<semaphore_mem>>
    tpu.enqueue_indirect_dma source(%dma_start3A_381 : memref<100000x128xf32, #tpu.memory_space<hbm>>) target(%dma_start3A_375 : memref<72x128xf32, #tpu.memory_space<vmem>>) offsets(%dma_start3A_378 : memref<72xi32, #tpu.memory_space<vmem>>) semaphore(%dma_start3A_383 : memref<!tpu.dma_semaphore, #tpu.memory_space<semaphore_mem>>)
    %add3A_384 = arith.constant 5 : i32
    %add3A_385 = arith.addi %mul3A_2, %add3A_384 : i32
    %dma_start3A_386 = arith.constant 1 : i32
    %dma_start3A_387 = arith.constant 1 : i32
    %dma_start3A_388 = arith.constant 0 : i32
    %dma_start3A_389 = tpu.memref_slice %arg7[%dma_start3A_386, %dma_start3A_388] : memref<4x200xi32, #tpu.memory_space<vmem>> -> memref<1x200xi32, #tpu.memory_space<vmem>>
    %dma_start3A_390 = tpu.memref_squeeze %dma_start3A_389 : memref<1x200xi32, #tpu.memory_space<vmem>> -> memref<200xi32, #tpu.memory_space<vmem>>
    %dma_start3A_391 = arith.constant 0 : i32
    %dma_start3A_392 = tpu.memref_slice %arg3[%add3A_385, %dma_start3A_391] : memref<4096x200xi32, #tpu.memory_space<hbm>> -> memref<1x200xi32, #tpu.memory_space<hbm>>
    %dma_start3A_393 = tpu.memref_squeeze %dma_start3A_392 : memref<1x200xi32, #tpu.memory_space<hbm>> -> memref<200xi32, #tpu.memory_space<hbm>>
    %dma_start3A_394 = tpu.memref_slice %arg9[%dma_start3A_387] : memref<4x!tpu.dma_semaphore, #tpu.memory_space<semaphore_mem>> -> memref<1x!tpu.dma_semaphore, #tpu.memory_space<semaphore_mem>>
    %dma_start3A_395 = tpu.memref_squeeze %dma_start3A_394 : memref<1x!tpu.dma_semaphore, #tpu.memory_space<semaphore_mem>> -> memref<!tpu.dma_semaphore, #tpu.memory_space<semaphore_mem>>
    %dma_start3A_396 = arith.constant 0 : i32
    %dma_start3A_397 = tpu.memref_slice %arg7[%dma_start3A_386, %dma_start3A_396] : memref<4x200xi32, #tpu.memory_space<vmem>> -> memref<1x200xi32, #tpu.memory_space<vmem>>
    %dma_start3A_398 = tpu.memref_squeeze %dma_start3A_397 : memref<1x200xi32, #tpu.memory_space<vmem>> -> memref<200xi32, #tpu.memory_space<vmem>>
    %dma_start3A_399 = arith.constant 0 : i32
    %dma_start3A_400 = tpu.memref_slice %arg3[%add3A_385, %dma_start3A_399] : memref<4096x200xi32, #tpu.memory_space<hbm>> -> memref<1x200xi32, #tpu.memory_space<hbm>>
    %dma_start3A_401 = tpu.memref_squeeze %dma_start3A_400 : memref<1x200xi32, #tpu.memory_space<hbm>> -> memref<200xi32, #tpu.memory_space<hbm>>
    tpu.enqueue_dma source(%dma_start3A_401 : memref<200xi32, #tpu.memory_space<hbm>>) target(%dma_start3A_398 : memref<200xi32, #tpu.memory_space<vmem>>) target_semaphore(%dma_start3A_395 : memref<!tpu.dma_semaphore, #tpu.memory_space<semaphore_mem>>)
    %dma_wait3A_402 = arith.constant 2 : i32
    %dma_wait3A_403 = arith.constant 2 : i32
    %dma_wait3A_404 = arith.constant 2 : i32
    %dma_wait3A_405 = arith.constant 0 : i32
    %dma_wait3A_406 = arith.constant 0 : i32
    %dma_wait3A_407 = tpu.memref_slice %arg8[%dma_wait3A_403, %dma_wait3A_405, %dma_wait3A_406] : memref<4x200x128xf32, #tpu.memory_space<vmem>> -> memref<1x128x128xf32, #tpu.memory_space<vmem>>
    %dma_wait3A_408 = tpu.memref_squeeze %dma_wait3A_407 : memref<1x128x128xf32, #tpu.memory_space<vmem>> -> memref<128x128xf32, #tpu.memory_space<vmem>>
    %dma_wait3A_409 = arith.constant 0 : i32
    %dma_wait3A_410 = tpu.memref_slice %arg7[%dma_wait3A_402, %dma_wait3A_409] : memref<4x200xi32, #tpu.memory_space<vmem>> -> memref<1x128xi32, #tpu.memory_space<vmem>>
    %dma_wait3A_411 = tpu.memref_squeeze %dma_wait3A_410 : memref<1x128xi32, #tpu.memory_space<vmem>> -> memref<128xi32, #tpu.memory_space<vmem>>
    %dma_wait3A_412 = arith.constant 0 : i32
    %dma_wait3A_413 = arith.constant 0 : i32
    %dma_wait3A_414 = tpu.memref_slice %arg2[%dma_wait3A_412, %dma_wait3A_413] : memref<100000x128xf32, #tpu.memory_space<hbm>> -> memref<100000x128xf32, #tpu.memory_space<hbm>>
    %dma_wait3A_415 = tpu.memref_slice %arg10[%dma_wait3A_404] : memref<4x!tpu.dma_semaphore, #tpu.memory_space<semaphore_mem>> -> memref<1x!tpu.dma_semaphore, #tpu.memory_space<semaphore_mem>>
    %dma_wait3A_416 = tpu.memref_squeeze %dma_wait3A_415 : memref<1x!tpu.dma_semaphore, #tpu.memory_space<semaphore_mem>> -> memref<!tpu.dma_semaphore, #tpu.memory_space<semaphore_mem>>
    tpu.wait_indirect_dma semaphore(%dma_wait3A_416 : memref<!tpu.dma_semaphore, #tpu.memory_space<semaphore_mem>>) src(%dma_wait3A_414 : memref<100000x128xf32, #tpu.memory_space<hbm>>) dst(%dma_wait3A_408 : memref<128x128xf32, #tpu.memory_space<vmem>>)
    %dma_wait3A_417 = arith.constant 2 : i32
    %dma_wait3A_418 = arith.constant 2 : i32
    %dma_wait3A_419 = arith.constant 2 : i32
    %dma_wait3A_420 = arith.constant 128 : i32
    %dma_wait3A_421 = arith.constant 0 : i32
    %dma_wait3A_422 = tpu.memref_slice %arg8[%dma_wait3A_418, %dma_wait3A_420, %dma_wait3A_421] : memref<4x200x128xf32, #tpu.memory_space<vmem>> -> memref<1x72x128xf32, #tpu.memory_space<vmem>>
    %dma_wait3A_423 = tpu.memref_squeeze %dma_wait3A_422 : memref<1x72x128xf32, #tpu.memory_space<vmem>> -> memref<72x128xf32, #tpu.memory_space<vmem>>
    %dma_wait3A_424 = arith.constant 128 : i32
    %dma_wait3A_425 = tpu.memref_slice %arg7[%dma_wait3A_417, %dma_wait3A_424] : memref<4x200xi32, #tpu.memory_space<vmem>> -> memref<1x72xi32, #tpu.memory_space<vmem>>
    %dma_wait3A_426 = tpu.memref_squeeze %dma_wait3A_425 : memref<1x72xi32, #tpu.memory_space<vmem>> -> memref<72xi32, #tpu.memory_space<vmem>>
    %dma_wait3A_427 = arith.constant 0 : i32
    %dma_wait3A_428 = arith.constant 0 : i32
    %dma_wait3A_429 = tpu.memref_slice %arg2[%dma_wait3A_427, %dma_wait3A_428] : memref<100000x128xf32, #tpu.memory_space<hbm>> -> memref<100000x128xf32, #tpu.memory_space<hbm>>
    %dma_wait3A_430 = tpu.memref_slice %arg10[%dma_wait3A_419] : memref<4x!tpu.dma_semaphore, #tpu.memory_space<semaphore_mem>> -> memref<1x!tpu.dma_semaphore, #tpu.memory_space<semaphore_mem>>
    %dma_wait3A_431 = tpu.memref_squeeze %dma_wait3A_430 : memref<1x!tpu.dma_semaphore, #tpu.memory_space<semaphore_mem>> -> memref<!tpu.dma_semaphore, #tpu.memory_space<semaphore_mem>>
    tpu.wait_indirect_dma semaphore(%dma_wait3A_431 : memref<!tpu.dma_semaphore, #tpu.memory_space<semaphore_mem>>) src(%dma_wait3A_429 : memref<100000x128xf32, #tpu.memory_space<hbm>>) dst(%dma_wait3A_423 : memref<72x128xf32, #tpu.memory_space<vmem>>)
    %parallel_loop3A_432 = arith.constant 0 : i32
    %parallel_loop3A_433 = arith.constant 200 : i32
    %parallel_loop3A_434 = arith.constant 1 : i32
    scf.for %parallel_loop3A_1116 = %parallel_loop3A_432 to %parallel_loop3A_433 step %parallel_loop3A_434  : i32 {
      %parallel_loop3A_1117 = arith.index_cast %parallel_loop3A_1116 : i32 to index
      %parallel_loop3A_1118 = arith.constant 0 : index
      %parallel_loop3A_1119 = tpu.vector_load %arg6[%parallel_loop3A_1117, %parallel_loop3A_1118] {strides = array<i32>} : memref<200x128xf32, #tpu.memory_space<vmem>>, vector<1x16xf32>,
      %parallel_loop3A_1120 = vector.shape_cast %parallel_loop3A_1119 : vector<1x16xf32> to vector<16xf32>
      %parallel_loop3A_1121 = arith.constant 2 : i32
      %parallel_loop3A_1122 = arith.index_cast %parallel_loop3A_1121 : i32 to index
      %parallel_loop3A_1123 = arith.index_cast %parallel_loop3A_1116 : i32 to index
      %parallel_loop3A_1124 = arith.constant 0 : index
      %parallel_loop3A_1125 = tpu.vector_load %arg8[%parallel_loop3A_1122, %parallel_loop3A_1123, %parallel_loop3A_1124] {strides = array<i32>} : memref<4x200x128xf32, #tpu.memory_space<vmem>>, vector<1x1x16xf32>,
      %parallel_loop3A_1126 = vector.shape_cast %parallel_loop3A_1125 : vector<1x1x16xf32> to vector<16xf32>
      %parallel_loop3A_1127 = vector.shape_cast %parallel_loop3A_1120 : vector<16xf32> to vector<1x1x16xf32>
      tpu.vector_store %arg8[%parallel_loop3A_1122, %parallel_loop3A_1123, %parallel_loop3A_1124], %parallel_loop3A_1127 {add = true, strides = array<i32>} : memref<4x200x128xf32, #tpu.memory_space<vmem>>, vector<1x1x16xf32>,
      %parallel_loop3A_1128 = arith.index_cast %parallel_loop3A_1116 : i32 to index
      %parallel_loop3A_1129 = arith.constant 16 : index
      %parallel_loop3A_1130 = tpu.vector_load %arg6[%parallel_loop3A_1128, %parallel_loop3A_1129] {strides = array<i32>} : memref<200x128xf32, #tpu.memory_space<vmem>>, vector<1x16xf32>,
      %parallel_loop3A_1131 = vector.shape_cast %parallel_loop3A_1130 : vector<1x16xf32> to vector<16xf32>
      %parallel_loop3A_1132 = arith.constant 2 : i32
      %parallel_loop3A_1133 = arith.index_cast %parallel_loop3A_1132 : i32 to index
      %parallel_loop3A_1134 = arith.index_cast %parallel_loop3A_1116 : i32 to index
      %parallel_loop3A_1135 = arith.constant 16 : index
      %parallel_loop3A_1136 = tpu.vector_load %arg8[%parallel_loop3A_1133, %parallel_loop3A_1134, %parallel_loop3A_1135] {strides = array<i32>} : memref<4x200x128xf32, #tpu.memory_space<vmem>>, vector<1x1x16xf32>,
      %parallel_loop3A_1137 = vector.shape_cast %parallel_loop3A_1136 : vector<1x1x16xf32> to vector<16xf32>
      %parallel_loop3A_1138 = vector.shape_cast %parallel_loop3A_1131 : vector<16xf32> to vector<1x1x16xf32>
      tpu.vector_store %arg8[%parallel_loop3A_1133, %parallel_loop3A_1134, %parallel_loop3A_1135], %parallel_loop3A_1138 {add = true, strides = array<i32>} : memref<4x200x128xf32, #tpu.memory_space<vmem>>, vector<1x1x16xf32>,
      %parallel_loop3A_1139 = arith.index_cast %parallel_loop3A_1116 : i32 to index
      %parallel_loop3A_1140 = arith.constant 32 : index
      %parallel_loop3A_1141 = tpu.vector_load %arg6[%parallel_loop3A_1139, %parallel_loop3A_1140] {strides = array<i32>} : memref<200x128xf32, #tpu.memory_space<vmem>>, vector<1x16xf32>,
      %parallel_loop3A_1142 = vector.shape_cast %parallel_loop3A_1141 : vector<1x16xf32> to vector<16xf32>
      %parallel_loop3A_1143 = arith.constant 2 : i32
      %parallel_loop3A_1144 = arith.index_cast %parallel_loop3A_1143 : i32 to index
      %parallel_loop3A_1145 = arith.index_cast %parallel_loop3A_1116 : i32 to index
      %parallel_loop3A_1146 = arith.constant 32 : index
      %parallel_loop3A_1147 = tpu.vector_load %arg8[%parallel_loop3A_1144, %parallel_loop3A_1145, %parallel_loop3A_1146] {strides = array<i32>} : memref<4x200x128xf32, #tpu.memory_space<vmem>>, vector<1x1x16xf32>,
      %parallel_loop3A_1148 = vector.shape_cast %parallel_loop3A_1147 : vector<1x1x16xf32> to vector<16xf32>
      %parallel_loop3A_1149 = vector.shape_cast %parallel_loop3A_1142 : vector<16xf32> to vector<1x1x16xf32>
      tpu.vector_store %arg8[%parallel_loop3A_1144, %parallel_loop3A_1145, %parallel_loop3A_1146], %parallel_loop3A_1149 {add = true, strides = array<i32>} : memref<4x200x128xf32, #tpu.memory_space<vmem>>, vector<1x1x16xf32>,
      %parallel_loop3A_1150 = arith.index_cast %parallel_loop3A_1116 : i32 to index
      %parallel_loop3A_1151 = arith.constant 48 : index
      %parallel_loop3A_1152 = tpu.vector_load %arg6[%parallel_loop3A_1150, %parallel_loop3A_1151] {strides = array<i32>} : memref<200x128xf32, #tpu.memory_space<vmem>>, vector<1x16xf32>,
      %parallel_loop3A_1153 = vector.shape_cast %parallel_loop3A_1152 : vector<1x16xf32> to vector<16xf32>
      %parallel_loop3A_1154 = arith.constant 2 : i32
      %parallel_loop3A_1155 = arith.index_cast %parallel_loop3A_1154 : i32 to index
      %parallel_loop3A_1156 = arith.index_cast %parallel_loop3A_1116 : i32 to index
      %parallel_loop3A_1157 = arith.constant 48 : index
      %parallel_loop3A_1158 = tpu.vector_load %arg8[%parallel_loop3A_1155, %parallel_loop3A_1156, %parallel_loop3A_1157] {strides = array<i32>} : memref<4x200x128xf32, #tpu.memory_space<vmem>>, vector<1x1x16xf32>,
      %parallel_loop3A_1159 = vector.shape_cast %parallel_loop3A_1158 : vector<1x1x16xf32> to vector<16xf32>
      %parallel_loop3A_1160 = vector.shape_cast %parallel_loop3A_1153 : vector<16xf32> to vector<1x1x16xf32>
      tpu.vector_store %arg8[%parallel_loop3A_1155, %parallel_loop3A_1156, %parallel_loop3A_1157], %parallel_loop3A_1160 {add = true, strides = array<i32>} : memref<4x200x128xf32, #tpu.memory_space<vmem>>, vector<1x1x16xf32>,
      %parallel_loop3A_1161 = arith.index_cast %parallel_loop3A_1116 : i32 to index
      %parallel_loop3A_1162 = arith.constant 64 : index
      %parallel_loop3A_1163 = tpu.vector_load %arg6[%parallel_loop3A_1161, %parallel_loop3A_1162] {strides = array<i32>} : memref<200x128xf32, #tpu.memory_space<vmem>>, vector<1x16xf32>,
      %parallel_loop3A_1164 = vector.shape_cast %parallel_loop3A_1163 : vector<1x16xf32> to vector<16xf32>
      %parallel_loop3A_1165 = arith.constant 2 : i32
      %parallel_loop3A_1166 = arith.index_cast %parallel_loop3A_1165 : i32 to index
      %parallel_loop3A_1167 = arith.index_cast %parallel_loop3A_1116 : i32 to index
      %parallel_loop3A_1168 = arith.constant 64 : index
      %parallel_loop3A_1169 = tpu.vector_load %arg8[%parallel_loop3A_1166, %parallel_loop3A_1167, %parallel_loop3A_1168] {strides = array<i32>} : memref<4x200x128xf32, #tpu.memory_space<vmem>>, vector<1x1x16xf32>,
      %parallel_loop3A_1170 = vector.shape_cast %parallel_loop3A_1169 : vector<1x1x16xf32> to vector<16xf32>
      %parallel_loop3A_1171 = vector.shape_cast %parallel_loop3A_1164 : vector<16xf32> to vector<1x1x16xf32>
      tpu.vector_store %arg8[%parallel_loop3A_1166, %parallel_loop3A_1167, %parallel_loop3A_1168], %parallel_loop3A_1171 {add = true, strides = array<i32>} : memref<4x200x128xf32, #tpu.memory_space<vmem>>, vector<1x1x16xf32>,
      %parallel_loop3A_1172 = arith.index_cast %parallel_loop3A_1116 : i32 to index
      %parallel_loop3A_1173 = arith.constant 80 : index
      %parallel_loop3A_1174 = tpu.vector_load %arg6[%parallel_loop3A_1172, %parallel_loop3A_1173] {strides = array<i32>} : memref<200x128xf32, #tpu.memory_space<vmem>>, vector<1x16xf32>,
      %parallel_loop3A_1175 = vector.shape_cast %parallel_loop3A_1174 : vector<1x16xf32> to vector<16xf32>
      %parallel_loop3A_1176 = arith.constant 2 : i32
      %parallel_loop3A_1177 = arith.index_cast %parallel_loop3A_1176 : i32 to index
      %parallel_loop3A_1178 = arith.index_cast %parallel_loop3A_1116 : i32 to index
      %parallel_loop3A_1179 = arith.constant 80 : index
      %parallel_loop3A_1180 = tpu.vector_load %arg8[%parallel_loop3A_1177, %parallel_loop3A_1178, %parallel_loop3A_1179] {strides = array<i32>} : memref<4x200x128xf32, #tpu.memory_space<vmem>>, vector<1x1x16xf32>,
      %parallel_loop3A_1181 = vector.shape_cast %parallel_loop3A_1180 : vector<1x1x16xf32> to vector<16xf32>
      %parallel_loop3A_1182 = vector.shape_cast %parallel_loop3A_1175 : vector<16xf32> to vector<1x1x16xf32>
      tpu.vector_store %arg8[%parallel_loop3A_1177, %parallel_loop3A_1178, %parallel_loop3A_1179], %parallel_loop3A_1182 {add = true, strides = array<i32>} : memref<4x200x128xf32, #tpu.memory_space<vmem>>, vector<1x1x16xf32>,
      %parallel_loop3A_1183 = arith.index_cast %parallel_loop3A_1116 : i32 to index
      %parallel_loop3A_1184 = arith.constant 96 : index
      %parallel_loop3A_1185 = tpu.vector_load %arg6[%parallel_loop3A_1183, %parallel_loop3A_1184] {strides = array<i32>} : memref<200x128xf32, #tpu.memory_space<vmem>>, vector<1x16xf32>,
      %parallel_loop3A_1186 = vector.shape_cast %parallel_loop3A_1185 : vector<1x16xf32> to vector<16xf32>
      %parallel_loop3A_1187 = arith.constant 2 : i32
      %parallel_loop3A_1188 = arith.index_cast %parallel_loop3A_1187 : i32 to index
      %parallel_loop3A_1189 = arith.index_cast %parallel_loop3A_1116 : i32 to index
      %parallel_loop3A_1190 = arith.constant 96 : index
      %parallel_loop3A_1191 = tpu.vector_load %arg8[%parallel_loop3A_1188, %parallel_loop3A_1189, %parallel_loop3A_1190] {strides = array<i32>} : memref<4x200x128xf32, #tpu.memory_space<vmem>>, vector<1x1x16xf32>,
      %parallel_loop3A_1192 = vector.shape_cast %parallel_loop3A_1191 : vector<1x1x16xf32> to vector<16xf32>
      %parallel_loop3A_1193 = vector.shape_cast %parallel_loop3A_1186 : vector<16xf32> to vector<1x1x16xf32>
      tpu.vector_store %arg8[%parallel_loop3A_1188, %parallel_loop3A_1189, %parallel_loop3A_1190], %parallel_loop3A_1193 {add = true, strides = array<i32>} : memref<4x200x128xf32, #tpu.memory_space<vmem>>, vector<1x1x16xf32>,
      %parallel_loop3A_1194 = arith.index_cast %parallel_loop3A_1116 : i32 to index
      %parallel_loop3A_1195 = arith.constant 112 : index
      %parallel_loop3A_1196 = tpu.vector_load %arg6[%parallel_loop3A_1194, %parallel_loop3A_1195] {strides = array<i32>} : memref<200x128xf32, #tpu.memory_space<vmem>>, vector<1x16xf32>,
      %parallel_loop3A_1197 = vector.shape_cast %parallel_loop3A_1196 : vector<1x16xf32> to vector<16xf32>
      %parallel_loop3A_1198 = arith.constant 2 : i32
      %parallel_loop3A_1199 = arith.index_cast %parallel_loop3A_1198 : i32 to index
      %parallel_loop3A_1200 = arith.index_cast %parallel_loop3A_1116 : i32 to index
      %parallel_loop3A_1201 = arith.constant 112 : index
      %parallel_loop3A_1202 = tpu.vector_load %arg8[%parallel_loop3A_1199, %parallel_loop3A_1200, %parallel_loop3A_1201] {strides = array<i32>} : memref<4x200x128xf32, #tpu.memory_space<vmem>>, vector<1x1x16xf32>,
      %parallel_loop3A_1203 = vector.shape_cast %parallel_loop3A_1202 : vector<1x1x16xf32> to vector<16xf32>
      %parallel_loop3A_1204 = vector.shape_cast %parallel_loop3A_1197 : vector<16xf32> to vector<1x1x16xf32>
      tpu.vector_store %arg8[%parallel_loop3A_1199, %parallel_loop3A_1200, %parallel_loop3A_1201], %parallel_loop3A_1204 {add = true, strides = array<i32>} : memref<4x200x128xf32, #tpu.memory_space<vmem>>, vector<1x1x16xf32>,
    } {sc.loop_unroll_factor = 4 : i64, sc.parallel_access}
    %add3A_435 = arith.constant 2 : i32
    %add3A_436 = arith.addi %mul3A_2, %add3A_435 : i32
    %dma_start3A_437 = arith.constant 2 : i32
    %dma_start3A_438 = arith.constant 2 : i32
    %dma_start3A_439 = arith.constant 0 : i32
    %dma_start3A_440 = arith.constant 0 : i32
    %dma_start3A_441 = tpu.memref_slice %arg8[%dma_start3A_437, %dma_start3A_439, %dma_start3A_440] : memref<4x200x128xf32, #tpu.memory_space<vmem>> -> memref<1x200x128xf32, #tpu.memory_space<vmem>>
    %dma_start3A_442 = tpu.memref_squeeze %dma_start3A_441 : memref<1x200x128xf32, #tpu.memory_space<vmem>> -> memref<200x128xf32, #tpu.memory_space<vmem>>
    %dma_start3A_443 = arith.constant 0 : i32
    %dma_start3A_444 = arith.constant 0 : i32
    %dma_start3A_445 = tpu.memref_slice %arg5[%add3A_436, %dma_start3A_443, %dma_start3A_444] : memref<4096x200x128xf32, #tpu.memory_space<hbm>> -> memref<1x200x128xf32, #tpu.memory_space<hbm>>
    %dma_start3A_446 = tpu.memref_squeeze %dma_start3A_445 : memref<1x200x128xf32, #tpu.memory_space<hbm>> -> memref<200x128xf32, #tpu.memory_space<hbm>>
    %dma_start3A_447 = tpu.memref_slice %arg11[%dma_start3A_438] : memref<4x!tpu.dma_semaphore, #tpu.memory_space<semaphore_mem>> -> memref<1x!tpu.dma_semaphore, #tpu.memory_space<semaphore_mem>>
    %dma_start3A_448 = tpu.memref_squeeze %dma_start3A_447 : memref<1x!tpu.dma_semaphore, #tpu.memory_space<semaphore_mem>> -> memref<!tpu.dma_semaphore, #tpu.memory_space<semaphore_mem>>
    %dma_start3A_449 = arith.constant 0 : i32
    %dma_start3A_450 = arith.constant 0 : i32
    %dma_start3A_451 = tpu.memref_slice %arg5[%add3A_436, %dma_start3A_449, %dma_start3A_450] : memref<4096x200x128xf32, #tpu.memory_space<hbm>> -> memref<1x200x128xf32, #tpu.memory_space<hbm>>
    %dma_start3A_452 = tpu.memref_squeeze %dma_start3A_451 : memref<1x200x128xf32, #tpu.memory_space<hbm>> -> memref<200x128xf32, #tpu.memory_space<hbm>>
    %dma_start3A_453 = arith.constant 0 : i32
    %dma_start3A_454 = arith.constant 0 : i32
    %dma_start3A_455 = tpu.memref_slice %arg8[%dma_start3A_437, %dma_start3A_453, %dma_start3A_454] : memref<4x200x128xf32, #tpu.memory_space<vmem>> -> memref<1x200x128xf32, #tpu.memory_space<vmem>>
    %dma_start3A_456 = tpu.memref_squeeze %dma_start3A_455 : memref<1x200x128xf32, #tpu.memory_space<vmem>> -> memref<200x128xf32, #tpu.memory_space<vmem>>
    tpu.enqueue_dma source(%dma_start3A_456 : memref<200x128xf32, #tpu.memory_space<vmem>>) target(%dma_start3A_452 : memref<200x128xf32, #tpu.memory_space<hbm>>) target_semaphore(%dma_start3A_448 : memref<!tpu.dma_semaphore, #tpu.memory_space<semaphore_mem>>)
    %dma_wait3A_457 = arith.constant 0 : i32
    %dma_wait3A_458 = arith.constant 0 : i32
    %dma_wait3A_459 = arith.constant 0 : i32
    %dma_wait3A_460 = arith.constant 0 : i32
    %dma_wait3A_461 = tpu.memref_slice %arg8[%dma_wait3A_457, %dma_wait3A_459, %dma_wait3A_460] : memref<4x200x128xf32, #tpu.memory_space<vmem>> -> memref<1x200x128xf32, #tpu.memory_space<vmem>>
    %dma_wait3A_462 = tpu.memref_squeeze %dma_wait3A_461 : memref<1x200x128xf32, #tpu.memory_space<vmem>> -> memref<200x128xf32, #tpu.memory_space<vmem>>
    %dma_wait3A_463 = arith.constant 0 : i32
    %dma_wait3A_464 = arith.constant 0 : i32
    %dma_wait3A_465 = tpu.memref_slice %arg5[%mul3A_2, %dma_wait3A_463, %dma_wait3A_464] : memref<4096x200x128xf32, #tpu.memory_space<hbm>> -> memref<1x200x128xf32, #tpu.memory_space<hbm>>
    %dma_wait3A_466 = tpu.memref_squeeze %dma_wait3A_465 : memref<1x200x128xf32, #tpu.memory_space<hbm>> -> memref<200x128xf32, #tpu.memory_space<hbm>>
    %dma_wait3A_467 = tpu.memref_slice %arg11[%dma_wait3A_458] : memref<4x!tpu.dma_semaphore, #tpu.memory_space<semaphore_mem>> -> memref<1x!tpu.dma_semaphore, #tpu.memory_space<semaphore_mem>>
    %dma_wait3A_468 = tpu.memref_squeeze %dma_wait3A_467 : memref<1x!tpu.dma_semaphore, #tpu.memory_space<semaphore_mem>> -> memref<!tpu.dma_semaphore, #tpu.memory_space<semaphore_mem>>
    %dma_wait3A_469 = arith.constant 0 : i32
    %dma_wait3A_470 = arith.constant 0 : i32
    %dma_wait3A_471 = tpu.memref_slice %arg5[%mul3A_2, %dma_wait3A_469, %dma_wait3A_470] : memref<4096x200x128xf32, #tpu.memory_space<hbm>> -> memref<1x200x128xf32, #tpu.memory_space<hbm>>
    %dma_wait3A_472 = tpu.memref_squeeze %dma_wait3A_471 : memref<1x200x128xf32, #tpu.memory_space<hbm>> -> memref<200x128xf32, #tpu.memory_space<hbm>>
    %dma_wait3A_473 = arith.constant 0 : i32
    %dma_wait3A_474 = arith.constant 0 : i32
    %dma_wait3A_475 = tpu.memref_slice %arg8[%dma_wait3A_457, %dma_wait3A_473, %dma_wait3A_474] : memref<4x200x128xf32, #tpu.memory_space<vmem>> -> memref<1x200x128xf32, #tpu.memory_space<vmem>>
    %dma_wait3A_476 = tpu.memref_squeeze %dma_wait3A_475 : memref<1x200x128xf32, #tpu.memory_space<vmem>> -> memref<200x128xf32, #tpu.memory_space<vmem>>
    tpu.wait_dma2 semaphore(%dma_wait3A_468 : memref<!tpu.dma_semaphore, #tpu.memory_space<semaphore_mem>>) src(%dma_wait3A_476 : memref<200x128xf32, #tpu.memory_space<vmem>>) dst(%dma_wait3A_472 : memref<200x128xf32, #tpu.memory_space<hbm>>)
    %dma_wait3A_477 = arith.constant 0 : i32
    %dma_wait3A_478 = arith.constant 0 : i32
    %dma_wait3A_479 = arith.constant 0 : i32
    %dma_wait3A_480 = tpu.memref_slice %arg7[%dma_wait3A_477, %dma_wait3A_479] : memref<4x200xi32, #tpu.memory_space<vmem>> -> memref<1x200xi32, #tpu.memory_space<vmem>>
    %dma_wait3A_481 = tpu.memref_squeeze %dma_wait3A_480 : memref<1x200xi32, #tpu.memory_space<vmem>> -> memref<200xi32, #tpu.memory_space<vmem>>
    %dma_wait3A_482 = arith.constant 0 : i32
    %dma_wait3A_483 = tpu.memref_slice %arg3[%mul3A_2, %dma_wait3A_482] : memref<4096x200xi32, #tpu.memory_space<hbm>> -> memref<1x200xi32, #tpu.memory_space<hbm>>
    %dma_wait3A_484 = tpu.memref_squeeze %dma_wait3A_483 : memref<1x200xi32, #tpu.memory_space<hbm>> -> memref<200xi32, #tpu.memory_space<hbm>>
    %dma_wait3A_485 = tpu.memref_slice %arg9[%dma_wait3A_478] : memref<4x!tpu.dma_semaphore, #tpu.memory_space<semaphore_mem>> -> memref<1x!tpu.dma_semaphore, #tpu.memory_space<semaphore_mem>>
    %dma_wait3A_486 = tpu.memref_squeeze %dma_wait3A_485 : memref<1x!tpu.dma_semaphore, #tpu.memory_space<semaphore_mem>> -> memref<!tpu.dma_semaphore, #tpu.memory_space<semaphore_mem>>
    %dma_wait3A_487 = arith.constant 0 : i32
    %dma_wait3A_488 = tpu.memref_slice %arg7[%dma_wait3A_477, %dma_wait3A_487] : memref<4x200xi32, #tpu.memory_space<vmem>> -> memref<1x200xi32, #tpu.memory_space<vmem>>
    %dma_wait3A_489 = tpu.memref_squeeze %dma_wait3A_488 : memref<1x200xi32, #tpu.memory_space<vmem>> -> memref<200xi32, #tpu.memory_space<vmem>>
    %dma_wait3A_490 = arith.constant 0 : i32
    %dma_wait3A_491 = tpu.memref_slice %arg3[%mul3A_2, %dma_wait3A_490] : memref<4096x200xi32, #tpu.memory_space<hbm>> -> memref<1x200xi32, #tpu.memory_space<hbm>>
    %dma_wait3A_492 = tpu.memref_squeeze %dma_wait3A_491 : memref<1x200xi32, #tpu.memory_space<hbm>> -> memref<200xi32, #tpu.memory_space<hbm>>
    tpu.wait_dma2 semaphore(%dma_wait3A_486 : memref<!tpu.dma_semaphore, #tpu.memory_space<semaphore_mem>>) src(%dma_wait3A_492 : memref<200xi32, #tpu.memory_space<hbm>>) dst(%dma_wait3A_489 : memref<200xi32, #tpu.memory_space<vmem>>)
    %dma_start3A_493 = arith.constant 0 : i32
    %dma_start3A_494 = arith.constant 0 : i32
    %dma_start3A_495 = arith.constant 0 : i32
    %dma_start3A_496 = arith.constant 0 : i32
    %dma_start3A_497 = arith.constant 0 : i32
    %dma_start3A_498 = tpu.memref_slice %arg8[%dma_start3A_494, %dma_start3A_496, %dma_start3A_497] : memref<4x200x128xf32, #tpu.memory_space<vmem>> -> memref<1x128x128xf32, #tpu.memory_space<vmem>>
    %dma_start3A_499 = tpu.memref_squeeze %dma_start3A_498 : memref<1x128x128xf32, #tpu.memory_space<vmem>> -> memref<128x128xf32, #tpu.memory_space<vmem>>
    %dma_start3A_500 = arith.constant 0 : i32
    %dma_start3A_501 = tpu.memref_slice %arg7[%dma_start3A_493, %dma_start3A_500] : memref<4x200xi32, #tpu.memory_space<vmem>> -> memref<1x128xi32, #tpu.memory_space<vmem>>
    %dma_start3A_502 = tpu.memref_squeeze %dma_start3A_501 : memref<1x128xi32, #tpu.memory_space<vmem>> -> memref<128xi32, #tpu.memory_space<vmem>>
    %dma_start3A_503 = arith.constant 0 : i32
    %dma_start3A_504 = arith.constant 0 : i32
    %dma_start3A_505 = tpu.memref_slice %arg2[%dma_start3A_503, %dma_start3A_504] : memref<100000x128xf32, #tpu.memory_space<hbm>> -> memref<100000x128xf32, #tpu.memory_space<hbm>>
    %dma_start3A_506 = tpu.memref_slice %arg10[%dma_start3A_495] : memref<4x!tpu.dma_semaphore, #tpu.memory_space<semaphore_mem>> -> memref<1x!tpu.dma_semaphore, #tpu.memory_space<semaphore_mem>>
    %dma_start3A_507 = tpu.memref_squeeze %dma_start3A_506 : memref<1x!tpu.dma_semaphore, #tpu.memory_space<semaphore_mem>> -> memref<!tpu.dma_semaphore, #tpu.memory_space<semaphore_mem>>
    tpu.enqueue_indirect_dma source(%dma_start3A_505 : memref<100000x128xf32, #tpu.memory_space<hbm>>) target(%dma_start3A_499 : memref<128x128xf32, #tpu.memory_space<vmem>>) offsets(%dma_start3A_502 : memref<128xi32, #tpu.memory_space<vmem>>) semaphore(%dma_start3A_507 : memref<!tpu.dma_semaphore, #tpu.memory_space<semaphore_mem>>)
    %dma_start3A_508 = arith.constant 0 : i32
    %dma_start3A_509 = arith.constant 0 : i32
    %dma_start3A_510 = arith.constant 0 : i32
    %dma_start3A_511 = arith.constant 128 : i32
    %dma_start3A_512 = arith.constant 0 : i32
    %dma_start3A_513 = tpu.memref_slice %arg8[%dma_start3A_509, %dma_start3A_511, %dma_start3A_512] : memref<4x200x128xf32, #tpu.memory_space<vmem>> -> memref<1x72x128xf32, #tpu.memory_space<vmem>>
    %dma_start3A_514 = tpu.memref_squeeze %dma_start3A_513 : memref<1x72x128xf32, #tpu.memory_space<vmem>> -> memref<72x128xf32, #tpu.memory_space<vmem>>
    %dma_start3A_515 = arith.constant 128 : i32
    %dma_start3A_516 = tpu.memref_slice %arg7[%dma_start3A_508, %dma_start3A_515] : memref<4x200xi32, #tpu.memory_space<vmem>> -> memref<1x72xi32, #tpu.memory_space<vmem>>
    %dma_start3A_517 = tpu.memref_squeeze %dma_start3A_516 : memref<1x72xi32, #tpu.memory_space<vmem>> -> memref<72xi32, #tpu.memory_space<vmem>>
    %dma_start3A_518 = arith.constant 0 : i32
    %dma_start3A_519 = arith.constant 0 : i32
    %dma_start3A_520 = tpu.memref_slice %arg2[%dma_start3A_518, %dma_start3A_519] : memref<100000x128xf32, #tpu.memory_space<hbm>> -> memref<100000x128xf32, #tpu.memory_space<hbm>>
    %dma_start3A_521 = tpu.memref_slice %arg10[%dma_start3A_510] : memref<4x!tpu.dma_semaphore, #tpu.memory_space<semaphore_mem>> -> memref<1x!tpu.dma_semaphore, #tpu.memory_space<semaphore_mem>>
    %dma_start3A_522 = tpu.memref_squeeze %dma_start3A_521 : memref<1x!tpu.dma_semaphore, #tpu.memory_space<semaphore_mem>> -> memref<!tpu.dma_semaphore, #tpu.memory_space<semaphore_mem>>
    tpu.enqueue_indirect_dma source(%dma_start3A_520 : memref<100000x128xf32, #tpu.memory_space<hbm>>) target(%dma_start3A_514 : memref<72x128xf32, #tpu.memory_space<vmem>>) offsets(%dma_start3A_517 : memref<72xi32, #tpu.memory_space<vmem>>) semaphore(%dma_start3A_522 : memref<!tpu.dma_semaphore, #tpu.memory_space<semaphore_mem>>)
    %add3A_523 = arith.constant 6 : i32
    %add3A_524 = arith.addi %mul3A_2, %add3A_523 : i32
    %dma_start3A_525 = arith.constant 2 : i32
    %dma_start3A_526 = arith.constant 2 : i32
    %dma_start3A_527 = arith.constant 0 : i32
    %dma_start3A_528 = tpu.memref_slice %arg7[%dma_start3A_525, %dma_start3A_527] : memref<4x200xi32, #tpu.memory_space<vmem>> -> memref<1x200xi32, #tpu.memory_space<vmem>>
    %dma_start3A_529 = tpu.memref_squeeze %dma_start3A_528 : memref<1x200xi32, #tpu.memory_space<vmem>> -> memref<200xi32, #tpu.memory_space<vmem>>
    %dma_start3A_530 = arith.constant 0 : i32
    %dma_start3A_531 = tpu.memref_slice %arg3[%add3A_524, %dma_start3A_530] : memref<4096x200xi32, #tpu.memory_space<hbm>> -> memref<1x200xi32, #tpu.memory_space<hbm>>
    %dma_start3A_532 = tpu.memref_squeeze %dma_start3A_531 : memref<1x200xi32, #tpu.memory_space<hbm>> -> memref<200xi32, #tpu.memory_space<hbm>>
    %dma_start3A_533 = tpu.memref_slice %arg9[%dma_start3A_526] : memref<4x!tpu.dma_semaphore, #tpu.memory_space<semaphore_mem>> -> memref<1x!tpu.dma_semaphore, #tpu.memory_space<semaphore_mem>>
    %dma_start3A_534 = tpu.memref_squeeze %dma_start3A_533 : memref<1x!tpu.dma_semaphore, #tpu.memory_space<semaphore_mem>> -> memref<!tpu.dma_semaphore, #tpu.memory_space<semaphore_mem>>
    %dma_start3A_535 = arith.constant 0 : i32
    %dma_start3A_536 = tpu.memref_slice %arg7[%dma_start3A_525, %dma_start3A_535] : memref<4x200xi32, #tpu.memory_space<vmem>> -> memref<1x200xi32, #tpu.memory_space<vmem>>
    %dma_start3A_537 = tpu.memref_squeeze %dma_start3A_536 : memref<1x200xi32, #tpu.memory_space<vmem>> -> memref<200xi32, #tpu.memory_space<vmem>>
    %dma_start3A_538 = arith.constant 0 : i32
    %dma_start3A_539 = tpu.memref_slice %arg3[%add3A_524, %dma_start3A_538] : memref<4096x200xi32, #tpu.memory_space<hbm>> -> memref<1x200xi32, #tpu.memory_space<hbm>>
    %dma_start3A_540 = tpu.memref_squeeze %dma_start3A_539 : memref<1x200xi32, #tpu.memory_space<hbm>> -> memref<200xi32, #tpu.memory_space<hbm>>
    tpu.enqueue_dma source(%dma_start3A_540 : memref<200xi32, #tpu.memory_space<hbm>>) target(%dma_start3A_537 : memref<200xi32, #tpu.memory_space<vmem>>) target_semaphore(%dma_start3A_534 : memref<!tpu.dma_semaphore, #tpu.memory_space<semaphore_mem>>)
    %dma_wait3A_541 = arith.constant 3 : i32
    %dma_wait3A_542 = arith.constant 3 : i32
    %dma_wait3A_543 = arith.constant 3 : i32
    %dma_wait3A_544 = arith.constant 0 : i32
    %dma_wait3A_545 = arith.constant 0 : i32
    %dma_wait3A_546 = tpu.memref_slice %arg8[%dma_wait3A_542, %dma_wait3A_544, %dma_wait3A_545] : memref<4x200x128xf32, #tpu.memory_space<vmem>> -> memref<1x128x128xf32, #tpu.memory_space<vmem>>
    %dma_wait3A_547 = tpu.memref_squeeze %dma_wait3A_546 : memref<1x128x128xf32, #tpu.memory_space<vmem>> -> memref<128x128xf32, #tpu.memory_space<vmem>>
    %dma_wait3A_548 = arith.constant 0 : i32
    %dma_wait3A_549 = tpu.memref_slice %arg7[%dma_wait3A_541, %dma_wait3A_548] : memref<4x200xi32, #tpu.memory_space<vmem>> -> memref<1x128xi32, #tpu.memory_space<vmem>>
    %dma_wait3A_550 = tpu.memref_squeeze %dma_wait3A_549 : memref<1x128xi32, #tpu.memory_space<vmem>> -> memref<128xi32, #tpu.memory_space<vmem>>
    %dma_wait3A_551 = arith.constant 0 : i32
    %dma_wait3A_552 = arith.constant 0 : i32
    %dma_wait3A_553 = tpu.memref_slice %arg2[%dma_wait3A_551, %dma_wait3A_552] : memref<100000x128xf32, #tpu.memory_space<hbm>> -> memref<100000x128xf32, #tpu.memory_space<hbm>>
    %dma_wait3A_554 = tpu.memref_slice %arg10[%dma_wait3A_543] : memref<4x!tpu.dma_semaphore, #tpu.memory_space<semaphore_mem>> -> memref<1x!tpu.dma_semaphore, #tpu.memory_space<semaphore_mem>>
    %dma_wait3A_555 = tpu.memref_squeeze %dma_wait3A_554 : memref<1x!tpu.dma_semaphore, #tpu.memory_space<semaphore_mem>> -> memref<!tpu.dma_semaphore, #tpu.memory_space<semaphore_mem>>
    tpu.wait_indirect_dma semaphore(%dma_wait3A_555 : memref<!tpu.dma_semaphore, #tpu.memory_space<semaphore_mem>>) src(%dma_wait3A_553 : memref<100000x128xf32, #tpu.memory_space<hbm>>) dst(%dma_wait3A_547 : memref<128x128xf32, #tpu.memory_space<vmem>>)
    %dma_wait3A_556 = arith.constant 3 : i32
    %dma_wait3A_557 = arith.constant 3 : i32
    %dma_wait3A_558 = arith.constant 3 : i32
    %dma_wait3A_559 = arith.constant 128 : i32
    %dma_wait3A_560 = arith.constant 0 : i32
    %dma_wait3A_561 = tpu.memref_slice %arg8[%dma_wait3A_557, %dma_wait3A_559, %dma_wait3A_560] : memref<4x200x128xf32, #tpu.memory_space<vmem>> -> memref<1x72x128xf32, #tpu.memory_space<vmem>>
    %dma_wait3A_562 = tpu.memref_squeeze %dma_wait3A_561 : memref<1x72x128xf32, #tpu.memory_space<vmem>> -> memref<72x128xf32, #tpu.memory_space<vmem>>
    %dma_wait3A_563 = arith.constant 128 : i32
    %dma_wait3A_564 = tpu.memref_slice %arg7[%dma_wait3A_556, %dma_wait3A_563] : memref<4x200xi32, #tpu.memory_space<vmem>> -> memref<1x72xi32, #tpu.memory_space<vmem>>
    %dma_wait3A_565 = tpu.memref_squeeze %dma_wait3A_564 : memref<1x72xi32, #tpu.memory_space<vmem>> -> memref<72xi32, #tpu.memory_space<vmem>>
    %dma_wait3A_566 = arith.constant 0 : i32
    %dma_wait3A_567 = arith.constant 0 : i32
    %dma_wait3A_568 = tpu.memref_slice %arg2[%dma_wait3A_566, %dma_wait3A_567] : memref<100000x128xf32, #tpu.memory_space<hbm>> -> memref<100000x128xf32, #tpu.memory_space<hbm>>
    %dma_wait3A_569 = tpu.memref_slice %arg10[%dma_wait3A_558] : memref<4x!tpu.dma_semaphore, #tpu.memory_space<semaphore_mem>> -> memref<1x!tpu.dma_semaphore, #tpu.memory_space<semaphore_mem>>
    %dma_wait3A_570 = tpu.memref_squeeze %dma_wait3A_569 : memref<1x!tpu.dma_semaphore, #tpu.memory_space<semaphore_mem>> -> memref<!tpu.dma_semaphore, #tpu.memory_space<semaphore_mem>>
    tpu.wait_indirect_dma semaphore(%dma_wait3A_570 : memref<!tpu.dma_semaphore, #tpu.memory_space<semaphore_mem>>) src(%dma_wait3A_568 : memref<100000x128xf32, #tpu.memory_space<hbm>>) dst(%dma_wait3A_562 : memref<72x128xf32, #tpu.memory_space<vmem>>)
    %parallel_loop3A_571 = arith.constant 0 : i32
    %parallel_loop3A_572 = arith.constant 200 : i32
    %parallel_loop3A_573 = arith.constant 1 : i32
    scf.for %parallel_loop3A_1116 = %parallel_loop3A_571 to %parallel_loop3A_572 step %parallel_loop3A_573  : i32 {
      %parallel_loop3A_1117 = arith.index_cast %parallel_loop3A_1116 : i32 to index
      %parallel_loop3A_1118 = arith.constant 0 : index
      %parallel_loop3A_1119 = tpu.vector_load %arg6[%parallel_loop3A_1117, %parallel_loop3A_1118] {strides = array<i32>} : memref<200x128xf32, #tpu.memory_space<vmem>>, vector<1x16xf32>,
      %parallel_loop3A_1120 = vector.shape_cast %parallel_loop3A_1119 : vector<1x16xf32> to vector<16xf32>
      %parallel_loop3A_1121 = arith.constant 3 : i32
      %parallel_loop3A_1122 = arith.index_cast %parallel_loop3A_1121 : i32 to index
      %parallel_loop3A_1123 = arith.index_cast %parallel_loop3A_1116 : i32 to index
      %parallel_loop3A_1124 = arith.constant 0 : index
      %parallel_loop3A_1125 = tpu.vector_load %arg8[%parallel_loop3A_1122, %parallel_loop3A_1123, %parallel_loop3A_1124] {strides = array<i32>} : memref<4x200x128xf32, #tpu.memory_space<vmem>>, vector<1x1x16xf32>,
      %parallel_loop3A_1126 = vector.shape_cast %parallel_loop3A_1125 : vector<1x1x16xf32> to vector<16xf32>
      %parallel_loop3A_1127 = vector.shape_cast %parallel_loop3A_1120 : vector<16xf32> to vector<1x1x16xf32>
      tpu.vector_store %arg8[%parallel_loop3A_1122, %parallel_loop3A_1123, %parallel_loop3A_1124], %parallel_loop3A_1127 {add = true, strides = array<i32>} : memref<4x200x128xf32, #tpu.memory_space<vmem>>, vector<1x1x16xf32>,
      %parallel_loop3A_1128 = arith.index_cast %parallel_loop3A_1116 : i32 to index
      %parallel_loop3A_1129 = arith.constant 16 : index
      %parallel_loop3A_1130 = tpu.vector_load %arg6[%parallel_loop3A_1128, %parallel_loop3A_1129] {strides = array<i32>} : memref<200x128xf32, #tpu.memory_space<vmem>>, vector<1x16xf32>,
      %parallel_loop3A_1131 = vector.shape_cast %parallel_loop3A_1130 : vector<1x16xf32> to vector<16xf32>
      %parallel_loop3A_1132 = arith.constant 3 : i32
      %parallel_loop3A_1133 = arith.index_cast %parallel_loop3A_1132 : i32 to index
      %parallel_loop3A_1134 = arith.index_cast %parallel_loop3A_1116 : i32 to index
      %parallel_loop3A_1135 = arith.constant 16 : index
      %parallel_loop3A_1136 = tpu.vector_load %arg8[%parallel_loop3A_1133, %parallel_loop3A_1134, %parallel_loop3A_1135] {strides = array<i32>} : memref<4x200x128xf32, #tpu.memory_space<vmem>>, vector<1x1x16xf32>,
      %parallel_loop3A_1137 = vector.shape_cast %parallel_loop3A_1136 : vector<1x1x16xf32> to vector<16xf32>
      %parallel_loop3A_1138 = vector.shape_cast %parallel_loop3A_1131 : vector<16xf32> to vector<1x1x16xf32>
      tpu.vector_store %arg8[%parallel_loop3A_1133, %parallel_loop3A_1134, %parallel_loop3A_1135], %parallel_loop3A_1138 {add = true, strides = array<i32>} : memref<4x200x128xf32, #tpu.memory_space<vmem>>, vector<1x1x16xf32>,
      %parallel_loop3A_1139 = arith.index_cast %parallel_loop3A_1116 : i32 to index
      %parallel_loop3A_1140 = arith.constant 32 : index
      %parallel_loop3A_1141 = tpu.vector_load %arg6[%parallel_loop3A_1139, %parallel_loop3A_1140] {strides = array<i32>} : memref<200x128xf32, #tpu.memory_space<vmem>>, vector<1x16xf32>,
      %parallel_loop3A_1142 = vector.shape_cast %parallel_loop3A_1141 : vector<1x16xf32> to vector<16xf32>
      %parallel_loop3A_1143 = arith.constant 3 : i32
      %parallel_loop3A_1144 = arith.index_cast %parallel_loop3A_1143 : i32 to index
      %parallel_loop3A_1145 = arith.index_cast %parallel_loop3A_1116 : i32 to index
      %parallel_loop3A_1146 = arith.constant 32 : index
      %parallel_loop3A_1147 = tpu.vector_load %arg8[%parallel_loop3A_1144, %parallel_loop3A_1145, %parallel_loop3A_1146] {strides = array<i32>} : memref<4x200x128xf32, #tpu.memory_space<vmem>>, vector<1x1x16xf32>,
      %parallel_loop3A_1148 = vector.shape_cast %parallel_loop3A_1147 : vector<1x1x16xf32> to vector<16xf32>
      %parallel_loop3A_1149 = vector.shape_cast %parallel_loop3A_1142 : vector<16xf32> to vector<1x1x16xf32>
      tpu.vector_store %arg8[%parallel_loop3A_1144, %parallel_loop3A_1145, %parallel_loop3A_1146], %parallel_loop3A_1149 {add = true, strides = array<i32>} : memref<4x200x128xf32, #tpu.memory_space<vmem>>, vector<1x1x16xf32>,
      %parallel_loop3A_1150 = arith.index_cast %parallel_loop3A_1116 : i32 to index
      %parallel_loop3A_1151 = arith.constant 48 : index
      %parallel_loop3A_1152 = tpu.vector_load %arg6[%parallel_loop3A_1150, %parallel_loop3A_1151] {strides = array<i32>} : memref<200x128xf32, #tpu.memory_space<vmem>>, vector<1x16xf32>,
      %parallel_loop3A_1153 = vector.shape_cast %parallel_loop3A_1152 : vector<1x16xf32> to vector<16xf32>
      %parallel_loop3A_1154 = arith.constant 3 : i32
      %parallel_loop3A_1155 = arith.index_cast %parallel_loop3A_1154 : i32 to index
      %parallel_loop3A_1156 = arith.index_cast %parallel_loop3A_1116 : i32 to index
      %parallel_loop3A_1157 = arith.constant 48 : index
      %parallel_loop3A_1158 = tpu.vector_load %arg8[%parallel_loop3A_1155, %parallel_loop3A_1156, %parallel_loop3A_1157] {strides = array<i32>} : memref<4x200x128xf32, #tpu.memory_space<vmem>>, vector<1x1x16xf32>,
      %parallel_loop3A_1159 = vector.shape_cast %parallel_loop3A_1158 : vector<1x1x16xf32> to vector<16xf32>
      %parallel_loop3A_1160 = vector.shape_cast %parallel_loop3A_1153 : vector<16xf32> to vector<1x1x16xf32>
      tpu.vector_store %arg8[%parallel_loop3A_1155, %parallel_loop3A_1156, %parallel_loop3A_1157], %parallel_loop3A_1160 {add = true, strides = array<i32>} : memref<4x200x128xf32, #tpu.memory_space<vmem>>, vector<1x1x16xf32>,
      %parallel_loop3A_1161 = arith.index_cast %parallel_loop3A_1116 : i32 to index
      %parallel_loop3A_1162 = arith.constant 64 : index
      %parallel_loop3A_1163 = tpu.vector_load %arg6[%parallel_loop3A_1161, %parallel_loop3A_1162] {strides = array<i32>} : memref<200x128xf32, #tpu.memory_space<vmem>>, vector<1x16xf32>,
      %parallel_loop3A_1164 = vector.shape_cast %parallel_loop3A_1163 : vector<1x16xf32> to vector<16xf32>
      %parallel_loop3A_1165 = arith.constant 3 : i32
      %parallel_loop3A_1166 = arith.index_cast %parallel_loop3A_1165 : i32 to index
      %parallel_loop3A_1167 = arith.index_cast %parallel_loop3A_1116 : i32 to index
      %parallel_loop3A_1168 = arith.constant 64 : index
      %parallel_loop3A_1169 = tpu.vector_load %arg8[%parallel_loop3A_1166, %parallel_loop3A_1167, %parallel_loop3A_1168] {strides = array<i32>} : memref<4x200x128xf32, #tpu.memory_space<vmem>>, vector<1x1x16xf32>,
      %parallel_loop3A_1170 = vector.shape_cast %parallel_loop3A_1169 : vector<1x1x16xf32> to vector<16xf32>
      %parallel_loop3A_1171 = vector.shape_cast %parallel_loop3A_1164 : vector<16xf32> to vector<1x1x16xf32>
      tpu.vector_store %arg8[%parallel_loop3A_1166, %parallel_loop3A_1167, %parallel_loop3A_1168], %parallel_loop3A_1171 {add = true, strides = array<i32>} : memref<4x200x128xf32, #tpu.memory_space<vmem>>, vector<1x1x16xf32>,
      %parallel_loop3A_1172 = arith.index_cast %parallel_loop3A_1116 : i32 to index
      %parallel_loop3A_1173 = arith.constant 80 : index
      %parallel_loop3A_1174 = tpu.vector_load %arg6[%parallel_loop3A_1172, %parallel_loop3A_1173] {strides = array<i32>} : memref<200x128xf32, #tpu.memory_space<vmem>>, vector<1x16xf32>,
      %parallel_loop3A_1175 = vector.shape_cast %parallel_loop3A_1174 : vector<1x16xf32> to vector<16xf32>
      %parallel_loop3A_1176 = arith.constant 3 : i32
      %parallel_loop3A_1177 = arith.index_cast %parallel_loop3A_1176 : i32 to index
      %parallel_loop3A_1178 = arith.index_cast %parallel_loop3A_1116 : i32 to index
      %parallel_loop3A_1179 = arith.constant 80 : index
      %parallel_loop3A_1180 = tpu.vector_load %arg8[%parallel_loop3A_1177, %parallel_loop3A_1178, %parallel_loop3A_1179] {strides = array<i32>} : memref<4x200x128xf32, #tpu.memory_space<vmem>>, vector<1x1x16xf32>,
      %parallel_loop3A_1181 = vector.shape_cast %parallel_loop3A_1180 : vector<1x1x16xf32> to vector<16xf32>
      %parallel_loop3A_1182 = vector.shape_cast %parallel_loop3A_1175 : vector<16xf32> to vector<1x1x16xf32>
      tpu.vector_store %arg8[%parallel_loop3A_1177, %parallel_loop3A_1178, %parallel_loop3A_1179], %parallel_loop3A_1182 {add = true, strides = array<i32>} : memref<4x200x128xf32, #tpu.memory_space<vmem>>, vector<1x1x16xf32>,
      %parallel_loop3A_1183 = arith.index_cast %parallel_loop3A_1116 : i32 to index
      %parallel_loop3A_1184 = arith.constant 96 : index
      %parallel_loop3A_1185 = tpu.vector_load %arg6[%parallel_loop3A_1183, %parallel_loop3A_1184] {strides = array<i32>} : memref<200x128xf32, #tpu.memory_space<vmem>>, vector<1x16xf32>,
      %parallel_loop3A_1186 = vector.shape_cast %parallel_loop3A_1185 : vector<1x16xf32> to vector<16xf32>
      %parallel_loop3A_1187 = arith.constant 3 : i32
      %parallel_loop3A_1188 = arith.index_cast %parallel_loop3A_1187 : i32 to index
      %parallel_loop3A_1189 = arith.index_cast %parallel_loop3A_1116 : i32 to index
      %parallel_loop3A_1190 = arith.constant 96 : index
      %parallel_loop3A_1191 = tpu.vector_load %arg8[%parallel_loop3A_1188, %parallel_loop3A_1189, %parallel_loop3A_1190] {strides = array<i32>} : memref<4x200x128xf32, #tpu.memory_space<vmem>>, vector<1x1x16xf32>,
      %parallel_loop3A_1192 = vector.shape_cast %parallel_loop3A_1191 : vector<1x1x16xf32> to vector<16xf32>
      %parallel_loop3A_1193 = vector.shape_cast %parallel_loop3A_1186 : vector<16xf32> to vector<1x1x16xf32>
      tpu.vector_store %arg8[%parallel_loop3A_1188, %parallel_loop3A_1189, %parallel_loop3A_1190], %parallel_loop3A_1193 {add = true, strides = array<i32>} : memref<4x200x128xf32, #tpu.memory_space<vmem>>, vector<1x1x16xf32>,
      %parallel_loop3A_1194 = arith.index_cast %parallel_loop3A_1116 : i32 to index
      %parallel_loop3A_1195 = arith.constant 112 : index
      %parallel_loop3A_1196 = tpu.vector_load %arg6[%parallel_loop3A_1194, %parallel_loop3A_1195] {strides = array<i32>} : memref<200x128xf32, #tpu.memory_space<vmem>>, vector<1x16xf32>,
      %parallel_loop3A_1197 = vector.shape_cast %parallel_loop3A_1196 : vector<1x16xf32> to vector<16xf32>
      %parallel_loop3A_1198 = arith.constant 3 : i32
      %parallel_loop3A_1199 = arith.index_cast %parallel_loop3A_1198 : i32 to index
      %parallel_loop3A_1200 = arith.index_cast %parallel_loop3A_1116 : i32 to index
      %parallel_loop3A_1201 = arith.constant 112 : index
      %parallel_loop3A_1202 = tpu.vector_load %arg8[%parallel_loop3A_1199, %parallel_loop3A_1200, %parallel_loop3A_1201] {strides = array<i32>} : memref<4x200x128xf32, #tpu.memory_space<vmem>>, vector<1x1x16xf32>,
      %parallel_loop3A_1203 = vector.shape_cast %parallel_loop3A_1202 : vector<1x1x16xf32> to vector<16xf32>
      %parallel_loop3A_1204 = vector.shape_cast %parallel_loop3A_1197 : vector<16xf32> to vector<1x1x16xf32>
      tpu.vector_store %arg8[%parallel_loop3A_1199, %parallel_loop3A_1200, %parallel_loop3A_1201], %parallel_loop3A_1204 {add = true, strides = array<i32>} : memref<4x200x128xf32, #tpu.memory_space<vmem>>, vector<1x1x16xf32>,
    } {sc.loop_unroll_factor = 4 : i64, sc.parallel_access}
    %add3A_574 = arith.constant 3 : i32
    %add3A_575 = arith.addi %mul3A_2, %add3A_574 : i32
    %dma_start3A_576 = arith.constant 3 : i32
    %dma_start3A_577 = arith.constant 3 : i32
    %dma_start3A_578 = arith.constant 0 : i32
    %dma_start3A_579 = arith.constant 0 : i32
    %dma_start3A_580 = tpu.memref_slice %arg8[%dma_start3A_576, %dma_start3A_578, %dma_start3A_579] : memref<4x200x128xf32, #tpu.memory_space<vmem>> -> memref<1x200x128xf32, #tpu.memory_space<vmem>>
    %dma_start3A_581 = tpu.memref_squeeze %dma_start3A_580 : memref<1x200x128xf32, #tpu.memory_space<vmem>> -> memref<200x128xf32, #tpu.memory_space<vmem>>
    %dma_start3A_582 = arith.constant 0 : i32
    %dma_start3A_583 = arith.constant 0 : i32
    %dma_start3A_584 = tpu.memref_slice %arg5[%add3A_575, %dma_start3A_582, %dma_start3A_583] : memref<4096x200x128xf32, #tpu.memory_space<hbm>> -> memref<1x200x128xf32, #tpu.memory_space<hbm>>
    %dma_start3A_585 = tpu.memref_squeeze %dma_start3A_584 : memref<1x200x128xf32, #tpu.memory_space<hbm>> -> memref<200x128xf32, #tpu.memory_space<hbm>>
    %dma_start3A_586 = tpu.memref_slice %arg11[%dma_start3A_577] : memref<4x!tpu.dma_semaphore, #tpu.memory_space<semaphore_mem>> -> memref<1x!tpu.dma_semaphore, #tpu.memory_space<semaphore_mem>>
    %dma_start3A_587 = tpu.memref_squeeze %dma_start3A_586 : memref<1x!tpu.dma_semaphore, #tpu.memory_space<semaphore_mem>> -> memref<!tpu.dma_semaphore, #tpu.memory_space<semaphore_mem>>
    %dma_start3A_588 = arith.constant 0 : i32
    %dma_start3A_589 = arith.constant 0 : i32
    %dma_start3A_590 = tpu.memref_slice %arg5[%add3A_575, %dma_start3A_588, %dma_start3A_589] : memref<4096x200x128xf32, #tpu.memory_space<hbm>> -> memref<1x200x128xf32, #tpu.memory_space<hbm>>
    %dma_start3A_591 = tpu.memref_squeeze %dma_start3A_590 : memref<1x200x128xf32, #tpu.memory_space<hbm>> -> memref<200x128xf32, #tpu.memory_space<hbm>>
    %dma_start3A_592 = arith.constant 0 : i32
    %dma_start3A_593 = arith.constant 0 : i32
    %dma_start3A_594 = tpu.memref_slice %arg8[%dma_start3A_576, %dma_start3A_592, %dma_start3A_593] : memref<4x200x128xf32, #tpu.memory_space<vmem>> -> memref<1x200x128xf32, #tpu.memory_space<vmem>>
    %dma_start3A_595 = tpu.memref_squeeze %dma_start3A_594 : memref<1x200x128xf32, #tpu.memory_space<vmem>> -> memref<200x128xf32, #tpu.memory_space<vmem>>
    tpu.enqueue_dma source(%dma_start3A_595 : memref<200x128xf32, #tpu.memory_space<vmem>>) target(%dma_start3A_591 : memref<200x128xf32, #tpu.memory_space<hbm>>) target_semaphore(%dma_start3A_587 : memref<!tpu.dma_semaphore, #tpu.memory_space<semaphore_mem>>)
    %dma_wait3A_596 = arith.constant 1 : i32
    %dma_wait3A_597 = arith.constant 1 : i32
    %dma_wait3A_598 = arith.constant 0 : i32
    %dma_wait3A_599 = arith.constant 0 : i32
    %dma_wait3A_600 = tpu.memref_slice %arg8[%dma_wait3A_596, %dma_wait3A_598, %dma_wait3A_599] : memref<4x200x128xf32, #tpu.memory_space<vmem>> -> memref<1x200x128xf32, #tpu.memory_space<vmem>>
    %dma_wait3A_601 = tpu.memref_squeeze %dma_wait3A_600 : memref<1x200x128xf32, #tpu.memory_space<vmem>> -> memref<200x128xf32, #tpu.memory_space<vmem>>
    %dma_wait3A_602 = arith.constant 0 : i32
    %dma_wait3A_603 = arith.constant 0 : i32
    %dma_wait3A_604 = tpu.memref_slice %arg5[%mul3A_2, %dma_wait3A_602, %dma_wait3A_603] : memref<4096x200x128xf32, #tpu.memory_space<hbm>> -> memref<1x200x128xf32, #tpu.memory_space<hbm>>
    %dma_wait3A_605 = tpu.memref_squeeze %dma_wait3A_604 : memref<1x200x128xf32, #tpu.memory_space<hbm>> -> memref<200x128xf32, #tpu.memory_space<hbm>>
    %dma_wait3A_606 = tpu.memref_slice %arg11[%dma_wait3A_597] : memref<4x!tpu.dma_semaphore, #tpu.memory_space<semaphore_mem>> -> memref<1x!tpu.dma_semaphore, #tpu.memory_space<semaphore_mem>>
    %dma_wait3A_607 = tpu.memref_squeeze %dma_wait3A_606 : memref<1x!tpu.dma_semaphore, #tpu.memory_space<semaphore_mem>> -> memref<!tpu.dma_semaphore, #tpu.memory_space<semaphore_mem>>
    %dma_wait3A_608 = arith.constant 0 : i32
    %dma_wait3A_609 = arith.constant 0 : i32
    %dma_wait3A_610 = tpu.memref_slice %arg5[%mul3A_2, %dma_wait3A_608, %dma_wait3A_609] : memref<4096x200x128xf32, #tpu.memory_space<hbm>> -> memref<1x200x128xf32, #tpu.memory_space<hbm>>
    %dma_wait3A_611 = tpu.memref_squeeze %dma_wait3A_610 : memref<1x200x128xf32, #tpu.memory_space<hbm>> -> memref<200x128xf32, #tpu.memory_space<hbm>>
    %dma_wait3A_612 = arith.constant 0 : i32
    %dma_wait3A_613 = arith.constant 0 : i32
    %dma_wait3A_614 = tpu.memref_slice %arg8[%dma_wait3A_596, %dma_wait3A_612, %dma_wait3A_613] : memref<4x200x128xf32, #tpu.memory_space<vmem>> -> memref<1x200x128xf32, #tpu.memory_space<vmem>>
    %dma_wait3A_615 = tpu.memref_squeeze %dma_wait3A_614 : memref<1x200x128xf32, #tpu.memory_space<vmem>> -> memref<200x128xf32, #tpu.memory_space<vmem>>
    tpu.wait_dma2 semaphore(%dma_wait3A_607 : memref<!tpu.dma_semaphore, #tpu.memory_space<semaphore_mem>>) src(%dma_wait3A_615 : memref<200x128xf32, #tpu.memory_space<vmem>>) dst(%dma_wait3A_611 : memref<200x128xf32, #tpu.memory_space<hbm>>)
    %dma_wait3A_616 = arith.constant 1 : i32
    %dma_wait3A_617 = arith.constant 1 : i32
    %dma_wait3A_618 = arith.constant 0 : i32
    %dma_wait3A_619 = tpu.memref_slice %arg7[%dma_wait3A_616, %dma_wait3A_618] : memref<4x200xi32, #tpu.memory_space<vmem>> -> memref<1x200xi32, #tpu.memory_space<vmem>>
    %dma_wait3A_620 = tpu.memref_squeeze %dma_wait3A_619 : memref<1x200xi32, #tpu.memory_space<vmem>> -> memref<200xi32, #tpu.memory_space<vmem>>
    %dma_wait3A_621 = arith.constant 0 : i32
    %dma_wait3A_622 = tpu.memref_slice %arg3[%mul3A_2, %dma_wait3A_621] : memref<4096x200xi32, #tpu.memory_space<hbm>> -> memref<1x200xi32, #tpu.memory_space<hbm>>
    %dma_wait3A_623 = tpu.memref_squeeze %dma_wait3A_622 : memref<1x200xi32, #tpu.memory_space<hbm>> -> memref<200xi32, #tpu.memory_space<hbm>>
    %dma_wait3A_624 = tpu.memref_slice %arg9[%dma_wait3A_617] : memref<4x!tpu.dma_semaphore, #tpu.memory_space<semaphore_mem>> -> memref<1x!tpu.dma_semaphore, #tpu.memory_space<semaphore_mem>>
    %dma_wait3A_625 = tpu.memref_squeeze %dma_wait3A_624 : memref<1x!tpu.dma_semaphore, #tpu.memory_space<semaphore_mem>> -> memref<!tpu.dma_semaphore, #tpu.memory_space<semaphore_mem>>
    %dma_wait3A_626 = arith.constant 0 : i32
    %dma_wait3A_627 = tpu.memref_slice %arg7[%dma_wait3A_616, %dma_wait3A_626] : memref<4x200xi32, #tpu.memory_space<vmem>> -> memref<1x200xi32, #tpu.memory_space<vmem>>
    %dma_wait3A_628 = tpu.memref_squeeze %dma_wait3A_627 : memref<1x200xi32, #tpu.memory_space<vmem>> -> memref<200xi32, #tpu.memory_space<vmem>>
    %dma_wait3A_629 = arith.constant 0 : i32
    %dma_wait3A_630 = tpu.memref_slice %arg3[%mul3A_2, %dma_wait3A_629] : memref<4096x200xi32, #tpu.memory_space<hbm>> -> memref<1x200xi32, #tpu.memory_space<hbm>>
    %dma_wait3A_631 = tpu.memref_squeeze %dma_wait3A_630 : memref<1x200xi32, #tpu.memory_space<hbm>> -> memref<200xi32, #tpu.memory_space<hbm>>
    tpu.wait_dma2 semaphore(%dma_wait3A_625 : memref<!tpu.dma_semaphore, #tpu.memory_space<semaphore_mem>>) src(%dma_wait3A_631 : memref<200xi32, #tpu.memory_space<hbm>>) dst(%dma_wait3A_628 : memref<200xi32, #tpu.memory_space<vmem>>)
    %dma_start3A_632 = arith.constant 1 : i32
    %dma_start3A_633 = arith.constant 1 : i32
    %dma_start3A_634 = arith.constant 1 : i32
    %dma_start3A_635 = arith.constant 0 : i32
    %dma_start3A_636 = arith.constant 0 : i32
    %dma_start3A_637 = tpu.memref_slice %arg8[%dma_start3A_633, %dma_start3A_635, %dma_start3A_636] : memref<4x200x128xf32, #tpu.memory_space<vmem>> -> memref<1x128x128xf32, #tpu.memory_space<vmem>>
    %dma_start3A_638 = tpu.memref_squeeze %dma_start3A_637 : memref<1x128x128xf32, #tpu.memory_space<vmem>> -> memref<128x128xf32, #tpu.memory_space<vmem>>
    %dma_start3A_639 = arith.constant 0 : i32
    %dma_start3A_640 = tpu.memref_slice %arg7[%dma_start3A_632, %dma_start3A_639] : memref<4x200xi32, #tpu.memory_space<vmem>> -> memref<1x128xi32, #tpu.memory_space<vmem>>
    %dma_start3A_641 = tpu.memref_squeeze %dma_start3A_640 : memref<1x128xi32, #tpu.memory_space<vmem>> -> memref<128xi32, #tpu.memory_space<vmem>>
    %dma_start3A_642 = arith.constant 0 : i32
    %dma_start3A_643 = arith.constant 0 : i32
    %dma_start3A_644 = tpu.memref_slice %arg2[%dma_start3A_642, %dma_start3A_643] : memref<100000x128xf32, #tpu.memory_space<hbm>> -> memref<100000x128xf32, #tpu.memory_space<hbm>>
    %dma_start3A_645 = tpu.memref_slice %arg10[%dma_start3A_634] : memref<4x!tpu.dma_semaphore, #tpu.memory_space<semaphore_mem>> -> memref<1x!tpu.dma_semaphore, #tpu.memory_space<semaphore_mem>>
    %dma_start3A_646 = tpu.memref_squeeze %dma_start3A_645 : memref<1x!tpu.dma_semaphore, #tpu.memory_space<semaphore_mem>> -> memref<!tpu.dma_semaphore, #tpu.memory_space<semaphore_mem>>
    tpu.enqueue_indirect_dma source(%dma_start3A_644 : memref<100000x128xf32, #tpu.memory_space<hbm>>) target(%dma_start3A_638 : memref<128x128xf32, #tpu.memory_space<vmem>>) offsets(%dma_start3A_641 : memref<128xi32, #tpu.memory_space<vmem>>) semaphore(%dma_start3A_646 : memref<!tpu.dma_semaphore, #tpu.memory_space<semaphore_mem>>)
    %dma_start3A_647 = arith.constant 1 : i32
    %dma_start3A_648 = arith.constant 1 : i32
    %dma_start3A_649 = arith.constant 1 : i32
    %dma_start3A_650 = arith.constant 128 : i32
    %dma_start3A_651 = arith.constant 0 : i32
    %dma_start3A_652 = tpu.memref_slice %arg8[%dma_start3A_648, %dma_start3A_650, %dma_start3A_651] : memref<4x200x128xf32, #tpu.memory_space<vmem>> -> memref<1x72x128xf32, #tpu.memory_space<vmem>>
    %dma_start3A_653 = tpu.memref_squeeze %dma_start3A_652 : memref<1x72x128xf32, #tpu.memory_space<vmem>> -> memref<72x128xf32, #tpu.memory_space<vmem>>
    %dma_start3A_654 = arith.constant 128 : i32
    %dma_start3A_655 = tpu.memref_slice %arg7[%dma_start3A_647, %dma_start3A_654] : memref<4x200xi32, #tpu.memory_space<vmem>> -> memref<1x72xi32, #tpu.memory_space<vmem>>
    %dma_start3A_656 = tpu.memref_squeeze %dma_start3A_655 : memref<1x72xi32, #tpu.memory_space<vmem>> -> memref<72xi32, #tpu.memory_space<vmem>>
    %dma_start3A_657 = arith.constant 0 : i32
    %dma_start3A_658 = arith.constant 0 : i32
    %dma_start3A_659 = tpu.memref_slice %arg2[%dma_start3A_657, %dma_start3A_658] : memref<100000x128xf32, #tpu.memory_space<hbm>> -> memref<100000x128xf32, #tpu.memory_space<hbm>>
    %dma_start3A_660 = tpu.memref_slice %arg10[%dma_start3A_649] : memref<4x!tpu.dma_semaphore, #tpu.memory_space<semaphore_mem>> -> memref<1x!tpu.dma_semaphore, #tpu.memory_space<semaphore_mem>>
    %dma_start3A_661 = tpu.memref_squeeze %dma_start3A_660 : memref<1x!tpu.dma_semaphore, #tpu.memory_space<semaphore_mem>> -> memref<!tpu.dma_semaphore, #tpu.memory_space<semaphore_mem>>
    tpu.enqueue_indirect_dma source(%dma_start3A_659 : memref<100000x128xf32, #tpu.memory_space<hbm>>) target(%dma_start3A_653 : memref<72x128xf32, #tpu.memory_space<vmem>>) offsets(%dma_start3A_656 : memref<72xi32, #tpu.memory_space<vmem>>) semaphore(%dma_start3A_661 : memref<!tpu.dma_semaphore, #tpu.memory_space<semaphore_mem>>)
    %add3A_662 = arith.constant 7 : i32
    %add3A_663 = arith.addi %mul3A_2, %add3A_662 : i32
    %dma_start3A_664 = arith.constant 3 : i32
    %dma_start3A_665 = arith.constant 3 : i32
    %dma_start3A_666 = arith.constant 0 : i32
    %dma_start3A_667 = tpu.memref_slice %arg7[%dma_start3A_664, %dma_start3A_666] : memref<4x200xi32, #tpu.memory_space<vmem>> -> memref<1x200xi32, #tpu.memory_space<vmem>>
    %dma_start3A_668 = tpu.memref_squeeze %dma_start3A_667 : memref<1x200xi32, #tpu.memory_space<vmem>> -> memref<200xi32, #tpu.memory_space<vmem>>
    %dma_start3A_669 = arith.constant 0 : i32
    %dma_start3A_670 = tpu.memref_slice %arg3[%add3A_663, %dma_start3A_669] : memref<4096x200xi32, #tpu.memory_space<hbm>> -> memref<1x200xi32, #tpu.memory_space<hbm>>
    %dma_start3A_671 = tpu.memref_squeeze %dma_start3A_670 : memref<1x200xi32, #tpu.memory_space<hbm>> -> memref<200xi32, #tpu.memory_space<hbm>>
    %dma_start3A_672 = tpu.memref_slice %arg9[%dma_start3A_665] : memref<4x!tpu.dma_semaphore, #tpu.memory_space<semaphore_mem>> -> memref<1x!tpu.dma_semaphore, #tpu.memory_space<semaphore_mem>>
    %dma_start3A_673 = tpu.memref_squeeze %dma_start3A_672 : memref<1x!tpu.dma_semaphore, #tpu.memory_space<semaphore_mem>> -> memref<!tpu.dma_semaphore, #tpu.memory_space<semaphore_mem>>
    %dma_start3A_674 = arith.constant 0 : i32
    %dma_start3A_675 = tpu.memref_slice %arg7[%dma_start3A_664, %dma_start3A_674] : memref<4x200xi32, #tpu.memory_space<vmem>> -> memref<1x200xi32, #tpu.memory_space<vmem>>
    %dma_start3A_676 = tpu.memref_squeeze %dma_start3A_675 : memref<1x200xi32, #tpu.memory_space<vmem>> -> memref<200xi32, #tpu.memory_space<vmem>>
    %dma_start3A_677 = arith.constant 0 : i32
    %dma_start3A_678 = tpu.memref_slice %arg3[%add3A_663, %dma_start3A_677] : memref<4096x200xi32, #tpu.memory_space<hbm>> -> memref<1x200xi32, #tpu.memory_space<hbm>>
    %dma_start3A_679 = tpu.memref_squeeze %dma_start3A_678 : memref<1x200xi32, #tpu.memory_space<hbm>> -> memref<200xi32, #tpu.memory_space<hbm>>
    tpu.enqueue_dma source(%dma_start3A_679 : memref<200xi32, #tpu.memory_space<hbm>>) target(%dma_start3A_676 : memref<200xi32, #tpu.memory_space<vmem>>) target_semaphore(%dma_start3A_673 : memref<!tpu.dma_semaphore, #tpu.memory_space<semaphore_mem>>)
    %scan3A = arith.constant 0 : i32
    %scan3A_680 = arith.constant 30 : i32
    %scan3A_681 = arith.addi %scan3A, %scan3A_680 : i32
    %scan3A_682 = arith.constant 1 : i32
    scf.for %scan3A_1116 = %scan3A to %scan3A_681 step %scan3A_682  : i32 {
      %mul3A_1117 = arith.constant 4 : i32
      %mul3A_1118 = arith.muli %scan3A_1116, %mul3A_1117 : i32
      %add3A_1119 = arith.constant 4 : i32
      %add3A_1120 = arith.addi %add3A_1119, %mul3A_1118 : i32
      %add3A_1121 = arith.constant 0 : i32
      %add3A_1122 = arith.addi %add3A_1120, %add3A_1121 : i32
      %dma_wait3A_1123 = arith.constant 0 : i32
      %dma_wait3A_1124 = arith.constant 0 : i32
      %dma_wait3A_1125 = arith.constant 0 : i32
      %dma_wait3A_1126 = arith.constant 0 : i32
      %dma_wait3A_1127 = arith.constant 0 : i32
      %dma_wait3A_1128 = tpu.memref_slice %arg8[%dma_wait3A_1124, %dma_wait3A_1126, %dma_wait3A_1127] : memref<4x200x128xf32, #tpu.memory_space<vmem>> -> memref<1x128x128xf32, #tpu.memory_space<vmem>>
      %dma_wait3A_1129 = tpu.memref_squeeze %dma_wait3A_1128 : memref<1x128x128xf32, #tpu.memory_space<vmem>> -> memref<128x128xf32, #tpu.memory_space<vmem>>
      %dma_wait3A_1130 = arith.constant 0 : i32
      %dma_wait3A_1131 = tpu.memref_slice %arg7[%dma_wait3A_1123, %dma_wait3A_1130] : memref<4x200xi32, #tpu.memory_space<vmem>> -> memref<1x128xi32, #tpu.memory_space<vmem>>
      %dma_wait3A_1132 = tpu.memref_squeeze %dma_wait3A_1131 : memref<1x128xi32, #tpu.memory_space<vmem>> -> memref<128xi32, #tpu.memory_space<vmem>>
      %dma_wait3A_1133 = arith.constant 0 : i32
      %dma_wait3A_1134 = arith.constant 0 : i32
      %dma_wait3A_1135 = tpu.memref_slice %arg2[%dma_wait3A_1133, %dma_wait3A_1134] : memref<100000x128xf32, #tpu.memory_space<hbm>> -> memref<100000x128xf32, #tpu.memory_space<hbm>>
      %dma_wait3A_1136 = tpu.memref_slice %arg10[%dma_wait3A_1125] : memref<4x!tpu.dma_semaphore, #tpu.memory_space<semaphore_mem>> -> memref<1x!tpu.dma_semaphore, #tpu.memory_space<semaphore_mem>>
      %dma_wait3A_1137 = tpu.memref_squeeze %dma_wait3A_1136 : memref<1x!tpu.dma_semaphore, #tpu.memory_space<semaphore_mem>> -> memref<!tpu.dma_semaphore, #tpu.memory_space<semaphore_mem>>
      tpu.wait_indirect_dma semaphore(%dma_wait3A_1137 : memref<!tpu.dma_semaphore, #tpu.memory_space<semaphore_mem>>) src(%dma_wait3A_1135 : memref<100000x128xf32, #tpu.memory_space<hbm>>) dst(%dma_wait3A_1129 : memref<128x128xf32, #tpu.memory_space<vmem>>)
      %dma_wait3A_1138 = arith.constant 0 : i32
      %dma_wait3A_1139 = arith.constant 0 : i32
      %dma_wait3A_1140 = arith.constant 0 : i32
      %dma_wait3A_1141 = arith.constant 128 : i32
      %dma_wait3A_1142 = arith.constant 0 : i32
      %dma_wait3A_1143 = tpu.memref_slice %arg8[%dma_wait3A_1139, %dma_wait3A_1141, %dma_wait3A_1142] : memref<4x200x128xf32, #tpu.memory_space<vmem>> -> memref<1x72x128xf32, #tpu.memory_space<vmem>>
      %dma_wait3A_1144 = tpu.memref_squeeze %dma_wait3A_1143 : memref<1x72x128xf32, #tpu.memory_space<vmem>> -> memref<72x128xf32, #tpu.memory_space<vmem>>
      %dma_wait3A_1145 = arith.constant 128 : i32
      %dma_wait3A_1146 = tpu.memref_slice %arg7[%dma_wait3A_1138, %dma_wait3A_1145] : memref<4x200xi32, #tpu.memory_space<vmem>> -> memref<1x72xi32, #tpu.memory_space<vmem>>
      %dma_wait3A_1147 = tpu.memref_squeeze %dma_wait3A_1146 : memref<1x72xi32, #tpu.memory_space<vmem>> -> memref<72xi32, #tpu.memory_space<vmem>>
      %dma_wait3A_1148 = arith.constant 0 : i32
      %dma_wait3A_1149 = arith.constant 0 : i32
      %dma_wait3A_1150 = tpu.memref_slice %arg2[%dma_wait3A_1148, %dma_wait3A_1149] : memref<100000x128xf32, #tpu.memory_space<hbm>> -> memref<100000x128xf32, #tpu.memory_space<hbm>>
      %dma_wait3A_1151 = tpu.memref_slice %arg10[%dma_wait3A_1140] : memref<4x!tpu.dma_semaphore, #tpu.memory_space<semaphore_mem>> -> memref<1x!tpu.dma_semaphore, #tpu.memory_space<semaphore_mem>>
      %dma_wait3A_1152 = tpu.memref_squeeze %dma_wait3A_1151 : memref<1x!tpu.dma_semaphore, #tpu.memory_space<semaphore_mem>> -> memref<!tpu.dma_semaphore, #tpu.memory_space<semaphore_mem>>
      tpu.wait_indirect_dma semaphore(%dma_wait3A_1152 : memref<!tpu.dma_semaphore, #tpu.memory_space<semaphore_mem>>) src(%dma_wait3A_1150 : memref<100000x128xf32, #tpu.memory_space<hbm>>) dst(%dma_wait3A_1144 : memref<72x128xf32, #tpu.memory_space<vmem>>)
      %parallel_loop3A_1153 = arith.constant 0 : i32
      %parallel_loop3A_1154 = arith.constant 200 : i32
      %parallel_loop3A_1155 = arith.constant 1 : i32
      scf.for %parallel_loop3A_1685 = %parallel_loop3A_1153 to %parallel_loop3A_1154 step %parallel_loop3A_1155  : i32 {
        %parallel_loop3A_1686 = arith.index_cast %parallel_loop3A_1685 : i32 to index
        %parallel_loop3A_1687 = arith.constant 0 : index
        %parallel_loop3A_1688 = tpu.vector_load %arg6[%parallel_loop3A_1686, %parallel_loop3A_1687] {strides = array<i32>} : memref<200x128xf32, #tpu.memory_space<vmem>>, vector<1x16xf32>,
        %parallel_loop3A_1689 = vector.shape_cast %parallel_loop3A_1688 : vector<1x16xf32> to vector<16xf32>
        %parallel_loop3A_1690 = arith.constant 0 : i32
        %parallel_loop3A_1691 = arith.index_cast %parallel_loop3A_1690 : i32 to index
        %parallel_loop3A_1692 = arith.index_cast %parallel_loop3A_1685 : i32 to index
        %parallel_loop3A_1693 = arith.constant 0 : index
        %parallel_loop3A_1694 = tpu.vector_load %arg8[%parallel_loop3A_1691, %parallel_loop3A_1692, %parallel_loop3A_1693] {strides = array<i32>} : memref<4x200x128xf32, #tpu.memory_space<vmem>>, vector<1x1x16xf32>,
        %parallel_loop3A_1695 = vector.shape_cast %parallel_loop3A_1694 : vector<1x1x16xf32> to vector<16xf32>
        %parallel_loop3A_1696 = vector.shape_cast %parallel_loop3A_1689 : vector<16xf32> to vector<1x1x16xf32>
        tpu.vector_store %arg8[%parallel_loop3A_1691, %parallel_loop3A_1692, %parallel_loop3A_1693], %parallel_loop3A_1696 {add = true, strides = array<i32>} : memref<4x200x128xf32, #tpu.memory_space<vmem>>, vector<1x1x16xf32>,
        %parallel_loop3A_1697 = arith.index_cast %parallel_loop3A_1685 : i32 to index
        %parallel_loop3A_1698 = arith.constant 16 : index
        %parallel_loop3A_1699 = tpu.vector_load %arg6[%parallel_loop3A_1697, %parallel_loop3A_1698] {strides = array<i32>} : memref<200x128xf32, #tpu.memory_space<vmem>>, vector<1x16xf32>,
        %parallel_loop3A_1700 = vector.shape_cast %parallel_loop3A_1699 : vector<1x16xf32> to vector<16xf32>
        %parallel_loop3A_1701 = arith.constant 0 : i32
        %parallel_loop3A_1702 = arith.index_cast %parallel_loop3A_1701 : i32 to index
        %parallel_loop3A_1703 = arith.index_cast %parallel_loop3A_1685 : i32 to index
        %parallel_loop3A_1704 = arith.constant 16 : index
        %parallel_loop3A_1705 = tpu.vector_load %arg8[%parallel_loop3A_1702, %parallel_loop3A_1703, %parallel_loop3A_1704] {strides = array<i32>} : memref<4x200x128xf32, #tpu.memory_space<vmem>>, vector<1x1x16xf32>,
        %parallel_loop3A_1706 = vector.shape_cast %parallel_loop3A_1705 : vector<1x1x16xf32> to vector<16xf32>
        %parallel_loop3A_1707 = vector.shape_cast %parallel_loop3A_1700 : vector<16xf32> to vector<1x1x16xf32>
        tpu.vector_store %arg8[%parallel_loop3A_1702, %parallel_loop3A_1703, %parallel_loop3A_1704], %parallel_loop3A_1707 {add = true, strides = array<i32>} : memref<4x200x128xf32, #tpu.memory_space<vmem>>, vector<1x1x16xf32>,
        %parallel_loop3A_1708 = arith.index_cast %parallel_loop3A_1685 : i32 to index
        %parallel_loop3A_1709 = arith.constant 32 : index
        %parallel_loop3A_1710 = tpu.vector_load %arg6[%parallel_loop3A_1708, %parallel_loop3A_1709] {strides = array<i32>} : memref<200x128xf32, #tpu.memory_space<vmem>>, vector<1x16xf32>,
        %parallel_loop3A_1711 = vector.shape_cast %parallel_loop3A_1710 : vector<1x16xf32> to vector<16xf32>
        %parallel_loop3A_1712 = arith.constant 0 : i32
        %parallel_loop3A_1713 = arith.index_cast %parallel_loop3A_1712 : i32 to index
        %parallel_loop3A_1714 = arith.index_cast %parallel_loop3A_1685 : i32 to index
        %parallel_loop3A_1715 = arith.constant 32 : index
        %parallel_loop3A_1716 = tpu.vector_load %arg8[%parallel_loop3A_1713, %parallel_loop3A_1714, %parallel_loop3A_1715] {strides = array<i32>} : memref<4x200x128xf32, #tpu.memory_space<vmem>>, vector<1x1x16xf32>,
        %parallel_loop3A_1717 = vector.shape_cast %parallel_loop3A_1716 : vector<1x1x16xf32> to vector<16xf32>
        %parallel_loop3A_1718 = vector.shape_cast %parallel_loop3A_1711 : vector<16xf32> to vector<1x1x16xf32>
        tpu.vector_store %arg8[%parallel_loop3A_1713, %parallel_loop3A_1714, %parallel_loop3A_1715], %parallel_loop3A_1718 {add = true, strides = array<i32>} : memref<4x200x128xf32, #tpu.memory_space<vmem>>, vector<1x1x16xf32>,
        %parallel_loop3A_1719 = arith.index_cast %parallel_loop3A_1685 : i32 to index
        %parallel_loop3A_1720 = arith.constant 48 : index
        %parallel_loop3A_1721 = tpu.vector_load %arg6[%parallel_loop3A_1719, %parallel_loop3A_1720] {strides = array<i32>} : memref<200x128xf32, #tpu.memory_space<vmem>>, vector<1x16xf32>,
        %parallel_loop3A_1722 = vector.shape_cast %parallel_loop3A_1721 : vector<1x16xf32> to vector<16xf32>
        %parallel_loop3A_1723 = arith.constant 0 : i32
        %parallel_loop3A_1724 = arith.index_cast %parallel_loop3A_1723 : i32 to index
        %parallel_loop3A_1725 = arith.index_cast %parallel_loop3A_1685 : i32 to index
        %parallel_loop3A_1726 = arith.constant 48 : index
        %parallel_loop3A_1727 = tpu.vector_load %arg8[%parallel_loop3A_1724, %parallel_loop3A_1725, %parallel_loop3A_1726] {strides = array<i32>} : memref<4x200x128xf32, #tpu.memory_space<vmem>>, vector<1x1x16xf32>,
        %parallel_loop3A_1728 = vector.shape_cast %parallel_loop3A_1727 : vector<1x1x16xf32> to vector<16xf32>
        %parallel_loop3A_1729 = vector.shape_cast %parallel_loop3A_1722 : vector<16xf32> to vector<1x1x16xf32>
        tpu.vector_store %arg8[%parallel_loop3A_1724, %parallel_loop3A_1725, %parallel_loop3A_1726], %parallel_loop3A_1729 {add = true, strides = array<i32>} : memref<4x200x128xf32, #tpu.memory_space<vmem>>, vector<1x1x16xf32>,
        %parallel_loop3A_1730 = arith.index_cast %parallel_loop3A_1685 : i32 to index
        %parallel_loop3A_1731 = arith.constant 64 : index
        %parallel_loop3A_1732 = tpu.vector_load %arg6[%parallel_loop3A_1730, %parallel_loop3A_1731] {strides = array<i32>} : memref<200x128xf32, #tpu.memory_space<vmem>>, vector<1x16xf32>,
        %parallel_loop3A_1733 = vector.shape_cast %parallel_loop3A_1732 : vector<1x16xf32> to vector<16xf32>
        %parallel_loop3A_1734 = arith.constant 0 : i32
        %parallel_loop3A_1735 = arith.index_cast %parallel_loop3A_1734 : i32 to index
        %parallel_loop3A_1736 = arith.index_cast %parallel_loop3A_1685 : i32 to index
        %parallel_loop3A_1737 = arith.constant 64 : index
        %parallel_loop3A_1738 = tpu.vector_load %arg8[%parallel_loop3A_1735, %parallel_loop3A_1736, %parallel_loop3A_1737] {strides = array<i32>} : memref<4x200x128xf32, #tpu.memory_space<vmem>>, vector<1x1x16xf32>,
        %parallel_loop3A_1739 = vector.shape_cast %parallel_loop3A_1738 : vector<1x1x16xf32> to vector<16xf32>
        %parallel_loop3A_1740 = vector.shape_cast %parallel_loop3A_1733 : vector<16xf32> to vector<1x1x16xf32>
        tpu.vector_store %arg8[%parallel_loop3A_1735, %parallel_loop3A_1736, %parallel_loop3A_1737], %parallel_loop3A_1740 {add = true, strides = array<i32>} : memref<4x200x128xf32, #tpu.memory_space<vmem>>, vector<1x1x16xf32>,
        %parallel_loop3A_1741 = arith.index_cast %parallel_loop3A_1685 : i32 to index
        %parallel_loop3A_1742 = arith.constant 80 : index
        %parallel_loop3A_1743 = tpu.vector_load %arg6[%parallel_loop3A_1741, %parallel_loop3A_1742] {strides = array<i32>} : memref<200x128xf32, #tpu.memory_space<vmem>>, vector<1x16xf32>,
        %parallel_loop3A_1744 = vector.shape_cast %parallel_loop3A_1743 : vector<1x16xf32> to vector<16xf32>
        %parallel_loop3A_1745 = arith.constant 0 : i32
        %parallel_loop3A_1746 = arith.index_cast %parallel_loop3A_1745 : i32 to index
        %parallel_loop3A_1747 = arith.index_cast %parallel_loop3A_1685 : i32 to index
        %parallel_loop3A_1748 = arith.constant 80 : index
        %parallel_loop3A_1749 = tpu.vector_load %arg8[%parallel_loop3A_1746, %parallel_loop3A_1747, %parallel_loop3A_1748] {strides = array<i32>} : memref<4x200x128xf32, #tpu.memory_space<vmem>>, vector<1x1x16xf32>,
        %parallel_loop3A_1750 = vector.shape_cast %parallel_loop3A_1749 : vector<1x1x16xf32> to vector<16xf32>
        %parallel_loop3A_1751 = vector.shape_cast %parallel_loop3A_1744 : vector<16xf32> to vector<1x1x16xf32>
        tpu.vector_store %arg8[%parallel_loop3A_1746, %parallel_loop3A_1747, %parallel_loop3A_1748], %parallel_loop3A_1751 {add = true, strides = array<i32>} : memref<4x200x128xf32, #tpu.memory_space<vmem>>, vector<1x1x16xf32>,
        %parallel_loop3A_1752 = arith.index_cast %parallel_loop3A_1685 : i32 to index
        %parallel_loop3A_1753 = arith.constant 96 : index
        %parallel_loop3A_1754 = tpu.vector_load %arg6[%parallel_loop3A_1752, %parallel_loop3A_1753] {strides = array<i32>} : memref<200x128xf32, #tpu.memory_space<vmem>>, vector<1x16xf32>,
        %parallel_loop3A_1755 = vector.shape_cast %parallel_loop3A_1754 : vector<1x16xf32> to vector<16xf32>
        %parallel_loop3A_1756 = arith.constant 0 : i32
        %parallel_loop3A_1757 = arith.index_cast %parallel_loop3A_1756 : i32 to index
        %parallel_loop3A_1758 = arith.index_cast %parallel_loop3A_1685 : i32 to index
        %parallel_loop3A_1759 = arith.constant 96 : index
        %parallel_loop3A_1760 = tpu.vector_load %arg8[%parallel_loop3A_1757, %parallel_loop3A_1758, %parallel_loop3A_1759] {strides = array<i32>} : memref<4x200x128xf32, #tpu.memory_space<vmem>>, vector<1x1x16xf32>,
        %parallel_loop3A_1761 = vector.shape_cast %parallel_loop3A_1760 : vector<1x1x16xf32> to vector<16xf32>
        %parallel_loop3A_1762 = vector.shape_cast %parallel_loop3A_1755 : vector<16xf32> to vector<1x1x16xf32>
        tpu.vector_store %arg8[%parallel_loop3A_1757, %parallel_loop3A_1758, %parallel_loop3A_1759], %parallel_loop3A_1762 {add = true, strides = array<i32>} : memref<4x200x128xf32, #tpu.memory_space<vmem>>, vector<1x1x16xf32>,
        %parallel_loop3A_1763 = arith.index_cast %parallel_loop3A_1685 : i32 to index
        %parallel_loop3A_1764 = arith.constant 112 : index
        %parallel_loop3A_1765 = tpu.vector_load %arg6[%parallel_loop3A_1763, %parallel_loop3A_1764] {strides = array<i32>} : memref<200x128xf32, #tpu.memory_space<vmem>>, vector<1x16xf32>,
        %parallel_loop3A_1766 = vector.shape_cast %parallel_loop3A_1765 : vector<1x16xf32> to vector<16xf32>
        %parallel_loop3A_1767 = arith.constant 0 : i32
        %parallel_loop3A_1768 = arith.index_cast %parallel_loop3A_1767 : i32 to index
        %parallel_loop3A_1769 = arith.index_cast %parallel_loop3A_1685 : i32 to index
        %parallel_loop3A_1770 = arith.constant 112 : index
        %parallel_loop3A_1771 = tpu.vector_load %arg8[%parallel_loop3A_1768, %parallel_loop3A_1769, %parallel_loop3A_1770] {strides = array<i32>} : memref<4x200x128xf32, #tpu.memory_space<vmem>>, vector<1x1x16xf32>,
        %parallel_loop3A_1772 = vector.shape_cast %parallel_loop3A_1771 : vector<1x1x16xf32> to vector<16xf32>
        %parallel_loop3A_1773 = vector.shape_cast %parallel_loop3A_1766 : vector<16xf32> to vector<1x1x16xf32>
        tpu.vector_store %arg8[%parallel_loop3A_1768, %parallel_loop3A_1769, %parallel_loop3A_1770], %parallel_loop3A_1773 {add = true, strides = array<i32>} : memref<4x200x128xf32, #tpu.memory_space<vmem>>, vector<1x1x16xf32>,
      } {sc.loop_unroll_factor = 4 : i64, sc.parallel_access}
      %add3A_1156 = arith.addi %mul3A_2, %add3A_1122 : i32
      %dma_start3A_1157 = arith.constant 0 : i32
      %dma_start3A_1158 = arith.constant 0 : i32
      %dma_start3A_1159 = arith.constant 0 : i32
      %dma_start3A_1160 = arith.constant 0 : i32
      %dma_start3A_1161 = tpu.memref_slice %arg8[%dma_start3A_1157, %dma_start3A_1159, %dma_start3A_1160] : memref<4x200x128xf32, #tpu.memory_space<vmem>> -> memref<1x200x128xf32, #tpu.memory_space<vmem>>
      %dma_start3A_1162 = tpu.memref_squeeze %dma_start3A_1161 : memref<1x200x128xf32, #tpu.memory_space<vmem>> -> memref<200x128xf32, #tpu.memory_space<vmem>>
      %dma_start3A_1163 = arith.constant 0 : i32
      %dma_start3A_1164 = arith.constant 0 : i32
      %dma_start3A_1165 = tpu.memref_slice %arg5[%add3A_1156, %dma_start3A_1163, %dma_start3A_1164] : memref<4096x200x128xf32, #tpu.memory_space<hbm>> -> memref<1x200x128xf32, #tpu.memory_space<hbm>>
      %dma_start3A_1166 = tpu.memref_squeeze %dma_start3A_1165 : memref<1x200x128xf32, #tpu.memory_space<hbm>> -> memref<200x128xf32, #tpu.memory_space<hbm>>
      %dma_start3A_1167 = tpu.memref_slice %arg11[%dma_start3A_1158] : memref<4x!tpu.dma_semaphore, #tpu.memory_space<semaphore_mem>> -> memref<1x!tpu.dma_semaphore, #tpu.memory_space<semaphore_mem>>
      %dma_start3A_1168 = tpu.memref_squeeze %dma_start3A_1167 : memref<1x!tpu.dma_semaphore, #tpu.memory_space<semaphore_mem>> -> memref<!tpu.dma_semaphore, #tpu.memory_space<semaphore_mem>>
      %dma_start3A_1169 = arith.constant 0 : i32
      %dma_start3A_1170 = arith.constant 0 : i32
      %dma_start3A_1171 = tpu.memref_slice %arg5[%add3A_1156, %dma_start3A_1169, %dma_start3A_1170] : memref<4096x200x128xf32, #tpu.memory_space<hbm>> -> memref<1x200x128xf32, #tpu.memory_space<hbm>>
      %dma_start3A_1172 = tpu.memref_squeeze %dma_start3A_1171 : memref<1x200x128xf32, #tpu.memory_space<hbm>> -> memref<200x128xf32, #tpu.memory_space<hbm>>
      %dma_start3A_1173 = arith.constant 0 : i32
      %dma_start3A_1174 = arith.constant 0 : i32
      %dma_start3A_1175 = tpu.memref_slice %arg8[%dma_start3A_1157, %dma_start3A_1173, %dma_start3A_1174] : memref<4x200x128xf32, #tpu.memory_space<vmem>> -> memref<1x200x128xf32, #tpu.memory_space<vmem>>
      %dma_start3A_1176 = tpu.memref_squeeze %dma_start3A_1175 : memref<1x200x128xf32, #tpu.memory_space<vmem>> -> memref<200x128xf32, #tpu.memory_space<vmem>>
      tpu.enqueue_dma source(%dma_start3A_1176 : memref<200x128xf32, #tpu.memory_space<vmem>>) target(%dma_start3A_1172 : memref<200x128xf32, #tpu.memory_space<hbm>>) target_semaphore(%dma_start3A_1168 : memref<!tpu.dma_semaphore, #tpu.memory_space<semaphore_mem>>)
      %dma_wait3A_1177 = arith.constant 2 : i32
      %dma_wait3A_1178 = arith.constant 2 : i32
      %dma_wait3A_1179 = arith.constant 0 : i32
      %dma_wait3A_1180 = arith.constant 0 : i32
      %dma_wait3A_1181 = tpu.memref_slice %arg8[%dma_wait3A_1177, %dma_wait3A_1179, %dma_wait3A_1180] : memref<4x200x128xf32, #tpu.memory_space<vmem>> -> memref<1x200x128xf32, #tpu.memory_space<vmem>>
      %dma_wait3A_1182 = tpu.memref_squeeze %dma_wait3A_1181 : memref<1x200x128xf32, #tpu.memory_space<vmem>> -> memref<200x128xf32, #tpu.memory_space<vmem>>
      %dma_wait3A_1183 = arith.constant 0 : i32
      %dma_wait3A_1184 = arith.constant 0 : i32
      %dma_wait3A_1185 = tpu.memref_slice %arg5[%mul3A_2, %dma_wait3A_1183, %dma_wait3A_1184] : memref<4096x200x128xf32, #tpu.memory_space<hbm>> -> memref<1x200x128xf32, #tpu.memory_space<hbm>>
      %dma_wait3A_1186 = tpu.memref_squeeze %dma_wait3A_1185 : memref<1x200x128xf32, #tpu.memory_space<hbm>> -> memref<200x128xf32, #tpu.memory_space<hbm>>
      %dma_wait3A_1187 = tpu.memref_slice %arg11[%dma_wait3A_1178] : memref<4x!tpu.dma_semaphore, #tpu.memory_space<semaphore_mem>> -> memref<1x!tpu.dma_semaphore, #tpu.memory_space<semaphore_mem>>
      %dma_wait3A_1188 = tpu.memref_squeeze %dma_wait3A_1187 : memref<1x!tpu.dma_semaphore, #tpu.memory_space<semaphore_mem>> -> memref<!tpu.dma_semaphore, #tpu.memory_space<semaphore_mem>>
      %dma_wait3A_1189 = arith.constant 0 : i32
      %dma_wait3A_1190 = arith.constant 0 : i32
      %dma_wait3A_1191 = tpu.memref_slice %arg5[%mul3A_2, %dma_wait3A_1189, %dma_wait3A_1190] : memref<4096x200x128xf32, #tpu.memory_space<hbm>> -> memref<1x200x128xf32, #tpu.memory_space<hbm>>
      %dma_wait3A_1192 = tpu.memref_squeeze %dma_wait3A_1191 : memref<1x200x128xf32, #tpu.memory_space<hbm>> -> memref<200x128xf32, #tpu.memory_space<hbm>>
      %dma_wait3A_1193 = arith.constant 0 : i32
      %dma_wait3A_1194 = arith.constant 0 : i32
      %dma_wait3A_1195 = tpu.memref_slice %arg8[%dma_wait3A_1177, %dma_wait3A_1193, %dma_wait3A_1194] : memref<4x200x128xf32, #tpu.memory_space<vmem>> -> memref<1x200x128xf32, #tpu.memory_space<vmem>>
      %dma_wait3A_1196 = tpu.memref_squeeze %dma_wait3A_1195 : memref<1x200x128xf32, #tpu.memory_space<vmem>> -> memref<200x128xf32, #tpu.memory_space<vmem>>
      tpu.wait_dma2 semaphore(%dma_wait3A_1188 : memref<!tpu.dma_semaphore, #tpu.memory_space<semaphore_mem>>) src(%dma_wait3A_1196 : memref<200x128xf32, #tpu.memory_space<vmem>>) dst(%dma_wait3A_1192 : memref<200x128xf32, #tpu.memory_space<hbm>>)
      %dma_wait3A_1197 = arith.constant 2 : i32
      %dma_wait3A_1198 = arith.constant 2 : i32
      %dma_wait3A_1199 = arith.constant 0 : i32
      %dma_wait3A_1200 = tpu.memref_slice %arg7[%dma_wait3A_1197, %dma_wait3A_1199] : memref<4x200xi32, #tpu.memory_space<vmem>> -> memref<1x200xi32, #tpu.memory_space<vmem>>
      %dma_wait3A_1201 = tpu.memref_squeeze %dma_wait3A_1200 : memref<1x200xi32, #tpu.memory_space<vmem>> -> memref<200xi32, #tpu.memory_space<vmem>>
      %dma_wait3A_1202 = arith.constant 0 : i32
      %dma_wait3A_1203 = tpu.memref_slice %arg3[%mul3A_2, %dma_wait3A_1202] : memref<4096x200xi32, #tpu.memory_space<hbm>> -> memref<1x200xi32, #tpu.memory_space<hbm>>
      %dma_wait3A_1204 = tpu.memref_squeeze %dma_wait3A_1203 : memref<1x200xi32, #tpu.memory_space<hbm>> -> memref<200xi32, #tpu.memory_space<hbm>>
      %dma_wait3A_1205 = tpu.memref_slice %arg9[%dma_wait3A_1198] : memref<4x!tpu.dma_semaphore, #tpu.memory_space<semaphore_mem>> -> memref<1x!tpu.dma_semaphore, #tpu.memory_space<semaphore_mem>>
      %dma_wait3A_1206 = tpu.memref_squeeze %dma_wait3A_1205 : memref<1x!tpu.dma_semaphore, #tpu.memory_space<semaphore_mem>> -> memref<!tpu.dma_semaphore, #tpu.memory_space<semaphore_mem>>
      %dma_wait3A_1207 = arith.constant 0 : i32
      %dma_wait3A_1208 = tpu.memref_slice %arg7[%dma_wait3A_1197, %dma_wait3A_1207] : memref<4x200xi32, #tpu.memory_space<vmem>> -> memref<1x200xi32, #tpu.memory_space<vmem>>
      %dma_wait3A_1209 = tpu.memref_squeeze %dma_wait3A_1208 : memref<1x200xi32, #tpu.memory_space<vmem>> -> memref<200xi32, #tpu.memory_space<vmem>>
      %dma_wait3A_1210 = arith.constant 0 : i32
      %dma_wait3A_1211 = tpu.memref_slice %arg3[%mul3A_2, %dma_wait3A_1210] : memref<4096x200xi32, #tpu.memory_space<hbm>> -> memref<1x200xi32, #tpu.memory_space<hbm>>
      %dma_wait3A_1212 = tpu.memref_squeeze %dma_wait3A_1211 : memref<1x200xi32, #tpu.memory_space<hbm>> -> memref<200xi32, #tpu.memory_space<hbm>>
      tpu.wait_dma2 semaphore(%dma_wait3A_1206 : memref<!tpu.dma_semaphore, #tpu.memory_space<semaphore_mem>>) src(%dma_wait3A_1212 : memref<200xi32, #tpu.memory_space<hbm>>) dst(%dma_wait3A_1209 : memref<200xi32, #tpu.memory_space<vmem>>)
      %dma_start3A_1213 = arith.constant 2 : i32
      %dma_start3A_1214 = arith.constant 2 : i32
      %dma_start3A_1215 = arith.constant 2 : i32
      %dma_start3A_1216 = arith.constant 0 : i32
      %dma_start3A_1217 = arith.constant 0 : i32
      %dma_start3A_1218 = tpu.memref_slice %arg8[%dma_start3A_1214, %dma_start3A_1216, %dma_start3A_1217] : memref<4x200x128xf32, #tpu.memory_space<vmem>> -> memref<1x128x128xf32, #tpu.memory_space<vmem>>
      %dma_start3A_1219 = tpu.memref_squeeze %dma_start3A_1218 : memref<1x128x128xf32, #tpu.memory_space<vmem>> -> memref<128x128xf32, #tpu.memory_space<vmem>>
      %dma_start3A_1220 = arith.constant 0 : i32
      %dma_start3A_1221 = tpu.memref_slice %arg7[%dma_start3A_1213, %dma_start3A_1220] : memref<4x200xi32, #tpu.memory_space<vmem>> -> memref<1x128xi32, #tpu.memory_space<vmem>>
      %dma_start3A_1222 = tpu.memref_squeeze %dma_start3A_1221 : memref<1x128xi32, #tpu.memory_space<vmem>> -> memref<128xi32, #tpu.memory_space<vmem>>
      %dma_start3A_1223 = arith.constant 0 : i32
      %dma_start3A_1224 = arith.constant 0 : i32
      %dma_start3A_1225 = tpu.memref_slice %arg2[%dma_start3A_1223, %dma_start3A_1224] : memref<100000x128xf32, #tpu.memory_space<hbm>> -> memref<100000x128xf32, #tpu.memory_space<hbm>>
      %dma_start3A_1226 = tpu.memref_slice %arg10[%dma_start3A_1215] : memref<4x!tpu.dma_semaphore, #tpu.memory_space<semaphore_mem>> -> memref<1x!tpu.dma_semaphore, #tpu.memory_space<semaphore_mem>>
      %dma_start3A_1227 = tpu.memref_squeeze %dma_start3A_1226 : memref<1x!tpu.dma_semaphore, #tpu.memory_space<semaphore_mem>> -> memref<!tpu.dma_semaphore, #tpu.memory_space<semaphore_mem>>
      tpu.enqueue_indirect_dma source(%dma_start3A_1225 : memref<100000x128xf32, #tpu.memory_space<hbm>>) target(%dma_start3A_1219 : memref<128x128xf32, #tpu.memory_space<vmem>>) offsets(%dma_start3A_1222 : memref<128xi32, #tpu.memory_space<vmem>>) semaphore(%dma_start3A_1227 : memref<!tpu.dma_semaphore, #tpu.memory_space<semaphore_mem>>)
      %dma_start3A_1228 = arith.constant 2 : i32
      %dma_start3A_1229 = arith.constant 2 : i32
      %dma_start3A_1230 = arith.constant 2 : i32
      %dma_start3A_1231 = arith.constant 128 : i32
      %dma_start3A_1232 = arith.constant 0 : i32
      %dma_start3A_1233 = tpu.memref_slice %arg8[%dma_start3A_1229, %dma_start3A_1231, %dma_start3A_1232] : memref<4x200x128xf32, #tpu.memory_space<vmem>> -> memref<1x72x128xf32, #tpu.memory_space<vmem>>
      %dma_start3A_1234 = tpu.memref_squeeze %dma_start3A_1233 : memref<1x72x128xf32, #tpu.memory_space<vmem>> -> memref<72x128xf32, #tpu.memory_space<vmem>>
      %dma_start3A_1235 = arith.constant 128 : i32
      %dma_start3A_1236 = tpu.memref_slice %arg7[%dma_start3A_1228, %dma_start3A_1235] : memref<4x200xi32, #tpu.memory_space<vmem>> -> memref<1x72xi32, #tpu.memory_space<vmem>>
      %dma_start3A_1237 = tpu.memref_squeeze %dma_start3A_1236 : memref<1x72xi32, #tpu.memory_space<vmem>> -> memref<72xi32, #tpu.memory_space<vmem>>
      %dma_start3A_1238 = arith.constant 0 : i32
      %dma_start3A_1239 = arith.constant 0 : i32
      %dma_start3A_1240 = tpu.memref_slice %arg2[%dma_start3A_1238, %dma_start3A_1239] : memref<100000x128xf32, #tpu.memory_space<hbm>> -> memref<100000x128xf32, #tpu.memory_space<hbm>>
      %dma_start3A_1241 = tpu.memref_slice %arg10[%dma_start3A_1230] : memref<4x!tpu.dma_semaphore, #tpu.memory_space<semaphore_mem>> -> memref<1x!tpu.dma_semaphore, #tpu.memory_space<semaphore_mem>>
      %dma_start3A_1242 = tpu.memref_squeeze %dma_start3A_1241 : memref<1x!tpu.dma_semaphore, #tpu.memory_space<semaphore_mem>> -> memref<!tpu.dma_semaphore, #tpu.memory_space<semaphore_mem>>
      tpu.enqueue_indirect_dma source(%dma_start3A_1240 : memref<100000x128xf32, #tpu.memory_space<hbm>>) target(%dma_start3A_1234 : memref<72x128xf32, #tpu.memory_space<vmem>>) offsets(%dma_start3A_1237 : memref<72xi32, #tpu.memory_space<vmem>>) semaphore(%dma_start3A_1242 : memref<!tpu.dma_semaphore, #tpu.memory_space<semaphore_mem>>)
      %add3A_1243 = arith.constant 4 : i32
      %add3A_1244 = arith.addi %add3A_1122, %add3A_1243 : i32
      %add3A_1245 = arith.addi %mul3A_2, %add3A_1244 : i32
      %dma_start3A_1246 = arith.constant 0 : i32
      %dma_start3A_1247 = arith.constant 0 : i32
      %dma_start3A_1248 = arith.constant 0 : i32
      %dma_start3A_1249 = tpu.memref_slice %arg7[%dma_start3A_1246, %dma_start3A_1248] : memref<4x200xi32, #tpu.memory_space<vmem>> -> memref<1x200xi32, #tpu.memory_space<vmem>>
      %dma_start3A_1250 = tpu.memref_squeeze %dma_start3A_1249 : memref<1x200xi32, #tpu.memory_space<vmem>> -> memref<200xi32, #tpu.memory_space<vmem>>
      %dma_start3A_1251 = arith.constant 0 : i32
      %dma_start3A_1252 = tpu.memref_slice %arg3[%add3A_1245, %dma_start3A_1251] : memref<4096x200xi32, #tpu.memory_space<hbm>> -> memref<1x200xi32, #tpu.memory_space<hbm>>
      %dma_start3A_1253 = tpu.memref_squeeze %dma_start3A_1252 : memref<1x200xi32, #tpu.memory_space<hbm>> -> memref<200xi32, #tpu.memory_space<hbm>>
      %dma_start3A_1254 = tpu.memref_slice %arg9[%dma_start3A_1247] : memref<4x!tpu.dma_semaphore, #tpu.memory_space<semaphore_mem>> -> memref<1x!tpu.dma_semaphore, #tpu.memory_space<semaphore_mem>>
      %dma_start3A_1255 = tpu.memref_squeeze %dma_start3A_1254 : memref<1x!tpu.dma_semaphore, #tpu.memory_space<semaphore_mem>> -> memref<!tpu.dma_semaphore, #tpu.memory_space<semaphore_mem>>
      %dma_start3A_1256 = arith.constant 0 : i32
      %dma_start3A_1257 = tpu.memref_slice %arg7[%dma_start3A_1246, %dma_start3A_1256] : memref<4x200xi32, #tpu.memory_space<vmem>> -> memref<1x200xi32, #tpu.memory_space<vmem>>
      %dma_start3A_1258 = tpu.memref_squeeze %dma_start3A_1257 : memref<1x200xi32, #tpu.memory_space<vmem>> -> memref<200xi32, #tpu.memory_space<vmem>>
      %dma_start3A_1259 = arith.constant 0 : i32
      %dma_start3A_1260 = tpu.memref_slice %arg3[%add3A_1245, %dma_start3A_1259] : memref<4096x200xi32, #tpu.memory_space<hbm>> -> memref<1x200xi32, #tpu.memory_space<hbm>>
      %dma_start3A_1261 = tpu.memref_squeeze %dma_start3A_1260 : memref<1x200xi32, #tpu.memory_space<hbm>> -> memref<200xi32, #tpu.memory_space<hbm>>
      tpu.enqueue_dma source(%dma_start3A_1261 : memref<200xi32, #tpu.memory_space<hbm>>) target(%dma_start3A_1258 : memref<200xi32, #tpu.memory_space<vmem>>) target_semaphore(%dma_start3A_1255 : memref<!tpu.dma_semaphore, #tpu.memory_space<semaphore_mem>>)
      %add3A_1262 = arith.constant 1 : i32
      %add3A_1263 = arith.addi %add3A_1120, %add3A_1262 : i32
      %dma_wait3A_1264 = arith.constant 1 : i32
      %dma_wait3A_1265 = arith.constant 1 : i32
      %dma_wait3A_1266 = arith.constant 1 : i32
      %dma_wait3A_1267 = arith.constant 0 : i32
      %dma_wait3A_1268 = arith.constant 0 : i32
      %dma_wait3A_1269 = tpu.memref_slice %arg8[%dma_wait3A_1265, %dma_wait3A_1267, %dma_wait3A_1268] : memref<4x200x128xf32, #tpu.memory_space<vmem>> -> memref<1x128x128xf32, #tpu.memory_space<vmem>>
      %dma_wait3A_1270 = tpu.memref_squeeze %dma_wait3A_1269 : memref<1x128x128xf32, #tpu.memory_space<vmem>> -> memref<128x128xf32, #tpu.memory_space<vmem>>
      %dma_wait3A_1271 = arith.constant 0 : i32
      %dma_wait3A_1272 = tpu.memref_slice %arg7[%dma_wait3A_1264, %dma_wait3A_1271] : memref<4x200xi32, #tpu.memory_space<vmem>> -> memref<1x128xi32, #tpu.memory_space<vmem>>
      %dma_wait3A_1273 = tpu.memref_squeeze %dma_wait3A_1272 : memref<1x128xi32, #tpu.memory_space<vmem>> -> memref<128xi32, #tpu.memory_space<vmem>>
      %dma_wait3A_1274 = arith.constant 0 : i32
      %dma_wait3A_1275 = arith.constant 0 : i32
      %dma_wait3A_1276 = tpu.memref_slice %arg2[%dma_wait3A_1274, %dma_wait3A_1275] : memref<100000x128xf32, #tpu.memory_space<hbm>> -> memref<100000x128xf32, #tpu.memory_space<hbm>>
      %dma_wait3A_1277 = tpu.memref_slice %arg10[%dma_wait3A_1266] : memref<4x!tpu.dma_semaphore, #tpu.memory_space<semaphore_mem>> -> memref<1x!tpu.dma_semaphore, #tpu.memory_space<semaphore_mem>>
      %dma_wait3A_1278 = tpu.memref_squeeze %dma_wait3A_1277 : memref<1x!tpu.dma_semaphore, #tpu.memory_space<semaphore_mem>> -> memref<!tpu.dma_semaphore, #tpu.memory_space<semaphore_mem>>
      tpu.wait_indirect_dma semaphore(%dma_wait3A_1278 : memref<!tpu.dma_semaphore, #tpu.memory_space<semaphore_mem>>) src(%dma_wait3A_1276 : memref<100000x128xf32, #tpu.memory_space<hbm>>) dst(%dma_wait3A_1270 : memref<128x128xf32, #tpu.memory_space<vmem>>)
      %dma_wait3A_1279 = arith.constant 1 : i32
      %dma_wait3A_1280 = arith.constant 1 : i32
      %dma_wait3A_1281 = arith.constant 1 : i32
      %dma_wait3A_1282 = arith.constant 128 : i32
      %dma_wait3A_1283 = arith.constant 0 : i32
      %dma_wait3A_1284 = tpu.memref_slice %arg8[%dma_wait3A_1280, %dma_wait3A_1282, %dma_wait3A_1283] : memref<4x200x128xf32, #tpu.memory_space<vmem>> -> memref<1x72x128xf32, #tpu.memory_space<vmem>>
      %dma_wait3A_1285 = tpu.memref_squeeze %dma_wait3A_1284 : memref<1x72x128xf32, #tpu.memory_space<vmem>> -> memref<72x128xf32, #tpu.memory_space<vmem>>
      %dma_wait3A_1286 = arith.constant 128 : i32
      %dma_wait3A_1287 = tpu.memref_slice %arg7[%dma_wait3A_1279, %dma_wait3A_1286] : memref<4x200xi32, #tpu.memory_space<vmem>> -> memref<1x72xi32, #tpu.memory_space<vmem>>
      %dma_wait3A_1288 = tpu.memref_squeeze %dma_wait3A_1287 : memref<1x72xi32, #tpu.memory_space<vmem>> -> memref<72xi32, #tpu.memory_space<vmem>>
      %dma_wait3A_1289 = arith.constant 0 : i32
      %dma_wait3A_1290 = arith.constant 0 : i32
      %dma_wait3A_1291 = tpu.memref_slice %arg2[%dma_wait3A_1289, %dma_wait3A_1290] : memref<100000x128xf32, #tpu.memory_space<hbm>> -> memref<100000x128xf32, #tpu.memory_space<hbm>>
      %dma_wait3A_1292 = tpu.memref_slice %arg10[%dma_wait3A_1281] : memref<4x!tpu.dma_semaphore, #tpu.memory_space<semaphore_mem>> -> memref<1x!tpu.dma_semaphore, #tpu.memory_space<semaphore_mem>>
      %dma_wait3A_1293 = tpu.memref_squeeze %dma_wait3A_1292 : memref<1x!tpu.dma_semaphore, #tpu.memory_space<semaphore_mem>> -> memref<!tpu.dma_semaphore, #tpu.memory_space<semaphore_mem>>
      tpu.wait_indirect_dma semaphore(%dma_wait3A_1293 : memref<!tpu.dma_semaphore, #tpu.memory_space<semaphore_mem>>) src(%dma_wait3A_1291 : memref<100000x128xf32, #tpu.memory_space<hbm>>) dst(%dma_wait3A_1285 : memref<72x128xf32, #tpu.memory_space<vmem>>)
      %parallel_loop3A_1294 = arith.constant 0 : i32
      %parallel_loop3A_1295 = arith.constant 200 : i32
      %parallel_loop3A_1296 = arith.constant 1 : i32
      scf.for %parallel_loop3A_1685 = %parallel_loop3A_1294 to %parallel_loop3A_1295 step %parallel_loop3A_1296  : i32 {
        %parallel_loop3A_1686 = arith.index_cast %parallel_loop3A_1685 : i32 to index
        %parallel_loop3A_1687 = arith.constant 0 : index
        %parallel_loop3A_1688 = tpu.vector_load %arg6[%parallel_loop3A_1686, %parallel_loop3A_1687] {strides = array<i32>} : memref<200x128xf32, #tpu.memory_space<vmem>>, vector<1x16xf32>,
        %parallel_loop3A_1689 = vector.shape_cast %parallel_loop3A_1688 : vector<1x16xf32> to vector<16xf32>
        %parallel_loop3A_1690 = arith.constant 1 : i32
        %parallel_loop3A_1691 = arith.index_cast %parallel_loop3A_1690 : i32 to index
        %parallel_loop3A_1692 = arith.index_cast %parallel_loop3A_1685 : i32 to index
        %parallel_loop3A_1693 = arith.constant 0 : index
        %parallel_loop3A_1694 = tpu.vector_load %arg8[%parallel_loop3A_1691, %parallel_loop3A_1692, %parallel_loop3A_1693] {strides = array<i32>} : memref<4x200x128xf32, #tpu.memory_space<vmem>>, vector<1x1x16xf32>,
        %parallel_loop3A_1695 = vector.shape_cast %parallel_loop3A_1694 : vector<1x1x16xf32> to vector<16xf32>
        %parallel_loop3A_1696 = vector.shape_cast %parallel_loop3A_1689 : vector<16xf32> to vector<1x1x16xf32>
        tpu.vector_store %arg8[%parallel_loop3A_1691, %parallel_loop3A_1692, %parallel_loop3A_1693], %parallel_loop3A_1696 {add = true, strides = array<i32>} : memref<4x200x128xf32, #tpu.memory_space<vmem>>, vector<1x1x16xf32>,
        %parallel_loop3A_1697 = arith.index_cast %parallel_loop3A_1685 : i32 to index
        %parallel_loop3A_1698 = arith.constant 16 : index
        %parallel_loop3A_1699 = tpu.vector_load %arg6[%parallel_loop3A_1697, %parallel_loop3A_1698] {strides = array<i32>} : memref<200x128xf32, #tpu.memory_space<vmem>>, vector<1x16xf32>,
        %parallel_loop3A_1700 = vector.shape_cast %parallel_loop3A_1699 : vector<1x16xf32> to vector<16xf32>
        %parallel_loop3A_1701 = arith.constant 1 : i32
        %parallel_loop3A_1702 = arith.index_cast %parallel_loop3A_1701 : i32 to index
        %parallel_loop3A_1703 = arith.index_cast %parallel_loop3A_1685 : i32 to index
        %parallel_loop3A_1704 = arith.constant 16 : index
        %parallel_loop3A_1705 = tpu.vector_load %arg8[%parallel_loop3A_1702, %parallel_loop3A_1703, %parallel_loop3A_1704] {strides = array<i32>} : memref<4x200x128xf32, #tpu.memory_space<vmem>>, vector<1x1x16xf32>,
        %parallel_loop3A_1706 = vector.shape_cast %parallel_loop3A_1705 : vector<1x1x16xf32> to vector<16xf32>
        %parallel_loop3A_1707 = vector.shape_cast %parallel_loop3A_1700 : vector<16xf32> to vector<1x1x16xf32>
        tpu.vector_store %arg8[%parallel_loop3A_1702, %parallel_loop3A_1703, %parallel_loop3A_1704], %parallel_loop3A_1707 {add = true, strides = array<i32>} : memref<4x200x128xf32, #tpu.memory_space<vmem>>, vector<1x1x16xf32>,
        %parallel_loop3A_1708 = arith.index_cast %parallel_loop3A_1685 : i32 to index
        %parallel_loop3A_1709 = arith.constant 32 : index
        %parallel_loop3A_1710 = tpu.vector_load %arg6[%parallel_loop3A_1708, %parallel_loop3A_1709] {strides = array<i32>} : memref<200x128xf32, #tpu.memory_space<vmem>>, vector<1x16xf32>,
        %parallel_loop3A_1711 = vector.shape_cast %parallel_loop3A_1710 : vector<1x16xf32> to vector<16xf32>
        %parallel_loop3A_1712 = arith.constant 1 : i32
        %parallel_loop3A_1713 = arith.index_cast %parallel_loop3A_1712 : i32 to index
        %parallel_loop3A_1714 = arith.index_cast %parallel_loop3A_1685 : i32 to index
        %parallel_loop3A_1715 = arith.constant 32 : index
        %parallel_loop3A_1716 = tpu.vector_load %arg8[%parallel_loop3A_1713, %parallel_loop3A_1714, %parallel_loop3A_1715] {strides = array<i32>} : memref<4x200x128xf32, #tpu.memory_space<vmem>>, vector<1x1x16xf32>,
        %parallel_loop3A_1717 = vector.shape_cast %parallel_loop3A_1716 : vector<1x1x16xf32> to vector<16xf32>
        %parallel_loop3A_1718 = vector.shape_cast %parallel_loop3A_1711 : vector<16xf32> to vector<1x1x16xf32>
        tpu.vector_store %arg8[%parallel_loop3A_1713, %parallel_loop3A_1714, %parallel_loop3A_1715], %parallel_loop3A_1718 {add = true, strides = array<i32>} : memref<4x200x128xf32, #tpu.memory_space<vmem>>, vector<1x1x16xf32>,
        %parallel_loop3A_1719 = arith.index_cast %parallel_loop3A_1685 : i32 to index
        %parallel_loop3A_1720 = arith.constant 48 : index
        %parallel_loop3A_1721 = tpu.vector_load %arg6[%parallel_loop3A_1719, %parallel_loop3A_1720] {strides = array<i32>} : memref<200x128xf32, #tpu.memory_space<vmem>>, vector<1x16xf32>,
        %parallel_loop3A_1722 = vector.shape_cast %parallel_loop3A_1721 : vector<1x16xf32> to vector<16xf32>
        %parallel_loop3A_1723 = arith.constant 1 : i32
        %parallel_loop3A_1724 = arith.index_cast %parallel_loop3A_1723 : i32 to index
        %parallel_loop3A_1725 = arith.index_cast %parallel_loop3A_1685 : i32 to index
        %parallel_loop3A_1726 = arith.constant 48 : index
        %parallel_loop3A_1727 = tpu.vector_load %arg8[%parallel_loop3A_1724, %parallel_loop3A_1725, %parallel_loop3A_1726] {strides = array<i32>} : memref<4x200x128xf32, #tpu.memory_space<vmem>>, vector<1x1x16xf32>,
        %parallel_loop3A_1728 = vector.shape_cast %parallel_loop3A_1727 : vector<1x1x16xf32> to vector<16xf32>
        %parallel_loop3A_1729 = vector.shape_cast %parallel_loop3A_1722 : vector<16xf32> to vector<1x1x16xf32>
        tpu.vector_store %arg8[%parallel_loop3A_1724, %parallel_loop3A_1725, %parallel_loop3A_1726], %parallel_loop3A_1729 {add = true, strides = array<i32>} : memref<4x200x128xf32, #tpu.memory_space<vmem>>, vector<1x1x16xf32>,
        %parallel_loop3A_1730 = arith.index_cast %parallel_loop3A_1685 : i32 to index
        %parallel_loop3A_1731 = arith.constant 64 : index
        %parallel_loop3A_1732 = tpu.vector_load %arg6[%parallel_loop3A_1730, %parallel_loop3A_1731] {strides = array<i32>} : memref<200x128xf32, #tpu.memory_space<vmem>>, vector<1x16xf32>,
        %parallel_loop3A_1733 = vector.shape_cast %parallel_loop3A_1732 : vector<1x16xf32> to vector<16xf32>
        %parallel_loop3A_1734 = arith.constant 1 : i32
        %parallel_loop3A_1735 = arith.index_cast %parallel_loop3A_1734 : i32 to index
        %parallel_loop3A_1736 = arith.index_cast %parallel_loop3A_1685 : i32 to index
        %parallel_loop3A_1737 = arith.constant 64 : index
        %parallel_loop3A_1738 = tpu.vector_load %arg8[%parallel_loop3A_1735, %parallel_loop3A_1736, %parallel_loop3A_1737] {strides = array<i32>} : memref<4x200x128xf32, #tpu.memory_space<vmem>>, vector<1x1x16xf32>,
        %parallel_loop3A_1739 = vector.shape_cast %parallel_loop3A_1738 : vector<1x1x16xf32> to vector<16xf32>
        %parallel_loop3A_1740 = vector.shape_cast %parallel_loop3A_1733 : vector<16xf32> to vector<1x1x16xf32>
        tpu.vector_store %arg8[%parallel_loop3A_1735, %parallel_loop3A_1736, %parallel_loop3A_1737], %parallel_loop3A_1740 {add = true, strides = array<i32>} : memref<4x200x128xf32, #tpu.memory_space<vmem>>, vector<1x1x16xf32>,
        %parallel_loop3A_1741 = arith.index_cast %parallel_loop3A_1685 : i32 to index
        %parallel_loop3A_1742 = arith.constant 80 : index
        %parallel_loop3A_1743 = tpu.vector_load %arg6[%parallel_loop3A_1741, %parallel_loop3A_1742] {strides = array<i32>} : memref<200x128xf32, #tpu.memory_space<vmem>>, vector<1x16xf32>,
        %parallel_loop3A_1744 = vector.shape_cast %parallel_loop3A_1743 : vector<1x16xf32> to vector<16xf32>
        %parallel_loop3A_1745 = arith.constant 1 : i32
        %parallel_loop3A_1746 = arith.index_cast %parallel_loop3A_1745 : i32 to index
        %parallel_loop3A_1747 = arith.index_cast %parallel_loop3A_1685 : i32 to index
        %parallel_loop3A_1748 = arith.constant 80 : index
        %parallel_loop3A_1749 = tpu.vector_load %arg8[%parallel_loop3A_1746, %parallel_loop3A_1747, %parallel_loop3A_1748] {strides = array<i32>} : memref<4x200x128xf32, #tpu.memory_space<vmem>>, vector<1x1x16xf32>,
        %parallel_loop3A_1750 = vector.shape_cast %parallel_loop3A_1749 : vector<1x1x16xf32> to vector<16xf32>
        %parallel_loop3A_1751 = vector.shape_cast %parallel_loop3A_1744 : vector<16xf32> to vector<1x1x16xf32>
        tpu.vector_store %arg8[%parallel_loop3A_1746, %parallel_loop3A_1747, %parallel_loop3A_1748], %parallel_loop3A_1751 {add = true, strides = array<i32>} : memref<4x200x128xf32, #tpu.memory_space<vmem>>, vector<1x1x16xf32>,
        %parallel_loop3A_1752 = arith.index_cast %parallel_loop3A_1685 : i32 to index
        %parallel_loop3A_1753 = arith.constant 96 : index
        %parallel_loop3A_1754 = tpu.vector_load %arg6[%parallel_loop3A_1752, %parallel_loop3A_1753] {strides = array<i32>} : memref<200x128xf32, #tpu.memory_space<vmem>>, vector<1x16xf32>,
        %parallel_loop3A_1755 = vector.shape_cast %parallel_loop3A_1754 : vector<1x16xf32> to vector<16xf32>
        %parallel_loop3A_1756 = arith.constant 1 : i32
        %parallel_loop3A_1757 = arith.index_cast %parallel_loop3A_1756 : i32 to index
        %parallel_loop3A_1758 = arith.index_cast %parallel_loop3A_1685 : i32 to index
        %parallel_loop3A_1759 = arith.constant 96 : index
        %parallel_loop3A_1760 = tpu.vector_load %arg8[%parallel_loop3A_1757, %parallel_loop3A_1758, %parallel_loop3A_1759] {strides = array<i32>} : memref<4x200x128xf32, #tpu.memory_space<vmem>>, vector<1x1x16xf32>,
        %parallel_loop3A_1761 = vector.shape_cast %parallel_loop3A_1760 : vector<1x1x16xf32> to vector<16xf32>
        %parallel_loop3A_1762 = vector.shape_cast %parallel_loop3A_1755 : vector<16xf32> to vector<1x1x16xf32>
        tpu.vector_store %arg8[%parallel_loop3A_1757, %parallel_loop3A_1758, %parallel_loop3A_1759], %parallel_loop3A_1762 {add = true, strides = array<i32>} : memref<4x200x128xf32, #tpu.memory_space<vmem>>, vector<1x1x16xf32>,
        %parallel_loop3A_1763 = arith.index_cast %parallel_loop3A_1685 : i32 to index
        %parallel_loop3A_1764 = arith.constant 112 : index
        %parallel_loop3A_1765 = tpu.vector_load %arg6[%parallel_loop3A_1763, %parallel_loop3A_1764] {strides = array<i32>} : memref<200x128xf32, #tpu.memory_space<vmem>>, vector<1x16xf32>,
        %parallel_loop3A_1766 = vector.shape_cast %parallel_loop3A_1765 : vector<1x16xf32> to vector<16xf32>
        %parallel_loop3A_1767 = arith.constant 1 : i32
        %parallel_loop3A_1768 = arith.index_cast %parallel_loop3A_1767 : i32 to index
        %parallel_loop3A_1769 = arith.index_cast %parallel_loop3A_1685 : i32 to index
        %parallel_loop3A_1770 = arith.constant 112 : index
        %parallel_loop3A_1771 = tpu.vector_load %arg8[%parallel_loop3A_1768, %parallel_loop3A_1769, %parallel_loop3A_1770] {strides = array<i32>} : memref<4x200x128xf32, #tpu.memory_space<vmem>>, vector<1x1x16xf32>,
        %parallel_loop3A_1772 = vector.shape_cast %parallel_loop3A_1771 : vector<1x1x16xf32> to vector<16xf32>
        %parallel_loop3A_1773 = vector.shape_cast %parallel_loop3A_1766 : vector<16xf32> to vector<1x1x16xf32>
        tpu.vector_store %arg8[%parallel_loop3A_1768, %parallel_loop3A_1769, %parallel_loop3A_1770], %parallel_loop3A_1773 {add = true, strides = array<i32>} : memref<4x200x128xf32, #tpu.memory_space<vmem>>, vector<1x1x16xf32>,
      } {sc.loop_unroll_factor = 4 : i64, sc.parallel_access}
      %add3A_1297 = arith.addi %mul3A_2, %add3A_1263 : i32
      %dma_start3A_1298 = arith.constant 1 : i32
      %dma_start3A_1299 = arith.constant 1 : i32
      %dma_start3A_1300 = arith.constant 0 : i32
      %dma_start3A_1301 = arith.constant 0 : i32
      %dma_start3A_1302 = tpu.memref_slice %arg8[%dma_start3A_1298, %dma_start3A_1300, %dma_start3A_1301] : memref<4x200x128xf32, #tpu.memory_space<vmem>> -> memref<1x200x128xf32, #tpu.memory_space<vmem>>
      %dma_start3A_1303 = tpu.memref_squeeze %dma_start3A_1302 : memref<1x200x128xf32, #tpu.memory_space<vmem>> -> memref<200x128xf32, #tpu.memory_space<vmem>>
      %dma_start3A_1304 = arith.constant 0 : i32
      %dma_start3A_1305 = arith.constant 0 : i32
      %dma_start3A_1306 = tpu.memref_slice %arg5[%add3A_1297, %dma_start3A_1304, %dma_start3A_1305] : memref<4096x200x128xf32, #tpu.memory_space<hbm>> -> memref<1x200x128xf32, #tpu.memory_space<hbm>>
      %dma_start3A_1307 = tpu.memref_squeeze %dma_start3A_1306 : memref<1x200x128xf32, #tpu.memory_space<hbm>> -> memref<200x128xf32, #tpu.memory_space<hbm>>
      %dma_start3A_1308 = tpu.memref_slice %arg11[%dma_start3A_1299] : memref<4x!tpu.dma_semaphore, #tpu.memory_space<semaphore_mem>> -> memref<1x!tpu.dma_semaphore, #tpu.memory_space<semaphore_mem>>
      %dma_start3A_1309 = tpu.memref_squeeze %dma_start3A_1308 : memref<1x!tpu.dma_semaphore, #tpu.memory_space<semaphore_mem>> -> memref<!tpu.dma_semaphore, #tpu.memory_space<semaphore_mem>>
      %dma_start3A_1310 = arith.constant 0 : i32
      %dma_start3A_1311 = arith.constant 0 : i32
      %dma_start3A_1312 = tpu.memref_slice %arg5[%add3A_1297, %dma_start3A_1310, %dma_start3A_1311] : memref<4096x200x128xf32, #tpu.memory_space<hbm>> -> memref<1x200x128xf32, #tpu.memory_space<hbm>>
      %dma_start3A_1313 = tpu.memref_squeeze %dma_start3A_1312 : memref<1x200x128xf32, #tpu.memory_space<hbm>> -> memref<200x128xf32, #tpu.memory_space<hbm>>
      %dma_start3A_1314 = arith.constant 0 : i32
      %dma_start3A_1315 = arith.constant 0 : i32
      %dma_start3A_1316 = tpu.memref_slice %arg8[%dma_start3A_1298, %dma_start3A_1314, %dma_start3A_1315] : memref<4x200x128xf32, #tpu.memory_space<vmem>> -> memref<1x200x128xf32, #tpu.memory_space<vmem>>
      %dma_start3A_1317 = tpu.memref_squeeze %dma_start3A_1316 : memref<1x200x128xf32, #tpu.memory_space<vmem>> -> memref<200x128xf32, #tpu.memory_space<vmem>>
      tpu.enqueue_dma source(%dma_start3A_1317 : memref<200x128xf32, #tpu.memory_space<vmem>>) target(%dma_start3A_1313 : memref<200x128xf32, #tpu.memory_space<hbm>>) target_semaphore(%dma_start3A_1309 : memref<!tpu.dma_semaphore, #tpu.memory_space<semaphore_mem>>)
      %dma_wait3A_1318 = arith.constant 3 : i32
      %dma_wait3A_1319 = arith.constant 3 : i32
      %dma_wait3A_1320 = arith.constant 0 : i32
      %dma_wait3A_1321 = arith.constant 0 : i32
      %dma_wait3A_1322 = tpu.memref_slice %arg8[%dma_wait3A_1318, %dma_wait3A_1320, %dma_wait3A_1321] : memref<4x200x128xf32, #tpu.memory_space<vmem>> -> memref<1x200x128xf32, #tpu.memory_space<vmem>>
      %dma_wait3A_1323 = tpu.memref_squeeze %dma_wait3A_1322 : memref<1x200x128xf32, #tpu.memory_space<vmem>> -> memref<200x128xf32, #tpu.memory_space<vmem>>
      %dma_wait3A_1324 = arith.constant 0 : i32
      %dma_wait3A_1325 = arith.constant 0 : i32
      %dma_wait3A_1326 = tpu.memref_slice %arg5[%mul3A_2, %dma_wait3A_1324, %dma_wait3A_1325] : memref<4096x200x128xf32, #tpu.memory_space<hbm>> -> memref<1x200x128xf32, #tpu.memory_space<hbm>>
      %dma_wait3A_1327 = tpu.memref_squeeze %dma_wait3A_1326 : memref<1x200x128xf32, #tpu.memory_space<hbm>> -> memref<200x128xf32, #tpu.memory_space<hbm>>
      %dma_wait3A_1328 = tpu.memref_slice %arg11[%dma_wait3A_1319] : memref<4x!tpu.dma_semaphore, #tpu.memory_space<semaphore_mem>> -> memref<1x!tpu.dma_semaphore, #tpu.memory_space<semaphore_mem>>
      %dma_wait3A_1329 = tpu.memref_squeeze %dma_wait3A_1328 : memref<1x!tpu.dma_semaphore, #tpu.memory_space<semaphore_mem>> -> memref<!tpu.dma_semaphore, #tpu.memory_space<semaphore_mem>>
      %dma_wait3A_1330 = arith.constant 0 : i32
      %dma_wait3A_1331 = arith.constant 0 : i32
      %dma_wait3A_1332 = tpu.memref_slice %arg5[%mul3A_2, %dma_wait3A_1330, %dma_wait3A_1331] : memref<4096x200x128xf32, #tpu.memory_space<hbm>> -> memref<1x200x128xf32, #tpu.memory_space<hbm>>
      %dma_wait3A_1333 = tpu.memref_squeeze %dma_wait3A_1332 : memref<1x200x128xf32, #tpu.memory_space<hbm>> -> memref<200x128xf32, #tpu.memory_space<hbm>>
      %dma_wait3A_1334 = arith.constant 0 : i32
      %dma_wait3A_1335 = arith.constant 0 : i32
      %dma_wait3A_1336 = tpu.memref_slice %arg8[%dma_wait3A_1318, %dma_wait3A_1334, %dma_wait3A_1335] : memref<4x200x128xf32, #tpu.memory_space<vmem>> -> memref<1x200x128xf32, #tpu.memory_space<vmem>>
      %dma_wait3A_1337 = tpu.memref_squeeze %dma_wait3A_1336 : memref<1x200x128xf32, #tpu.memory_space<vmem>> -> memref<200x128xf32, #tpu.memory_space<vmem>>
      tpu.wait_dma2 semaphore(%dma_wait3A_1329 : memref<!tpu.dma_semaphore, #tpu.memory_space<semaphore_mem>>) src(%dma_wait3A_1337 : memref<200x128xf32, #tpu.memory_space<vmem>>) dst(%dma_wait3A_1333 : memref<200x128xf32, #tpu.memory_space<hbm>>)
      %dma_wait3A_1338 = arith.constant 3 : i32
      %dma_wait3A_1339 = arith.constant 3 : i32
      %dma_wait3A_1340 = arith.constant 0 : i32
      %dma_wait3A_1341 = tpu.memref_slice %arg7[%dma_wait3A_1338, %dma_wait3A_1340] : memref<4x200xi32, #tpu.memory_space<vmem>> -> memref<1x200xi32, #tpu.memory_space<vmem>>
      %dma_wait3A_1342 = tpu.memref_squeeze %dma_wait3A_1341 : memref<1x200xi32, #tpu.memory_space<vmem>> -> memref<200xi32, #tpu.memory_space<vmem>>
      %dma_wait3A_1343 = arith.constant 0 : i32
      %dma_wait3A_1344 = tpu.memref_slice %arg3[%mul3A_2, %dma_wait3A_1343] : memref<4096x200xi32, #tpu.memory_space<hbm>> -> memref<1x200xi32, #tpu.memory_space<hbm>>
      %dma_wait3A_1345 = tpu.memref_squeeze %dma_wait3A_1344 : memref<1x200xi32, #tpu.memory_space<hbm>> -> memref<200xi32, #tpu.memory_space<hbm>>
      %dma_wait3A_1346 = tpu.memref_slice %arg9[%dma_wait3A_1339] : memref<4x!tpu.dma_semaphore, #tpu.memory_space<semaphore_mem>> -> memref<1x!tpu.dma_semaphore, #tpu.memory_space<semaphore_mem>>
      %dma_wait3A_1347 = tpu.memref_squeeze %dma_wait3A_1346 : memref<1x!tpu.dma_semaphore, #tpu.memory_space<semaphore_mem>> -> memref<!tpu.dma_semaphore, #tpu.memory_space<semaphore_mem>>
      %dma_wait3A_1348 = arith.constant 0 : i32
      %dma_wait3A_1349 = tpu.memref_slice %arg7[%dma_wait3A_1338, %dma_wait3A_1348] : memref<4x200xi32, #tpu.memory_space<vmem>> -> memref<1x200xi32, #tpu.memory_space<vmem>>
      %dma_wait3A_1350 = tpu.memref_squeeze %dma_wait3A_1349 : memref<1x200xi32, #tpu.memory_space<vmem>> -> memref<200xi32, #tpu.memory_space<vmem>>
      %dma_wait3A_1351 = arith.constant 0 : i32
      %dma_wait3A_1352 = tpu.memref_slice %arg3[%mul3A_2, %dma_wait3A_1351] : memref<4096x200xi32, #tpu.memory_space<hbm>> -> memref<1x200xi32, #tpu.memory_space<hbm>>
      %dma_wait3A_1353 = tpu.memref_squeeze %dma_wait3A_1352 : memref<1x200xi32, #tpu.memory_space<hbm>> -> memref<200xi32, #tpu.memory_space<hbm>>
      tpu.wait_dma2 semaphore(%dma_wait3A_1347 : memref<!tpu.dma_semaphore, #tpu.memory_space<semaphore_mem>>) src(%dma_wait3A_1353 : memref<200xi32, #tpu.memory_space<hbm>>) dst(%dma_wait3A_1350 : memref<200xi32, #tpu.memory_space<vmem>>)
      %dma_start3A_1354 = arith.constant 3 : i32
      %dma_start3A_1355 = arith.constant 3 : i32
      %dma_start3A_1356 = arith.constant 3 : i32
      %dma_start3A_1357 = arith.constant 0 : i32
      %dma_start3A_1358 = arith.constant 0 : i32
      %dma_start3A_1359 = tpu.memref_slice %arg8[%dma_start3A_1355, %dma_start3A_1357, %dma_start3A_1358] : memref<4x200x128xf32, #tpu.memory_space<vmem>> -> memref<1x128x128xf32, #tpu.memory_space<vmem>>
      %dma_start3A_1360 = tpu.memref_squeeze %dma_start3A_1359 : memref<1x128x128xf32, #tpu.memory_space<vmem>> -> memref<128x128xf32, #tpu.memory_space<vmem>>
      %dma_start3A_1361 = arith.constant 0 : i32
      %dma_start3A_1362 = tpu.memref_slice %arg7[%dma_start3A_1354, %dma_start3A_1361] : memref<4x200xi32, #tpu.memory_space<vmem>> -> memref<1x128xi32, #tpu.memory_space<vmem>>
      %dma_start3A_1363 = tpu.memref_squeeze %dma_start3A_1362 : memref<1x128xi32, #tpu.memory_space<vmem>> -> memref<128xi32, #tpu.memory_space<vmem>>
      %dma_start3A_1364 = arith.constant 0 : i32
      %dma_start3A_1365 = arith.constant 0 : i32
      %dma_start3A_1366 = tpu.memref_slice %arg2[%dma_start3A_1364, %dma_start3A_1365] : memref<100000x128xf32, #tpu.memory_space<hbm>> -> memref<100000x128xf32, #tpu.memory_space<hbm>>
      %dma_start3A_1367 = tpu.memref_slice %arg10[%dma_start3A_1356] : memref<4x!tpu.dma_semaphore, #tpu.memory_space<semaphore_mem>> -> memref<1x!tpu.dma_semaphore, #tpu.memory_space<semaphore_mem>>
      %dma_start3A_1368 = tpu.memref_squeeze %dma_start3A_1367 : memref<1x!tpu.dma_semaphore, #tpu.memory_space<semaphore_mem>> -> memref<!tpu.dma_semaphore, #tpu.memory_space<semaphore_mem>>
      tpu.enqueue_indirect_dma source(%dma_start3A_1366 : memref<100000x128xf32, #tpu.memory_space<hbm>>) target(%dma_start3A_1360 : memref<128x128xf32, #tpu.memory_space<vmem>>) offsets(%dma_start3A_1363 : memref<128xi32, #tpu.memory_space<vmem>>) semaphore(%dma_start3A_1368 : memref<!tpu.dma_semaphore, #tpu.memory_space<semaphore_mem>>)
      %dma_start3A_1369 = arith.constant 3 : i32
      %dma_start3A_1370 = arith.constant 3 : i32
      %dma_start3A_1371 = arith.constant 3 : i32
      %dma_start3A_1372 = arith.constant 128 : i32
      %dma_start3A_1373 = arith.constant 0 : i32
      %dma_start3A_1374 = tpu.memref_slice %arg8[%dma_start3A_1370, %dma_start3A_1372, %dma_start3A_1373] : memref<4x200x128xf32, #tpu.memory_space<vmem>> -> memref<1x72x128xf32, #tpu.memory_space<vmem>>
      %dma_start3A_1375 = tpu.memref_squeeze %dma_start3A_1374 : memref<1x72x128xf32, #tpu.memory_space<vmem>> -> memref<72x128xf32, #tpu.memory_space<vmem>>
      %dma_start3A_1376 = arith.constant 128 : i32
      %dma_start3A_1377 = tpu.memref_slice %arg7[%dma_start3A_1369, %dma_start3A_1376] : memref<4x200xi32, #tpu.memory_space<vmem>> -> memref<1x72xi32, #tpu.memory_space<vmem>>
      %dma_start3A_1378 = tpu.memref_squeeze %dma_start3A_1377 : memref<1x72xi32, #tpu.memory_space<vmem>> -> memref<72xi32, #tpu.memory_space<vmem>>
      %dma_start3A_1379 = arith.constant 0 : i32
      %dma_start3A_1380 = arith.constant 0 : i32
      %dma_start3A_1381 = tpu.memref_slice %arg2[%dma_start3A_1379, %dma_start3A_1380] : memref<100000x128xf32, #tpu.memory_space<hbm>> -> memref<100000x128xf32, #tpu.memory_space<hbm>>
      %dma_start3A_1382 = tpu.memref_slice %arg10[%dma_start3A_1371] : memref<4x!tpu.dma_semaphore, #tpu.memory_space<semaphore_mem>> -> memref<1x!tpu.dma_semaphore, #tpu.memory_space<semaphore_mem>>
      %dma_start3A_1383 = tpu.memref_squeeze %dma_start3A_1382 : memref<1x!tpu.dma_semaphore, #tpu.memory_space<semaphore_mem>> -> memref<!tpu.dma_semaphore, #tpu.memory_space<semaphore_mem>>
      tpu.enqueue_indirect_dma source(%dma_start3A_1381 : memref<100000x128xf32, #tpu.memory_space<hbm>>) target(%dma_start3A_1375 : memref<72x128xf32, #tpu.memory_space<vmem>>) offsets(%dma_start3A_1378 : memref<72xi32, #tpu.memory_space<vmem>>) semaphore(%dma_start3A_1383 : memref<!tpu.dma_semaphore, #tpu.memory_space<semaphore_mem>>)
      %add3A_1384 = arith.constant 4 : i32
      %add3A_1385 = arith.addi %add3A_1263, %add3A_1384 : i32
      %add3A_1386 = arith.addi %mul3A_2, %add3A_1385 : i32
      %dma_start3A_1387 = arith.constant 1 : i32
      %dma_start3A_1388 = arith.constant 1 : i32
      %dma_start3A_1389 = arith.constant 0 : i32
      %dma_start3A_1390 = tpu.memref_slice %arg7[%dma_start3A_1387, %dma_start3A_1389] : memref<4x200xi32, #tpu.memory_space<vmem>> -> memref<1x200xi32, #tpu.memory_space<vmem>>
      %dma_start3A_1391 = tpu.memref_squeeze %dma_start3A_1390 : memref<1x200xi32, #tpu.memory_space<vmem>> -> memref<200xi32, #tpu.memory_space<vmem>>
      %dma_start3A_1392 = arith.constant 0 : i32
      %dma_start3A_1393 = tpu.memref_slice %arg3[%add3A_1386, %dma_start3A_1392] : memref<4096x200xi32, #tpu.memory_space<hbm>> -> memref<1x200xi32, #tpu.memory_space<hbm>>
      %dma_start3A_1394 = tpu.memref_squeeze %dma_start3A_1393 : memref<1x200xi32, #tpu.memory_space<hbm>> -> memref<200xi32, #tpu.memory_space<hbm>>
      %dma_start3A_1395 = tpu.memref_slice %arg9[%dma_start3A_1388] : memref<4x!tpu.dma_semaphore, #tpu.memory_space<semaphore_mem>> -> memref<1x!tpu.dma_semaphore, #tpu.memory_space<semaphore_mem>>
      %dma_start3A_1396 = tpu.memref_squeeze %dma_start3A_1395 : memref<1x!tpu.dma_semaphore, #tpu.memory_space<semaphore_mem>> -> memref<!tpu.dma_semaphore, #tpu.memory_space<semaphore_mem>>
      %dma_start3A_1397 = arith.constant 0 : i32
      %dma_start3A_1398 = tpu.memref_slice %arg7[%dma_start3A_1387, %dma_start3A_1397] : memref<4x200xi32, #tpu.memory_space<vmem>> -> memref<1x200xi32, #tpu.memory_space<vmem>>
      %dma_start3A_1399 = tpu.memref_squeeze %dma_start3A_1398 : memref<1x200xi32, #tpu.memory_space<vmem>> -> memref<200xi32, #tpu.memory_space<vmem>>
      %dma_start3A_1400 = arith.constant 0 : i32
      %dma_start3A_1401 = tpu.memref_slice %arg3[%add3A_1386, %dma_start3A_1400] : memref<4096x200xi32, #tpu.memory_space<hbm>> -> memref<1x200xi32, #tpu.memory_space<hbm>>
      %dma_start3A_1402 = tpu.memref_squeeze %dma_start3A_1401 : memref<1x200xi32, #tpu.memory_space<hbm>> -> memref<200xi32, #tpu.memory_space<hbm>>
      tpu.enqueue_dma source(%dma_start3A_1402 : memref<200xi32, #tpu.memory_space<hbm>>) target(%dma_start3A_1399 : memref<200xi32, #tpu.memory_space<vmem>>) target_semaphore(%dma_start3A_1396 : memref<!tpu.dma_semaphore, #tpu.memory_space<semaphore_mem>>)
      %add3A_1403 = arith.constant 2 : i32
      %add3A_1404 = arith.addi %add3A_1120, %add3A_1403 : i32
      %dma_wait3A_1405 = arith.constant 2 : i32
      %dma_wait3A_1406 = arith.constant 2 : i32
      %dma_wait3A_1407 = arith.constant 2 : i32
      %dma_wait3A_1408 = arith.constant 0 : i32
      %dma_wait3A_1409 = arith.constant 0 : i32
      %dma_wait3A_1410 = tpu.memref_slice %arg8[%dma_wait3A_1406, %dma_wait3A_1408, %dma_wait3A_1409] : memref<4x200x128xf32, #tpu.memory_space<vmem>> -> memref<1x128x128xf32, #tpu.memory_space<vmem>>
      %dma_wait3A_1411 = tpu.memref_squeeze %dma_wait3A_1410 : memref<1x128x128xf32, #tpu.memory_space<vmem>> -> memref<128x128xf32, #tpu.memory_space<vmem>>
      %dma_wait3A_1412 = arith.constant 0 : i32
      %dma_wait3A_1413 = tpu.memref_slice %arg7[%dma_wait3A_1405, %dma_wait3A_1412] : memref<4x200xi32, #tpu.memory_space<vmem>> -> memref<1x128xi32, #tpu.memory_space<vmem>>
      %dma_wait3A_1414 = tpu.memref_squeeze %dma_wait3A_1413 : memref<1x128xi32, #tpu.memory_space<vmem>> -> memref<128xi32, #tpu.memory_space<vmem>>
      %dma_wait3A_1415 = arith.constant 0 : i32
      %dma_wait3A_1416 = arith.constant 0 : i32
      %dma_wait3A_1417 = tpu.memref_slice %arg2[%dma_wait3A_1415, %dma_wait3A_1416] : memref<100000x128xf32, #tpu.memory_space<hbm>> -> memref<100000x128xf32, #tpu.memory_space<hbm>>
      %dma_wait3A_1418 = tpu.memref_slice %arg10[%dma_wait3A_1407] : memref<4x!tpu.dma_semaphore, #tpu.memory_space<semaphore_mem>> -> memref<1x!tpu.dma_semaphore, #tpu.memory_space<semaphore_mem>>
      %dma_wait3A_1419 = tpu.memref_squeeze %dma_wait3A_1418 : memref<1x!tpu.dma_semaphore, #tpu.memory_space<semaphore_mem>> -> memref<!tpu.dma_semaphore, #tpu.memory_space<semaphore_mem>>
      tpu.wait_indirect_dma semaphore(%dma_wait3A_1419 : memref<!tpu.dma_semaphore, #tpu.memory_space<semaphore_mem>>) src(%dma_wait3A_1417 : memref<100000x128xf32, #tpu.memory_space<hbm>>) dst(%dma_wait3A_1411 : memref<128x128xf32, #tpu.memory_space<vmem>>)
      %dma_wait3A_1420 = arith.constant 2 : i32
      %dma_wait3A_1421 = arith.constant 2 : i32
      %dma_wait3A_1422 = arith.constant 2 : i32
      %dma_wait3A_1423 = arith.constant 128 : i32
      %dma_wait3A_1424 = arith.constant 0 : i32
      %dma_wait3A_1425 = tpu.memref_slice %arg8[%dma_wait3A_1421, %dma_wait3A_1423, %dma_wait3A_1424] : memref<4x200x128xf32, #tpu.memory_space<vmem>> -> memref<1x72x128xf32, #tpu.memory_space<vmem>>
      %dma_wait3A_1426 = tpu.memref_squeeze %dma_wait3A_1425 : memref<1x72x128xf32, #tpu.memory_space<vmem>> -> memref<72x128xf32, #tpu.memory_space<vmem>>
      %dma_wait3A_1427 = arith.constant 128 : i32
      %dma_wait3A_1428 = tpu.memref_slice %arg7[%dma_wait3A_1420, %dma_wait3A_1427] : memref<4x200xi32, #tpu.memory_space<vmem>> -> memref<1x72xi32, #tpu.memory_space<vmem>>
      %dma_wait3A_1429 = tpu.memref_squeeze %dma_wait3A_1428 : memref<1x72xi32, #tpu.memory_space<vmem>> -> memref<72xi32, #tpu.memory_space<vmem>>
      %dma_wait3A_1430 = arith.constant 0 : i32
      %dma_wait3A_1431 = arith.constant 0 : i32
      %dma_wait3A_1432 = tpu.memref_slice %arg2[%dma_wait3A_1430, %dma_wait3A_1431] : memref<100000x128xf32, #tpu.memory_space<hbm>> -> memref<100000x128xf32, #tpu.memory_space<hbm>>
      %dma_wait3A_1433 = tpu.memref_slice %arg10[%dma_wait3A_1422] : memref<4x!tpu.dma_semaphore, #tpu.memory_space<semaphore_mem>> -> memref<1x!tpu.dma_semaphore, #tpu.memory_space<semaphore_mem>>
      %dma_wait3A_1434 = tpu.memref_squeeze %dma_wait3A_1433 : memref<1x!tpu.dma_semaphore, #tpu.memory_space<semaphore_mem>> -> memref<!tpu.dma_semaphore, #tpu.memory_space<semaphore_mem>>
      tpu.wait_indirect_dma semaphore(%dma_wait3A_1434 : memref<!tpu.dma_semaphore, #tpu.memory_space<semaphore_mem>>) src(%dma_wait3A_1432 : memref<100000x128xf32, #tpu.memory_space<hbm>>) dst(%dma_wait3A_1426 : memref<72x128xf32, #tpu.memory_space<vmem>>)
      %parallel_loop3A_1435 = arith.constant 0 : i32
      %parallel_loop3A_1436 = arith.constant 200 : i32
      %parallel_loop3A_1437 = arith.constant 1 : i32
      scf.for %parallel_loop3A_1685 = %parallel_loop3A_1435 to %parallel_loop3A_1436 step %parallel_loop3A_1437  : i32 {
        %parallel_loop3A_1686 = arith.index_cast %parallel_loop3A_1685 : i32 to index
        %parallel_loop3A_1687 = arith.constant 0 : index
        %parallel_loop3A_1688 = tpu.vector_load %arg6[%parallel_loop3A_1686, %parallel_loop3A_1687] {strides = array<i32>} : memref<200x128xf32, #tpu.memory_space<vmem>>, vector<1x16xf32>,
        %parallel_loop3A_1689 = vector.shape_cast %parallel_loop3A_1688 : vector<1x16xf32> to vector<16xf32>
        %parallel_loop3A_1690 = arith.constant 2 : i32
        %parallel_loop3A_1691 = arith.index_cast %parallel_loop3A_1690 : i32 to index
        %parallel_loop3A_1692 = arith.index_cast %parallel_loop3A_1685 : i32 to index
        %parallel_loop3A_1693 = arith.constant 0 : index
        %parallel_loop3A_1694 = tpu.vector_load %arg8[%parallel_loop3A_1691, %parallel_loop3A_1692, %parallel_loop3A_1693] {strides = array<i32>} : memref<4x200x128xf32, #tpu.memory_space<vmem>>, vector<1x1x16xf32>,
        %parallel_loop3A_1695 = vector.shape_cast %parallel_loop3A_1694 : vector<1x1x16xf32> to vector<16xf32>
        %parallel_loop3A_1696 = vector.shape_cast %parallel_loop3A_1689 : vector<16xf32> to vector<1x1x16xf32>
        tpu.vector_store %arg8[%parallel_loop3A_1691, %parallel_loop3A_1692, %parallel_loop3A_1693], %parallel_loop3A_1696 {add = true, strides = array<i32>} : memref<4x200x128xf32, #tpu.memory_space<vmem>>, vector<1x1x16xf32>,
        %parallel_loop3A_1697 = arith.index_cast %parallel_loop3A_1685 : i32 to index
        %parallel_loop3A_1698 = arith.constant 16 : index
        %parallel_loop3A_1699 = tpu.vector_load %arg6[%parallel_loop3A_1697, %parallel_loop3A_1698] {strides = array<i32>} : memref<200x128xf32, #tpu.memory_space<vmem>>, vector<1x16xf32>,
        %parallel_loop3A_1700 = vector.shape_cast %parallel_loop3A_1699 : vector<1x16xf32> to vector<16xf32>
        %parallel_loop3A_1701 = arith.constant 2 : i32
        %parallel_loop3A_1702 = arith.index_cast %parallel_loop3A_1701 : i32 to index
        %parallel_loop3A_1703 = arith.index_cast %parallel_loop3A_1685 : i32 to index
        %parallel_loop3A_1704 = arith.constant 16 : index
        %parallel_loop3A_1705 = tpu.vector_load %arg8[%parallel_loop3A_1702, %parallel_loop3A_1703, %parallel_loop3A_1704] {strides = array<i32>} : memref<4x200x128xf32, #tpu.memory_space<vmem>>, vector<1x1x16xf32>,
        %parallel_loop3A_1706 = vector.shape_cast %parallel_loop3A_1705 : vector<1x1x16xf32> to vector<16xf32>
        %parallel_loop3A_1707 = vector.shape_cast %parallel_loop3A_1700 : vector<16xf32> to vector<1x1x16xf32>
        tpu.vector_store %arg8[%parallel_loop3A_1702, %parallel_loop3A_1703, %parallel_loop3A_1704], %parallel_loop3A_1707 {add = true, strides = array<i32>} : memref<4x200x128xf32, #tpu.memory_space<vmem>>, vector<1x1x16xf32>,
        %parallel_loop3A_1708 = arith.index_cast %parallel_loop3A_1685 : i32 to index
        %parallel_loop3A_1709 = arith.constant 32 : index
        %parallel_loop3A_1710 = tpu.vector_load %arg6[%parallel_loop3A_1708, %parallel_loop3A_1709] {strides = array<i32>} : memref<200x128xf32, #tpu.memory_space<vmem>>, vector<1x16xf32>,
        %parallel_loop3A_1711 = vector.shape_cast %parallel_loop3A_1710 : vector<1x16xf32> to vector<16xf32>
        %parallel_loop3A_1712 = arith.constant 2 : i32
        %parallel_loop3A_1713 = arith.index_cast %parallel_loop3A_1712 : i32 to index
        %parallel_loop3A_1714 = arith.index_cast %parallel_loop3A_1685 : i32 to index
        %parallel_loop3A_1715 = arith.constant 32 : index
        %parallel_loop3A_1716 = tpu.vector_load %arg8[%parallel_loop3A_1713, %parallel_loop3A_1714, %parallel_loop3A_1715] {strides = array<i32>} : memref<4x200x128xf32, #tpu.memory_space<vmem>>, vector<1x1x16xf32>,
        %parallel_loop3A_1717 = vector.shape_cast %parallel_loop3A_1716 : vector<1x1x16xf32> to vector<16xf32>
        %parallel_loop3A_1718 = vector.shape_cast %parallel_loop3A_1711 : vector<16xf32> to vector<1x1x16xf32>
        tpu.vector_store %arg8[%parallel_loop3A_1713, %parallel_loop3A_1714, %parallel_loop3A_1715], %parallel_loop3A_1718 {add = true, strides = array<i32>} : memref<4x200x128xf32, #tpu.memory_space<vmem>>, vector<1x1x16xf32>,
        %parallel_loop3A_1719 = arith.index_cast %parallel_loop3A_1685 : i32 to index
        %parallel_loop3A_1720 = arith.constant 48 : index
        %parallel_loop3A_1721 = tpu.vector_load %arg6[%parallel_loop3A_1719, %parallel_loop3A_1720] {strides = array<i32>} : memref<200x128xf32, #tpu.memory_space<vmem>>, vector<1x16xf32>,
        %parallel_loop3A_1722 = vector.shape_cast %parallel_loop3A_1721 : vector<1x16xf32> to vector<16xf32>
        %parallel_loop3A_1723 = arith.constant 2 : i32
        %parallel_loop3A_1724 = arith.index_cast %parallel_loop3A_1723 : i32 to index
        %parallel_loop3A_1725 = arith.index_cast %parallel_loop3A_1685 : i32 to index
        %parallel_loop3A_1726 = arith.constant 48 : index
        %parallel_loop3A_1727 = tpu.vector_load %arg8[%parallel_loop3A_1724, %parallel_loop3A_1725, %parallel_loop3A_1726] {strides = array<i32>} : memref<4x200x128xf32, #tpu.memory_space<vmem>>, vector<1x1x16xf32>,
        %parallel_loop3A_1728 = vector.shape_cast %parallel_loop3A_1727 : vector<1x1x16xf32> to vector<16xf32>
        %parallel_loop3A_1729 = vector.shape_cast %parallel_loop3A_1722 : vector<16xf32> to vector<1x1x16xf32>
        tpu.vector_store %arg8[%parallel_loop3A_1724, %parallel_loop3A_1725, %parallel_loop3A_1726], %parallel_loop3A_1729 {add = true, strides = array<i32>} : memref<4x200x128xf32, #tpu.memory_space<vmem>>, vector<1x1x16xf32>,
        %parallel_loop3A_1730 = arith.index_cast %parallel_loop3A_1685 : i32 to index
        %parallel_loop3A_1731 = arith.constant 64 : index
        %parallel_loop3A_1732 = tpu.vector_load %arg6[%parallel_loop3A_1730, %parallel_loop3A_1731] {strides = array<i32>} : memref<200x128xf32, #tpu.memory_space<vmem>>, vector<1x16xf32>,
        %parallel_loop3A_1733 = vector.shape_cast %parallel_loop3A_1732 : vector<1x16xf32> to vector<16xf32>
        %parallel_loop3A_1734 = arith.constant 2 : i32
        %parallel_loop3A_1735 = arith.index_cast %parallel_loop3A_1734 : i32 to index
        %parallel_loop3A_1736 = arith.index_cast %parallel_loop3A_1685 : i32 to index
        %parallel_loop3A_1737 = arith.constant 64 : index
        %parallel_loop3A_1738 = tpu.vector_load %arg8[%parallel_loop3A_1735, %parallel_loop3A_1736, %parallel_loop3A_1737] {strides = array<i32>} : memref<4x200x128xf32, #tpu.memory_space<vmem>>, vector<1x1x16xf32>,
        %parallel_loop3A_1739 = vector.shape_cast %parallel_loop3A_1738 : vector<1x1x16xf32> to vector<16xf32>
        %parallel_loop3A_1740 = vector.shape_cast %parallel_loop3A_1733 : vector<16xf32> to vector<1x1x16xf32>
        tpu.vector_store %arg8[%parallel_loop3A_1735, %parallel_loop3A_1736, %parallel_loop3A_1737], %parallel_loop3A_1740 {add = true, strides = array<i32>} : memref<4x200x128xf32, #tpu.memory_space<vmem>>, vector<1x1x16xf32>,
        %parallel_loop3A_1741 = arith.index_cast %parallel_loop3A_1685 : i32 to index
        %parallel_loop3A_1742 = arith.constant 80 : index
        %parallel_loop3A_1743 = tpu.vector_load %arg6[%parallel_loop3A_1741, %parallel_loop3A_1742] {strides = array<i32>} : memref<200x128xf32, #tpu.memory_space<vmem>>, vector<1x16xf32>,
        %parallel_loop3A_1744 = vector.shape_cast %parallel_loop3A_1743 : vector<1x16xf32> to vector<16xf32>
        %parallel_loop3A_1745 = arith.constant 2 : i32
        %parallel_loop3A_1746 = arith.index_cast %parallel_loop3A_1745 : i32 to index
        %parallel_loop3A_1747 = arith.index_cast %parallel_loop3A_1685 : i32 to index
        %parallel_loop3A_1748 = arith.constant 80 : index
        %parallel_loop3A_1749 = tpu.vector_load %arg8[%parallel_loop3A_1746, %parallel_loop3A_1747, %parallel_loop3A_1748] {strides = array<i32>} : memref<4x200x128xf32, #tpu.memory_space<vmem>>, vector<1x1x16xf32>,
        %parallel_loop3A_1750 = vector.shape_cast %parallel_loop3A_1749 : vector<1x1x16xf32> to vector<16xf32>
        %parallel_loop3A_1751 = vector.shape_cast %parallel_loop3A_1744 : vector<16xf32> to vector<1x1x16xf32>
        tpu.vector_store %arg8[%parallel_loop3A_1746, %parallel_loop3A_1747, %parallel_loop3A_1748], %parallel_loop3A_1751 {add = true, strides = array<i32>} : memref<4x200x128xf32, #tpu.memory_space<vmem>>, vector<1x1x16xf32>,
        %parallel_loop3A_1752 = arith.index_cast %parallel_loop3A_1685 : i32 to index
        %parallel_loop3A_1753 = arith.constant 96 : index
        %parallel_loop3A_1754 = tpu.vector_load %arg6[%parallel_loop3A_1752, %parallel_loop3A_1753] {strides = array<i32>} : memref<200x128xf32, #tpu.memory_space<vmem>>, vector<1x16xf32>,
        %parallel_loop3A_1755 = vector.shape_cast %parallel_loop3A_1754 : vector<1x16xf32> to vector<16xf32>
        %parallel_loop3A_1756 = arith.constant 2 : i32
        %parallel_loop3A_1757 = arith.index_cast %parallel_loop3A_1756 : i32 to index
        %parallel_loop3A_1758 = arith.index_cast %parallel_loop3A_1685 : i32 to index
        %parallel_loop3A_1759 = arith.constant 96 : index
        %parallel_loop3A_1760 = tpu.vector_load %arg8[%parallel_loop3A_1757, %parallel_loop3A_1758, %parallel_loop3A_1759] {strides = array<i32>} : memref<4x200x128xf32, #tpu.memory_space<vmem>>, vector<1x1x16xf32>,
        %parallel_loop3A_1761 = vector.shape_cast %parallel_loop3A_1760 : vector<1x1x16xf32> to vector<16xf32>
        %parallel_loop3A_1762 = vector.shape_cast %parallel_loop3A_1755 : vector<16xf32> to vector<1x1x16xf32>
        tpu.vector_store %arg8[%parallel_loop3A_1757, %parallel_loop3A_1758, %parallel_loop3A_1759], %parallel_loop3A_1762 {add = true, strides = array<i32>} : memref<4x200x128xf32, #tpu.memory_space<vmem>>, vector<1x1x16xf32>,
        %parallel_loop3A_1763 = arith.index_cast %parallel_loop3A_1685 : i32 to index
        %parallel_loop3A_1764 = arith.constant 112 : index
        %parallel_loop3A_1765 = tpu.vector_load %arg6[%parallel_loop3A_1763, %parallel_loop3A_1764] {strides = array<i32>} : memref<200x128xf32, #tpu.memory_space<vmem>>, vector<1x16xf32>,
        %parallel_loop3A_1766 = vector.shape_cast %parallel_loop3A_1765 : vector<1x16xf32> to vector<16xf32>
        %parallel_loop3A_1767 = arith.constant 2 : i32
        %parallel_loop3A_1768 = arith.index_cast %parallel_loop3A_1767 : i32 to index
        %parallel_loop3A_1769 = arith.index_cast %parallel_loop3A_1685 : i32 to index
        %parallel_loop3A_1770 = arith.constant 112 : index
        %parallel_loop3A_1771 = tpu.vector_load %arg8[%parallel_loop3A_1768, %parallel_loop3A_1769, %parallel_loop3A_1770] {strides = array<i32>} : memref<4x200x128xf32, #tpu.memory_space<vmem>>, vector<1x1x16xf32>,
        %parallel_loop3A_1772 = vector.shape_cast %parallel_loop3A_1771 : vector<1x1x16xf32> to vector<16xf32>
        %parallel_loop3A_1773 = vector.shape_cast %parallel_loop3A_1766 : vector<16xf32> to vector<1x1x16xf32>
        tpu.vector_store %arg8[%parallel_loop3A_1768, %parallel_loop3A_1769, %parallel_loop3A_1770], %parallel_loop3A_1773 {add = true, strides = array<i32>} : memref<4x200x128xf32, #tpu.memory_space<vmem>>, vector<1x1x16xf32>,
      } {sc.loop_unroll_factor = 4 : i64, sc.parallel_access}
      %add3A_1438 = arith.addi %mul3A_2, %add3A_1404 : i32
      %dma_start3A_1439 = arith.constant 2 : i32
      %dma_start3A_1440 = arith.constant 2 : i32
      %dma_start3A_1441 = arith.constant 0 : i32
      %dma_start3A_1442 = arith.constant 0 : i32
      %dma_start3A_1443 = tpu.memref_slice %arg8[%dma_start3A_1439, %dma_start3A_1441, %dma_start3A_1442] : memref<4x200x128xf32, #tpu.memory_space<vmem>> -> memref<1x200x128xf32, #tpu.memory_space<vmem>>
      %dma_start3A_1444 = tpu.memref_squeeze %dma_start3A_1443 : memref<1x200x128xf32, #tpu.memory_space<vmem>> -> memref<200x128xf32, #tpu.memory_space<vmem>>
      %dma_start3A_1445 = arith.constant 0 : i32
      %dma_start3A_1446 = arith.constant 0 : i32
      %dma_start3A_1447 = tpu.memref_slice %arg5[%add3A_1438, %dma_start3A_1445, %dma_start3A_1446] : memref<4096x200x128xf32, #tpu.memory_space<hbm>> -> memref<1x200x128xf32, #tpu.memory_space<hbm>>
      %dma_start3A_1448 = tpu.memref_squeeze %dma_start3A_1447 : memref<1x200x128xf32, #tpu.memory_space<hbm>> -> memref<200x128xf32, #tpu.memory_space<hbm>>
      %dma_start3A_1449 = tpu.memref_slice %arg11[%dma_start3A_1440] : memref<4x!tpu.dma_semaphore, #tpu.memory_space<semaphore_mem>> -> memref<1x!tpu.dma_semaphore, #tpu.memory_space<semaphore_mem>>
      %dma_start3A_1450 = tpu.memref_squeeze %dma_start3A_1449 : memref<1x!tpu.dma_semaphore, #tpu.memory_space<semaphore_mem>> -> memref<!tpu.dma_semaphore, #tpu.memory_space<semaphore_mem>>
      %dma_start3A_1451 = arith.constant 0 : i32
      %dma_start3A_1452 = arith.constant 0 : i32
      %dma_start3A_1453 = tpu.memref_slice %arg5[%add3A_1438, %dma_start3A_1451, %dma_start3A_1452] : memref<4096x200x128xf32, #tpu.memory_space<hbm>> -> memref<1x200x128xf32, #tpu.memory_space<hbm>>
      %dma_start3A_1454 = tpu.memref_squeeze %dma_start3A_1453 : memref<1x200x128xf32, #tpu.memory_space<hbm>> -> memref<200x128xf32, #tpu.memory_space<hbm>>
      %dma_start3A_1455 = arith.constant 0 : i32
      %dma_start3A_1456 = arith.constant 0 : i32
      %dma_start3A_1457 = tpu.memref_slice %arg8[%dma_start3A_1439, %dma_start3A_1455, %dma_start3A_1456] : memref<4x200x128xf32, #tpu.memory_space<vmem>> -> memref<1x200x128xf32, #tpu.memory_space<vmem>>
      %dma_start3A_1458 = tpu.memref_squeeze %dma_start3A_1457 : memref<1x200x128xf32, #tpu.memory_space<vmem>> -> memref<200x128xf32, #tpu.memory_space<vmem>>
      tpu.enqueue_dma source(%dma_start3A_1458 : memref<200x128xf32, #tpu.memory_space<vmem>>) target(%dma_start3A_1454 : memref<200x128xf32, #tpu.memory_space<hbm>>) target_semaphore(%dma_start3A_1450 : memref<!tpu.dma_semaphore, #tpu.memory_space<semaphore_mem>>)
      %dma_wait3A_1459 = arith.constant 0 : i32
      %dma_wait3A_1460 = arith.constant 0 : i32
      %dma_wait3A_1461 = arith.constant 0 : i32
      %dma_wait3A_1462 = arith.constant 0 : i32
      %dma_wait3A_1463 = tpu.memref_slice %arg8[%dma_wait3A_1459, %dma_wait3A_1461, %dma_wait3A_1462] : memref<4x200x128xf32, #tpu.memory_space<vmem>> -> memref<1x200x128xf32, #tpu.memory_space<vmem>>
      %dma_wait3A_1464 = tpu.memref_squeeze %dma_wait3A_1463 : memref<1x200x128xf32, #tpu.memory_space<vmem>> -> memref<200x128xf32, #tpu.memory_space<vmem>>
      %dma_wait3A_1465 = arith.constant 0 : i32
      %dma_wait3A_1466 = arith.constant 0 : i32
      %dma_wait3A_1467 = tpu.memref_slice %arg5[%mul3A_2, %dma_wait3A_1465, %dma_wait3A_1466] : memref<4096x200x128xf32, #tpu.memory_space<hbm>> -> memref<1x200x128xf32, #tpu.memory_space<hbm>>
      %dma_wait3A_1468 = tpu.memref_squeeze %dma_wait3A_1467 : memref<1x200x128xf32, #tpu.memory_space<hbm>> -> memref<200x128xf32, #tpu.memory_space<hbm>>
      %dma_wait3A_1469 = tpu.memref_slice %arg11[%dma_wait3A_1460] : memref<4x!tpu.dma_semaphore, #tpu.memory_space<semaphore_mem>> -> memref<1x!tpu.dma_semaphore, #tpu.memory_space<semaphore_mem>>
      %dma_wait3A_1470 = tpu.memref_squeeze %dma_wait3A_1469 : memref<1x!tpu.dma_semaphore, #tpu.memory_space<semaphore_mem>> -> memref<!tpu.dma_semaphore, #tpu.memory_space<semaphore_mem>>
      %dma_wait3A_1471 = arith.constant 0 : i32
      %dma_wait3A_1472 = arith.constant 0 : i32
      %dma_wait3A_1473 = tpu.memref_slice %arg5[%mul3A_2, %dma_wait3A_1471, %dma_wait3A_1472] : memref<4096x200x128xf32, #tpu.memory_space<hbm>> -> memref<1x200x128xf32, #tpu.memory_space<hbm>>
      %dma_wait3A_1474 = tpu.memref_squeeze %dma_wait3A_1473 : memref<1x200x128xf32, #tpu.memory_space<hbm>> -> memref<200x128xf32, #tpu.memory_space<hbm>>
      %dma_wait3A_1475 = arith.constant 0 : i32
      %dma_wait3A_1476 = arith.constant 0 : i32
      %dma_wait3A_1477 = tpu.memref_slice %arg8[%dma_wait3A_1459, %dma_wait3A_1475, %dma_wait3A_1476] : memref<4x200x128xf32, #tpu.memory_space<vmem>> -> memref<1x200x128xf32, #tpu.memory_space<vmem>>
      %dma_wait3A_1478 = tpu.memref_squeeze %dma_wait3A_1477 : memref<1x200x128xf32, #tpu.memory_space<vmem>> -> memref<200x128xf32, #tpu.memory_space<vmem>>
      tpu.wait_dma2 semaphore(%dma_wait3A_1470 : memref<!tpu.dma_semaphore, #tpu.memory_space<semaphore_mem>>) src(%dma_wait3A_1478 : memref<200x128xf32, #tpu.memory_space<vmem>>) dst(%dma_wait3A_1474 : memref<200x128xf32, #tpu.memory_space<hbm>>)
      %dma_wait3A_1479 = arith.constant 0 : i32
      %dma_wait3A_1480 = arith.constant 0 : i32
      %dma_wait3A_1481 = arith.constant 0 : i32
      %dma_wait3A_1482 = tpu.memref_slice %arg7[%dma_wait3A_1479, %dma_wait3A_1481] : memref<4x200xi32, #tpu.memory_space<vmem>> -> memref<1x200xi32, #tpu.memory_space<vmem>>
      %dma_wait3A_1483 = tpu.memref_squeeze %dma_wait3A_1482 : memref<1x200xi32, #tpu.memory_space<vmem>> -> memref<200xi32, #tpu.memory_space<vmem>>
      %dma_wait3A_1484 = arith.constant 0 : i32
      %dma_wait3A_1485 = tpu.memref_slice %arg3[%mul3A_2, %dma_wait3A_1484] : memref<4096x200xi32, #tpu.memory_space<hbm>> -> memref<1x200xi32, #tpu.memory_space<hbm>>
      %dma_wait3A_1486 = tpu.memref_squeeze %dma_wait3A_1485 : memref<1x200xi32, #tpu.memory_space<hbm>> -> memref<200xi32, #tpu.memory_space<hbm>>
      %dma_wait3A_1487 = tpu.memref_slice %arg9[%dma_wait3A_1480] : memref<4x!tpu.dma_semaphore, #tpu.memory_space<semaphore_mem>> -> memref<1x!tpu.dma_semaphore, #tpu.memory_space<semaphore_mem>>
      %dma_wait3A_1488 = tpu.memref_squeeze %dma_wait3A_1487 : memref<1x!tpu.dma_semaphore, #tpu.memory_space<semaphore_mem>> -> memref<!tpu.dma_semaphore, #tpu.memory_space<semaphore_mem>>
      %dma_wait3A_1489 = arith.constant 0 : i32
      %dma_wait3A_1490 = tpu.memref_slice %arg7[%dma_wait3A_1479, %dma_wait3A_1489] : memref<4x200xi32, #tpu.memory_space<vmem>> -> memref<1x200xi32, #tpu.memory_space<vmem>>
      %dma_wait3A_1491 = tpu.memref_squeeze %dma_wait3A_1490 : memref<1x200xi32, #tpu.memory_space<vmem>> -> memref<200xi32, #tpu.memory_space<vmem>>
      %dma_wait3A_1492 = arith.constant 0 : i32
      %dma_wait3A_1493 = tpu.memref_slice %arg3[%mul3A_2, %dma_wait3A_1492] : memref<4096x200xi32, #tpu.memory_space<hbm>> -> memref<1x200xi32, #tpu.memory_space<hbm>>
      %dma_wait3A_1494 = tpu.memref_squeeze %dma_wait3A_1493 : memref<1x200xi32, #tpu.memory_space<hbm>> -> memref<200xi32, #tpu.memory_space<hbm>>
      tpu.wait_dma2 semaphore(%dma_wait3A_1488 : memref<!tpu.dma_semaphore, #tpu.memory_space<semaphore_mem>>) src(%dma_wait3A_1494 : memref<200xi32, #tpu.memory_space<hbm>>) dst(%dma_wait3A_1491 : memref<200xi32, #tpu.memory_space<vmem>>)
      %dma_start3A_1495 = arith.constant 0 : i32
      %dma_start3A_1496 = arith.constant 0 : i32
      %dma_start3A_1497 = arith.constant 0 : i32
      %dma_start3A_1498 = arith.constant 0 : i32
      %dma_start3A_1499 = arith.constant 0 : i32
      %dma_start3A_1500 = tpu.memref_slice %arg8[%dma_start3A_1496, %dma_start3A_1498, %dma_start3A_1499] : memref<4x200x128xf32, #tpu.memory_space<vmem>> -> memref<1x128x128xf32, #tpu.memory_space<vmem>>
      %dma_start3A_1501 = tpu.memref_squeeze %dma_start3A_1500 : memref<1x128x128xf32, #tpu.memory_space<vmem>> -> memref<128x128xf32, #tpu.memory_space<vmem>>
      %dma_start3A_1502 = arith.constant 0 : i32
      %dma_start3A_1503 = tpu.memref_slice %arg7[%dma_start3A_1495, %dma_start3A_1502] : memref<4x200xi32, #tpu.memory_space<vmem>> -> memref<1x128xi32, #tpu.memory_space<vmem>>
      %dma_start3A_1504 = tpu.memref_squeeze %dma_start3A_1503 : memref<1x128xi32, #tpu.memory_space<vmem>> -> memref<128xi32, #tpu.memory_space<vmem>>
      %dma_start3A_1505 = arith.constant 0 : i32
      %dma_start3A_1506 = arith.constant 0 : i32
      %dma_start3A_1507 = tpu.memref_slice %arg2[%dma_start3A_1505, %dma_start3A_1506] : memref<100000x128xf32, #tpu.memory_space<hbm>> -> memref<100000x128xf32, #tpu.memory_space<hbm>>
      %dma_start3A_1508 = tpu.memref_slice %arg10[%dma_start3A_1497] : memref<4x!tpu.dma_semaphore, #tpu.memory_space<semaphore_mem>> -> memref<1x!tpu.dma_semaphore, #tpu.memory_space<semaphore_mem>>
      %dma_start3A_1509 = tpu.memref_squeeze %dma_start3A_1508 : memref<1x!tpu.dma_semaphore, #tpu.memory_space<semaphore_mem>> -> memref<!tpu.dma_semaphore, #tpu.memory_space<semaphore_mem>>
      tpu.enqueue_indirect_dma source(%dma_start3A_1507 : memref<100000x128xf32, #tpu.memory_space<hbm>>) target(%dma_start3A_1501 : memref<128x128xf32, #tpu.memory_space<vmem>>) offsets(%dma_start3A_1504 : memref<128xi32, #tpu.memory_space<vmem>>) semaphore(%dma_start3A_1509 : memref<!tpu.dma_semaphore, #tpu.memory_space<semaphore_mem>>)
      %dma_start3A_1510 = arith.constant 0 : i32
      %dma_start3A_1511 = arith.constant 0 : i32
      %dma_start3A_1512 = arith.constant 0 : i32
      %dma_start3A_1513 = arith.constant 128 : i32
      %dma_start3A_1514 = arith.constant 0 : i32
      %dma_start3A_1515 = tpu.memref_slice %arg8[%dma_start3A_1511, %dma_start3A_1513, %dma_start3A_1514] : memref<4x200x128xf32, #tpu.memory_space<vmem>> -> memref<1x72x128xf32, #tpu.memory_space<vmem>>
      %dma_start3A_1516 = tpu.memref_squeeze %dma_start3A_1515 : memref<1x72x128xf32, #tpu.memory_space<vmem>> -> memref<72x128xf32, #tpu.memory_space<vmem>>
      %dma_start3A_1517 = arith.constant 128 : i32
      %dma_start3A_1518 = tpu.memref_slice %arg7[%dma_start3A_1510, %dma_start3A_1517] : memref<4x200xi32, #tpu.memory_space<vmem>> -> memref<1x72xi32, #tpu.memory_space<vmem>>
      %dma_start3A_1519 = tpu.memref_squeeze %dma_start3A_1518 : memref<1x72xi32, #tpu.memory_space<vmem>> -> memref<72xi32, #tpu.memory_space<vmem>>
      %dma_start3A_1520 = arith.constant 0 : i32
      %dma_start3A_1521 = arith.constant 0 : i32
      %dma_start3A_1522 = tpu.memref_slice %arg2[%dma_start3A_1520, %dma_start3A_1521] : memref<100000x128xf32, #tpu.memory_space<hbm>> -> memref<100000x128xf32, #tpu.memory_space<hbm>>
      %dma_start3A_1523 = tpu.memref_slice %arg10[%dma_start3A_1512] : memref<4x!tpu.dma_semaphore, #tpu.memory_space<semaphore_mem>> -> memref<1x!tpu.dma_semaphore, #tpu.memory_space<semaphore_mem>>
      %dma_start3A_1524 = tpu.memref_squeeze %dma_start3A_1523 : memref<1x!tpu.dma_semaphore, #tpu.memory_space<semaphore_mem>> -> memref<!tpu.dma_semaphore, #tpu.memory_space<semaphore_mem>>
      tpu.enqueue_indirect_dma source(%dma_start3A_1522 : memref<100000x128xf32, #tpu.memory_space<hbm>>) target(%dma_start3A_1516 : memref<72x128xf32, #tpu.memory_space<vmem>>) offsets(%dma_start3A_1519 : memref<72xi32, #tpu.memory_space<vmem>>) semaphore(%dma_start3A_1524 : memref<!tpu.dma_semaphore, #tpu.memory_space<semaphore_mem>>)
      %add3A_1525 = arith.constant 4 : i32
      %add3A_1526 = arith.addi %add3A_1404, %add3A_1525 : i32
      %add3A_1527 = arith.addi %mul3A_2, %add3A_1526 : i32
      %dma_start3A_1528 = arith.constant 2 : i32
      %dma_start3A_1529 = arith.constant 2 : i32
      %dma_start3A_1530 = arith.constant 0 : i32
      %dma_start3A_1531 = tpu.memref_slice %arg7[%dma_start3A_1528, %dma_start3A_1530] : memref<4x200xi32, #tpu.memory_space<vmem>> -> memref<1x200xi32, #tpu.memory_space<vmem>>
      %dma_start3A_1532 = tpu.memref_squeeze %dma_start3A_1531 : memref<1x200xi32, #tpu.memory_space<vmem>> -> memref<200xi32, #tpu.memory_space<vmem>>
      %dma_start3A_1533 = arith.constant 0 : i32
      %dma_start3A_1534 = tpu.memref_slice %arg3[%add3A_1527, %dma_start3A_1533] : memref<4096x200xi32, #tpu.memory_space<hbm>> -> memref<1x200xi32, #tpu.memory_space<hbm>>
      %dma_start3A_1535 = tpu.memref_squeeze %dma_start3A_1534 : memref<1x200xi32, #tpu.memory_space<hbm>> -> memref<200xi32, #tpu.memory_space<hbm>>
      %dma_start3A_1536 = tpu.memref_slice %arg9[%dma_start3A_1529] : memref<4x!tpu.dma_semaphore, #tpu.memory_space<semaphore_mem>> -> memref<1x!tpu.dma_semaphore, #tpu.memory_space<semaphore_mem>>
      %dma_start3A_1537 = tpu.memref_squeeze %dma_start3A_1536 : memref<1x!tpu.dma_semaphore, #tpu.memory_space<semaphore_mem>> -> memref<!tpu.dma_semaphore, #tpu.memory_space<semaphore_mem>>
      %dma_start3A_1538 = arith.constant 0 : i32
      %dma_start3A_1539 = tpu.memref_slice %arg7[%dma_start3A_1528, %dma_start3A_1538] : memref<4x200xi32, #tpu.memory_space<vmem>> -> memref<1x200xi32, #tpu.memory_space<vmem>>
      %dma_start3A_1540 = tpu.memref_squeeze %dma_start3A_1539 : memref<1x200xi32, #tpu.memory_space<vmem>> -> memref<200xi32, #tpu.memory_space<vmem>>
      %dma_start3A_1541 = arith.constant 0 : i32
      %dma_start3A_1542 = tpu.memref_slice %arg3[%add3A_1527, %dma_start3A_1541] : memref<4096x200xi32, #tpu.memory_space<hbm>> -> memref<1x200xi32, #tpu.memory_space<hbm>>
      %dma_start3A_1543 = tpu.memref_squeeze %dma_start3A_1542 : memref<1x200xi32, #tpu.memory_space<hbm>> -> memref<200xi32, #tpu.memory_space<hbm>>
      tpu.enqueue_dma source(%dma_start3A_1543 : memref<200xi32, #tpu.memory_space<hbm>>) target(%dma_start3A_1540 : memref<200xi32, #tpu.memory_space<vmem>>) target_semaphore(%dma_start3A_1537 : memref<!tpu.dma_semaphore, #tpu.memory_space<semaphore_mem>>)
      %add3A_1544 = arith.constant 3 : i32
      %add3A_1545 = arith.addi %add3A_1120, %add3A_1544 : i32
      %dma_wait3A_1546 = arith.constant 3 : i32
      %dma_wait3A_1547 = arith.constant 3 : i32
      %dma_wait3A_1548 = arith.constant 3 : i32
      %dma_wait3A_1549 = arith.constant 0 : i32
      %dma_wait3A_1550 = arith.constant 0 : i32
      %dma_wait3A_1551 = tpu.memref_slice %arg8[%dma_wait3A_1547, %dma_wait3A_1549, %dma_wait3A_1550] : memref<4x200x128xf32, #tpu.memory_space<vmem>> -> memref<1x128x128xf32, #tpu.memory_space<vmem>>
      %dma_wait3A_1552 = tpu.memref_squeeze %dma_wait3A_1551 : memref<1x128x128xf32, #tpu.memory_space<vmem>> -> memref<128x128xf32, #tpu.memory_space<vmem>>
      %dma_wait3A_1553 = arith.constant 0 : i32
      %dma_wait3A_1554 = tpu.memref_slice %arg7[%dma_wait3A_1546, %dma_wait3A_1553] : memref<4x200xi32, #tpu.memory_space<vmem>> -> memref<1x128xi32, #tpu.memory_space<vmem>>
      %dma_wait3A_1555 = tpu.memref_squeeze %dma_wait3A_1554 : memref<1x128xi32, #tpu.memory_space<vmem>> -> memref<128xi32, #tpu.memory_space<vmem>>
      %dma_wait3A_1556 = arith.constant 0 : i32
      %dma_wait3A_1557 = arith.constant 0 : i32
      %dma_wait3A_1558 = tpu.memref_slice %arg2[%dma_wait3A_1556, %dma_wait3A_1557] : memref<100000x128xf32, #tpu.memory_space<hbm>> -> memref<100000x128xf32, #tpu.memory_space<hbm>>
      %dma_wait3A_1559 = tpu.memref_slice %arg10[%dma_wait3A_1548] : memref<4x!tpu.dma_semaphore, #tpu.memory_space<semaphore_mem>> -> memref<1x!tpu.dma_semaphore, #tpu.memory_space<semaphore_mem>>
      %dma_wait3A_1560 = tpu.memref_squeeze %dma_wait3A_1559 : memref<1x!tpu.dma_semaphore, #tpu.memory_space<semaphore_mem>> -> memref<!tpu.dma_semaphore, #tpu.memory_space<semaphore_mem>>
      tpu.wait_indirect_dma semaphore(%dma_wait3A_1560 : memref<!tpu.dma_semaphore, #tpu.memory_space<semaphore_mem>>) src(%dma_wait3A_1558 : memref<100000x128xf32, #tpu.memory_space<hbm>>) dst(%dma_wait3A_1552 : memref<128x128xf32, #tpu.memory_space<vmem>>)
      %dma_wait3A_1561 = arith.constant 3 : i32
      %dma_wait3A_1562 = arith.constant 3 : i32
      %dma_wait3A_1563 = arith.constant 3 : i32
      %dma_wait3A_1564 = arith.constant 128 : i32
      %dma_wait3A_1565 = arith.constant 0 : i32
      %dma_wait3A_1566 = tpu.memref_slice %arg8[%dma_wait3A_1562, %dma_wait3A_1564, %dma_wait3A_1565] : memref<4x200x128xf32, #tpu.memory_space<vmem>> -> memref<1x72x128xf32, #tpu.memory_space<vmem>>
      %dma_wait3A_1567 = tpu.memref_squeeze %dma_wait3A_1566 : memref<1x72x128xf32, #tpu.memory_space<vmem>> -> memref<72x128xf32, #tpu.memory_space<vmem>>
      %dma_wait3A_1568 = arith.constant 128 : i32
      %dma_wait3A_1569 = tpu.memref_slice %arg7[%dma_wait3A_1561, %dma_wait3A_1568] : memref<4x200xi32, #tpu.memory_space<vmem>> -> memref<1x72xi32, #tpu.memory_space<vmem>>
      %dma_wait3A_1570 = tpu.memref_squeeze %dma_wait3A_1569 : memref<1x72xi32, #tpu.memory_space<vmem>> -> memref<72xi32, #tpu.memory_space<vmem>>
      %dma_wait3A_1571 = arith.constant 0 : i32
      %dma_wait3A_1572 = arith.constant 0 : i32
      %dma_wait3A_1573 = tpu.memref_slice %arg2[%dma_wait3A_1571, %dma_wait3A_1572] : memref<100000x128xf32, #tpu.memory_space<hbm>> -> memref<100000x128xf32, #tpu.memory_space<hbm>>
      %dma_wait3A_1574 = tpu.memref_slice %arg10[%dma_wait3A_1563] : memref<4x!tpu.dma_semaphore, #tpu.memory_space<semaphore_mem>> -> memref<1x!tpu.dma_semaphore, #tpu.memory_space<semaphore_mem>>
      %dma_wait3A_1575 = tpu.memref_squeeze %dma_wait3A_1574 : memref<1x!tpu.dma_semaphore, #tpu.memory_space<semaphore_mem>> -> memref<!tpu.dma_semaphore, #tpu.memory_space<semaphore_mem>>
      tpu.wait_indirect_dma semaphore(%dma_wait3A_1575 : memref<!tpu.dma_semaphore, #tpu.memory_space<semaphore_mem>>) src(%dma_wait3A_1573 : memref<100000x128xf32, #tpu.memory_space<hbm>>) dst(%dma_wait3A_1567 : memref<72x128xf32, #tpu.memory_space<vmem>>)
      %parallel_loop3A_1576 = arith.constant 0 : i32
      %parallel_loop3A_1577 = arith.constant 200 : i32
      %parallel_loop3A_1578 = arith.constant 1 : i32
      scf.for %parallel_loop3A_1685 = %parallel_loop3A_1576 to %parallel_loop3A_1577 step %parallel_loop3A_1578  : i32 {
        %parallel_loop3A_1686 = arith.index_cast %parallel_loop3A_1685 : i32 to index
        %parallel_loop3A_1687 = arith.constant 0 : index
        %parallel_loop3A_1688 = tpu.vector_load %arg6[%parallel_loop3A_1686, %parallel_loop3A_1687] {strides = array<i32>} : memref<200x128xf32, #tpu.memory_space<vmem>>, vector<1x16xf32>,
        %parallel_loop3A_1689 = vector.shape_cast %parallel_loop3A_1688 : vector<1x16xf32> to vector<16xf32>
        %parallel_loop3A_1690 = arith.constant 3 : i32
        %parallel_loop3A_1691 = arith.index_cast %parallel_loop3A_1690 : i32 to index
        %parallel_loop3A_1692 = arith.index_cast %parallel_loop3A_1685 : i32 to index
        %parallel_loop3A_1693 = arith.constant 0 : index
        %parallel_loop3A_1694 = tpu.vector_load %arg8[%parallel_loop3A_1691, %parallel_loop3A_1692, %parallel_loop3A_1693] {strides = array<i32>} : memref<4x200x128xf32, #tpu.memory_space<vmem>>, vector<1x1x16xf32>,
        %parallel_loop3A_1695 = vector.shape_cast %parallel_loop3A_1694 : vector<1x1x16xf32> to vector<16xf32>
        %parallel_loop3A_1696 = vector.shape_cast %parallel_loop3A_1689 : vector<16xf32> to vector<1x1x16xf32>
        tpu.vector_store %arg8[%parallel_loop3A_1691, %parallel_loop3A_1692, %parallel_loop3A_1693], %parallel_loop3A_1696 {add = true, strides = array<i32>} : memref<4x200x128xf32, #tpu.memory_space<vmem>>, vector<1x1x16xf32>,
        %parallel_loop3A_1697 = arith.index_cast %parallel_loop3A_1685 : i32 to index
        %parallel_loop3A_1698 = arith.constant 16 : index
        %parallel_loop3A_1699 = tpu.vector_load %arg6[%parallel_loop3A_1697, %parallel_loop3A_1698] {strides = array<i32>} : memref<200x128xf32, #tpu.memory_space<vmem>>, vector<1x16xf32>,
        %parallel_loop3A_1700 = vector.shape_cast %parallel_loop3A_1699 : vector<1x16xf32> to vector<16xf32>
        %parallel_loop3A_1701 = arith.constant 3 : i32
        %parallel_loop3A_1702 = arith.index_cast %parallel_loop3A_1701 : i32 to index
        %parallel_loop3A_1703 = arith.index_cast %parallel_loop3A_1685 : i32 to index
        %parallel_loop3A_1704 = arith.constant 16 : index
        %parallel_loop3A_1705 = tpu.vector_load %arg8[%parallel_loop3A_1702, %parallel_loop3A_1703, %parallel_loop3A_1704] {strides = array<i32>} : memref<4x200x128xf32, #tpu.memory_space<vmem>>, vector<1x1x16xf32>,
        %parallel_loop3A_1706 = vector.shape_cast %parallel_loop3A_1705 : vector<1x1x16xf32> to vector<16xf32>
        %parallel_loop3A_1707 = vector.shape_cast %parallel_loop3A_1700 : vector<16xf32> to vector<1x1x16xf32>
        tpu.vector_store %arg8[%parallel_loop3A_1702, %parallel_loop3A_1703, %parallel_loop3A_1704], %parallel_loop3A_1707 {add = true, strides = array<i32>} : memref<4x200x128xf32, #tpu.memory_space<vmem>>, vector<1x1x16xf32>,
        %parallel_loop3A_1708 = arith.index_cast %parallel_loop3A_1685 : i32 to index
        %parallel_loop3A_1709 = arith.constant 32 : index
        %parallel_loop3A_1710 = tpu.vector_load %arg6[%parallel_loop3A_1708, %parallel_loop3A_1709] {strides = array<i32>} : memref<200x128xf32, #tpu.memory_space<vmem>>, vector<1x16xf32>,
        %parallel_loop3A_1711 = vector.shape_cast %parallel_loop3A_1710 : vector<1x16xf32> to vector<16xf32>
        %parallel_loop3A_1712 = arith.constant 3 : i32
        %parallel_loop3A_1713 = arith.index_cast %parallel_loop3A_1712 : i32 to index
        %parallel_loop3A_1714 = arith.index_cast %parallel_loop3A_1685 : i32 to index
        %parallel_loop3A_1715 = arith.constant 32 : index
        %parallel_loop3A_1716 = tpu.vector_load %arg8[%parallel_loop3A_1713, %parallel_loop3A_1714, %parallel_loop3A_1715] {strides = array<i32>} : memref<4x200x128xf32, #tpu.memory_space<vmem>>, vector<1x1x16xf32>,
        %parallel_loop3A_1717 = vector.shape_cast %parallel_loop3A_1716 : vector<1x1x16xf32> to vector<16xf32>
        %parallel_loop3A_1718 = vector.shape_cast %parallel_loop3A_1711 : vector<16xf32> to vector<1x1x16xf32>
        tpu.vector_store %arg8[%parallel_loop3A_1713, %parallel_loop3A_1714, %parallel_loop3A_1715], %parallel_loop3A_1718 {add = true, strides = array<i32>} : memref<4x200x128xf32, #tpu.memory_space<vmem>>, vector<1x1x16xf32>,
        %parallel_loop3A_1719 = arith.index_cast %parallel_loop3A_1685 : i32 to index
        %parallel_loop3A_1720 = arith.constant 48 : index
        %parallel_loop3A_1721 = tpu.vector_load %arg6[%parallel_loop3A_1719, %parallel_loop3A_1720] {strides = array<i32>} : memref<200x128xf32, #tpu.memory_space<vmem>>, vector<1x16xf32>,
        %parallel_loop3A_1722 = vector.shape_cast %parallel_loop3A_1721 : vector<1x16xf32> to vector<16xf32>
        %parallel_loop3A_1723 = arith.constant 3 : i32
        %parallel_loop3A_1724 = arith.index_cast %parallel_loop3A_1723 : i32 to index
        %parallel_loop3A_1725 = arith.index_cast %parallel_loop3A_1685 : i32 to index
        %parallel_loop3A_1726 = arith.constant 48 : index
        %parallel_loop3A_1727 = tpu.vector_load %arg8[%parallel_loop3A_1724, %parallel_loop3A_1725, %parallel_loop3A_1726] {strides = array<i32>} : memref<4x200x128xf32, #tpu.memory_space<vmem>>, vector<1x1x16xf32>,
        %parallel_loop3A_1728 = vector.shape_cast %parallel_loop3A_1727 : vector<1x1x16xf32> to vector<16xf32>
        %parallel_loop3A_1729 = vector.shape_cast %parallel_loop3A_1722 : vector<16xf32> to vector<1x1x16xf32>
        tpu.vector_store %arg8[%parallel_loop3A_1724, %parallel_loop3A_1725, %parallel_loop3A_1726], %parallel_loop3A_1729 {add = true, strides = array<i32>} : memref<4x200x128xf32, #tpu.memory_space<vmem>>, vector<1x1x16xf32>,
        %parallel_loop3A_1730 = arith.index_cast %parallel_loop3A_1685 : i32 to index
        %parallel_loop3A_1731 = arith.constant 64 : index
        %parallel_loop3A_1732 = tpu.vector_load %arg6[%parallel_loop3A_1730, %parallel_loop3A_1731] {strides = array<i32>} : memref<200x128xf32, #tpu.memory_space<vmem>>, vector<1x16xf32>,
        %parallel_loop3A_1733 = vector.shape_cast %parallel_loop3A_1732 : vector<1x16xf32> to vector<16xf32>
        %parallel_loop3A_1734 = arith.constant 3 : i32
        %parallel_loop3A_1735 = arith.index_cast %parallel_loop3A_1734 : i32 to index
        %parallel_loop3A_1736 = arith.index_cast %parallel_loop3A_1685 : i32 to index
        %parallel_loop3A_1737 = arith.constant 64 : index
        %parallel_loop3A_1738 = tpu.vector_load %arg8[%parallel_loop3A_1735, %parallel_loop3A_1736, %parallel_loop3A_1737] {strides = array<i32>} : memref<4x200x128xf32, #tpu.memory_space<vmem>>, vector<1x1x16xf32>,
        %parallel_loop3A_1739 = vector.shape_cast %parallel_loop3A_1738 : vector<1x1x16xf32> to vector<16xf32>
        %parallel_loop3A_1740 = vector.shape_cast %parallel_loop3A_1733 : vector<16xf32> to vector<1x1x16xf32>
        tpu.vector_store %arg8[%parallel_loop3A_1735, %parallel_loop3A_1736, %parallel_loop3A_1737], %parallel_loop3A_1740 {add = true, strides = array<i32>} : memref<4x200x128xf32, #tpu.memory_space<vmem>>, vector<1x1x16xf32>,
        %parallel_loop3A_1741 = arith.index_cast %parallel_loop3A_1685 : i32 to index
        %parallel_loop3A_1742 = arith.constant 80 : index
        %parallel_loop3A_1743 = tpu.vector_load %arg6[%parallel_loop3A_1741, %parallel_loop3A_1742] {strides = array<i32>} : memref<200x128xf32, #tpu.memory_space<vmem>>, vector<1x16xf32>,
        %parallel_loop3A_1744 = vector.shape_cast %parallel_loop3A_1743 : vector<1x16xf32> to vector<16xf32>
        %parallel_loop3A_1745 = arith.constant 3 : i32
        %parallel_loop3A_1746 = arith.index_cast %parallel_loop3A_1745 : i32 to index
        %parallel_loop3A_1747 = arith.index_cast %parallel_loop3A_1685 : i32 to index
        %parallel_loop3A_1748 = arith.constant 80 : index
        %parallel_loop3A_1749 = tpu.vector_load %arg8[%parallel_loop3A_1746, %parallel_loop3A_1747, %parallel_loop3A_1748] {strides = array<i32>} : memref<4x200x128xf32, #tpu.memory_space<vmem>>, vector<1x1x16xf32>,
        %parallel_loop3A_1750 = vector.shape_cast %parallel_loop3A_1749 : vector<1x1x16xf32> to vector<16xf32>
        %parallel_loop3A_1751 = vector.shape_cast %parallel_loop3A_1744 : vector<16xf32> to vector<1x1x16xf32>
        tpu.vector_store %arg8[%parallel_loop3A_1746, %parallel_loop3A_1747, %parallel_loop3A_1748], %parallel_loop3A_1751 {add = true, strides = array<i32>} : memref<4x200x128xf32, #tpu.memory_space<vmem>>, vector<1x1x16xf32>,
        %parallel_loop3A_1752 = arith.index_cast %parallel_loop3A_1685 : i32 to index
        %parallel_loop3A_1753 = arith.constant 96 : index
        %parallel_loop3A_1754 = tpu.vector_load %arg6[%parallel_loop3A_1752, %parallel_loop3A_1753] {strides = array<i32>} : memref<200x128xf32, #tpu.memory_space<vmem>>, vector<1x16xf32>,
        %parallel_loop3A_1755 = vector.shape_cast %parallel_loop3A_1754 : vector<1x16xf32> to vector<16xf32>
        %parallel_loop3A_1756 = arith.constant 3 : i32
        %parallel_loop3A_1757 = arith.index_cast %parallel_loop3A_1756 : i32 to index
        %parallel_loop3A_1758 = arith.index_cast %parallel_loop3A_1685 : i32 to index
        %parallel_loop3A_1759 = arith.constant 96 : index
        %parallel_loop3A_1760 = tpu.vector_load %arg8[%parallel_loop3A_1757, %parallel_loop3A_1758, %parallel_loop3A_1759] {strides = array<i32>} : memref<4x200x128xf32, #tpu.memory_space<vmem>>, vector<1x1x16xf32>,
        %parallel_loop3A_1761 = vector.shape_cast %parallel_loop3A_1760 : vector<1x1x16xf32> to vector<16xf32>
        %parallel_loop3A_1762 = vector.shape_cast %parallel_loop3A_1755 : vector<16xf32> to vector<1x1x16xf32>
        tpu.vector_store %arg8[%parallel_loop3A_1757, %parallel_loop3A_1758, %parallel_loop3A_1759], %parallel_loop3A_1762 {add = true, strides = array<i32>} : memref<4x200x128xf32, #tpu.memory_space<vmem>>, vector<1x1x16xf32>,
        %parallel_loop3A_1763 = arith.index_cast %parallel_loop3A_1685 : i32 to index
        %parallel_loop3A_1764 = arith.constant 112 : index
        %parallel_loop3A_1765 = tpu.vector_load %arg6[%parallel_loop3A_1763, %parallel_loop3A_1764] {strides = array<i32>} : memref<200x128xf32, #tpu.memory_space<vmem>>, vector<1x16xf32>,
        %parallel_loop3A_1766 = vector.shape_cast %parallel_loop3A_1765 : vector<1x16xf32> to vector<16xf32>
        %parallel_loop3A_1767 = arith.constant 3 : i32
        %parallel_loop3A_1768 = arith.index_cast %parallel_loop3A_1767 : i32 to index
        %parallel_loop3A_1769 = arith.index_cast %parallel_loop3A_1685 : i32 to index
        %parallel_loop3A_1770 = arith.constant 112 : index
        %parallel_loop3A_1771 = tpu.vector_load %arg8[%parallel_loop3A_1768, %parallel_loop3A_1769, %parallel_loop3A_1770] {strides = array<i32>} : memref<4x200x128xf32, #tpu.memory_space<vmem>>, vector<1x1x16xf32>,
        %parallel_loop3A_1772 = vector.shape_cast %parallel_loop3A_1771 : vector<1x1x16xf32> to vector<16xf32>
        %parallel_loop3A_1773 = vector.shape_cast %parallel_loop3A_1766 : vector<16xf32> to vector<1x1x16xf32>
        tpu.vector_store %arg8[%parallel_loop3A_1768, %parallel_loop3A_1769, %parallel_loop3A_1770], %parallel_loop3A_1773 {add = true, strides = array<i32>} : memref<4x200x128xf32, #tpu.memory_space<vmem>>, vector<1x1x16xf32>,
      } {sc.loop_unroll_factor = 4 : i64, sc.parallel_access}
      %add3A_1579 = arith.addi %mul3A_2, %add3A_1545 : i32
      %dma_start3A_1580 = arith.constant 3 : i32
      %dma_start3A_1581 = arith.constant 3 : i32
      %dma_start3A_1582 = arith.constant 0 : i32
      %dma_start3A_1583 = arith.constant 0 : i32
      %dma_start3A_1584 = tpu.memref_slice %arg8[%dma_start3A_1580, %dma_start3A_1582, %dma_start3A_1583] : memref<4x200x128xf32, #tpu.memory_space<vmem>> -> memref<1x200x128xf32, #tpu.memory_space<vmem>>
      %dma_start3A_1585 = tpu.memref_squeeze %dma_start3A_1584 : memref<1x200x128xf32, #tpu.memory_space<vmem>> -> memref<200x128xf32, #tpu.memory_space<vmem>>
      %dma_start3A_1586 = arith.constant 0 : i32
      %dma_start3A_1587 = arith.constant 0 : i32
      %dma_start3A_1588 = tpu.memref_slice %arg5[%add3A_1579, %dma_start3A_1586, %dma_start3A_1587] : memref<4096x200x128xf32, #tpu.memory_space<hbm>> -> memref<1x200x128xf32, #tpu.memory_space<hbm>>
      %dma_start3A_1589 = tpu.memref_squeeze %dma_start3A_1588 : memref<1x200x128xf32, #tpu.memory_space<hbm>> -> memref<200x128xf32, #tpu.memory_space<hbm>>
      %dma_start3A_1590 = tpu.memref_slice %arg11[%dma_start3A_1581] : memref<4x!tpu.dma_semaphore, #tpu.memory_space<semaphore_mem>> -> memref<1x!tpu.dma_semaphore, #tpu.memory_space<semaphore_mem>>
      %dma_start3A_1591 = tpu.memref_squeeze %dma_start3A_1590 : memref<1x!tpu.dma_semaphore, #tpu.memory_space<semaphore_mem>> -> memref<!tpu.dma_semaphore, #tpu.memory_space<semaphore_mem>>
      %dma_start3A_1592 = arith.constant 0 : i32
      %dma_start3A_1593 = arith.constant 0 : i32
      %dma_start3A_1594 = tpu.memref_slice %arg5[%add3A_1579, %dma_start3A_1592, %dma_start3A_1593] : memref<4096x200x128xf32, #tpu.memory_space<hbm>> -> memref<1x200x128xf32, #tpu.memory_space<hbm>>
      %dma_start3A_1595 = tpu.memref_squeeze %dma_start3A_1594 : memref<1x200x128xf32, #tpu.memory_space<hbm>> -> memref<200x128xf32, #tpu.memory_space<hbm>>
      %dma_start3A_1596 = arith.constant 0 : i32
      %dma_start3A_1597 = arith.constant 0 : i32
      %dma_start3A_1598 = tpu.memref_slice %arg8[%dma_start3A_1580, %dma_start3A_1596, %dma_start3A_1597] : memref<4x200x128xf32, #tpu.memory_space<vmem>> -> memref<1x200x128xf32, #tpu.memory_space<vmem>>
      %dma_start3A_1599 = tpu.memref_squeeze %dma_start3A_1598 : memref<1x200x128xf32, #tpu.memory_space<vmem>> -> memref<200x128xf32, #tpu.memory_space<vmem>>
      tpu.enqueue_dma source(%dma_start3A_1599 : memref<200x128xf32, #tpu.memory_space<vmem>>) target(%dma_start3A_1595 : memref<200x128xf32, #tpu.memory_space<hbm>>) target_semaphore(%dma_start3A_1591 : memref<!tpu.dma_semaphore, #tpu.memory_space<semaphore_mem>>)
      %dma_wait3A_1600 = arith.constant 1 : i32
      %dma_wait3A_1601 = arith.constant 1 : i32
      %dma_wait3A_1602 = arith.constant 0 : i32
      %dma_wait3A_1603 = arith.constant 0 : i32
      %dma_wait3A_1604 = tpu.memref_slice %arg8[%dma_wait3A_1600, %dma_wait3A_1602, %dma_wait3A_1603] : memref<4x200x128xf32, #tpu.memory_space<vmem>> -> memref<1x200x128xf32, #tpu.memory_space<vmem>>
      %dma_wait3A_1605 = tpu.memref_squeeze %dma_wait3A_1604 : memref<1x200x128xf32, #tpu.memory_space<vmem>> -> memref<200x128xf32, #tpu.memory_space<vmem>>
      %dma_wait3A_1606 = arith.constant 0 : i32
      %dma_wait3A_1607 = arith.constant 0 : i32
      %dma_wait3A_1608 = tpu.memref_slice %arg5[%mul3A_2, %dma_wait3A_1606, %dma_wait3A_1607] : memref<4096x200x128xf32, #tpu.memory_space<hbm>> -> memref<1x200x128xf32, #tpu.memory_space<hbm>>
      %dma_wait3A_1609 = tpu.memref_squeeze %dma_wait3A_1608 : memref<1x200x128xf32, #tpu.memory_space<hbm>> -> memref<200x128xf32, #tpu.memory_space<hbm>>
      %dma_wait3A_1610 = tpu.memref_slice %arg11[%dma_wait3A_1601] : memref<4x!tpu.dma_semaphore, #tpu.memory_space<semaphore_mem>> -> memref<1x!tpu.dma_semaphore, #tpu.memory_space<semaphore_mem>>
      %dma_wait3A_1611 = tpu.memref_squeeze %dma_wait3A_1610 : memref<1x!tpu.dma_semaphore, #tpu.memory_space<semaphore_mem>> -> memref<!tpu.dma_semaphore, #tpu.memory_space<semaphore_mem>>
      %dma_wait3A_1612 = arith.constant 0 : i32
      %dma_wait3A_1613 = arith.constant 0 : i32
      %dma_wait3A_1614 = tpu.memref_slice %arg5[%mul3A_2, %dma_wait3A_1612, %dma_wait3A_1613] : memref<4096x200x128xf32, #tpu.memory_space<hbm>> -> memref<1x200x128xf32, #tpu.memory_space<hbm>>
      %dma_wait3A_1615 = tpu.memref_squeeze %dma_wait3A_1614 : memref<1x200x128xf32, #tpu.memory_space<hbm>> -> memref<200x128xf32, #tpu.memory_space<hbm>>
      %dma_wait3A_1616 = arith.constant 0 : i32
      %dma_wait3A_1617 = arith.constant 0 : i32
      %dma_wait3A_1618 = tpu.memref_slice %arg8[%dma_wait3A_1600, %dma_wait3A_1616, %dma_wait3A_1617] : memref<4x200x128xf32, #tpu.memory_space<vmem>> -> memref<1x200x128xf32, #tpu.memory_space<vmem>>
      %dma_wait3A_1619 = tpu.memref_squeeze %dma_wait3A_1618 : memref<1x200x128xf32, #tpu.memory_space<vmem>> -> memref<200x128xf32, #tpu.memory_space<vmem>>
      tpu.wait_dma2 semaphore(%dma_wait3A_1611 : memref<!tpu.dma_semaphore, #tpu.memory_space<semaphore_mem>>) src(%dma_wait3A_1619 : memref<200x128xf32, #tpu.memory_space<vmem>>) dst(%dma_wait3A_1615 : memref<200x128xf32, #tpu.memory_space<hbm>>)
      %dma_wait3A_1620 = arith.constant 1 : i32
      %dma_wait3A_1621 = arith.constant 1 : i32
      %dma_wait3A_1622 = arith.constant 0 : i32
      %dma_wait3A_1623 = tpu.memref_slice %arg7[%dma_wait3A_1620, %dma_wait3A_1622] : memref<4x200xi32, #tpu.memory_space<vmem>> -> memref<1x200xi32, #tpu.memory_space<vmem>>
      %dma_wait3A_1624 = tpu.memref_squeeze %dma_wait3A_1623 : memref<1x200xi32, #tpu.memory_space<vmem>> -> memref<200xi32, #tpu.memory_space<vmem>>
      %dma_wait3A_1625 = arith.constant 0 : i32
      %dma_wait3A_1626 = tpu.memref_slice %arg3[%mul3A_2, %dma_wait3A_1625] : memref<4096x200xi32, #tpu.memory_space<hbm>> -> memref<1x200xi32, #tpu.memory_space<hbm>>
      %dma_wait3A_1627 = tpu.memref_squeeze %dma_wait3A_1626 : memref<1x200xi32, #tpu.memory_space<hbm>> -> memref<200xi32, #tpu.memory_space<hbm>>
      %dma_wait3A_1628 = tpu.memref_slice %arg9[%dma_wait3A_1621] : memref<4x!tpu.dma_semaphore, #tpu.memory_space<semaphore_mem>> -> memref<1x!tpu.dma_semaphore, #tpu.memory_space<semaphore_mem>>
      %dma_wait3A_1629 = tpu.memref_squeeze %dma_wait3A_1628 : memref<1x!tpu.dma_semaphore, #tpu.memory_space<semaphore_mem>> -> memref<!tpu.dma_semaphore, #tpu.memory_space<semaphore_mem>>
      %dma_wait3A_1630 = arith.constant 0 : i32
      %dma_wait3A_1631 = tpu.memref_slice %arg7[%dma_wait3A_1620, %dma_wait3A_1630] : memref<4x200xi32, #tpu.memory_space<vmem>> -> memref<1x200xi32, #tpu.memory_space<vmem>>
      %dma_wait3A_1632 = tpu.memref_squeeze %dma_wait3A_1631 : memref<1x200xi32, #tpu.memory_space<vmem>> -> memref<200xi32, #tpu.memory_space<vmem>>
      %dma_wait3A_1633 = arith.constant 0 : i32
      %dma_wait3A_1634 = tpu.memref_slice %arg3[%mul3A_2, %dma_wait3A_1633] : memref<4096x200xi32, #tpu.memory_space<hbm>> -> memref<1x200xi32, #tpu.memory_space<hbm>>
      %dma_wait3A_1635 = tpu.memref_squeeze %dma_wait3A_1634 : memref<1x200xi32, #tpu.memory_space<hbm>> -> memref<200xi32, #tpu.memory_space<hbm>>
      tpu.wait_dma2 semaphore(%dma_wait3A_1629 : memref<!tpu.dma_semaphore, #tpu.memory_space<semaphore_mem>>) src(%dma_wait3A_1635 : memref<200xi32, #tpu.memory_space<hbm>>) dst(%dma_wait3A_1632 : memref<200xi32, #tpu.memory_space<vmem>>)
      %dma_start3A_1636 = arith.constant 1 : i32
      %dma_start3A_1637 = arith.constant 1 : i32
      %dma_start3A_1638 = arith.constant 1 : i32
      %dma_start3A_1639 = arith.constant 0 : i32
      %dma_start3A_1640 = arith.constant 0 : i32
      %dma_start3A_1641 = tpu.memref_slice %arg8[%dma_start3A_1637, %dma_start3A_1639, %dma_start3A_1640] : memref<4x200x128xf32, #tpu.memory_space<vmem>> -> memref<1x128x128xf32, #tpu.memory_space<vmem>>
      %dma_start3A_1642 = tpu.memref_squeeze %dma_start3A_1641 : memref<1x128x128xf32, #tpu.memory_space<vmem>> -> memref<128x128xf32, #tpu.memory_space<vmem>>
      %dma_start3A_1643 = arith.constant 0 : i32
      %dma_start3A_1644 = tpu.memref_slice %arg7[%dma_start3A_1636, %dma_start3A_1643] : memref<4x200xi32, #tpu.memory_space<vmem>> -> memref<1x128xi32, #tpu.memory_space<vmem>>
      %dma_start3A_1645 = tpu.memref_squeeze %dma_start3A_1644 : memref<1x128xi32, #tpu.memory_space<vmem>> -> memref<128xi32, #tpu.memory_space<vmem>>
      %dma_start3A_1646 = arith.constant 0 : i32
      %dma_start3A_1647 = arith.constant 0 : i32
      %dma_start3A_1648 = tpu.memref_slice %arg2[%dma_start3A_1646, %dma_start3A_1647] : memref<100000x128xf32, #tpu.memory_space<hbm>> -> memref<100000x128xf32, #tpu.memory_space<hbm>>
      %dma_start3A_1649 = tpu.memref_slice %arg10[%dma_start3A_1638] : memref<4x!tpu.dma_semaphore, #tpu.memory_space<semaphore_mem>> -> memref<1x!tpu.dma_semaphore, #tpu.memory_space<semaphore_mem>>
      %dma_start3A_1650 = tpu.memref_squeeze %dma_start3A_1649 : memref<1x!tpu.dma_semaphore, #tpu.memory_space<semaphore_mem>> -> memref<!tpu.dma_semaphore, #tpu.memory_space<semaphore_mem>>
      tpu.enqueue_indirect_dma source(%dma_start3A_1648 : memref<100000x128xf32, #tpu.memory_space<hbm>>) target(%dma_start3A_1642 : memref<128x128xf32, #tpu.memory_space<vmem>>) offsets(%dma_start3A_1645 : memref<128xi32, #tpu.memory_space<vmem>>) semaphore(%dma_start3A_1650 : memref<!tpu.dma_semaphore, #tpu.memory_space<semaphore_mem>>)
      %dma_start3A_1651 = arith.constant 1 : i32
      %dma_start3A_1652 = arith.constant 1 : i32
      %dma_start3A_1653 = arith.constant 1 : i32
      %dma_start3A_1654 = arith.constant 128 : i32
      %dma_start3A_1655 = arith.constant 0 : i32
      %dma_start3A_1656 = tpu.memref_slice %arg8[%dma_start3A_1652, %dma_start3A_1654, %dma_start3A_1655] : memref<4x200x128xf32, #tpu.memory_space<vmem>> -> memref<1x72x128xf32, #tpu.memory_space<vmem>>
      %dma_start3A_1657 = tpu.memref_squeeze %dma_start3A_1656 : memref<1x72x128xf32, #tpu.memory_space<vmem>> -> memref<72x128xf32, #tpu.memory_space<vmem>>
      %dma_start3A_1658 = arith.constant 128 : i32
      %dma_start3A_1659 = tpu.memref_slice %arg7[%dma_start3A_1651, %dma_start3A_1658] : memref<4x200xi32, #tpu.memory_space<vmem>> -> memref<1x72xi32, #tpu.memory_space<vmem>>
      %dma_start3A_1660 = tpu.memref_squeeze %dma_start3A_1659 : memref<1x72xi32, #tpu.memory_space<vmem>> -> memref<72xi32, #tpu.memory_space<vmem>>
      %dma_start3A_1661 = arith.constant 0 : i32
      %dma_start3A_1662 = arith.constant 0 : i32
      %dma_start3A_1663 = tpu.memref_slice %arg2[%dma_start3A_1661, %dma_start3A_1662] : memref<100000x128xf32, #tpu.memory_space<hbm>> -> memref<100000x128xf32, #tpu.memory_space<hbm>>
      %dma_start3A_1664 = tpu.memref_slice %arg10[%dma_start3A_1653] : memref<4x!tpu.dma_semaphore, #tpu.memory_space<semaphore_mem>> -> memref<1x!tpu.dma_semaphore, #tpu.memory_space<semaphore_mem>>
      %dma_start3A_1665 = tpu.memref_squeeze %dma_start3A_1664 : memref<1x!tpu.dma_semaphore, #tpu.memory_space<semaphore_mem>> -> memref<!tpu.dma_semaphore, #tpu.memory_space<semaphore_mem>>
      tpu.enqueue_indirect_dma source(%dma_start3A_1663 : memref<100000x128xf32, #tpu.memory_space<hbm>>) target(%dma_start3A_1657 : memref<72x128xf32, #tpu.memory_space<vmem>>) offsets(%dma_start3A_1660 : memref<72xi32, #tpu.memory_space<vmem>>) semaphore(%dma_start3A_1665 : memref<!tpu.dma_semaphore, #tpu.memory_space<semaphore_mem>>)
      %add3A_1666 = arith.constant 4 : i32
      %add3A_1667 = arith.addi %add3A_1545, %add3A_1666 : i32
      %add3A_1668 = arith.addi %mul3A_2, %add3A_1667 : i32
      %dma_start3A_1669 = arith.constant 3 : i32
      %dma_start3A_1670 = arith.constant 3 : i32
      %dma_start3A_1671 = arith.constant 0 : i32
      %dma_start3A_1672 = tpu.memref_slice %arg7[%dma_start3A_1669, %dma_start3A_1671] : memref<4x200xi32, #tpu.memory_space<vmem>> -> memref<1x200xi32, #tpu.memory_space<vmem>>
      %dma_start3A_1673 = tpu.memref_squeeze %dma_start3A_1672 : memref<1x200xi32, #tpu.memory_space<vmem>> -> memref<200xi32, #tpu.memory_space<vmem>>
      %dma_start3A_1674 = arith.constant 0 : i32
      %dma_start3A_1675 = tpu.memref_slice %arg3[%add3A_1668, %dma_start3A_1674] : memref<4096x200xi32, #tpu.memory_space<hbm>> -> memref<1x200xi32, #tpu.memory_space<hbm>>
      %dma_start3A_1676 = tpu.memref_squeeze %dma_start3A_1675 : memref<1x200xi32, #tpu.memory_space<hbm>> -> memref<200xi32, #tpu.memory_space<hbm>>
      %dma_start3A_1677 = tpu.memref_slice %arg9[%dma_start3A_1670] : memref<4x!tpu.dma_semaphore, #tpu.memory_space<semaphore_mem>> -> memref<1x!tpu.dma_semaphore, #tpu.memory_space<semaphore_mem>>
      %dma_start3A_1678 = tpu.memref_squeeze %dma_start3A_1677 : memref<1x!tpu.dma_semaphore, #tpu.memory_space<semaphore_mem>> -> memref<!tpu.dma_semaphore, #tpu.memory_space<semaphore_mem>>
      %dma_start3A_1679 = arith.constant 0 : i32
      %dma_start3A_1680 = tpu.memref_slice %arg7[%dma_start3A_1669, %dma_start3A_1679] : memref<4x200xi32, #tpu.memory_space<vmem>> -> memref<1x200xi32, #tpu.memory_space<vmem>>
      %dma_start3A_1681 = tpu.memref_squeeze %dma_start3A_1680 : memref<1x200xi32, #tpu.memory_space<vmem>> -> memref<200xi32, #tpu.memory_space<vmem>>
      %dma_start3A_1682 = arith.constant 0 : i32
      %dma_start3A_1683 = tpu.memref_slice %arg3[%add3A_1668, %dma_start3A_1682] : memref<4096x200xi32, #tpu.memory_space<hbm>> -> memref<1x200xi32, #tpu.memory_space<hbm>>
      %dma_start3A_1684 = tpu.memref_squeeze %dma_start3A_1683 : memref<1x200xi32, #tpu.memory_space<hbm>> -> memref<200xi32, #tpu.memory_space<hbm>>
      tpu.enqueue_dma source(%dma_start3A_1684 : memref<200xi32, #tpu.memory_space<hbm>>) target(%dma_start3A_1681 : memref<200xi32, #tpu.memory_space<vmem>>) target_semaphore(%dma_start3A_1678 : memref<!tpu.dma_semaphore, #tpu.memory_space<semaphore_mem>>)
    }
    %scan3A_683 = arith.constant 30 : i32
    %dma_wait3A_684 = arith.constant 0 : i32
    %dma_wait3A_685 = arith.constant 0 : i32
    %dma_wait3A_686 = arith.constant 0 : i32
    %dma_wait3A_687 = arith.constant 0 : i32
    %dma_wait3A_688 = arith.constant 0 : i32
    %dma_wait3A_689 = tpu.memref_slice %arg8[%dma_wait3A_685, %dma_wait3A_687, %dma_wait3A_688] : memref<4x200x128xf32, #tpu.memory_space<vmem>> -> memref<1x128x128xf32, #tpu.memory_space<vmem>>
    %dma_wait3A_690 = tpu.memref_squeeze %dma_wait3A_689 : memref<1x128x128xf32, #tpu.memory_space<vmem>> -> memref<128x128xf32, #tpu.memory_space<vmem>>
    %dma_wait3A_691 = arith.constant 0 : i32
    %dma_wait3A_692 = tpu.memref_slice %arg7[%dma_wait3A_684, %dma_wait3A_691] : memref<4x200xi32, #tpu.memory_space<vmem>> -> memref<1x128xi32, #tpu.memory_space<vmem>>
    %dma_wait3A_693 = tpu.memref_squeeze %dma_wait3A_692 : memref<1x128xi32, #tpu.memory_space<vmem>> -> memref<128xi32, #tpu.memory_space<vmem>>
    %dma_wait3A_694 = arith.constant 0 : i32
    %dma_wait3A_695 = arith.constant 0 : i32
    %dma_wait3A_696 = tpu.memref_slice %arg2[%dma_wait3A_694, %dma_wait3A_695] : memref<100000x128xf32, #tpu.memory_space<hbm>> -> memref<100000x128xf32, #tpu.memory_space<hbm>>
    %dma_wait3A_697 = tpu.memref_slice %arg10[%dma_wait3A_686] : memref<4x!tpu.dma_semaphore, #tpu.memory_space<semaphore_mem>> -> memref<1x!tpu.dma_semaphore, #tpu.memory_space<semaphore_mem>>
    %dma_wait3A_698 = tpu.memref_squeeze %dma_wait3A_697 : memref<1x!tpu.dma_semaphore, #tpu.memory_space<semaphore_mem>> -> memref<!tpu.dma_semaphore, #tpu.memory_space<semaphore_mem>>
    tpu.wait_indirect_dma semaphore(%dma_wait3A_698 : memref<!tpu.dma_semaphore, #tpu.memory_space<semaphore_mem>>) src(%dma_wait3A_696 : memref<100000x128xf32, #tpu.memory_space<hbm>>) dst(%dma_wait3A_690 : memref<128x128xf32, #tpu.memory_space<vmem>>)
    %dma_wait3A_699 = arith.constant 0 : i32
    %dma_wait3A_700 = arith.constant 0 : i32
    %dma_wait3A_701 = arith.constant 0 : i32
    %dma_wait3A_702 = arith.constant 128 : i32
    %dma_wait3A_703 = arith.constant 0 : i32
    %dma_wait3A_704 = tpu.memref_slice %arg8[%dma_wait3A_700, %dma_wait3A_702, %dma_wait3A_703] : memref<4x200x128xf32, #tpu.memory_space<vmem>> -> memref<1x72x128xf32, #tpu.memory_space<vmem>>
    %dma_wait3A_705 = tpu.memref_squeeze %dma_wait3A_704 : memref<1x72x128xf32, #tpu.memory_space<vmem>> -> memref<72x128xf32, #tpu.memory_space<vmem>>
    %dma_wait3A_706 = arith.constant 128 : i32
    %dma_wait3A_707 = tpu.memref_slice %arg7[%dma_wait3A_699, %dma_wait3A_706] : memref<4x200xi32, #tpu.memory_space<vmem>> -> memref<1x72xi32, #tpu.memory_space<vmem>>
    %dma_wait3A_708 = tpu.memref_squeeze %dma_wait3A_707 : memref<1x72xi32, #tpu.memory_space<vmem>> -> memref<72xi32, #tpu.memory_space<vmem>>
    %dma_wait3A_709 = arith.constant 0 : i32
    %dma_wait3A_710 = arith.constant 0 : i32
    %dma_wait3A_711 = tpu.memref_slice %arg2[%dma_wait3A_709, %dma_wait3A_710] : memref<100000x128xf32, #tpu.memory_space<hbm>> -> memref<100000x128xf32, #tpu.memory_space<hbm>>
    %dma_wait3A_712 = tpu.memref_slice %arg10[%dma_wait3A_701] : memref<4x!tpu.dma_semaphore, #tpu.memory_space<semaphore_mem>> -> memref<1x!tpu.dma_semaphore, #tpu.memory_space<semaphore_mem>>
    %dma_wait3A_713 = tpu.memref_squeeze %dma_wait3A_712 : memref<1x!tpu.dma_semaphore, #tpu.memory_space<semaphore_mem>> -> memref<!tpu.dma_semaphore, #tpu.memory_space<semaphore_mem>>
    tpu.wait_indirect_dma semaphore(%dma_wait3A_713 : memref<!tpu.dma_semaphore, #tpu.memory_space<semaphore_mem>>) src(%dma_wait3A_711 : memref<100000x128xf32, #tpu.memory_space<hbm>>) dst(%dma_wait3A_705 : memref<72x128xf32, #tpu.memory_space<vmem>>)
    %parallel_loop3A_714 = arith.constant 0 : i32
    %parallel_loop3A_715 = arith.constant 200 : i32
    %parallel_loop3A_716 = arith.constant 1 : i32
    scf.for %parallel_loop3A_1116 = %parallel_loop3A_714 to %parallel_loop3A_715 step %parallel_loop3A_716  : i32 {
      %parallel_loop3A_1117 = arith.index_cast %parallel_loop3A_1116 : i32 to index
      %parallel_loop3A_1118 = arith.constant 0 : index
      %parallel_loop3A_1119 = tpu.vector_load %arg6[%parallel_loop3A_1117, %parallel_loop3A_1118] {strides = array<i32>} : memref<200x128xf32, #tpu.memory_space<vmem>>, vector<1x16xf32>,
      %parallel_loop3A_1120 = vector.shape_cast %parallel_loop3A_1119 : vector<1x16xf32> to vector<16xf32>
      %parallel_loop3A_1121 = arith.constant 0 : i32
      %parallel_loop3A_1122 = arith.index_cast %parallel_loop3A_1121 : i32 to index
      %parallel_loop3A_1123 = arith.index_cast %parallel_loop3A_1116 : i32 to index
      %parallel_loop3A_1124 = arith.constant 0 : index
      %parallel_loop3A_1125 = tpu.vector_load %arg8[%parallel_loop3A_1122, %parallel_loop3A_1123, %parallel_loop3A_1124] {strides = array<i32>} : memref<4x200x128xf32, #tpu.memory_space<vmem>>, vector<1x1x16xf32>,
      %parallel_loop3A_1126 = vector.shape_cast %parallel_loop3A_1125 : vector<1x1x16xf32> to vector<16xf32>
      %parallel_loop3A_1127 = vector.shape_cast %parallel_loop3A_1120 : vector<16xf32> to vector<1x1x16xf32>
      tpu.vector_store %arg8[%parallel_loop3A_1122, %parallel_loop3A_1123, %parallel_loop3A_1124], %parallel_loop3A_1127 {add = true, strides = array<i32>} : memref<4x200x128xf32, #tpu.memory_space<vmem>>, vector<1x1x16xf32>,
      %parallel_loop3A_1128 = arith.index_cast %parallel_loop3A_1116 : i32 to index
      %parallel_loop3A_1129 = arith.constant 16 : index
      %parallel_loop3A_1130 = tpu.vector_load %arg6[%parallel_loop3A_1128, %parallel_loop3A_1129] {strides = array<i32>} : memref<200x128xf32, #tpu.memory_space<vmem>>, vector<1x16xf32>,
      %parallel_loop3A_1131 = vector.shape_cast %parallel_loop3A_1130 : vector<1x16xf32> to vector<16xf32>
      %parallel_loop3A_1132 = arith.constant 0 : i32
      %parallel_loop3A_1133 = arith.index_cast %parallel_loop3A_1132 : i32 to index
      %parallel_loop3A_1134 = arith.index_cast %parallel_loop3A_1116 : i32 to index
      %parallel_loop3A_1135 = arith.constant 16 : index
      %parallel_loop3A_1136 = tpu.vector_load %arg8[%parallel_loop3A_1133, %parallel_loop3A_1134, %parallel_loop3A_1135] {strides = array<i32>} : memref<4x200x128xf32, #tpu.memory_space<vmem>>, vector<1x1x16xf32>,
      %parallel_loop3A_1137 = vector.shape_cast %parallel_loop3A_1136 : vector<1x1x16xf32> to vector<16xf32>
      %parallel_loop3A_1138 = vector.shape_cast %parallel_loop3A_1131 : vector<16xf32> to vector<1x1x16xf32>
      tpu.vector_store %arg8[%parallel_loop3A_1133, %parallel_loop3A_1134, %parallel_loop3A_1135], %parallel_loop3A_1138 {add = true, strides = array<i32>} : memref<4x200x128xf32, #tpu.memory_space<vmem>>, vector<1x1x16xf32>,
      %parallel_loop3A_1139 = arith.index_cast %parallel_loop3A_1116 : i32 to index
      %parallel_loop3A_1140 = arith.constant 32 : index
      %parallel_loop3A_1141 = tpu.vector_load %arg6[%parallel_loop3A_1139, %parallel_loop3A_1140] {strides = array<i32>} : memref<200x128xf32, #tpu.memory_space<vmem>>, vector<1x16xf32>,
      %parallel_loop3A_1142 = vector.shape_cast %parallel_loop3A_1141 : vector<1x16xf32> to vector<16xf32>
      %parallel_loop3A_1143 = arith.constant 0 : i32
      %parallel_loop3A_1144 = arith.index_cast %parallel_loop3A_1143 : i32 to index
      %parallel_loop3A_1145 = arith.index_cast %parallel_loop3A_1116 : i32 to index
      %parallel_loop3A_1146 = arith.constant 32 : index
      %parallel_loop3A_1147 = tpu.vector_load %arg8[%parallel_loop3A_1144, %parallel_loop3A_1145, %parallel_loop3A_1146] {strides = array<i32>} : memref<4x200x128xf32, #tpu.memory_space<vmem>>, vector<1x1x16xf32>,
      %parallel_loop3A_1148 = vector.shape_cast %parallel_loop3A_1147 : vector<1x1x16xf32> to vector<16xf32>
      %parallel_loop3A_1149 = vector.shape_cast %parallel_loop3A_1142 : vector<16xf32> to vector<1x1x16xf32>
      tpu.vector_store %arg8[%parallel_loop3A_1144, %parallel_loop3A_1145, %parallel_loop3A_1146], %parallel_loop3A_1149 {add = true, strides = array<i32>} : memref<4x200x128xf32, #tpu.memory_space<vmem>>, vector<1x1x16xf32>,
      %parallel_loop3A_1150 = arith.index_cast %parallel_loop3A_1116 : i32 to index
      %parallel_loop3A_1151 = arith.constant 48 : index
      %parallel_loop3A_1152 = tpu.vector_load %arg6[%parallel_loop3A_1150, %parallel_loop3A_1151] {strides = array<i32>} : memref<200x128xf32, #tpu.memory_space<vmem>>, vector<1x16xf32>,
      %parallel_loop3A_1153 = vector.shape_cast %parallel_loop3A_1152 : vector<1x16xf32> to vector<16xf32>
      %parallel_loop3A_1154 = arith.constant 0 : i32
      %parallel_loop3A_1155 = arith.index_cast %parallel_loop3A_1154 : i32 to index
      %parallel_loop3A_1156 = arith.index_cast %parallel_loop3A_1116 : i32 to index
      %parallel_loop3A_1157 = arith.constant 48 : index
      %parallel_loop3A_1158 = tpu.vector_load %arg8[%parallel_loop3A_1155, %parallel_loop3A_1156, %parallel_loop3A_1157] {strides = array<i32>} : memref<4x200x128xf32, #tpu.memory_space<vmem>>, vector<1x1x16xf32>,
      %parallel_loop3A_1159 = vector.shape_cast %parallel_loop3A_1158 : vector<1x1x16xf32> to vector<16xf32>
      %parallel_loop3A_1160 = vector.shape_cast %parallel_loop3A_1153 : vector<16xf32> to vector<1x1x16xf32>
      tpu.vector_store %arg8[%parallel_loop3A_1155, %parallel_loop3A_1156, %parallel_loop3A_1157], %parallel_loop3A_1160 {add = true, strides = array<i32>} : memref<4x200x128xf32, #tpu.memory_space<vmem>>, vector<1x1x16xf32>,
      %parallel_loop3A_1161 = arith.index_cast %parallel_loop3A_1116 : i32 to index
      %parallel_loop3A_1162 = arith.constant 64 : index
      %parallel_loop3A_1163 = tpu.vector_load %arg6[%parallel_loop3A_1161, %parallel_loop3A_1162] {strides = array<i32>} : memref<200x128xf32, #tpu.memory_space<vmem>>, vector<1x16xf32>,
      %parallel_loop3A_1164 = vector.shape_cast %parallel_loop3A_1163 : vector<1x16xf32> to vector<16xf32>
      %parallel_loop3A_1165 = arith.constant 0 : i32
      %parallel_loop3A_1166 = arith.index_cast %parallel_loop3A_1165 : i32 to index
      %parallel_loop3A_1167 = arith.index_cast %parallel_loop3A_1116 : i32 to index
      %parallel_loop3A_1168 = arith.constant 64 : index
      %parallel_loop3A_1169 = tpu.vector_load %arg8[%parallel_loop3A_1166, %parallel_loop3A_1167, %parallel_loop3A_1168] {strides = array<i32>} : memref<4x200x128xf32, #tpu.memory_space<vmem>>, vector<1x1x16xf32>,
      %parallel_loop3A_1170 = vector.shape_cast %parallel_loop3A_1169 : vector<1x1x16xf32> to vector<16xf32>
      %parallel_loop3A_1171 = vector.shape_cast %parallel_loop3A_1164 : vector<16xf32> to vector<1x1x16xf32>
      tpu.vector_store %arg8[%parallel_loop3A_1166, %parallel_loop3A_1167, %parallel_loop3A_1168], %parallel_loop3A_1171 {add = true, strides = array<i32>} : memref<4x200x128xf32, #tpu.memory_space<vmem>>, vector<1x1x16xf32>,
      %parallel_loop3A_1172 = arith.index_cast %parallel_loop3A_1116 : i32 to index
      %parallel_loop3A_1173 = arith.constant 80 : index
      %parallel_loop3A_1174 = tpu.vector_load %arg6[%parallel_loop3A_1172, %parallel_loop3A_1173] {strides = array<i32>} : memref<200x128xf32, #tpu.memory_space<vmem>>, vector<1x16xf32>,
      %parallel_loop3A_1175 = vector.shape_cast %parallel_loop3A_1174 : vector<1x16xf32> to vector<16xf32>
      %parallel_loop3A_1176 = arith.constant 0 : i32
      %parallel_loop3A_1177 = arith.index_cast %parallel_loop3A_1176 : i32 to index
      %parallel_loop3A_1178 = arith.index_cast %parallel_loop3A_1116 : i32 to index
      %parallel_loop3A_1179 = arith.constant 80 : index
      %parallel_loop3A_1180 = tpu.vector_load %arg8[%parallel_loop3A_1177, %parallel_loop3A_1178, %parallel_loop3A_1179] {strides = array<i32>} : memref<4x200x128xf32, #tpu.memory_space<vmem>>, vector<1x1x16xf32>,
      %parallel_loop3A_1181 = vector.shape_cast %parallel_loop3A_1180 : vector<1x1x16xf32> to vector<16xf32>
      %parallel_loop3A_1182 = vector.shape_cast %parallel_loop3A_1175 : vector<16xf32> to vector<1x1x16xf32>
      tpu.vector_store %arg8[%parallel_loop3A_1177, %parallel_loop3A_1178, %parallel_loop3A_1179], %parallel_loop3A_1182 {add = true, strides = array<i32>} : memref<4x200x128xf32, #tpu.memory_space<vmem>>, vector<1x1x16xf32>,
      %parallel_loop3A_1183 = arith.index_cast %parallel_loop3A_1116 : i32 to index
      %parallel_loop3A_1184 = arith.constant 96 : index
      %parallel_loop3A_1185 = tpu.vector_load %arg6[%parallel_loop3A_1183, %parallel_loop3A_1184] {strides = array<i32>} : memref<200x128xf32, #tpu.memory_space<vmem>>, vector<1x16xf32>,
      %parallel_loop3A_1186 = vector.shape_cast %parallel_loop3A_1185 : vector<1x16xf32> to vector<16xf32>
      %parallel_loop3A_1187 = arith.constant 0 : i32
      %parallel_loop3A_1188 = arith.index_cast %parallel_loop3A_1187 : i32 to index
      %parallel_loop3A_1189 = arith.index_cast %parallel_loop3A_1116 : i32 to index
      %parallel_loop3A_1190 = arith.constant 96 : index
      %parallel_loop3A_1191 = tpu.vector_load %arg8[%parallel_loop3A_1188, %parallel_loop3A_1189, %parallel_loop3A_1190] {strides = array<i32>} : memref<4x200x128xf32, #tpu.memory_space<vmem>>, vector<1x1x16xf32>,
      %parallel_loop3A_1192 = vector.shape_cast %parallel_loop3A_1191 : vector<1x1x16xf32> to vector<16xf32>
      %parallel_loop3A_1193 = vector.shape_cast %parallel_loop3A_1186 : vector<16xf32> to vector<1x1x16xf32>
      tpu.vector_store %arg8[%parallel_loop3A_1188, %parallel_loop3A_1189, %parallel_loop3A_1190], %parallel_loop3A_1193 {add = true, strides = array<i32>} : memref<4x200x128xf32, #tpu.memory_space<vmem>>, vector<1x1x16xf32>,
      %parallel_loop3A_1194 = arith.index_cast %parallel_loop3A_1116 : i32 to index
      %parallel_loop3A_1195 = arith.constant 112 : index
      %parallel_loop3A_1196 = tpu.vector_load %arg6[%parallel_loop3A_1194, %parallel_loop3A_1195] {strides = array<i32>} : memref<200x128xf32, #tpu.memory_space<vmem>>, vector<1x16xf32>,
      %parallel_loop3A_1197 = vector.shape_cast %parallel_loop3A_1196 : vector<1x16xf32> to vector<16xf32>
      %parallel_loop3A_1198 = arith.constant 0 : i32
      %parallel_loop3A_1199 = arith.index_cast %parallel_loop3A_1198 : i32 to index
      %parallel_loop3A_1200 = arith.index_cast %parallel_loop3A_1116 : i32 to index
      %parallel_loop3A_1201 = arith.constant 112 : index
      %parallel_loop3A_1202 = tpu.vector_load %arg8[%parallel_loop3A_1199, %parallel_loop3A_1200, %parallel_loop3A_1201] {strides = array<i32>} : memref<4x200x128xf32, #tpu.memory_space<vmem>>, vector<1x1x16xf32>,
      %parallel_loop3A_1203 = vector.shape_cast %parallel_loop3A_1202 : vector<1x1x16xf32> to vector<16xf32>
      %parallel_loop3A_1204 = vector.shape_cast %parallel_loop3A_1197 : vector<16xf32> to vector<1x1x16xf32>
      tpu.vector_store %arg8[%parallel_loop3A_1199, %parallel_loop3A_1200, %parallel_loop3A_1201], %parallel_loop3A_1204 {add = true, strides = array<i32>} : memref<4x200x128xf32, #tpu.memory_space<vmem>>, vector<1x1x16xf32>,
    } {sc.loop_unroll_factor = 4 : i64, sc.parallel_access}
    %add3A_717 = arith.constant 124 : i32
    %add3A_718 = arith.addi %mul3A_2, %add3A_717 : i32
    %dma_start3A_719 = arith.constant 0 : i32
    %dma_start3A_720 = arith.constant 0 : i32
    %dma_start3A_721 = arith.constant 0 : i32
    %dma_start3A_722 = arith.constant 0 : i32
    %dma_start3A_723 = tpu.memref_slice %arg8[%dma_start3A_719, %dma_start3A_721, %dma_start3A_722] : memref<4x200x128xf32, #tpu.memory_space<vmem>> -> memref<1x200x128xf32, #tpu.memory_space<vmem>>
    %dma_start3A_724 = tpu.memref_squeeze %dma_start3A_723 : memref<1x200x128xf32, #tpu.memory_space<vmem>> -> memref<200x128xf32, #tpu.memory_space<vmem>>
    %dma_start3A_725 = arith.constant 0 : i32
    %dma_start3A_726 = arith.constant 0 : i32
    %dma_start3A_727 = tpu.memref_slice %arg5[%add3A_718, %dma_start3A_725, %dma_start3A_726] : memref<4096x200x128xf32, #tpu.memory_space<hbm>> -> memref<1x200x128xf32, #tpu.memory_space<hbm>>
    %dma_start3A_728 = tpu.memref_squeeze %dma_start3A_727 : memref<1x200x128xf32, #tpu.memory_space<hbm>> -> memref<200x128xf32, #tpu.memory_space<hbm>>
    %dma_start3A_729 = tpu.memref_slice %arg11[%dma_start3A_720] : memref<4x!tpu.dma_semaphore, #tpu.memory_space<semaphore_mem>> -> memref<1x!tpu.dma_semaphore, #tpu.memory_space<semaphore_mem>>
    %dma_start3A_730 = tpu.memref_squeeze %dma_start3A_729 : memref<1x!tpu.dma_semaphore, #tpu.memory_space<semaphore_mem>> -> memref<!tpu.dma_semaphore, #tpu.memory_space<semaphore_mem>>
    %dma_start3A_731 = arith.constant 0 : i32
    %dma_start3A_732 = arith.constant 0 : i32
    %dma_start3A_733 = tpu.memref_slice %arg5[%add3A_718, %dma_start3A_731, %dma_start3A_732] : memref<4096x200x128xf32, #tpu.memory_space<hbm>> -> memref<1x200x128xf32, #tpu.memory_space<hbm>>
    %dma_start3A_734 = tpu.memref_squeeze %dma_start3A_733 : memref<1x200x128xf32, #tpu.memory_space<hbm>> -> memref<200x128xf32, #tpu.memory_space<hbm>>
    %dma_start3A_735 = arith.constant 0 : i32
    %dma_start3A_736 = arith.constant 0 : i32
    %dma_start3A_737 = tpu.memref_slice %arg8[%dma_start3A_719, %dma_start3A_735, %dma_start3A_736] : memref<4x200x128xf32, #tpu.memory_space<vmem>> -> memref<1x200x128xf32, #tpu.memory_space<vmem>>
    %dma_start3A_738 = tpu.memref_squeeze %dma_start3A_737 : memref<1x200x128xf32, #tpu.memory_space<vmem>> -> memref<200x128xf32, #tpu.memory_space<vmem>>
    tpu.enqueue_dma source(%dma_start3A_738 : memref<200x128xf32, #tpu.memory_space<vmem>>) target(%dma_start3A_734 : memref<200x128xf32, #tpu.memory_space<hbm>>) target_semaphore(%dma_start3A_730 : memref<!tpu.dma_semaphore, #tpu.memory_space<semaphore_mem>>)
    %dma_wait3A_739 = arith.constant 2 : i32
    %dma_wait3A_740 = arith.constant 2 : i32
    %dma_wait3A_741 = arith.constant 0 : i32
    %dma_wait3A_742 = arith.constant 0 : i32
    %dma_wait3A_743 = tpu.memref_slice %arg8[%dma_wait3A_739, %dma_wait3A_741, %dma_wait3A_742] : memref<4x200x128xf32, #tpu.memory_space<vmem>> -> memref<1x200x128xf32, #tpu.memory_space<vmem>>
    %dma_wait3A_744 = tpu.memref_squeeze %dma_wait3A_743 : memref<1x200x128xf32, #tpu.memory_space<vmem>> -> memref<200x128xf32, #tpu.memory_space<vmem>>
    %dma_wait3A_745 = arith.constant 0 : i32
    %dma_wait3A_746 = arith.constant 0 : i32
    %dma_wait3A_747 = tpu.memref_slice %arg5[%mul3A_2, %dma_wait3A_745, %dma_wait3A_746] : memref<4096x200x128xf32, #tpu.memory_space<hbm>> -> memref<1x200x128xf32, #tpu.memory_space<hbm>>
    %dma_wait3A_748 = tpu.memref_squeeze %dma_wait3A_747 : memref<1x200x128xf32, #tpu.memory_space<hbm>> -> memref<200x128xf32, #tpu.memory_space<hbm>>
    %dma_wait3A_749 = tpu.memref_slice %arg11[%dma_wait3A_740] : memref<4x!tpu.dma_semaphore, #tpu.memory_space<semaphore_mem>> -> memref<1x!tpu.dma_semaphore, #tpu.memory_space<semaphore_mem>>
    %dma_wait3A_750 = tpu.memref_squeeze %dma_wait3A_749 : memref<1x!tpu.dma_semaphore, #tpu.memory_space<semaphore_mem>> -> memref<!tpu.dma_semaphore, #tpu.memory_space<semaphore_mem>>
    %dma_wait3A_751 = arith.constant 0 : i32
    %dma_wait3A_752 = arith.constant 0 : i32
    %dma_wait3A_753 = tpu.memref_slice %arg5[%mul3A_2, %dma_wait3A_751, %dma_wait3A_752] : memref<4096x200x128xf32, #tpu.memory_space<hbm>> -> memref<1x200x128xf32, #tpu.memory_space<hbm>>
    %dma_wait3A_754 = tpu.memref_squeeze %dma_wait3A_753 : memref<1x200x128xf32, #tpu.memory_space<hbm>> -> memref<200x128xf32, #tpu.memory_space<hbm>>
    %dma_wait3A_755 = arith.constant 0 : i32
    %dma_wait3A_756 = arith.constant 0 : i32
    %dma_wait3A_757 = tpu.memref_slice %arg8[%dma_wait3A_739, %dma_wait3A_755, %dma_wait3A_756] : memref<4x200x128xf32, #tpu.memory_space<vmem>> -> memref<1x200x128xf32, #tpu.memory_space<vmem>>
    %dma_wait3A_758 = tpu.memref_squeeze %dma_wait3A_757 : memref<1x200x128xf32, #tpu.memory_space<vmem>> -> memref<200x128xf32, #tpu.memory_space<vmem>>
    tpu.wait_dma2 semaphore(%dma_wait3A_750 : memref<!tpu.dma_semaphore, #tpu.memory_space<semaphore_mem>>) src(%dma_wait3A_758 : memref<200x128xf32, #tpu.memory_space<vmem>>) dst(%dma_wait3A_754 : memref<200x128xf32, #tpu.memory_space<hbm>>)
    %dma_wait3A_759 = arith.constant 2 : i32
    %dma_wait3A_760 = arith.constant 2 : i32
    %dma_wait3A_761 = arith.constant 0 : i32
    %dma_wait3A_762 = tpu.memref_slice %arg7[%dma_wait3A_759, %dma_wait3A_761] : memref<4x200xi32, #tpu.memory_space<vmem>> -> memref<1x200xi32, #tpu.memory_space<vmem>>
    %dma_wait3A_763 = tpu.memref_squeeze %dma_wait3A_762 : memref<1x200xi32, #tpu.memory_space<vmem>> -> memref<200xi32, #tpu.memory_space<vmem>>
    %dma_wait3A_764 = arith.constant 0 : i32
    %dma_wait3A_765 = tpu.memref_slice %arg3[%mul3A_2, %dma_wait3A_764] : memref<4096x200xi32, #tpu.memory_space<hbm>> -> memref<1x200xi32, #tpu.memory_space<hbm>>
    %dma_wait3A_766 = tpu.memref_squeeze %dma_wait3A_765 : memref<1x200xi32, #tpu.memory_space<hbm>> -> memref<200xi32, #tpu.memory_space<hbm>>
    %dma_wait3A_767 = tpu.memref_slice %arg9[%dma_wait3A_760] : memref<4x!tpu.dma_semaphore, #tpu.memory_space<semaphore_mem>> -> memref<1x!tpu.dma_semaphore, #tpu.memory_space<semaphore_mem>>
    %dma_wait3A_768 = tpu.memref_squeeze %dma_wait3A_767 : memref<1x!tpu.dma_semaphore, #tpu.memory_space<semaphore_mem>> -> memref<!tpu.dma_semaphore, #tpu.memory_space<semaphore_mem>>
    %dma_wait3A_769 = arith.constant 0 : i32
    %dma_wait3A_770 = tpu.memref_slice %arg7[%dma_wait3A_759, %dma_wait3A_769] : memref<4x200xi32, #tpu.memory_space<vmem>> -> memref<1x200xi32, #tpu.memory_space<vmem>>
    %dma_wait3A_771 = tpu.memref_squeeze %dma_wait3A_770 : memref<1x200xi32, #tpu.memory_space<vmem>> -> memref<200xi32, #tpu.memory_space<vmem>>
    %dma_wait3A_772 = arith.constant 0 : i32
    %dma_wait3A_773 = tpu.memref_slice %arg3[%mul3A_2, %dma_wait3A_772] : memref<4096x200xi32, #tpu.memory_space<hbm>> -> memref<1x200xi32, #tpu.memory_space<hbm>>
    %dma_wait3A_774 = tpu.memref_squeeze %dma_wait3A_773 : memref<1x200xi32, #tpu.memory_space<hbm>> -> memref<200xi32, #tpu.memory_space<hbm>>
    tpu.wait_dma2 semaphore(%dma_wait3A_768 : memref<!tpu.dma_semaphore, #tpu.memory_space<semaphore_mem>>) src(%dma_wait3A_774 : memref<200xi32, #tpu.memory_space<hbm>>) dst(%dma_wait3A_771 : memref<200xi32, #tpu.memory_space<vmem>>)
    %dma_start3A_775 = arith.constant 2 : i32
    %dma_start3A_776 = arith.constant 2 : i32
    %dma_start3A_777 = arith.constant 2 : i32
    %dma_start3A_778 = arith.constant 0 : i32
    %dma_start3A_779 = arith.constant 0 : i32
    %dma_start3A_780 = tpu.memref_slice %arg8[%dma_start3A_776, %dma_start3A_778, %dma_start3A_779] : memref<4x200x128xf32, #tpu.memory_space<vmem>> -> memref<1x128x128xf32, #tpu.memory_space<vmem>>
    %dma_start3A_781 = tpu.memref_squeeze %dma_start3A_780 : memref<1x128x128xf32, #tpu.memory_space<vmem>> -> memref<128x128xf32, #tpu.memory_space<vmem>>
    %dma_start3A_782 = arith.constant 0 : i32
    %dma_start3A_783 = tpu.memref_slice %arg7[%dma_start3A_775, %dma_start3A_782] : memref<4x200xi32, #tpu.memory_space<vmem>> -> memref<1x128xi32, #tpu.memory_space<vmem>>
    %dma_start3A_784 = tpu.memref_squeeze %dma_start3A_783 : memref<1x128xi32, #tpu.memory_space<vmem>> -> memref<128xi32, #tpu.memory_space<vmem>>
    %dma_start3A_785 = arith.constant 0 : i32
    %dma_start3A_786 = arith.constant 0 : i32
    %dma_start3A_787 = tpu.memref_slice %arg2[%dma_start3A_785, %dma_start3A_786] : memref<100000x128xf32, #tpu.memory_space<hbm>> -> memref<100000x128xf32, #tpu.memory_space<hbm>>
    %dma_start3A_788 = tpu.memref_slice %arg10[%dma_start3A_777] : memref<4x!tpu.dma_semaphore, #tpu.memory_space<semaphore_mem>> -> memref<1x!tpu.dma_semaphore, #tpu.memory_space<semaphore_mem>>
    %dma_start3A_789 = tpu.memref_squeeze %dma_start3A_788 : memref<1x!tpu.dma_semaphore, #tpu.memory_space<semaphore_mem>> -> memref<!tpu.dma_semaphore, #tpu.memory_space<semaphore_mem>>
    tpu.enqueue_indirect_dma source(%dma_start3A_787 : memref<100000x128xf32, #tpu.memory_space<hbm>>) target(%dma_start3A_781 : memref<128x128xf32, #tpu.memory_space<vmem>>) offsets(%dma_start3A_784 : memref<128xi32, #tpu.memory_space<vmem>>) semaphore(%dma_start3A_789 : memref<!tpu.dma_semaphore, #tpu.memory_space<semaphore_mem>>)
    %dma_start3A_790 = arith.constant 2 : i32
    %dma_start3A_791 = arith.constant 2 : i32
    %dma_start3A_792 = arith.constant 2 : i32
    %dma_start3A_793 = arith.constant 128 : i32
    %dma_start3A_794 = arith.constant 0 : i32
    %dma_start3A_795 = tpu.memref_slice %arg8[%dma_start3A_791, %dma_start3A_793, %dma_start3A_794] : memref<4x200x128xf32, #tpu.memory_space<vmem>> -> memref<1x72x128xf32, #tpu.memory_space<vmem>>
    %dma_start3A_796 = tpu.memref_squeeze %dma_start3A_795 : memref<1x72x128xf32, #tpu.memory_space<vmem>> -> memref<72x128xf32, #tpu.memory_space<vmem>>
    %dma_start3A_797 = arith.constant 128 : i32
    %dma_start3A_798 = tpu.memref_slice %arg7[%dma_start3A_790, %dma_start3A_797] : memref<4x200xi32, #tpu.memory_space<vmem>> -> memref<1x72xi32, #tpu.memory_space<vmem>>
    %dma_start3A_799 = tpu.memref_squeeze %dma_start3A_798 : memref<1x72xi32, #tpu.memory_space<vmem>> -> memref<72xi32, #tpu.memory_space<vmem>>
    %dma_start3A_800 = arith.constant 0 : i32
    %dma_start3A_801 = arith.constant 0 : i32
    %dma_start3A_802 = tpu.memref_slice %arg2[%dma_start3A_800, %dma_start3A_801] : memref<100000x128xf32, #tpu.memory_space<hbm>> -> memref<100000x128xf32, #tpu.memory_space<hbm>>
    %dma_start3A_803 = tpu.memref_slice %arg10[%dma_start3A_792] : memref<4x!tpu.dma_semaphore, #tpu.memory_space<semaphore_mem>> -> memref<1x!tpu.dma_semaphore, #tpu.memory_space<semaphore_mem>>
    %dma_start3A_804 = tpu.memref_squeeze %dma_start3A_803 : memref<1x!tpu.dma_semaphore, #tpu.memory_space<semaphore_mem>> -> memref<!tpu.dma_semaphore, #tpu.memory_space<semaphore_mem>>
    tpu.enqueue_indirect_dma source(%dma_start3A_802 : memref<100000x128xf32, #tpu.memory_space<hbm>>) target(%dma_start3A_796 : memref<72x128xf32, #tpu.memory_space<vmem>>) offsets(%dma_start3A_799 : memref<72xi32, #tpu.memory_space<vmem>>) semaphore(%dma_start3A_804 : memref<!tpu.dma_semaphore, #tpu.memory_space<semaphore_mem>>)
    %dma_wait3A_805 = arith.constant 1 : i32
    %dma_wait3A_806 = arith.constant 1 : i32
    %dma_wait3A_807 = arith.constant 1 : i32
    %dma_wait3A_808 = arith.constant 0 : i32
    %dma_wait3A_809 = arith.constant 0 : i32
    %dma_wait3A_810 = tpu.memref_slice %arg8[%dma_wait3A_806, %dma_wait3A_808, %dma_wait3A_809] : memref<4x200x128xf32, #tpu.memory_space<vmem>> -> memref<1x128x128xf32, #tpu.memory_space<vmem>>
    %dma_wait3A_811 = tpu.memref_squeeze %dma_wait3A_810 : memref<1x128x128xf32, #tpu.memory_space<vmem>> -> memref<128x128xf32, #tpu.memory_space<vmem>>
    %dma_wait3A_812 = arith.constant 0 : i32
    %dma_wait3A_813 = tpu.memref_slice %arg7[%dma_wait3A_805, %dma_wait3A_812] : memref<4x200xi32, #tpu.memory_space<vmem>> -> memref<1x128xi32, #tpu.memory_space<vmem>>
    %dma_wait3A_814 = tpu.memref_squeeze %dma_wait3A_813 : memref<1x128xi32, #tpu.memory_space<vmem>> -> memref<128xi32, #tpu.memory_space<vmem>>
    %dma_wait3A_815 = arith.constant 0 : i32
    %dma_wait3A_816 = arith.constant 0 : i32
    %dma_wait3A_817 = tpu.memref_slice %arg2[%dma_wait3A_815, %dma_wait3A_816] : memref<100000x128xf32, #tpu.memory_space<hbm>> -> memref<100000x128xf32, #tpu.memory_space<hbm>>
    %dma_wait3A_818 = tpu.memref_slice %arg10[%dma_wait3A_807] : memref<4x!tpu.dma_semaphore, #tpu.memory_space<semaphore_mem>> -> memref<1x!tpu.dma_semaphore, #tpu.memory_space<semaphore_mem>>
    %dma_wait3A_819 = tpu.memref_squeeze %dma_wait3A_818 : memref<1x!tpu.dma_semaphore, #tpu.memory_space<semaphore_mem>> -> memref<!tpu.dma_semaphore, #tpu.memory_space<semaphore_mem>>
    tpu.wait_indirect_dma semaphore(%dma_wait3A_819 : memref<!tpu.dma_semaphore, #tpu.memory_space<semaphore_mem>>) src(%dma_wait3A_817 : memref<100000x128xf32, #tpu.memory_space<hbm>>) dst(%dma_wait3A_811 : memref<128x128xf32, #tpu.memory_space<vmem>>)
    %dma_wait3A_820 = arith.constant 1 : i32
    %dma_wait3A_821 = arith.constant 1 : i32
    %dma_wait3A_822 = arith.constant 1 : i32
    %dma_wait3A_823 = arith.constant 128 : i32
    %dma_wait3A_824 = arith.constant 0 : i32
    %dma_wait3A_825 = tpu.memref_slice %arg8[%dma_wait3A_821, %dma_wait3A_823, %dma_wait3A_824] : memref<4x200x128xf32, #tpu.memory_space<vmem>> -> memref<1x72x128xf32, #tpu.memory_space<vmem>>
    %dma_wait3A_826 = tpu.memref_squeeze %dma_wait3A_825 : memref<1x72x128xf32, #tpu.memory_space<vmem>> -> memref<72x128xf32, #tpu.memory_space<vmem>>
    %dma_wait3A_827 = arith.constant 128 : i32
    %dma_wait3A_828 = tpu.memref_slice %arg7[%dma_wait3A_820, %dma_wait3A_827] : memref<4x200xi32, #tpu.memory_space<vmem>> -> memref<1x72xi32, #tpu.memory_space<vmem>>
    %dma_wait3A_829 = tpu.memref_squeeze %dma_wait3A_828 : memref<1x72xi32, #tpu.memory_space<vmem>> -> memref<72xi32, #tpu.memory_space<vmem>>
    %dma_wait3A_830 = arith.constant 0 : i32
    %dma_wait3A_831 = arith.constant 0 : i32
    %dma_wait3A_832 = tpu.memref_slice %arg2[%dma_wait3A_830, %dma_wait3A_831] : memref<100000x128xf32, #tpu.memory_space<hbm>> -> memref<100000x128xf32, #tpu.memory_space<hbm>>
    %dma_wait3A_833 = tpu.memref_slice %arg10[%dma_wait3A_822] : memref<4x!tpu.dma_semaphore, #tpu.memory_space<semaphore_mem>> -> memref<1x!tpu.dma_semaphore, #tpu.memory_space<semaphore_mem>>
    %dma_wait3A_834 = tpu.memref_squeeze %dma_wait3A_833 : memref<1x!tpu.dma_semaphore, #tpu.memory_space<semaphore_mem>> -> memref<!tpu.dma_semaphore, #tpu.memory_space<semaphore_mem>>
    tpu.wait_indirect_dma semaphore(%dma_wait3A_834 : memref<!tpu.dma_semaphore, #tpu.memory_space<semaphore_mem>>) src(%dma_wait3A_832 : memref<100000x128xf32, #tpu.memory_space<hbm>>) dst(%dma_wait3A_826 : memref<72x128xf32, #tpu.memory_space<vmem>>)
    %parallel_loop3A_835 = arith.constant 0 : i32
    %parallel_loop3A_836 = arith.constant 200 : i32
    %parallel_loop3A_837 = arith.constant 1 : i32
    scf.for %parallel_loop3A_1116 = %parallel_loop3A_835 to %parallel_loop3A_836 step %parallel_loop3A_837  : i32 {
      %parallel_loop3A_1117 = arith.index_cast %parallel_loop3A_1116 : i32 to index
      %parallel_loop3A_1118 = arith.constant 0 : index
      %parallel_loop3A_1119 = tpu.vector_load %arg6[%parallel_loop3A_1117, %parallel_loop3A_1118] {strides = array<i32>} : memref<200x128xf32, #tpu.memory_space<vmem>>, vector<1x16xf32>,
      %parallel_loop3A_1120 = vector.shape_cast %parallel_loop3A_1119 : vector<1x16xf32> to vector<16xf32>
      %parallel_loop3A_1121 = arith.constant 1 : i32
      %parallel_loop3A_1122 = arith.index_cast %parallel_loop3A_1121 : i32 to index
      %parallel_loop3A_1123 = arith.index_cast %parallel_loop3A_1116 : i32 to index
      %parallel_loop3A_1124 = arith.constant 0 : index
      %parallel_loop3A_1125 = tpu.vector_load %arg8[%parallel_loop3A_1122, %parallel_loop3A_1123, %parallel_loop3A_1124] {strides = array<i32>} : memref<4x200x128xf32, #tpu.memory_space<vmem>>, vector<1x1x16xf32>,
      %parallel_loop3A_1126 = vector.shape_cast %parallel_loop3A_1125 : vector<1x1x16xf32> to vector<16xf32>
      %parallel_loop3A_1127 = vector.shape_cast %parallel_loop3A_1120 : vector<16xf32> to vector<1x1x16xf32>
      tpu.vector_store %arg8[%parallel_loop3A_1122, %parallel_loop3A_1123, %parallel_loop3A_1124], %parallel_loop3A_1127 {add = true, strides = array<i32>} : memref<4x200x128xf32, #tpu.memory_space<vmem>>, vector<1x1x16xf32>,
      %parallel_loop3A_1128 = arith.index_cast %parallel_loop3A_1116 : i32 to index
      %parallel_loop3A_1129 = arith.constant 16 : index
      %parallel_loop3A_1130 = tpu.vector_load %arg6[%parallel_loop3A_1128, %parallel_loop3A_1129] {strides = array<i32>} : memref<200x128xf32, #tpu.memory_space<vmem>>, vector<1x16xf32>,
      %parallel_loop3A_1131 = vector.shape_cast %parallel_loop3A_1130 : vector<1x16xf32> to vector<16xf32>
      %parallel_loop3A_1132 = arith.constant 1 : i32
      %parallel_loop3A_1133 = arith.index_cast %parallel_loop3A_1132 : i32 to index
      %parallel_loop3A_1134 = arith.index_cast %parallel_loop3A_1116 : i32 to index
      %parallel_loop3A_1135 = arith.constant 16 : index
      %parallel_loop3A_1136 = tpu.vector_load %arg8[%parallel_loop3A_1133, %parallel_loop3A_1134, %parallel_loop3A_1135] {strides = array<i32>} : memref<4x200x128xf32, #tpu.memory_space<vmem>>, vector<1x1x16xf32>,
      %parallel_loop3A_1137 = vector.shape_cast %parallel_loop3A_1136 : vector<1x1x16xf32> to vector<16xf32>
      %parallel_loop3A_1138 = vector.shape_cast %parallel_loop3A_1131 : vector<16xf32> to vector<1x1x16xf32>
      tpu.vector_store %arg8[%parallel_loop3A_1133, %parallel_loop3A_1134, %parallel_loop3A_1135], %parallel_loop3A_1138 {add = true, strides = array<i32>} : memref<4x200x128xf32, #tpu.memory_space<vmem>>, vector<1x1x16xf32>,
      %parallel_loop3A_1139 = arith.index_cast %parallel_loop3A_1116 : i32 to index
      %parallel_loop3A_1140 = arith.constant 32 : index
      %parallel_loop3A_1141 = tpu.vector_load %arg6[%parallel_loop3A_1139, %parallel_loop3A_1140] {strides = array<i32>} : memref<200x128xf32, #tpu.memory_space<vmem>>, vector<1x16xf32>,
      %parallel_loop3A_1142 = vector.shape_cast %parallel_loop3A_1141 : vector<1x16xf32> to vector<16xf32>
      %parallel_loop3A_1143 = arith.constant 1 : i32
      %parallel_loop3A_1144 = arith.index_cast %parallel_loop3A_1143 : i32 to index
      %parallel_loop3A_1145 = arith.index_cast %parallel_loop3A_1116 : i32 to index
      %parallel_loop3A_1146 = arith.constant 32 : index
      %parallel_loop3A_1147 = tpu.vector_load %arg8[%parallel_loop3A_1144, %parallel_loop3A_1145, %parallel_loop3A_1146] {strides = array<i32>} : memref<4x200x128xf32, #tpu.memory_space<vmem>>, vector<1x1x16xf32>,
      %parallel_loop3A_1148 = vector.shape_cast %parallel_loop3A_1147 : vector<1x1x16xf32> to vector<16xf32>
      %parallel_loop3A_1149 = vector.shape_cast %parallel_loop3A_1142 : vector<16xf32> to vector<1x1x16xf32>
      tpu.vector_store %arg8[%parallel_loop3A_1144, %parallel_loop3A_1145, %parallel_loop3A_1146], %parallel_loop3A_1149 {add = true, strides = array<i32>} : memref<4x200x128xf32, #tpu.memory_space<vmem>>, vector<1x1x16xf32>,
      %parallel_loop3A_1150 = arith.index_cast %parallel_loop3A_1116 : i32 to index
      %parallel_loop3A_1151 = arith.constant 48 : index
      %parallel_loop3A_1152 = tpu.vector_load %arg6[%parallel_loop3A_1150, %parallel_loop3A_1151] {strides = array<i32>} : memref<200x128xf32, #tpu.memory_space<vmem>>, vector<1x16xf32>,
      %parallel_loop3A_1153 = vector.shape_cast %parallel_loop3A_1152 : vector<1x16xf32> to vector<16xf32>
      %parallel_loop3A_1154 = arith.constant 1 : i32
      %parallel_loop3A_1155 = arith.index_cast %parallel_loop3A_1154 : i32 to index
      %parallel_loop3A_1156 = arith.index_cast %parallel_loop3A_1116 : i32 to index
      %parallel_loop3A_1157 = arith.constant 48 : index
      %parallel_loop3A_1158 = tpu.vector_load %arg8[%parallel_loop3A_1155, %parallel_loop3A_1156, %parallel_loop3A_1157] {strides = array<i32>} : memref<4x200x128xf32, #tpu.memory_space<vmem>>, vector<1x1x16xf32>,
      %parallel_loop3A_1159 = vector.shape_cast %parallel_loop3A_1158 : vector<1x1x16xf32> to vector<16xf32>
      %parallel_loop3A_1160 = vector.shape_cast %parallel_loop3A_1153 : vector<16xf32> to vector<1x1x16xf32>
      tpu.vector_store %arg8[%parallel_loop3A_1155, %parallel_loop3A_1156, %parallel_loop3A_1157], %parallel_loop3A_1160 {add = true, strides = array<i32>} : memref<4x200x128xf32, #tpu.memory_space<vmem>>, vector<1x1x16xf32>,
      %parallel_loop3A_1161 = arith.index_cast %parallel_loop3A_1116 : i32 to index
      %parallel_loop3A_1162 = arith.constant 64 : index
      %parallel_loop3A_1163 = tpu.vector_load %arg6[%parallel_loop3A_1161, %parallel_loop3A_1162] {strides = array<i32>} : memref<200x128xf32, #tpu.memory_space<vmem>>, vector<1x16xf32>,
      %parallel_loop3A_1164 = vector.shape_cast %parallel_loop3A_1163 : vector<1x16xf32> to vector<16xf32>
      %parallel_loop3A_1165 = arith.constant 1 : i32
      %parallel_loop3A_1166 = arith.index_cast %parallel_loop3A_1165 : i32 to index
      %parallel_loop3A_1167 = arith.index_cast %parallel_loop3A_1116 : i32 to index
      %parallel_loop3A_1168 = arith.constant 64 : index
      %parallel_loop3A_1169 = tpu.vector_load %arg8[%parallel_loop3A_1166, %parallel_loop3A_1167, %parallel_loop3A_1168] {strides = array<i32>} : memref<4x200x128xf32, #tpu.memory_space<vmem>>, vector<1x1x16xf32>,
      %parallel_loop3A_1170 = vector.shape_cast %parallel_loop3A_1169 : vector<1x1x16xf32> to vector<16xf32>
      %parallel_loop3A_1171 = vector.shape_cast %parallel_loop3A_1164 : vector<16xf32> to vector<1x1x16xf32>
      tpu.vector_store %arg8[%parallel_loop3A_1166, %parallel_loop3A_1167, %parallel_loop3A_1168], %parallel_loop3A_1171 {add = true, strides = array<i32>} : memref<4x200x128xf32, #tpu.memory_space<vmem>>, vector<1x1x16xf32>,
      %parallel_loop3A_1172 = arith.index_cast %parallel_loop3A_1116 : i32 to index
      %parallel_loop3A_1173 = arith.constant 80 : index
      %parallel_loop3A_1174 = tpu.vector_load %arg6[%parallel_loop3A_1172, %parallel_loop3A_1173] {strides = array<i32>} : memref<200x128xf32, #tpu.memory_space<vmem>>, vector<1x16xf32>,
      %parallel_loop3A_1175 = vector.shape_cast %parallel_loop3A_1174 : vector<1x16xf32> to vector<16xf32>
      %parallel_loop3A_1176 = arith.constant 1 : i32
      %parallel_loop3A_1177 = arith.index_cast %parallel_loop3A_1176 : i32 to index
      %parallel_loop3A_1178 = arith.index_cast %parallel_loop3A_1116 : i32 to index
      %parallel_loop3A_1179 = arith.constant 80 : index
      %parallel_loop3A_1180 = tpu.vector_load %arg8[%parallel_loop3A_1177, %parallel_loop3A_1178, %parallel_loop3A_1179] {strides = array<i32>} : memref<4x200x128xf32, #tpu.memory_space<vmem>>, vector<1x1x16xf32>,
      %parallel_loop3A_1181 = vector.shape_cast %parallel_loop3A_1180 : vector<1x1x16xf32> to vector<16xf32>
      %parallel_loop3A_1182 = vector.shape_cast %parallel_loop3A_1175 : vector<16xf32> to vector<1x1x16xf32>
      tpu.vector_store %arg8[%parallel_loop3A_1177, %parallel_loop3A_1178, %parallel_loop3A_1179], %parallel_loop3A_1182 {add = true, strides = array<i32>} : memref<4x200x128xf32, #tpu.memory_space<vmem>>, vector<1x1x16xf32>,
      %parallel_loop3A_1183 = arith.index_cast %parallel_loop3A_1116 : i32 to index
      %parallel_loop3A_1184 = arith.constant 96 : index
      %parallel_loop3A_1185 = tpu.vector_load %arg6[%parallel_loop3A_1183, %parallel_loop3A_1184] {strides = array<i32>} : memref<200x128xf32, #tpu.memory_space<vmem>>, vector<1x16xf32>,
      %parallel_loop3A_1186 = vector.shape_cast %parallel_loop3A_1185 : vector<1x16xf32> to vector<16xf32>
      %parallel_loop3A_1187 = arith.constant 1 : i32
      %parallel_loop3A_1188 = arith.index_cast %parallel_loop3A_1187 : i32 to index
      %parallel_loop3A_1189 = arith.index_cast %parallel_loop3A_1116 : i32 to index
      %parallel_loop3A_1190 = arith.constant 96 : index
      %parallel_loop3A_1191 = tpu.vector_load %arg8[%parallel_loop3A_1188, %parallel_loop3A_1189, %parallel_loop3A_1190] {strides = array<i32>} : memref<4x200x128xf32, #tpu.memory_space<vmem>>, vector<1x1x16xf32>,
      %parallel_loop3A_1192 = vector.shape_cast %parallel_loop3A_1191 : vector<1x1x16xf32> to vector<16xf32>
      %parallel_loop3A_1193 = vector.shape_cast %parallel_loop3A_1186 : vector<16xf32> to vector<1x1x16xf32>
      tpu.vector_store %arg8[%parallel_loop3A_1188, %parallel_loop3A_1189, %parallel_loop3A_1190], %parallel_loop3A_1193 {add = true, strides = array<i32>} : memref<4x200x128xf32, #tpu.memory_space<vmem>>, vector<1x1x16xf32>,
      %parallel_loop3A_1194 = arith.index_cast %parallel_loop3A_1116 : i32 to index
      %parallel_loop3A_1195 = arith.constant 112 : index
      %parallel_loop3A_1196 = tpu.vector_load %arg6[%parallel_loop3A_1194, %parallel_loop3A_1195] {strides = array<i32>} : memref<200x128xf32, #tpu.memory_space<vmem>>, vector<1x16xf32>,
      %parallel_loop3A_1197 = vector.shape_cast %parallel_loop3A_1196 : vector<1x16xf32> to vector<16xf32>
      %parallel_loop3A_1198 = arith.constant 1 : i32
      %parallel_loop3A_1199 = arith.index_cast %parallel_loop3A_1198 : i32 to index
      %parallel_loop3A_1200 = arith.index_cast %parallel_loop3A_1116 : i32 to index
      %parallel_loop3A_1201 = arith.constant 112 : index
      %parallel_loop3A_1202 = tpu.vector_load %arg8[%parallel_loop3A_1199, %parallel_loop3A_1200, %parallel_loop3A_1201] {strides = array<i32>} : memref<4x200x128xf32, #tpu.memory_space<vmem>>, vector<1x1x16xf32>,
      %parallel_loop3A_1203 = vector.shape_cast %parallel_loop3A_1202 : vector<1x1x16xf32> to vector<16xf32>
      %parallel_loop3A_1204 = vector.shape_cast %parallel_loop3A_1197 : vector<16xf32> to vector<1x1x16xf32>
      tpu.vector_store %arg8[%parallel_loop3A_1199, %parallel_loop3A_1200, %parallel_loop3A_1201], %parallel_loop3A_1204 {add = true, strides = array<i32>} : memref<4x200x128xf32, #tpu.memory_space<vmem>>, vector<1x1x16xf32>,
    } {sc.loop_unroll_factor = 4 : i64, sc.parallel_access}
    %add3A_838 = arith.constant 125 : i32
    %add3A_839 = arith.addi %mul3A_2, %add3A_838 : i32
    %dma_start3A_840 = arith.constant 1 : i32
    %dma_start3A_841 = arith.constant 1 : i32
    %dma_start3A_842 = arith.constant 0 : i32
    %dma_start3A_843 = arith.constant 0 : i32
    %dma_start3A_844 = tpu.memref_slice %arg8[%dma_start3A_840, %dma_start3A_842, %dma_start3A_843] : memref<4x200x128xf32, #tpu.memory_space<vmem>> -> memref<1x200x128xf32, #tpu.memory_space<vmem>>
    %dma_start3A_845 = tpu.memref_squeeze %dma_start3A_844 : memref<1x200x128xf32, #tpu.memory_space<vmem>> -> memref<200x128xf32, #tpu.memory_space<vmem>>
    %dma_start3A_846 = arith.constant 0 : i32
    %dma_start3A_847 = arith.constant 0 : i32
    %dma_start3A_848 = tpu.memref_slice %arg5[%add3A_839, %dma_start3A_846, %dma_start3A_847] : memref<4096x200x128xf32, #tpu.memory_space<hbm>> -> memref<1x200x128xf32, #tpu.memory_space<hbm>>
    %dma_start3A_849 = tpu.memref_squeeze %dma_start3A_848 : memref<1x200x128xf32, #tpu.memory_space<hbm>> -> memref<200x128xf32, #tpu.memory_space<hbm>>
    %dma_start3A_850 = tpu.memref_slice %arg11[%dma_start3A_841] : memref<4x!tpu.dma_semaphore, #tpu.memory_space<semaphore_mem>> -> memref<1x!tpu.dma_semaphore, #tpu.memory_space<semaphore_mem>>
    %dma_start3A_851 = tpu.memref_squeeze %dma_start3A_850 : memref<1x!tpu.dma_semaphore, #tpu.memory_space<semaphore_mem>> -> memref<!tpu.dma_semaphore, #tpu.memory_space<semaphore_mem>>
    %dma_start3A_852 = arith.constant 0 : i32
    %dma_start3A_853 = arith.constant 0 : i32
    %dma_start3A_854 = tpu.memref_slice %arg5[%add3A_839, %dma_start3A_852, %dma_start3A_853] : memref<4096x200x128xf32, #tpu.memory_space<hbm>> -> memref<1x200x128xf32, #tpu.memory_space<hbm>>
    %dma_start3A_855 = tpu.memref_squeeze %dma_start3A_854 : memref<1x200x128xf32, #tpu.memory_space<hbm>> -> memref<200x128xf32, #tpu.memory_space<hbm>>
    %dma_start3A_856 = arith.constant 0 : i32
    %dma_start3A_857 = arith.constant 0 : i32
    %dma_start3A_858 = tpu.memref_slice %arg8[%dma_start3A_840, %dma_start3A_856, %dma_start3A_857] : memref<4x200x128xf32, #tpu.memory_space<vmem>> -> memref<1x200x128xf32, #tpu.memory_space<vmem>>
    %dma_start3A_859 = tpu.memref_squeeze %dma_start3A_858 : memref<1x200x128xf32, #tpu.memory_space<vmem>> -> memref<200x128xf32, #tpu.memory_space<vmem>>
    tpu.enqueue_dma source(%dma_start3A_859 : memref<200x128xf32, #tpu.memory_space<vmem>>) target(%dma_start3A_855 : memref<200x128xf32, #tpu.memory_space<hbm>>) target_semaphore(%dma_start3A_851 : memref<!tpu.dma_semaphore, #tpu.memory_space<semaphore_mem>>)
    %dma_wait3A_860 = arith.constant 3 : i32
    %dma_wait3A_861 = arith.constant 3 : i32
    %dma_wait3A_862 = arith.constant 0 : i32
    %dma_wait3A_863 = arith.constant 0 : i32
    %dma_wait3A_864 = tpu.memref_slice %arg8[%dma_wait3A_860, %dma_wait3A_862, %dma_wait3A_863] : memref<4x200x128xf32, #tpu.memory_space<vmem>> -> memref<1x200x128xf32, #tpu.memory_space<vmem>>
    %dma_wait3A_865 = tpu.memref_squeeze %dma_wait3A_864 : memref<1x200x128xf32, #tpu.memory_space<vmem>> -> memref<200x128xf32, #tpu.memory_space<vmem>>
    %dma_wait3A_866 = arith.constant 0 : i32
    %dma_wait3A_867 = arith.constant 0 : i32
    %dma_wait3A_868 = tpu.memref_slice %arg5[%mul3A_2, %dma_wait3A_866, %dma_wait3A_867] : memref<4096x200x128xf32, #tpu.memory_space<hbm>> -> memref<1x200x128xf32, #tpu.memory_space<hbm>>
    %dma_wait3A_869 = tpu.memref_squeeze %dma_wait3A_868 : memref<1x200x128xf32, #tpu.memory_space<hbm>> -> memref<200x128xf32, #tpu.memory_space<hbm>>
    %dma_wait3A_870 = tpu.memref_slice %arg11[%dma_wait3A_861] : memref<4x!tpu.dma_semaphore, #tpu.memory_space<semaphore_mem>> -> memref<1x!tpu.dma_semaphore, #tpu.memory_space<semaphore_mem>>
    %dma_wait3A_871 = tpu.memref_squeeze %dma_wait3A_870 : memref<1x!tpu.dma_semaphore, #tpu.memory_space<semaphore_mem>> -> memref<!tpu.dma_semaphore, #tpu.memory_space<semaphore_mem>>
    %dma_wait3A_872 = arith.constant 0 : i32
    %dma_wait3A_873 = arith.constant 0 : i32
    %dma_wait3A_874 = tpu.memref_slice %arg5[%mul3A_2, %dma_wait3A_872, %dma_wait3A_873] : memref<4096x200x128xf32, #tpu.memory_space<hbm>> -> memref<1x200x128xf32, #tpu.memory_space<hbm>>
    %dma_wait3A_875 = tpu.memref_squeeze %dma_wait3A_874 : memref<1x200x128xf32, #tpu.memory_space<hbm>> -> memref<200x128xf32, #tpu.memory_space<hbm>>
    %dma_wait3A_876 = arith.constant 0 : i32
    %dma_wait3A_877 = arith.constant 0 : i32
    %dma_wait3A_878 = tpu.memref_slice %arg8[%dma_wait3A_860, %dma_wait3A_876, %dma_wait3A_877] : memref<4x200x128xf32, #tpu.memory_space<vmem>> -> memref<1x200x128xf32, #tpu.memory_space<vmem>>
    %dma_wait3A_879 = tpu.memref_squeeze %dma_wait3A_878 : memref<1x200x128xf32, #tpu.memory_space<vmem>> -> memref<200x128xf32, #tpu.memory_space<vmem>>
    tpu.wait_dma2 semaphore(%dma_wait3A_871 : memref<!tpu.dma_semaphore, #tpu.memory_space<semaphore_mem>>) src(%dma_wait3A_879 : memref<200x128xf32, #tpu.memory_space<vmem>>) dst(%dma_wait3A_875 : memref<200x128xf32, #tpu.memory_space<hbm>>)
    %dma_wait3A_880 = arith.constant 3 : i32
    %dma_wait3A_881 = arith.constant 3 : i32
    %dma_wait3A_882 = arith.constant 0 : i32
    %dma_wait3A_883 = tpu.memref_slice %arg7[%dma_wait3A_880, %dma_wait3A_882] : memref<4x200xi32, #tpu.memory_space<vmem>> -> memref<1x200xi32, #tpu.memory_space<vmem>>
    %dma_wait3A_884 = tpu.memref_squeeze %dma_wait3A_883 : memref<1x200xi32, #tpu.memory_space<vmem>> -> memref<200xi32, #tpu.memory_space<vmem>>
    %dma_wait3A_885 = arith.constant 0 : i32
    %dma_wait3A_886 = tpu.memref_slice %arg3[%mul3A_2, %dma_wait3A_885] : memref<4096x200xi32, #tpu.memory_space<hbm>> -> memref<1x200xi32, #tpu.memory_space<hbm>>
    %dma_wait3A_887 = tpu.memref_squeeze %dma_wait3A_886 : memref<1x200xi32, #tpu.memory_space<hbm>> -> memref<200xi32, #tpu.memory_space<hbm>>
    %dma_wait3A_888 = tpu.memref_slice %arg9[%dma_wait3A_881] : memref<4x!tpu.dma_semaphore, #tpu.memory_space<semaphore_mem>> -> memref<1x!tpu.dma_semaphore, #tpu.memory_space<semaphore_mem>>
    %dma_wait3A_889 = tpu.memref_squeeze %dma_wait3A_888 : memref<1x!tpu.dma_semaphore, #tpu.memory_space<semaphore_mem>> -> memref<!tpu.dma_semaphore, #tpu.memory_space<semaphore_mem>>
    %dma_wait3A_890 = arith.constant 0 : i32
    %dma_wait3A_891 = tpu.memref_slice %arg7[%dma_wait3A_880, %dma_wait3A_890] : memref<4x200xi32, #tpu.memory_space<vmem>> -> memref<1x200xi32, #tpu.memory_space<vmem>>
    %dma_wait3A_892 = tpu.memref_squeeze %dma_wait3A_891 : memref<1x200xi32, #tpu.memory_space<vmem>> -> memref<200xi32, #tpu.memory_space<vmem>>
    %dma_wait3A_893 = arith.constant 0 : i32
    %dma_wait3A_894 = tpu.memref_slice %arg3[%mul3A_2, %dma_wait3A_893] : memref<4096x200xi32, #tpu.memory_space<hbm>> -> memref<1x200xi32, #tpu.memory_space<hbm>>
    %dma_wait3A_895 = tpu.memref_squeeze %dma_wait3A_894 : memref<1x200xi32, #tpu.memory_space<hbm>> -> memref<200xi32, #tpu.memory_space<hbm>>
    tpu.wait_dma2 semaphore(%dma_wait3A_889 : memref<!tpu.dma_semaphore, #tpu.memory_space<semaphore_mem>>) src(%dma_wait3A_895 : memref<200xi32, #tpu.memory_space<hbm>>) dst(%dma_wait3A_892 : memref<200xi32, #tpu.memory_space<vmem>>)
    %dma_start3A_896 = arith.constant 3 : i32
    %dma_start3A_897 = arith.constant 3 : i32
    %dma_start3A_898 = arith.constant 3 : i32
    %dma_start3A_899 = arith.constant 0 : i32
    %dma_start3A_900 = arith.constant 0 : i32
    %dma_start3A_901 = tpu.memref_slice %arg8[%dma_start3A_897, %dma_start3A_899, %dma_start3A_900] : memref<4x200x128xf32, #tpu.memory_space<vmem>> -> memref<1x128x128xf32, #tpu.memory_space<vmem>>
    %dma_start3A_902 = tpu.memref_squeeze %dma_start3A_901 : memref<1x128x128xf32, #tpu.memory_space<vmem>> -> memref<128x128xf32, #tpu.memory_space<vmem>>
    %dma_start3A_903 = arith.constant 0 : i32
    %dma_start3A_904 = tpu.memref_slice %arg7[%dma_start3A_896, %dma_start3A_903] : memref<4x200xi32, #tpu.memory_space<vmem>> -> memref<1x128xi32, #tpu.memory_space<vmem>>
    %dma_start3A_905 = tpu.memref_squeeze %dma_start3A_904 : memref<1x128xi32, #tpu.memory_space<vmem>> -> memref<128xi32, #tpu.memory_space<vmem>>
    %dma_start3A_906 = arith.constant 0 : i32
    %dma_start3A_907 = arith.constant 0 : i32
    %dma_start3A_908 = tpu.memref_slice %arg2[%dma_start3A_906, %dma_start3A_907] : memref<100000x128xf32, #tpu.memory_space<hbm>> -> memref<100000x128xf32, #tpu.memory_space<hbm>>
    %dma_start3A_909 = tpu.memref_slice %arg10[%dma_start3A_898] : memref<4x!tpu.dma_semaphore, #tpu.memory_space<semaphore_mem>> -> memref<1x!tpu.dma_semaphore, #tpu.memory_space<semaphore_mem>>
    %dma_start3A_910 = tpu.memref_squeeze %dma_start3A_909 : memref<1x!tpu.dma_semaphore, #tpu.memory_space<semaphore_mem>> -> memref<!tpu.dma_semaphore, #tpu.memory_space<semaphore_mem>>
    tpu.enqueue_indirect_dma source(%dma_start3A_908 : memref<100000x128xf32, #tpu.memory_space<hbm>>) target(%dma_start3A_902 : memref<128x128xf32, #tpu.memory_space<vmem>>) offsets(%dma_start3A_905 : memref<128xi32, #tpu.memory_space<vmem>>) semaphore(%dma_start3A_910 : memref<!tpu.dma_semaphore, #tpu.memory_space<semaphore_mem>>)
    %dma_start3A_911 = arith.constant 3 : i32
    %dma_start3A_912 = arith.constant 3 : i32
    %dma_start3A_913 = arith.constant 3 : i32
    %dma_start3A_914 = arith.constant 128 : i32
    %dma_start3A_915 = arith.constant 0 : i32
    %dma_start3A_916 = tpu.memref_slice %arg8[%dma_start3A_912, %dma_start3A_914, %dma_start3A_915] : memref<4x200x128xf32, #tpu.memory_space<vmem>> -> memref<1x72x128xf32, #tpu.memory_space<vmem>>
    %dma_start3A_917 = tpu.memref_squeeze %dma_start3A_916 : memref<1x72x128xf32, #tpu.memory_space<vmem>> -> memref<72x128xf32, #tpu.memory_space<vmem>>
    %dma_start3A_918 = arith.constant 128 : i32
    %dma_start3A_919 = tpu.memref_slice %arg7[%dma_start3A_911, %dma_start3A_918] : memref<4x200xi32, #tpu.memory_space<vmem>> -> memref<1x72xi32, #tpu.memory_space<vmem>>
    %dma_start3A_920 = tpu.memref_squeeze %dma_start3A_919 : memref<1x72xi32, #tpu.memory_space<vmem>> -> memref<72xi32, #tpu.memory_space<vmem>>
    %dma_start3A_921 = arith.constant 0 : i32
    %dma_start3A_922 = arith.constant 0 : i32
    %dma_start3A_923 = tpu.memref_slice %arg2[%dma_start3A_921, %dma_start3A_922] : memref<100000x128xf32, #tpu.memory_space<hbm>> -> memref<100000x128xf32, #tpu.memory_space<hbm>>
    %dma_start3A_924 = tpu.memref_slice %arg10[%dma_start3A_913] : memref<4x!tpu.dma_semaphore, #tpu.memory_space<semaphore_mem>> -> memref<1x!tpu.dma_semaphore, #tpu.memory_space<semaphore_mem>>
    %dma_start3A_925 = tpu.memref_squeeze %dma_start3A_924 : memref<1x!tpu.dma_semaphore, #tpu.memory_space<semaphore_mem>> -> memref<!tpu.dma_semaphore, #tpu.memory_space<semaphore_mem>>
    tpu.enqueue_indirect_dma source(%dma_start3A_923 : memref<100000x128xf32, #tpu.memory_space<hbm>>) target(%dma_start3A_917 : memref<72x128xf32, #tpu.memory_space<vmem>>) offsets(%dma_start3A_920 : memref<72xi32, #tpu.memory_space<vmem>>) semaphore(%dma_start3A_925 : memref<!tpu.dma_semaphore, #tpu.memory_space<semaphore_mem>>)
    %dma_wait3A_926 = arith.constant 2 : i32
    %dma_wait3A_927 = arith.constant 2 : i32
    %dma_wait3A_928 = arith.constant 2 : i32
    %dma_wait3A_929 = arith.constant 0 : i32
    %dma_wait3A_930 = arith.constant 0 : i32
    %dma_wait3A_931 = tpu.memref_slice %arg8[%dma_wait3A_927, %dma_wait3A_929, %dma_wait3A_930] : memref<4x200x128xf32, #tpu.memory_space<vmem>> -> memref<1x128x128xf32, #tpu.memory_space<vmem>>
    %dma_wait3A_932 = tpu.memref_squeeze %dma_wait3A_931 : memref<1x128x128xf32, #tpu.memory_space<vmem>> -> memref<128x128xf32, #tpu.memory_space<vmem>>
    %dma_wait3A_933 = arith.constant 0 : i32
    %dma_wait3A_934 = tpu.memref_slice %arg7[%dma_wait3A_926, %dma_wait3A_933] : memref<4x200xi32, #tpu.memory_space<vmem>> -> memref<1x128xi32, #tpu.memory_space<vmem>>
    %dma_wait3A_935 = tpu.memref_squeeze %dma_wait3A_934 : memref<1x128xi32, #tpu.memory_space<vmem>> -> memref<128xi32, #tpu.memory_space<vmem>>
    %dma_wait3A_936 = arith.constant 0 : i32
    %dma_wait3A_937 = arith.constant 0 : i32
    %dma_wait3A_938 = tpu.memref_slice %arg2[%dma_wait3A_936, %dma_wait3A_937] : memref<100000x128xf32, #tpu.memory_space<hbm>> -> memref<100000x128xf32, #tpu.memory_space<hbm>>
    %dma_wait3A_939 = tpu.memref_slice %arg10[%dma_wait3A_928] : memref<4x!tpu.dma_semaphore, #tpu.memory_space<semaphore_mem>> -> memref<1x!tpu.dma_semaphore, #tpu.memory_space<semaphore_mem>>
    %dma_wait3A_940 = tpu.memref_squeeze %dma_wait3A_939 : memref<1x!tpu.dma_semaphore, #tpu.memory_space<semaphore_mem>> -> memref<!tpu.dma_semaphore, #tpu.memory_space<semaphore_mem>>
    tpu.wait_indirect_dma semaphore(%dma_wait3A_940 : memref<!tpu.dma_semaphore, #tpu.memory_space<semaphore_mem>>) src(%dma_wait3A_938 : memref<100000x128xf32, #tpu.memory_space<hbm>>) dst(%dma_wait3A_932 : memref<128x128xf32, #tpu.memory_space<vmem>>)
    %dma_wait3A_941 = arith.constant 2 : i32
    %dma_wait3A_942 = arith.constant 2 : i32
    %dma_wait3A_943 = arith.constant 2 : i32
    %dma_wait3A_944 = arith.constant 128 : i32
    %dma_wait3A_945 = arith.constant 0 : i32
    %dma_wait3A_946 = tpu.memref_slice %arg8[%dma_wait3A_942, %dma_wait3A_944, %dma_wait3A_945] : memref<4x200x128xf32, #tpu.memory_space<vmem>> -> memref<1x72x128xf32, #tpu.memory_space<vmem>>
    %dma_wait3A_947 = tpu.memref_squeeze %dma_wait3A_946 : memref<1x72x128xf32, #tpu.memory_space<vmem>> -> memref<72x128xf32, #tpu.memory_space<vmem>>
    %dma_wait3A_948 = arith.constant 128 : i32
    %dma_wait3A_949 = tpu.memref_slice %arg7[%dma_wait3A_941, %dma_wait3A_948] : memref<4x200xi32, #tpu.memory_space<vmem>> -> memref<1x72xi32, #tpu.memory_space<vmem>>
    %dma_wait3A_950 = tpu.memref_squeeze %dma_wait3A_949 : memref<1x72xi32, #tpu.memory_space<vmem>> -> memref<72xi32, #tpu.memory_space<vmem>>
    %dma_wait3A_951 = arith.constant 0 : i32
    %dma_wait3A_952 = arith.constant 0 : i32
    %dma_wait3A_953 = tpu.memref_slice %arg2[%dma_wait3A_951, %dma_wait3A_952] : memref<100000x128xf32, #tpu.memory_space<hbm>> -> memref<100000x128xf32, #tpu.memory_space<hbm>>
    %dma_wait3A_954 = tpu.memref_slice %arg10[%dma_wait3A_943] : memref<4x!tpu.dma_semaphore, #tpu.memory_space<semaphore_mem>> -> memref<1x!tpu.dma_semaphore, #tpu.memory_space<semaphore_mem>>
    %dma_wait3A_955 = tpu.memref_squeeze %dma_wait3A_954 : memref<1x!tpu.dma_semaphore, #tpu.memory_space<semaphore_mem>> -> memref<!tpu.dma_semaphore, #tpu.memory_space<semaphore_mem>>
    tpu.wait_indirect_dma semaphore(%dma_wait3A_955 : memref<!tpu.dma_semaphore, #tpu.memory_space<semaphore_mem>>) src(%dma_wait3A_953 : memref<100000x128xf32, #tpu.memory_space<hbm>>) dst(%dma_wait3A_947 : memref<72x128xf32, #tpu.memory_space<vmem>>)
    %parallel_loop3A_956 = arith.constant 0 : i32
    %parallel_loop3A_957 = arith.constant 200 : i32
    %parallel_loop3A_958 = arith.constant 1 : i32
    scf.for %parallel_loop3A_1116 = %parallel_loop3A_956 to %parallel_loop3A_957 step %parallel_loop3A_958  : i32 {
      %parallel_loop3A_1117 = arith.index_cast %parallel_loop3A_1116 : i32 to index
      %parallel_loop3A_1118 = arith.constant 0 : index
      %parallel_loop3A_1119 = tpu.vector_load %arg6[%parallel_loop3A_1117, %parallel_loop3A_1118] {strides = array<i32>} : memref<200x128xf32, #tpu.memory_space<vmem>>, vector<1x16xf32>,
      %parallel_loop3A_1120 = vector.shape_cast %parallel_loop3A_1119 : vector<1x16xf32> to vector<16xf32>
      %parallel_loop3A_1121 = arith.constant 2 : i32
      %parallel_loop3A_1122 = arith.index_cast %parallel_loop3A_1121 : i32 to index
      %parallel_loop3A_1123 = arith.index_cast %parallel_loop3A_1116 : i32 to index
      %parallel_loop3A_1124 = arith.constant 0 : index
      %parallel_loop3A_1125 = tpu.vector_load %arg8[%parallel_loop3A_1122, %parallel_loop3A_1123, %parallel_loop3A_1124] {strides = array<i32>} : memref<4x200x128xf32, #tpu.memory_space<vmem>>, vector<1x1x16xf32>,
      %parallel_loop3A_1126 = vector.shape_cast %parallel_loop3A_1125 : vector<1x1x16xf32> to vector<16xf32>
      %parallel_loop3A_1127 = vector.shape_cast %parallel_loop3A_1120 : vector<16xf32> to vector<1x1x16xf32>
      tpu.vector_store %arg8[%parallel_loop3A_1122, %parallel_loop3A_1123, %parallel_loop3A_1124], %parallel_loop3A_1127 {add = true, strides = array<i32>} : memref<4x200x128xf32, #tpu.memory_space<vmem>>, vector<1x1x16xf32>,
      %parallel_loop3A_1128 = arith.index_cast %parallel_loop3A_1116 : i32 to index
      %parallel_loop3A_1129 = arith.constant 16 : index
      %parallel_loop3A_1130 = tpu.vector_load %arg6[%parallel_loop3A_1128, %parallel_loop3A_1129] {strides = array<i32>} : memref<200x128xf32, #tpu.memory_space<vmem>>, vector<1x16xf32>,
      %parallel_loop3A_1131 = vector.shape_cast %parallel_loop3A_1130 : vector<1x16xf32> to vector<16xf32>
      %parallel_loop3A_1132 = arith.constant 2 : i32
      %parallel_loop3A_1133 = arith.index_cast %parallel_loop3A_1132 : i32 to index
      %parallel_loop3A_1134 = arith.index_cast %parallel_loop3A_1116 : i32 to index
      %parallel_loop3A_1135 = arith.constant 16 : index
      %parallel_loop3A_1136 = tpu.vector_load %arg8[%parallel_loop3A_1133, %parallel_loop3A_1134, %parallel_loop3A_1135] {strides = array<i32>} : memref<4x200x128xf32, #tpu.memory_space<vmem>>, vector<1x1x16xf32>,
      %parallel_loop3A_1137 = vector.shape_cast %parallel_loop3A_1136 : vector<1x1x16xf32> to vector<16xf32>
      %parallel_loop3A_1138 = vector.shape_cast %parallel_loop3A_1131 : vector<16xf32> to vector<1x1x16xf32>
      tpu.vector_store %arg8[%parallel_loop3A_1133, %parallel_loop3A_1134, %parallel_loop3A_1135], %parallel_loop3A_1138 {add = true, strides = array<i32>} : memref<4x200x128xf32, #tpu.memory_space<vmem>>, vector<1x1x16xf32>,
      %parallel_loop3A_1139 = arith.index_cast %parallel_loop3A_1116 : i32 to index
      %parallel_loop3A_1140 = arith.constant 32 : index
      %parallel_loop3A_1141 = tpu.vector_load %arg6[%parallel_loop3A_1139, %parallel_loop3A_1140] {strides = array<i32>} : memref<200x128xf32, #tpu.memory_space<vmem>>, vector<1x16xf32>,
      %parallel_loop3A_1142 = vector.shape_cast %parallel_loop3A_1141 : vector<1x16xf32> to vector<16xf32>
      %parallel_loop3A_1143 = arith.constant 2 : i32
      %parallel_loop3A_1144 = arith.index_cast %parallel_loop3A_1143 : i32 to index
      %parallel_loop3A_1145 = arith.index_cast %parallel_loop3A_1116 : i32 to index
      %parallel_loop3A_1146 = arith.constant 32 : index
      %parallel_loop3A_1147 = tpu.vector_load %arg8[%parallel_loop3A_1144, %parallel_loop3A_1145, %parallel_loop3A_1146] {strides = array<i32>} : memref<4x200x128xf32, #tpu.memory_space<vmem>>, vector<1x1x16xf32>,
      %parallel_loop3A_1148 = vector.shape_cast %parallel_loop3A_1147 : vector<1x1x16xf32> to vector<16xf32>
      %parallel_loop3A_1149 = vector.shape_cast %parallel_loop3A_1142 : vector<16xf32> to vector<1x1x16xf32>
      tpu.vector_store %arg8[%parallel_loop3A_1144, %parallel_loop3A_1145, %parallel_loop3A_1146], %parallel_loop3A_1149 {add = true, strides = array<i32>} : memref<4x200x128xf32, #tpu.memory_space<vmem>>, vector<1x1x16xf32>,
      %parallel_loop3A_1150 = arith.index_cast %parallel_loop3A_1116 : i32 to index
      %parallel_loop3A_1151 = arith.constant 48 : index
      %parallel_loop3A_1152 = tpu.vector_load %arg6[%parallel_loop3A_1150, %parallel_loop3A_1151] {strides = array<i32>} : memref<200x128xf32, #tpu.memory_space<vmem>>, vector<1x16xf32>,
      %parallel_loop3A_1153 = vector.shape_cast %parallel_loop3A_1152 : vector<1x16xf32> to vector<16xf32>
      %parallel_loop3A_1154 = arith.constant 2 : i32
      %parallel_loop3A_1155 = arith.index_cast %parallel_loop3A_1154 : i32 to index
      %parallel_loop3A_1156 = arith.index_cast %parallel_loop3A_1116 : i32 to index
      %parallel_loop3A_1157 = arith.constant 48 : index
      %parallel_loop3A_1158 = tpu.vector_load %arg8[%parallel_loop3A_1155, %parallel_loop3A_1156, %parallel_loop3A_1157] {strides = array<i32>} : memref<4x200x128xf32, #tpu.memory_space<vmem>>, vector<1x1x16xf32>,
      %parallel_loop3A_1159 = vector.shape_cast %parallel_loop3A_1158 : vector<1x1x16xf32> to vector<16xf32>
      %parallel_loop3A_1160 = vector.shape_cast %parallel_loop3A_1153 : vector<16xf32> to vector<1x1x16xf32>
      tpu.vector_store %arg8[%parallel_loop3A_1155, %parallel_loop3A_1156, %parallel_loop3A_1157], %parallel_loop3A_1160 {add = true, strides = array<i32>} : memref<4x200x128xf32, #tpu.memory_space<vmem>>, vector<1x1x16xf32>,
      %parallel_loop3A_1161 = arith.index_cast %parallel_loop3A_1116 : i32 to index
      %parallel_loop3A_1162 = arith.constant 64 : index
      %parallel_loop3A_1163 = tpu.vector_load %arg6[%parallel_loop3A_1161, %parallel_loop3A_1162] {strides = array<i32>} : memref<200x128xf32, #tpu.memory_space<vmem>>, vector<1x16xf32>,
      %parallel_loop3A_1164 = vector.shape_cast %parallel_loop3A_1163 : vector<1x16xf32> to vector<16xf32>
      %parallel_loop3A_1165 = arith.constant 2 : i32
      %parallel_loop3A_1166 = arith.index_cast %parallel_loop3A_1165 : i32 to index
      %parallel_loop3A_1167 = arith.index_cast %parallel_loop3A_1116 : i32 to index
      %parallel_loop3A_1168 = arith.constant 64 : index
      %parallel_loop3A_1169 = tpu.vector_load %arg8[%parallel_loop3A_1166, %parallel_loop3A_1167, %parallel_loop3A_1168] {strides = array<i32>} : memref<4x200x128xf32, #tpu.memory_space<vmem>>, vector<1x1x16xf32>,
      %parallel_loop3A_1170 = vector.shape_cast %parallel_loop3A_1169 : vector<1x1x16xf32> to vector<16xf32>
      %parallel_loop3A_1171 = vector.shape_cast %parallel_loop3A_1164 : vector<16xf32> to vector<1x1x16xf32>
      tpu.vector_store %arg8[%parallel_loop3A_1166, %parallel_loop3A_1167, %parallel_loop3A_1168], %parallel_loop3A_1171 {add = true, strides = array<i32>} : memref<4x200x128xf32, #tpu.memory_space<vmem>>, vector<1x1x16xf32>,
      %parallel_loop3A_1172 = arith.index_cast %parallel_loop3A_1116 : i32 to index
      %parallel_loop3A_1173 = arith.constant 80 : index
      %parallel_loop3A_1174 = tpu.vector_load %arg6[%parallel_loop3A_1172, %parallel_loop3A_1173] {strides = array<i32>} : memref<200x128xf32, #tpu.memory_space<vmem>>, vector<1x16xf32>,
      %parallel_loop3A_1175 = vector.shape_cast %parallel_loop3A_1174 : vector<1x16xf32> to vector<16xf32>
      %parallel_loop3A_1176 = arith.constant 2 : i32
      %parallel_loop3A_1177 = arith.index_cast %parallel_loop3A_1176 : i32 to index
      %parallel_loop3A_1178 = arith.index_cast %parallel_loop3A_1116 : i32 to index
      %parallel_loop3A_1179 = arith.constant 80 : index
      %parallel_loop3A_1180 = tpu.vector_load %arg8[%parallel_loop3A_1177, %parallel_loop3A_1178, %parallel_loop3A_1179] {strides = array<i32>} : memref<4x200x128xf32, #tpu.memory_space<vmem>>, vector<1x1x16xf32>,
      %parallel_loop3A_1181 = vector.shape_cast %parallel_loop3A_1180 : vector<1x1x16xf32> to vector<16xf32>
      %parallel_loop3A_1182 = vector.shape_cast %parallel_loop3A_1175 : vector<16xf32> to vector<1x1x16xf32>
      tpu.vector_store %arg8[%parallel_loop3A_1177, %parallel_loop3A_1178, %parallel_loop3A_1179], %parallel_loop3A_1182 {add = true, strides = array<i32>} : memref<4x200x128xf32, #tpu.memory_space<vmem>>, vector<1x1x16xf32>,
      %parallel_loop3A_1183 = arith.index_cast %parallel_loop3A_1116 : i32 to index
      %parallel_loop3A_1184 = arith.constant 96 : index
      %parallel_loop3A_1185 = tpu.vector_load %arg6[%parallel_loop3A_1183, %parallel_loop3A_1184] {strides = array<i32>} : memref<200x128xf32, #tpu.memory_space<vmem>>, vector<1x16xf32>,
      %parallel_loop3A_1186 = vector.shape_cast %parallel_loop3A_1185 : vector<1x16xf32> to vector<16xf32>
      %parallel_loop3A_1187 = arith.constant 2 : i32
      %parallel_loop3A_1188 = arith.index_cast %parallel_loop3A_1187 : i32 to index
      %parallel_loop3A_1189 = arith.index_cast %parallel_loop3A_1116 : i32 to index
      %parallel_loop3A_1190 = arith.constant 96 : index
      %parallel_loop3A_1191 = tpu.vector_load %arg8[%parallel_loop3A_1188, %parallel_loop3A_1189, %parallel_loop3A_1190] {strides = array<i32>} : memref<4x200x128xf32, #tpu.memory_space<vmem>>, vector<1x1x16xf32>,
      %parallel_loop3A_1192 = vector.shape_cast %parallel_loop3A_1191 : vector<1x1x16xf32> to vector<16xf32>
      %parallel_loop3A_1193 = vector.shape_cast %parallel_loop3A_1186 : vector<16xf32> to vector<1x1x16xf32>
      tpu.vector_store %arg8[%parallel_loop3A_1188, %parallel_loop3A_1189, %parallel_loop3A_1190], %parallel_loop3A_1193 {add = true, strides = array<i32>} : memref<4x200x128xf32, #tpu.memory_space<vmem>>, vector<1x1x16xf32>,
      %parallel_loop3A_1194 = arith.index_cast %parallel_loop3A_1116 : i32 to index
      %parallel_loop3A_1195 = arith.constant 112 : index
      %parallel_loop3A_1196 = tpu.vector_load %arg6[%parallel_loop3A_1194, %parallel_loop3A_1195] {strides = array<i32>} : memref<200x128xf32, #tpu.memory_space<vmem>>, vector<1x16xf32>,
      %parallel_loop3A_1197 = vector.shape_cast %parallel_loop3A_1196 : vector<1x16xf32> to vector<16xf32>
      %parallel_loop3A_1198 = arith.constant 2 : i32
      %parallel_loop3A_1199 = arith.index_cast %parallel_loop3A_1198 : i32 to index
      %parallel_loop3A_1200 = arith.index_cast %parallel_loop3A_1116 : i32 to index
      %parallel_loop3A_1201 = arith.constant 112 : index
      %parallel_loop3A_1202 = tpu.vector_load %arg8[%parallel_loop3A_1199, %parallel_loop3A_1200, %parallel_loop3A_1201] {strides = array<i32>} : memref<4x200x128xf32, #tpu.memory_space<vmem>>, vector<1x1x16xf32>,
      %parallel_loop3A_1203 = vector.shape_cast %parallel_loop3A_1202 : vector<1x1x16xf32> to vector<16xf32>
      %parallel_loop3A_1204 = vector.shape_cast %parallel_loop3A_1197 : vector<16xf32> to vector<1x1x16xf32>
      tpu.vector_store %arg8[%parallel_loop3A_1199, %parallel_loop3A_1200, %parallel_loop3A_1201], %parallel_loop3A_1204 {add = true, strides = array<i32>} : memref<4x200x128xf32, #tpu.memory_space<vmem>>, vector<1x1x16xf32>,
    } {sc.loop_unroll_factor = 4 : i64, sc.parallel_access}
    %add3A_959 = arith.constant 126 : i32
    %add3A_960 = arith.addi %mul3A_2, %add3A_959 : i32
    %dma_start3A_961 = arith.constant 2 : i32
    %dma_start3A_962 = arith.constant 2 : i32
    %dma_start3A_963 = arith.constant 0 : i32
    %dma_start3A_964 = arith.constant 0 : i32
    %dma_start3A_965 = tpu.memref_slice %arg8[%dma_start3A_961, %dma_start3A_963, %dma_start3A_964] : memref<4x200x128xf32, #tpu.memory_space<vmem>> -> memref<1x200x128xf32, #tpu.memory_space<vmem>>
    %dma_start3A_966 = tpu.memref_squeeze %dma_start3A_965 : memref<1x200x128xf32, #tpu.memory_space<vmem>> -> memref<200x128xf32, #tpu.memory_space<vmem>>
    %dma_start3A_967 = arith.constant 0 : i32
    %dma_start3A_968 = arith.constant 0 : i32
    %dma_start3A_969 = tpu.memref_slice %arg5[%add3A_960, %dma_start3A_967, %dma_start3A_968] : memref<4096x200x128xf32, #tpu.memory_space<hbm>> -> memref<1x200x128xf32, #tpu.memory_space<hbm>>
    %dma_start3A_970 = tpu.memref_squeeze %dma_start3A_969 : memref<1x200x128xf32, #tpu.memory_space<hbm>> -> memref<200x128xf32, #tpu.memory_space<hbm>>
    %dma_start3A_971 = tpu.memref_slice %arg11[%dma_start3A_962] : memref<4x!tpu.dma_semaphore, #tpu.memory_space<semaphore_mem>> -> memref<1x!tpu.dma_semaphore, #tpu.memory_space<semaphore_mem>>
    %dma_start3A_972 = tpu.memref_squeeze %dma_start3A_971 : memref<1x!tpu.dma_semaphore, #tpu.memory_space<semaphore_mem>> -> memref<!tpu.dma_semaphore, #tpu.memory_space<semaphore_mem>>
    %dma_start3A_973 = arith.constant 0 : i32
    %dma_start3A_974 = arith.constant 0 : i32
    %dma_start3A_975 = tpu.memref_slice %arg5[%add3A_960, %dma_start3A_973, %dma_start3A_974] : memref<4096x200x128xf32, #tpu.memory_space<hbm>> -> memref<1x200x128xf32, #tpu.memory_space<hbm>>
    %dma_start3A_976 = tpu.memref_squeeze %dma_start3A_975 : memref<1x200x128xf32, #tpu.memory_space<hbm>> -> memref<200x128xf32, #tpu.memory_space<hbm>>
    %dma_start3A_977 = arith.constant 0 : i32
    %dma_start3A_978 = arith.constant 0 : i32
    %dma_start3A_979 = tpu.memref_slice %arg8[%dma_start3A_961, %dma_start3A_977, %dma_start3A_978] : memref<4x200x128xf32, #tpu.memory_space<vmem>> -> memref<1x200x128xf32, #tpu.memory_space<vmem>>
    %dma_start3A_980 = tpu.memref_squeeze %dma_start3A_979 : memref<1x200x128xf32, #tpu.memory_space<vmem>> -> memref<200x128xf32, #tpu.memory_space<vmem>>
    tpu.enqueue_dma source(%dma_start3A_980 : memref<200x128xf32, #tpu.memory_space<vmem>>) target(%dma_start3A_976 : memref<200x128xf32, #tpu.memory_space<hbm>>) target_semaphore(%dma_start3A_972 : memref<!tpu.dma_semaphore, #tpu.memory_space<semaphore_mem>>)
    %dma_wait3A_981 = arith.constant 0 : i32
    %dma_wait3A_982 = arith.constant 0 : i32
    %dma_wait3A_983 = arith.constant 0 : i32
    %dma_wait3A_984 = arith.constant 0 : i32
    %dma_wait3A_985 = tpu.memref_slice %arg8[%dma_wait3A_981, %dma_wait3A_983, %dma_wait3A_984] : memref<4x200x128xf32, #tpu.memory_space<vmem>> -> memref<1x200x128xf32, #tpu.memory_space<vmem>>
    %dma_wait3A_986 = tpu.memref_squeeze %dma_wait3A_985 : memref<1x200x128xf32, #tpu.memory_space<vmem>> -> memref<200x128xf32, #tpu.memory_space<vmem>>
    %dma_wait3A_987 = arith.constant 0 : i32
    %dma_wait3A_988 = arith.constant 0 : i32
    %dma_wait3A_989 = tpu.memref_slice %arg5[%mul3A_2, %dma_wait3A_987, %dma_wait3A_988] : memref<4096x200x128xf32, #tpu.memory_space<hbm>> -> memref<1x200x128xf32, #tpu.memory_space<hbm>>
    %dma_wait3A_990 = tpu.memref_squeeze %dma_wait3A_989 : memref<1x200x128xf32, #tpu.memory_space<hbm>> -> memref<200x128xf32, #tpu.memory_space<hbm>>
    %dma_wait3A_991 = tpu.memref_slice %arg11[%dma_wait3A_982] : memref<4x!tpu.dma_semaphore, #tpu.memory_space<semaphore_mem>> -> memref<1x!tpu.dma_semaphore, #tpu.memory_space<semaphore_mem>>
    %dma_wait3A_992 = tpu.memref_squeeze %dma_wait3A_991 : memref<1x!tpu.dma_semaphore, #tpu.memory_space<semaphore_mem>> -> memref<!tpu.dma_semaphore, #tpu.memory_space<semaphore_mem>>
    %dma_wait3A_993 = arith.constant 0 : i32
    %dma_wait3A_994 = arith.constant 0 : i32
    %dma_wait3A_995 = tpu.memref_slice %arg5[%mul3A_2, %dma_wait3A_993, %dma_wait3A_994] : memref<4096x200x128xf32, #tpu.memory_space<hbm>> -> memref<1x200x128xf32, #tpu.memory_space<hbm>>
    %dma_wait3A_996 = tpu.memref_squeeze %dma_wait3A_995 : memref<1x200x128xf32, #tpu.memory_space<hbm>> -> memref<200x128xf32, #tpu.memory_space<hbm>>
    %dma_wait3A_997 = arith.constant 0 : i32
    %dma_wait3A_998 = arith.constant 0 : i32
    %dma_wait3A_999 = tpu.memref_slice %arg8[%dma_wait3A_981, %dma_wait3A_997, %dma_wait3A_998] : memref<4x200x128xf32, #tpu.memory_space<vmem>> -> memref<1x200x128xf32, #tpu.memory_space<vmem>>
    %dma_wait3A_1000 = tpu.memref_squeeze %dma_wait3A_999 : memref<1x200x128xf32, #tpu.memory_space<vmem>> -> memref<200x128xf32, #tpu.memory_space<vmem>>
    tpu.wait_dma2 semaphore(%dma_wait3A_992 : memref<!tpu.dma_semaphore, #tpu.memory_space<semaphore_mem>>) src(%dma_wait3A_1000 : memref<200x128xf32, #tpu.memory_space<vmem>>) dst(%dma_wait3A_996 : memref<200x128xf32, #tpu.memory_space<hbm>>)
    %dma_wait3A_1001 = arith.constant 3 : i32
    %dma_wait3A_1002 = arith.constant 3 : i32
    %dma_wait3A_1003 = arith.constant 3 : i32
    %dma_wait3A_1004 = arith.constant 0 : i32
    %dma_wait3A_1005 = arith.constant 0 : i32
    %dma_wait3A_1006 = tpu.memref_slice %arg8[%dma_wait3A_1002, %dma_wait3A_1004, %dma_wait3A_1005] : memref<4x200x128xf32, #tpu.memory_space<vmem>> -> memref<1x128x128xf32, #tpu.memory_space<vmem>>
    %dma_wait3A_1007 = tpu.memref_squeeze %dma_wait3A_1006 : memref<1x128x128xf32, #tpu.memory_space<vmem>> -> memref<128x128xf32, #tpu.memory_space<vmem>>
    %dma_wait3A_1008 = arith.constant 0 : i32
    %dma_wait3A_1009 = tpu.memref_slice %arg7[%dma_wait3A_1001, %dma_wait3A_1008] : memref<4x200xi32, #tpu.memory_space<vmem>> -> memref<1x128xi32, #tpu.memory_space<vmem>>
    %dma_wait3A_1010 = tpu.memref_squeeze %dma_wait3A_1009 : memref<1x128xi32, #tpu.memory_space<vmem>> -> memref<128xi32, #tpu.memory_space<vmem>>
    %dma_wait3A_1011 = arith.constant 0 : i32
    %dma_wait3A_1012 = arith.constant 0 : i32
    %dma_wait3A_1013 = tpu.memref_slice %arg2[%dma_wait3A_1011, %dma_wait3A_1012] : memref<100000x128xf32, #tpu.memory_space<hbm>> -> memref<100000x128xf32, #tpu.memory_space<hbm>>
    %dma_wait3A_1014 = tpu.memref_slice %arg10[%dma_wait3A_1003] : memref<4x!tpu.dma_semaphore, #tpu.memory_space<semaphore_mem>> -> memref<1x!tpu.dma_semaphore, #tpu.memory_space<semaphore_mem>>
    %dma_wait3A_1015 = tpu.memref_squeeze %dma_wait3A_1014 : memref<1x!tpu.dma_semaphore, #tpu.memory_space<semaphore_mem>> -> memref<!tpu.dma_semaphore, #tpu.memory_space<semaphore_mem>>
    tpu.wait_indirect_dma semaphore(%dma_wait3A_1015 : memref<!tpu.dma_semaphore, #tpu.memory_space<semaphore_mem>>) src(%dma_wait3A_1013 : memref<100000x128xf32, #tpu.memory_space<hbm>>) dst(%dma_wait3A_1007 : memref<128x128xf32, #tpu.memory_space<vmem>>)
    %dma_wait3A_1016 = arith.constant 3 : i32
    %dma_wait3A_1017 = arith.constant 3 : i32
    %dma_wait3A_1018 = arith.constant 3 : i32
    %dma_wait3A_1019 = arith.constant 128 : i32
    %dma_wait3A_1020 = arith.constant 0 : i32
    %dma_wait3A_1021 = tpu.memref_slice %arg8[%dma_wait3A_1017, %dma_wait3A_1019, %dma_wait3A_1020] : memref<4x200x128xf32, #tpu.memory_space<vmem>> -> memref<1x72x128xf32, #tpu.memory_space<vmem>>
    %dma_wait3A_1022 = tpu.memref_squeeze %dma_wait3A_1021 : memref<1x72x128xf32, #tpu.memory_space<vmem>> -> memref<72x128xf32, #tpu.memory_space<vmem>>
    %dma_wait3A_1023 = arith.constant 128 : i32
    %dma_wait3A_1024 = tpu.memref_slice %arg7[%dma_wait3A_1016, %dma_wait3A_1023] : memref<4x200xi32, #tpu.memory_space<vmem>> -> memref<1x72xi32, #tpu.memory_space<vmem>>
    %dma_wait3A_1025 = tpu.memref_squeeze %dma_wait3A_1024 : memref<1x72xi32, #tpu.memory_space<vmem>> -> memref<72xi32, #tpu.memory_space<vmem>>
    %dma_wait3A_1026 = arith.constant 0 : i32
    %dma_wait3A_1027 = arith.constant 0 : i32
    %dma_wait3A_1028 = tpu.memref_slice %arg2[%dma_wait3A_1026, %dma_wait3A_1027] : memref<100000x128xf32, #tpu.memory_space<hbm>> -> memref<100000x128xf32, #tpu.memory_space<hbm>>
    %dma_wait3A_1029 = tpu.memref_slice %arg10[%dma_wait3A_1018] : memref<4x!tpu.dma_semaphore, #tpu.memory_space<semaphore_mem>> -> memref<1x!tpu.dma_semaphore, #tpu.memory_space<semaphore_mem>>
    %dma_wait3A_1030 = tpu.memref_squeeze %dma_wait3A_1029 : memref<1x!tpu.dma_semaphore, #tpu.memory_space<semaphore_mem>> -> memref<!tpu.dma_semaphore, #tpu.memory_space<semaphore_mem>>
    tpu.wait_indirect_dma semaphore(%dma_wait3A_1030 : memref<!tpu.dma_semaphore, #tpu.memory_space<semaphore_mem>>) src(%dma_wait3A_1028 : memref<100000x128xf32, #tpu.memory_space<hbm>>) dst(%dma_wait3A_1022 : memref<72x128xf32, #tpu.memory_space<vmem>>)
    %parallel_loop3A_1031 = arith.constant 0 : i32
    %parallel_loop3A_1032 = arith.constant 200 : i32
    %parallel_loop3A_1033 = arith.constant 1 : i32
    scf.for %parallel_loop3A_1116 = %parallel_loop3A_1031 to %parallel_loop3A_1032 step %parallel_loop3A_1033  : i32 {
      %parallel_loop3A_1117 = arith.index_cast %parallel_loop3A_1116 : i32 to index
      %parallel_loop3A_1118 = arith.constant 0 : index
      %parallel_loop3A_1119 = tpu.vector_load %arg6[%parallel_loop3A_1117, %parallel_loop3A_1118] {strides = array<i32>} : memref<200x128xf32, #tpu.memory_space<vmem>>, vector<1x16xf32>,
      %parallel_loop3A_1120 = vector.shape_cast %parallel_loop3A_1119 : vector<1x16xf32> to vector<16xf32>
      %parallel_loop3A_1121 = arith.constant 3 : i32
      %parallel_loop3A_1122 = arith.index_cast %parallel_loop3A_1121 : i32 to index
      %parallel_loop3A_1123 = arith.index_cast %parallel_loop3A_1116 : i32 to index
      %parallel_loop3A_1124 = arith.constant 0 : index
      %parallel_loop3A_1125 = tpu.vector_load %arg8[%parallel_loop3A_1122, %parallel_loop3A_1123, %parallel_loop3A_1124] {strides = array<i32>} : memref<4x200x128xf32, #tpu.memory_space<vmem>>, vector<1x1x16xf32>,
      %parallel_loop3A_1126 = vector.shape_cast %parallel_loop3A_1125 : vector<1x1x16xf32> to vector<16xf32>
      %parallel_loop3A_1127 = vector.shape_cast %parallel_loop3A_1120 : vector<16xf32> to vector<1x1x16xf32>
      tpu.vector_store %arg8[%parallel_loop3A_1122, %parallel_loop3A_1123, %parallel_loop3A_1124], %parallel_loop3A_1127 {add = true, strides = array<i32>} : memref<4x200x128xf32, #tpu.memory_space<vmem>>, vector<1x1x16xf32>,
      %parallel_loop3A_1128 = arith.index_cast %parallel_loop3A_1116 : i32 to index
      %parallel_loop3A_1129 = arith.constant 16 : index
      %parallel_loop3A_1130 = tpu.vector_load %arg6[%parallel_loop3A_1128, %parallel_loop3A_1129] {strides = array<i32>} : memref<200x128xf32, #tpu.memory_space<vmem>>, vector<1x16xf32>,
      %parallel_loop3A_1131 = vector.shape_cast %parallel_loop3A_1130 : vector<1x16xf32> to vector<16xf32>
      %parallel_loop3A_1132 = arith.constant 3 : i32
      %parallel_loop3A_1133 = arith.index_cast %parallel_loop3A_1132 : i32 to index
      %parallel_loop3A_1134 = arith.index_cast %parallel_loop3A_1116 : i32 to index
      %parallel_loop3A_1135 = arith.constant 16 : index
      %parallel_loop3A_1136 = tpu.vector_load %arg8[%parallel_loop3A_1133, %parallel_loop3A_1134, %parallel_loop3A_1135] {strides = array<i32>} : memref<4x200x128xf32, #tpu.memory_space<vmem>>, vector<1x1x16xf32>,
      %parallel_loop3A_1137 = vector.shape_cast %parallel_loop3A_1136 : vector<1x1x16xf32> to vector<16xf32>
      %parallel_loop3A_1138 = vector.shape_cast %parallel_loop3A_1131 : vector<16xf32> to vector<1x1x16xf32>
      tpu.vector_store %arg8[%parallel_loop3A_1133, %parallel_loop3A_1134, %parallel_loop3A_1135], %parallel_loop3A_1138 {add = true, strides = array<i32>} : memref<4x200x128xf32, #tpu.memory_space<vmem>>, vector<1x1x16xf32>,
      %parallel_loop3A_1139 = arith.index_cast %parallel_loop3A_1116 : i32 to index
      %parallel_loop3A_1140 = arith.constant 32 : index
      %parallel_loop3A_1141 = tpu.vector_load %arg6[%parallel_loop3A_1139, %parallel_loop3A_1140] {strides = array<i32>} : memref<200x128xf32, #tpu.memory_space<vmem>>, vector<1x16xf32>,
      %parallel_loop3A_1142 = vector.shape_cast %parallel_loop3A_1141 : vector<1x16xf32> to vector<16xf32>
      %parallel_loop3A_1143 = arith.constant 3 : i32
      %parallel_loop3A_1144 = arith.index_cast %parallel_loop3A_1143 : i32 to index
      %parallel_loop3A_1145 = arith.index_cast %parallel_loop3A_1116 : i32 to index
      %parallel_loop3A_1146 = arith.constant 32 : index
      %parallel_loop3A_1147 = tpu.vector_load %arg8[%parallel_loop3A_1144, %parallel_loop3A_1145, %parallel_loop3A_1146] {strides = array<i32>} : memref<4x200x128xf32, #tpu.memory_space<vmem>>, vector<1x1x16xf32>,
      %parallel_loop3A_1148 = vector.shape_cast %parallel_loop3A_1147 : vector<1x1x16xf32> to vector<16xf32>
      %parallel_loop3A_1149 = vector.shape_cast %parallel_loop3A_1142 : vector<16xf32> to vector<1x1x16xf32>
      tpu.vector_store %arg8[%parallel_loop3A_1144, %parallel_loop3A_1145, %parallel_loop3A_1146], %parallel_loop3A_1149 {add = true, strides = array<i32>} : memref<4x200x128xf32, #tpu.memory_space<vmem>>, vector<1x1x16xf32>,
      %parallel_loop3A_1150 = arith.index_cast %parallel_loop3A_1116 : i32 to index
      %parallel_loop3A_1151 = arith.constant 48 : index
      %parallel_loop3A_1152 = tpu.vector_load %arg6[%parallel_loop3A_1150, %parallel_loop3A_1151] {strides = array<i32>} : memref<200x128xf32, #tpu.memory_space<vmem>>, vector<1x16xf32>,
      %parallel_loop3A_1153 = vector.shape_cast %parallel_loop3A_1152 : vector<1x16xf32> to vector<16xf32>
      %parallel_loop3A_1154 = arith.constant 3 : i32
      %parallel_loop3A_1155 = arith.index_cast %parallel_loop3A_1154 : i32 to index
      %parallel_loop3A_1156 = arith.index_cast %parallel_loop3A_1116 : i32 to index
      %parallel_loop3A_1157 = arith.constant 48 : index
      %parallel_loop3A_1158 = tpu.vector_load %arg8[%parallel_loop3A_1155, %parallel_loop3A_1156, %parallel_loop3A_1157] {strides = array<i32>} : memref<4x200x128xf32, #tpu.memory_space<vmem>>, vector<1x1x16xf32>,
      %parallel_loop3A_1159 = vector.shape_cast %parallel_loop3A_1158 : vector<1x1x16xf32> to vector<16xf32>
      %parallel_loop3A_1160 = vector.shape_cast %parallel_loop3A_1153 : vector<16xf32> to vector<1x1x16xf32>
      tpu.vector_store %arg8[%parallel_loop3A_1155, %parallel_loop3A_1156, %parallel_loop3A_1157], %parallel_loop3A_1160 {add = true, strides = array<i32>} : memref<4x200x128xf32, #tpu.memory_space<vmem>>, vector<1x1x16xf32>,
      %parallel_loop3A_1161 = arith.index_cast %parallel_loop3A_1116 : i32 to index
      %parallel_loop3A_1162 = arith.constant 64 : index
      %parallel_loop3A_1163 = tpu.vector_load %arg6[%parallel_loop3A_1161, %parallel_loop3A_1162] {strides = array<i32>} : memref<200x128xf32, #tpu.memory_space<vmem>>, vector<1x16xf32>,
      %parallel_loop3A_1164 = vector.shape_cast %parallel_loop3A_1163 : vector<1x16xf32> to vector<16xf32>
      %parallel_loop3A_1165 = arith.constant 3 : i32
      %parallel_loop3A_1166 = arith.index_cast %parallel_loop3A_1165 : i32 to index
      %parallel_loop3A_1167 = arith.index_cast %parallel_loop3A_1116 : i32 to index
      %parallel_loop3A_1168 = arith.constant 64 : index
      %parallel_loop3A_1169 = tpu.vector_load %arg8[%parallel_loop3A_1166, %parallel_loop3A_1167, %parallel_loop3A_1168] {strides = array<i32>} : memref<4x200x128xf32, #tpu.memory_space<vmem>>, vector<1x1x16xf32>,
      %parallel_loop3A_1170 = vector.shape_cast %parallel_loop3A_1169 : vector<1x1x16xf32> to vector<16xf32>
      %parallel_loop3A_1171 = vector.shape_cast %parallel_loop3A_1164 : vector<16xf32> to vector<1x1x16xf32>
      tpu.vector_store %arg8[%parallel_loop3A_1166, %parallel_loop3A_1167, %parallel_loop3A_1168], %parallel_loop3A_1171 {add = true, strides = array<i32>} : memref<4x200x128xf32, #tpu.memory_space<vmem>>, vector<1x1x16xf32>,
      %parallel_loop3A_1172 = arith.index_cast %parallel_loop3A_1116 : i32 to index
      %parallel_loop3A_1173 = arith.constant 80 : index
      %parallel_loop3A_1174 = tpu.vector_load %arg6[%parallel_loop3A_1172, %parallel_loop3A_1173] {strides = array<i32>} : memref<200x128xf32, #tpu.memory_space<vmem>>, vector<1x16xf32>,
      %parallel_loop3A_1175 = vector.shape_cast %parallel_loop3A_1174 : vector<1x16xf32> to vector<16xf32>
      %parallel_loop3A_1176 = arith.constant 3 : i32
      %parallel_loop3A_1177 = arith.index_cast %parallel_loop3A_1176 : i32 to index
      %parallel_loop3A_1178 = arith.index_cast %parallel_loop3A_1116 : i32 to index
      %parallel_loop3A_1179 = arith.constant 80 : index
      %parallel_loop3A_1180 = tpu.vector_load %arg8[%parallel_loop3A_1177, %parallel_loop3A_1178, %parallel_loop3A_1179] {strides = array<i32>} : memref<4x200x128xf32, #tpu.memory_space<vmem>>, vector<1x1x16xf32>,
      %parallel_loop3A_1181 = vector.shape_cast %parallel_loop3A_1180 : vector<1x1x16xf32> to vector<16xf32>
      %parallel_loop3A_1182 = vector.shape_cast %parallel_loop3A_1175 : vector<16xf32> to vector<1x1x16xf32>
      tpu.vector_store %arg8[%parallel_loop3A_1177, %parallel_loop3A_1178, %parallel_loop3A_1179], %parallel_loop3A_1182 {add = true, strides = array<i32>} : memref<4x200x128xf32, #tpu.memory_space<vmem>>, vector<1x1x16xf32>,
      %parallel_loop3A_1183 = arith.index_cast %parallel_loop3A_1116 : i32 to index
      %parallel_loop3A_1184 = arith.constant 96 : index
      %parallel_loop3A_1185 = tpu.vector_load %arg6[%parallel_loop3A_1183, %parallel_loop3A_1184] {strides = array<i32>} : memref<200x128xf32, #tpu.memory_space<vmem>>, vector<1x16xf32>,
      %parallel_loop3A_1186 = vector.shape_cast %parallel_loop3A_1185 : vector<1x16xf32> to vector<16xf32>
      %parallel_loop3A_1187 = arith.constant 3 : i32
      %parallel_loop3A_1188 = arith.index_cast %parallel_loop3A_1187 : i32 to index
      %parallel_loop3A_1189 = arith.index_cast %parallel_loop3A_1116 : i32 to index
      %parallel_loop3A_1190 = arith.constant 96 : index
      %parallel_loop3A_1191 = tpu.vector_load %arg8[%parallel_loop3A_1188, %parallel_loop3A_1189, %parallel_loop3A_1190] {strides = array<i32>} : memref<4x200x128xf32, #tpu.memory_space<vmem>>, vector<1x1x16xf32>,
      %parallel_loop3A_1192 = vector.shape_cast %parallel_loop3A_1191 : vector<1x1x16xf32> to vector<16xf32>
      %parallel_loop3A_1193 = vector.shape_cast %parallel_loop3A_1186 : vector<16xf32> to vector<1x1x16xf32>
      tpu.vector_store %arg8[%parallel_loop3A_1188, %parallel_loop3A_1189, %parallel_loop3A_1190], %parallel_loop3A_1193 {add = true, strides = array<i32>} : memref<4x200x128xf32, #tpu.memory_space<vmem>>, vector<1x1x16xf32>,
      %parallel_loop3A_1194 = arith.index_cast %parallel_loop3A_1116 : i32 to index
      %parallel_loop3A_1195 = arith.constant 112 : index
      %parallel_loop3A_1196 = tpu.vector_load %arg6[%parallel_loop3A_1194, %parallel_loop3A_1195] {strides = array<i32>} : memref<200x128xf32, #tpu.memory_space<vmem>>, vector<1x16xf32>,
      %parallel_loop3A_1197 = vector.shape_cast %parallel_loop3A_1196 : vector<1x16xf32> to vector<16xf32>
      %parallel_loop3A_1198 = arith.constant 3 : i32
      %parallel_loop3A_1199 = arith.index_cast %parallel_loop3A_1198 : i32 to index
      %parallel_loop3A_1200 = arith.index_cast %parallel_loop3A_1116 : i32 to index
      %parallel_loop3A_1201 = arith.constant 112 : index
      %parallel_loop3A_1202 = tpu.vector_load %arg8[%parallel_loop3A_1199, %parallel_loop3A_1200, %parallel_loop3A_1201] {strides = array<i32>} : memref<4x200x128xf32, #tpu.memory_space<vmem>>, vector<1x1x16xf32>,
      %parallel_loop3A_1203 = vector.shape_cast %parallel_loop3A_1202 : vector<1x1x16xf32> to vector<16xf32>
      %parallel_loop3A_1204 = vector.shape_cast %parallel_loop3A_1197 : vector<16xf32> to vector<1x1x16xf32>
      tpu.vector_store %arg8[%parallel_loop3A_1199, %parallel_loop3A_1200, %parallel_loop3A_1201], %parallel_loop3A_1204 {add = true, strides = array<i32>} : memref<4x200x128xf32, #tpu.memory_space<vmem>>, vector<1x1x16xf32>,
    } {sc.loop_unroll_factor = 4 : i64, sc.parallel_access}
    %add3A_1034 = arith.constant 127 : i32
    %add3A_1035 = arith.addi %mul3A_2, %add3A_1034 : i32
    %dma_start3A_1036 = arith.constant 3 : i32
    %dma_start3A_1037 = arith.constant 3 : i32
    %dma_start3A_1038 = arith.constant 0 : i32
    %dma_start3A_1039 = arith.constant 0 : i32
    %dma_start3A_1040 = tpu.memref_slice %arg8[%dma_start3A_1036, %dma_start3A_1038, %dma_start3A_1039] : memref<4x200x128xf32, #tpu.memory_space<vmem>> -> memref<1x200x128xf32, #tpu.memory_space<vmem>>
    %dma_start3A_1041 = tpu.memref_squeeze %dma_start3A_1040 : memref<1x200x128xf32, #tpu.memory_space<vmem>> -> memref<200x128xf32, #tpu.memory_space<vmem>>
    %dma_start3A_1042 = arith.constant 0 : i32
    %dma_start3A_1043 = arith.constant 0 : i32
    %dma_start3A_1044 = tpu.memref_slice %arg5[%add3A_1035, %dma_start3A_1042, %dma_start3A_1043] : memref<4096x200x128xf32, #tpu.memory_space<hbm>> -> memref<1x200x128xf32, #tpu.memory_space<hbm>>
    %dma_start3A_1045 = tpu.memref_squeeze %dma_start3A_1044 : memref<1x200x128xf32, #tpu.memory_space<hbm>> -> memref<200x128xf32, #tpu.memory_space<hbm>>
    %dma_start3A_1046 = tpu.memref_slice %arg11[%dma_start3A_1037] : memref<4x!tpu.dma_semaphore, #tpu.memory_space<semaphore_mem>> -> memref<1x!tpu.dma_semaphore, #tpu.memory_space<semaphore_mem>>
    %dma_start3A_1047 = tpu.memref_squeeze %dma_start3A_1046 : memref<1x!tpu.dma_semaphore, #tpu.memory_space<semaphore_mem>> -> memref<!tpu.dma_semaphore, #tpu.memory_space<semaphore_mem>>
    %dma_start3A_1048 = arith.constant 0 : i32
    %dma_start3A_1049 = arith.constant 0 : i32
    %dma_start3A_1050 = tpu.memref_slice %arg5[%add3A_1035, %dma_start3A_1048, %dma_start3A_1049] : memref<4096x200x128xf32, #tpu.memory_space<hbm>> -> memref<1x200x128xf32, #tpu.memory_space<hbm>>
    %dma_start3A_1051 = tpu.memref_squeeze %dma_start3A_1050 : memref<1x200x128xf32, #tpu.memory_space<hbm>> -> memref<200x128xf32, #tpu.memory_space<hbm>>
    %dma_start3A_1052 = arith.constant 0 : i32
    %dma_start3A_1053 = arith.constant 0 : i32
    %dma_start3A_1054 = tpu.memref_slice %arg8[%dma_start3A_1036, %dma_start3A_1052, %dma_start3A_1053] : memref<4x200x128xf32, #tpu.memory_space<vmem>> -> memref<1x200x128xf32, #tpu.memory_space<vmem>>
    %dma_start3A_1055 = tpu.memref_squeeze %dma_start3A_1054 : memref<1x200x128xf32, #tpu.memory_space<vmem>> -> memref<200x128xf32, #tpu.memory_space<vmem>>
    tpu.enqueue_dma source(%dma_start3A_1055 : memref<200x128xf32, #tpu.memory_space<vmem>>) target(%dma_start3A_1051 : memref<200x128xf32, #tpu.memory_space<hbm>>) target_semaphore(%dma_start3A_1047 : memref<!tpu.dma_semaphore, #tpu.memory_space<semaphore_mem>>)
    %dma_wait3A_1056 = arith.constant 1 : i32
    %dma_wait3A_1057 = arith.constant 1 : i32
    %dma_wait3A_1058 = arith.constant 0 : i32
    %dma_wait3A_1059 = arith.constant 0 : i32
    %dma_wait3A_1060 = tpu.memref_slice %arg8[%dma_wait3A_1056, %dma_wait3A_1058, %dma_wait3A_1059] : memref<4x200x128xf32, #tpu.memory_space<vmem>> -> memref<1x200x128xf32, #tpu.memory_space<vmem>>
    %dma_wait3A_1061 = tpu.memref_squeeze %dma_wait3A_1060 : memref<1x200x128xf32, #tpu.memory_space<vmem>> -> memref<200x128xf32, #tpu.memory_space<vmem>>
    %dma_wait3A_1062 = arith.constant 0 : i32
    %dma_wait3A_1063 = arith.constant 0 : i32
    %dma_wait3A_1064 = tpu.memref_slice %arg5[%mul3A_2, %dma_wait3A_1062, %dma_wait3A_1063] : memref<4096x200x128xf32, #tpu.memory_space<hbm>> -> memref<1x200x128xf32, #tpu.memory_space<hbm>>
    %dma_wait3A_1065 = tpu.memref_squeeze %dma_wait3A_1064 : memref<1x200x128xf32, #tpu.memory_space<hbm>> -> memref<200x128xf32, #tpu.memory_space<hbm>>
    %dma_wait3A_1066 = tpu.memref_slice %arg11[%dma_wait3A_1057] : memref<4x!tpu.dma_semaphore, #tpu.memory_space<semaphore_mem>> -> memref<1x!tpu.dma_semaphore, #tpu.memory_space<semaphore_mem>>
    %dma_wait3A_1067 = tpu.memref_squeeze %dma_wait3A_1066 : memref<1x!tpu.dma_semaphore, #tpu.memory_space<semaphore_mem>> -> memref<!tpu.dma_semaphore, #tpu.memory_space<semaphore_mem>>
    %dma_wait3A_1068 = arith.constant 0 : i32
    %dma_wait3A_1069 = arith.constant 0 : i32
    %dma_wait3A_1070 = tpu.memref_slice %arg5[%mul3A_2, %dma_wait3A_1068, %dma_wait3A_1069] : memref<4096x200x128xf32, #tpu.memory_space<hbm>> -> memref<1x200x128xf32, #tpu.memory_space<hbm>>
    %dma_wait3A_1071 = tpu.memref_squeeze %dma_wait3A_1070 : memref<1x200x128xf32, #tpu.memory_space<hbm>> -> memref<200x128xf32, #tpu.memory_space<hbm>>
    %dma_wait3A_1072 = arith.constant 0 : i32
    %dma_wait3A_1073 = arith.constant 0 : i32
    %dma_wait3A_1074 = tpu.memref_slice %arg8[%dma_wait3A_1056, %dma_wait3A_1072, %dma_wait3A_1073] : memref<4x200x128xf32, #tpu.memory_space<vmem>> -> memref<1x200x128xf32, #tpu.memory_space<vmem>>
    %dma_wait3A_1075 = tpu.memref_squeeze %dma_wait3A_1074 : memref<1x200x128xf32, #tpu.memory_space<vmem>> -> memref<200x128xf32, #tpu.memory_space<vmem>>
    tpu.wait_dma2 semaphore(%dma_wait3A_1067 : memref<!tpu.dma_semaphore, #tpu.memory_space<semaphore_mem>>) src(%dma_wait3A_1075 : memref<200x128xf32, #tpu.memory_space<vmem>>) dst(%dma_wait3A_1071 : memref<200x128xf32, #tpu.memory_space<hbm>>)
    %dma_wait3A_1076 = arith.constant 2 : i32
    %dma_wait3A_1077 = arith.constant 2 : i32
    %dma_wait3A_1078 = arith.constant 0 : i32
    %dma_wait3A_1079 = arith.constant 0 : i32
    %dma_wait3A_1080 = tpu.memref_slice %arg8[%dma_wait3A_1076, %dma_wait3A_1078, %dma_wait3A_1079] : memref<4x200x128xf32, #tpu.memory_space<vmem>> -> memref<1x200x128xf32, #tpu.memory_space<vmem>>
    %dma_wait3A_1081 = tpu.memref_squeeze %dma_wait3A_1080 : memref<1x200x128xf32, #tpu.memory_space<vmem>> -> memref<200x128xf32, #tpu.memory_space<vmem>>
    %dma_wait3A_1082 = arith.constant 0 : i32
    %dma_wait3A_1083 = arith.constant 0 : i32
    %dma_wait3A_1084 = tpu.memref_slice %arg5[%mul3A_2, %dma_wait3A_1082, %dma_wait3A_1083] : memref<4096x200x128xf32, #tpu.memory_space<hbm>> -> memref<1x200x128xf32, #tpu.memory_space<hbm>>
    %dma_wait3A_1085 = tpu.memref_squeeze %dma_wait3A_1084 : memref<1x200x128xf32, #tpu.memory_space<hbm>> -> memref<200x128xf32, #tpu.memory_space<hbm>>
    %dma_wait3A_1086 = tpu.memref_slice %arg11[%dma_wait3A_1077] : memref<4x!tpu.dma_semaphore, #tpu.memory_space<semaphore_mem>> -> memref<1x!tpu.dma_semaphore, #tpu.memory_space<semaphore_mem>>
    %dma_wait3A_1087 = tpu.memref_squeeze %dma_wait3A_1086 : memref<1x!tpu.dma_semaphore, #tpu.memory_space<semaphore_mem>> -> memref<!tpu.dma_semaphore, #tpu.memory_space<semaphore_mem>>
    %dma_wait3A_1088 = arith.constant 0 : i32
    %dma_wait3A_1089 = arith.constant 0 : i32
    %dma_wait3A_1090 = tpu.memref_slice %arg5[%mul3A_2, %dma_wait3A_1088, %dma_wait3A_1089] : memref<4096x200x128xf32, #tpu.memory_space<hbm>> -> memref<1x200x128xf32, #tpu.memory_space<hbm>>
    %dma_wait3A_1091 = tpu.memref_squeeze %dma_wait3A_1090 : memref<1x200x128xf32, #tpu.memory_space<hbm>> -> memref<200x128xf32, #tpu.memory_space<hbm>>
    %dma_wait3A_1092 = arith.constant 0 : i32
    %dma_wait3A_1093 = arith.constant 0 : i32
    %dma_wait3A_1094 = tpu.memref_slice %arg8[%dma_wait3A_1076, %dma_wait3A_1092, %dma_wait3A_1093] : memref<4x200x128xf32, #tpu.memory_space<vmem>> -> memref<1x200x128xf32, #tpu.memory_space<vmem>>
    %dma_wait3A_1095 = tpu.memref_squeeze %dma_wait3A_1094 : memref<1x200x128xf32, #tpu.memory_space<vmem>> -> memref<200x128xf32, #tpu.memory_space<vmem>>
    tpu.wait_dma2 semaphore(%dma_wait3A_1087 : memref<!tpu.dma_semaphore, #tpu.memory_space<semaphore_mem>>) src(%dma_wait3A_1095 : memref<200x128xf32, #tpu.memory_space<vmem>>) dst(%dma_wait3A_1091 : memref<200x128xf32, #tpu.memory_space<hbm>>)
    %dma_wait3A_1096 = arith.constant 3 : i32
    %dma_wait3A_1097 = arith.constant 3 : i32
    %dma_wait3A_1098 = arith.constant 0 : i32
    %dma_wait3A_1099 = arith.constant 0 : i32
    %dma_wait3A_1100 = tpu.memref_slice %arg8[%dma_wait3A_1096, %dma_wait3A_1098, %dma_wait3A_1099] : memref<4x200x128xf32, #tpu.memory_space<vmem>> -> memref<1x200x128xf32, #tpu.memory_space<vmem>>
    %dma_wait3A_1101 = tpu.memref_squeeze %dma_wait3A_1100 : memref<1x200x128xf32, #tpu.memory_space<vmem>> -> memref<200x128xf32, #tpu.memory_space<vmem>>
    %dma_wait3A_1102 = arith.constant 0 : i32
    %dma_wait3A_1103 = arith.constant 0 : i32
    %dma_wait3A_1104 = tpu.memref_slice %arg5[%mul3A_2, %dma_wait3A_1102, %dma_wait3A_1103] : memref<4096x200x128xf32, #tpu.memory_space<hbm>> -> memref<1x200x128xf32, #tpu.memory_space<hbm>>
    %dma_wait3A_1105 = tpu.memref_squeeze %dma_wait3A_1104 : memref<1x200x128xf32, #tpu.memory_space<hbm>> -> memref<200x128xf32, #tpu.memory_space<hbm>>
    %dma_wait3A_1106 = tpu.memref_slice %arg11[%dma_wait3A_1097] : memref<4x!tpu.dma_semaphore, #tpu.memory_space<semaphore_mem>> -> memref<1x!tpu.dma_semaphore, #tpu.memory_space<semaphore_mem>>
    %dma_wait3A_1107 = tpu.memref_squeeze %dma_wait3A_1106 : memref<1x!tpu.dma_semaphore, #tpu.memory_space<semaphore_mem>> -> memref<!tpu.dma_semaphore, #tpu.memory_space<semaphore_mem>>
    %dma_wait3A_1108 = arith.constant 0 : i32
    %dma_wait3A_1109 = arith.constant 0 : i32
    %dma_wait3A_1110 = tpu.memref_slice %arg5[%mul3A_2, %dma_wait3A_1108, %dma_wait3A_1109] : memref<4096x200x128xf32, #tpu.memory_space<hbm>> -> memref<1x200x128xf32, #tpu.memory_space<hbm>>
    %dma_wait3A_1111 = tpu.memref_squeeze %dma_wait3A_1110 : memref<1x200x128xf32, #tpu.memory_space<hbm>> -> memref<200x128xf32, #tpu.memory_space<hbm>>
    %dma_wait3A_1112 = arith.constant 0 : i32
    %dma_wait3A_1113 = arith.constant 0 : i32
    %dma_wait3A_1114 = tpu.memref_slice %arg8[%dma_wait3A_1096, %dma_wait3A_1112, %dma_wait3A_1113] : memref<4x200x128xf32, #tpu.memory_space<vmem>> -> memref<1x200x128xf32, #tpu.memory_space<vmem>>
    %dma_wait3A_1115 = tpu.memref_squeeze %dma_wait3A_1114 : memref<1x200x128xf32, #tpu.memory_space<vmem>> -> memref<200x128xf32, #tpu.memory_space<vmem>>
    tpu.wait_dma2 semaphore(%dma_wait3A_1107 : memref<!tpu.dma_semaphore, #tpu.memory_space<semaphore_mem>>) src(%dma_wait3A_1115 : memref<200x128xf32, #tpu.memory_space<vmem>>) dst(%dma_wait3A_1111 : memref<200x128xf32, #tpu.memory_space<hbm>>)
    return
  }
}

module attributes {stable_mosaic.version = 14 : i64} {
  func.func @_prep_body(%arg0: i32, %arg1: memref<2000x128xf32, #tpu.memory_space<vmem>>, %arg2: memref<2000x128xf32, #tpu.memory_space<vmem>>) attributes {dimension_semantics = [#tpu.dimension_semantics<arbitrary>], iteration_bounds = array<i64: 50>, scalar_prefetch = 0 : i64, scratch_operands = 0 : i64, tpu.core_type = #tpu.core_type<tc>, window_params = [{transform_indices = @transform_0, window_bounds = array<i64: 2000, 128>}, {transform_indices = @transform_1, window_bounds = array<i64: 2000, 128>}]} {
    %iota3A = tpu.iota {dimensions = array<i32: 0>} : vector<2000x1xi32>
    %mul3A = arith.constant 2000 : i32
    %mul3A_0 = arith.muli %arg0, %mul3A : i32
    %add3A = vector.broadcast %mul3A_0 : i32 to vector<2000x1xi32>
    %add3A_1 = arith.addi %iota3A, %add3A : vector<2000x1xi32>
    %eq3A = arith.constant 0 : i32
    %eq3A_2 = vector.broadcast %eq3A : i32 to vector<2000x1xi32>
    %eq3A_3 = arith.cmpi eq, %add3A_1, %eq3A_2 : vector<2000x1xi32>
    %jit3A = arith.constant 0.000000e+00 : f32
    %jit3A_4 = arith.constant 11.3137083 : f32
    %broadcast_in_dim3A = vector.broadcast %jit3A : f32 to vector<2000x1xf32>
    %broadcast_in_dim3A_5 = vector.broadcast %jit3A_4 : f32 to vector<2000x1xf32>
    %select_n3A = arith.select %eq3A_3, %broadcast_in_dim3A, %broadcast_in_dim3A_5 : vector<2000x1xi1>, vector<2000x1xf32>
    %get3A = arith.constant 0 : index
    %get3A_6 = arith.constant 0 : index
    %get3A_7 = vector.load %arg1[%get3A, %get3A_6] : memref<2000x128xf32, #tpu.memory_space<vmem>>, vector<2000x128xf32>
    %mul3A_8 = vector.broadcast %select_n3A : vector<2000x1xf32> to vector<2000x128xf32>
    %mul3A_9 = arith.mulf %get3A_7, %mul3A_8 : vector<2000x128xf32>
    %swap3A = arith.constant 0 : index
    %swap3A_10 = arith.constant 0 : index
    %swap3A_11 = vector.load %arg2[%swap3A, %swap3A_10] : memref<2000x128xf32, #tpu.memory_space<vmem>>, vector<2000x128xf32>
    tpu.vector_store %arg2[%swap3A, %swap3A_10], %mul3A_9 {strides = array<i32>} : memref<2000x128xf32, #tpu.memory_space<vmem>>, vector<2000x128xf32>,
    return
  }
  func.func @transform_0(%arg0: i32) -> (i32, i32) {
    %c0_i32 = arith.constant 0 : i32
    %c0_i32_0 = arith.constant 0 : i32
    return %arg0, %c0_i32 : i32, i32
  }
  func.func @transform_1(%arg0: i32) -> (i32, i32) {
    %c0_i32 = arith.constant 0 : i32
    %c0_i32_0 = arith.constant 0 : i32
    return %arg0, %c0_i32 : i32, i32
  }
}

</mosaic_0001>

<sc_bundles>
// kernel: kernel.4.cloned.1.call-start
scs
__scs_entry_jumppad:
0x0: {  	(pc) =	sbr.rel $0x88, $3  }
0x1: {  	(tag) =	ssettag $0x0;
	lr =	simm.s32 $0x1  }
0x2: {  	[smem:$0x3F9E] =	sst lr;
	_ =	strace $0xD0000000  }
0x3: {  	_ = 	snop  }
0x4: {  	_ = 	snop  }
0x5: {  	_ = 	snop  }
0x6: {  	_ = 	snop  }
0x7: {  	_ = 	snop  }
__scs_overlays_trampoline_lowered:
0x8: {  	[smem:$0x3FAD] =	sst s0  }
0x9: {  	[smem:$0x3FAE] =	sst s1  }
0xa: {  	[smem:$0x3FAF] =	sst s2  }
0xb: {  	[smem:$0x3FB0] =	sst s3  }
0xc: {  	[smem:$0x3FB1] =	sst s4  }
0xd: {  	[smem:$0x3FB2] =	sst s5  }
0xe: {  	[smem:$0x3FB3] =	sst s6  }
0xf: {  	[smem:$0x3FB4] =	sst s7  }
0x10: {  	[smem:$0x3FB5] =	sst s8  }
0x11: {  	[smem:$0x3FB6] =	sst s9;
	s0 =	simm.s32 @!p0 $0x0  }
0x12: {  	s1 =	sld [smem:$0x3F9C];
	s0 =	simm.s32 @p0 $0x1  }
0x13: {  	[smem:$0x3FB7] =	sst s0;
	s0 =	simm.s32 @!p1 $0x0  }
0x14: {  	s2 =	sld [smem:$0x3F9B];
	s0 =	simm.s32 @p1 $0x1  }
0x15: {  	[smem:$0x3FB8] =	sst s0;
	s0 =	simm.s32 @!p2 $0x0  }
0x16: {  	s3 =	sld [smem:$0x3FDB];
	s0 =	simm.s32 @p2 $0x1  }
0x17: {  	s4 =	simm.s32 $0x1BF5;
	[smem:$0x3FBA] =	sst s0  }
0x18: {  	s0 =	sld [smem:$0x3F9D];
	_ =	swait.ge [sflag:s4], $0x0  }
0x19: {  	s7 =	sld [smem:$0x3F9E]  }
0x1a: {  	s8 =	sadd.s32 $0xFFFFE003, lr  }
0x1b: {  	s9 =	sadd.s32 $0xFFFFFEF7, lr;
	s5 =	simm.s32 $0xFFFFFFFF;
	p2 =	slt.u32 s8, $0xFFFFF086  }
0x1c: {  	p1 =	slt.u32 s9, $0xF7A;
	s5 =	simm.s32 @!p2 $0x0  }
0x1d: {  	s5 =	simm.s32 @p1 $0x1;
	p0 =	seq.s32 s7, s2  }
0x1e: {  	s7 =	smul.u32 @!p0 $0xF7A, s2;
	p2 =	seq.s32 @!p0 s5, $0x0  }
0x1f: {  	s9 =	smul.u32 $0xF7A, s1;
	s8 =	simm.s32 @!p0 $0x1BF5;
	p2 =	por !p2, p0  }
0x20: {  	[sflag:s8] =	ssyncset.s32 @!p0 $0xFFFFF086;
	s6 =	sadd.s32 @!p0 s3, s7;
	s7 =	simm.s32 @!p0 $0x108  }
0x21: {  	s3 =	sadd.s32 s3, s9;
	s6 =	sadd.s32 @!p0 $0x88, s6;
	s7 =	simm.s32 @p2 $0x1082  }
0x22: {  	[simem:s7], [sflag:s8] =	dma.local @!p0 [hbm:s6], $0xF7A  }
0x23: {  	s9 =	sor.u32 $0xD0000000, s2;
	s6 =	simm.s32 $0x108;
	_ =	swait.ge @!p0 [sflag:s8], $0x0  }
0x24: {  	s3 =	sadd.s32 $0x88, s3;
	s6 =	simm.s32 @!p1 $0x1082;
	[sflag:s4] =	ssyncset.s32 $0xFFFFF086  }
0x25: {  	[simem:s6], [sflag:s4] =	dma.local [hbm:s3], $0xF7A  }
0x26: {  	[smem:$0x3F9E] =	sst s1;
	(tag) =	ssettag s2;
	_ =	strace s9  }
0x27: {  	s1 =	sld [smem:$0x3FAE]  }
0x28: {  	s2 =	sld [smem:$0x3FAF]  }
0x29: {  	s4 =	sld [smem:$0x3FB1]  }
0x2a: {  	p0 =	seq.s32 s5, $0x0;
	s5 =	sld [smem:$0x3FB2]  }
0x2b: {  	s6 =	sld [smem:$0x3FB3]  }
0x2c: {  	s7 =	sld [smem:$0x3FB4]  }
0x2d: {  	s3 =	simm.s32 $0x108;
	s8 =	sld [smem:$0x3FB5]  }
0x2e: {  	s3 =	simm.s32 @!p0 $0x1082;
	s9 =	sld [smem:$0x3FB6]  }
0x2f: {  	lr =	sadd.s32 s0, s3;
	s0 =	sld [smem:$0x3FAD]  }
0x30: {  	s3 =	sld [smem:$0x3FB0]  }
0x31: {  	[smem:$0x3FB9] =	sst s10  }
0x32: {  	s10 =	sld [smem:$0x3FB7];
	_ =	sdelay $0x3  }
0x33: {  	p0 =	seq.s32 s10, $0x1;
	s10 =	sld [smem:$0x3FB9];
	_ =	sdelay $0x3  }
0x34: {  	[smem:$0x3FB9] =	sst s10  }
0x35: {  	s10 =	sld [smem:$0x3FB8];
	_ =	sdelay $0x3  }
0x36: {  	p1 =	seq.s32 s10, $0x1;
	s10 =	sld [smem:$0x3FB9];
	_ =	sdelay $0x3  }
0x37: {  	[smem:$0x3FB9] =	sst s10  }
0x38: {  	s10 =	sld [smem:$0x3FBA]  }
0x39: {  	_ = 	snop;
	(pc) =	sbr.ind lr, $3  }
0x3a: {  	_ = 	snop  }
0x3b: {  	_ = 	snop  }
0x3c: {  	p2 =	seq.s32 s10, $0x1;
	s10 =	sld [smem:$0x3FB9]  }
0x3d: {  	_ =	shalt  }
0x3e: {  	_ =	shalt  }
0x3f: {  	_ =	shalt  }
0x40: {  	_ =	shalt  }
0x41: {  	_ =	shalt  }
0x42: {  	_ =	shalt  }
0x43: {  	_ =	shalt  }
0x44: {  	_ =	shalt  }
0x45: {  	_ =	shalt  }
0x46: {  	_ =	shalt  }
0x47: {  	_ =	shalt  }
0x48: {  	_ =	shalt  }
0x49: {  	_ =	shalt  }
0x4a: {  	_ =	shalt  }
0x4b: {  	_ =	shalt  }
0x4c: {  	_ =	shalt  }
0x4d: {  	_ =	shalt  }
0x4e: {  	_ =	shalt  }
0x4f: {  	_ =	shalt  }
0x50: {  	_ =	shalt  }
0x51: {  	_ =	shalt  }
0x52: {  	_ =	shalt  }
0x53: {  	_ =	shalt  }
0x54: {  	_ =	shalt  }
0x55: {  	_ =	shalt  }
0x56: {  	_ =	shalt  }
0x57: {  	_ =	shalt  }
0x58: {  	_ =	shalt  }
0x59: {  	_ =	shalt  }
0x5a: {  	_ =	shalt  }
0x5b: {  	_ =	shalt  }
0x5c: {  	_ =	shalt  }
0x5d: {  	_ =	shalt  }
0x5e: {  	_ =	shalt  }
0x5f: {  	_ =	shalt  }
0x60: {  	_ =	shalt  }
0x61: {  	_ =	shalt  }
0x62: {  	_ =	shalt  }
0x63: {  	_ =	shalt  }
0x64: {  	_ =	shalt  }
0x65: {  	_ =	shalt  }
0x66: {  	_ =	shalt  }
0x67: {  	_ =	shalt  }
0x68: {  	_ =	shalt  }
0x69: {  	_ =	shalt  }
0x6a: {  	_ =	shalt  }
0x6b: {  	_ =	shalt  }
0x6c: {  	_ =	shalt  }
0x6d: {  	_ =	shalt  }
0x6e: {  	_ =	shalt  }
0x6f: {  	_ =	shalt  }
0x70: {  	_ =	shalt  }
0x71: {  	_ =	shalt  }
0x72: {  	_ =	shalt  }
0x73: {  	_ =	shalt  }
0x74: {  	_ =	shalt  }
0x75: {  	_ =	shalt  }
0x76: {  	_ =	shalt  }
0x77: {  	_ =	shalt  }
0x78: {  	_ =	shalt  }
0x79: {  	_ =	shalt  }
0x7a: {  	_ =	shalt  }
0x7b: {  	_ =	shalt  }
0x7c: {  	_ =	shalt  }
0x7d: {  	_ =	shalt  }
0x7e: {  	_ =	shalt  }
0x7f: {  	_ =	shalt  }
0x80: {  	_ =	shalt  }
0x81: {  	_ =	shalt  }
0x82: {  	_ =	shalt  }
0x83: {  	_ =	shalt  }
0x84: {  	_ =	shalt  }
0x85: {  	_ =	shalt  }
0x86: {  	_ =	shalt  }
0x87: {  	_ =	shalt  }
.Lfunc_end0:
.L_simem_size_0:
called_computation_lowered:
.L_overlay_start_0:
0x88: {  	s2 =	sld [smem:$0x3FD9]  }
0x89: {  	s3 =	sld [smem:$0x3FFE];
	_ =	sdelay $0x1  }
0x8a: {  	s1 =	srdreg.scid  }
0x8b: {  	s0 =	sand.u32 $0x1, s1  }
0x8c: {  	s17 =	sshll.u32 s0, $0xA;
	s2 =	sadd.s32 s3, s2  }
0x8d: {  	s2 =	sadd.s32 s2, s17  }
0x8e: {  	[smem:$0x3FC5] =	sst s2  }
0x8f: {  	_ = 	snop  }
0x90: {  	s2 =	sld [smem:$0x3FC7]  }
0x91: {  	s18 =	sld [smem:$0x3FD0];
	(tm) =	ssettm $0x1  }
0x92: {  	s4 =	sld [smem:$0x3FFB];
	_ =	sdelay $0x3  }
0x93: {  	_ =	strace s4  }
0x94: {  	s4 =	sld [smem:$0x3FFC];
	_ =	sdelay $0x3  }
0x95: {  	_ =	strace s4  }
0x96: {  	s4 =	sld [smem:$0x3FFD];
	_ =	sdelay $0x3  }
0x97: {  	_ =	strace s4  }
0x98: {  	_ =	strace $0x8FFFFFFF  }
0x99: {  	s19 =	sld [smem:$0x3FDB];
	_ =	sdelay $0x1  }
0x9a: {  	s5 =	simm.s32 $_scs_section_size  }
0x9b: {  	s6 =	simm.s32 $_size__tile_overlayer_lowered;
	s7 =	simm.s32 $_tile_overlayer_lowered  }
0x9c: {  	s22 =	simm.s32 $0x1BFF;
	s21 =	sshll.u32 s7, $0x1;
	s4 =	sadd.s32 s5, s19  }
0x9d: {  	s8 =	simm.s32 $0x0;
	s20 =	sshll.u32 s6, $0x1;
	s6 =	sadd.s32 s21, s4  }
0x9e: {  	[timem:s8], [sflag:s22] =	dma.local [hbm:s6], s20  }
0x9f: {  	_ =	swait.ge [sflag:s22], s20  }
0xa0: {  	s5 =	ssub.s32 $0x0, s20;
	[sflag:s22] =	ssyncset.done $0x0  }
0xa1: {  	[sflag:s22] =	ssyncadd.s32 s5;
	_ =	sdelay $0x1  }
0xa2: {  	s23 =	simm.s32 $0x1B8B  }
0xa3: {  	_ =	swait.ge [sflag:s23], $0x1  }
0xa4: {  	[sflag:s23] =	ssyncset.done $0x0  }
0xa5: {  	s25 =	simm.s32 $0x1B8E;
	s24 =	sld [smem:$0x3FFE];
	[sflag:s23] =	ssyncadd.s32 $0xFFFFFFFF  }
0xa6: {  	s26 =	simm.s32 $execute0_lowered;
	[smem:$0x3FD2] =	sst s25  }
0xa7: {  	s6 =	sshll.u32 s26, $0x1;
	_ =	strace $0x80000046;
	[dreg:$0x1] =	wrdreg $0xFFFFFFFF  }
0xa8: {  	s28 =	simm.s32 $_size_execute0_lowered;
	s4 =	sadd.s32 s4, s6;
	[dreg:$0x0] =	wrdreg $0x0  }
0xa9: {  	s6 =	sshll.u32 s28, $0x1;
	[dreg:$0x2] =	wrdreg s4  }
0xaa: {  	[dreg:$0x3] =	wrdreg s6  }
0xab: {  	[dreg:$0x4] =	wrdreg $0xC0  }
0xac: {  	_ =	task [dreg:s8], $0x5FFFF  }
0xad: {  	[dreg:$0x1] =	wrdreg $0xFFFFFFFF  }
0xae: {  	[dreg:$0x0] =	wrdreg $0x60  }
0xaf: {  	[dreg:$0x2] =	wrdreg s24  }
0xb0: {  	[dreg:$0x3] =	wrdreg s2  }
0xb1: {  	[dreg:$0x4] =	wrdreg s18  }
0xb2: {  	[dreg:$0x5] =	wrdreg $0x9  }
0xb3: {  	_ =	task.clear_ibuf [dreg:s8], $0x6FFFF;
	_ =	strace $0x90000046  }
0xb4: {  	s29 =	simm.s32 $0x9;
	_ =	strace $0x80000048  }
0xb5: {  	_ =	swait.ge [sflag:s29], $0x1  }
0xb6: {  	[sflag:s29] =	ssyncadd.s32 $0xFFFFFFFF  }
0xb7: {  	_ =	strace $0x90000048  }
0xb8: {  	_ =	sfence  }
0xb9: {  	s30 =	sld [smem:$0x0];
	_ =	sdelay $0x2  }
0xba: {  	s31 =	sshll.u32 s1, $0xD;
	s1 =	sshrl.u32 s1, $0x2  }
0xbb: {  	s3 =	sand.u32 $0x4000, s31;
	s1 =	sadd.s32 s1, s30  }
0xbc: {  	s0 =	sor.u32 s3, s0;
	s1 =	sshll.u32 s1, $0x11  }
0xbd: {  	s0 =	sor.u32 s1, s0  }
0xbe: {  	s0 =	sadd.s32 $0x8F2B, s0  }
0xbf: {  	[sflag:s0] =	ssyncadd.remote.s32 $0x1  }
0xc0: {  	_ =	sfence.sel $0xFFFF  }
0xc1: {  	[dreg:$0x0] =	wrdreg $0xFFFFFFFF;
	(pc) =	sbr.abs _section_cstart, $3  }
0xc2: {  	[dreg:$0x1] =	wrdreg $0xFFFFFFFF  }
0xc3: {  	_ =	task.clear_ibuf [dreg:s8], $0x2FFFF;
	_ =	strace $0x9FFFFFFF  }
0xc4: {  	(tm) =	ssettm $0x7FFFFFFF  }
0xc5: {  	_ =	shalt  }
tec
execute0_lowered:
.L_overlay_start_1:
0x0: {  	(tag) =	ssettag $0x1  }
0x1: {  	s0 =	rddreg [dreg:$0x0]  }
0x2: {  	s3 =	rddreg [dreg:$0x2]  }
0x3: {  	s1 =	srdreg.scid;
	s4 =	simm.s32 $0x0;
	s2 =	stileid.u32  }
0x4: {  	s31 =	simm.s32 $0x4;
	s1 =	sand.u32 $0x1, s1;
	[smem:$0x7FF] =	sst s4  }
0x5: {  	s2 =	sshll.u32 s2, $0x8;
	s5 =	sadd.s32 $0x20400, s0;
	s6 =	sshll.u32 s1, $0x7  }
0x6: {  	s7 =	sadd.s32 $0x400, s0;
	s23 =	ssub.s32 $0x2, s1;
	s6 =	sor.u32 s6, s2  }
0x7: {  	_ =	strace $0x80000047;
	s25 =	sshrl.u32 s23, $0x1;
	s19 =	sor.u32 $0x4, s6  }
0x8: {  	s0 =	ssub.s32 s23, s25;
	s23 =	sor.u32 $0x8, s6;
	[dreg:$0x10] =	wrdreg s19  }
0x9: {  	s24 =	sshll.u32 s6, $0x5;
	s25 =	sor.u32 $0x6, s6;
	[dreg:$0x16] =	wrdreg s23  }
0xa: {  	s28 =	simm.s32 $0xA;
	s8 =	sadd.s32 s7, s24;
	[dreg:$0x18] =	wrdreg s25  }
0xb: {  	s29 =	simm.s32 $0xB;
	s0 =	smax.u32 s0, $0x1;
	[dreg:$0x4] =	wrdreg s8  }
0xc: {  	s30 =	simm.s32 $0xC;
	s24 =	sor.u32 $0x5, s6;
	[dreg:$0x15] =	wrdreg s0  }
0xd: {  	s26 =	smul.u32 $0xC80, s6;
	s9 =	sadd.s32 $0x10, s8;
	[dreg:$0x17] =	wrdreg s24  }
0xe: {  	s13 =	smul.u32 $0x6400, s6;
	s10 =	sadd.s32 $0x20, s8;
	[dreg:$0x5] =	wrdreg s9  }
0xf: {  	s23 =	simm.s32 $0x1;
	s11 =	sadd.s32 $0x30, s8;
	[dreg:$0x6] =	wrdreg s10  }
0x10: {  	s19 =	simm.s32 $0x7;
	s15 =	sadd.s32 $0x50, s8;
	[dreg:$0x7] =	wrdreg s11  }
0x11: {  	s25 =	simm.s32 $0x6680;
	s17 =	sadd.s32 $0x60, s8;
	[dreg:$0xb] =	wrdreg s15  }
0x12: {  	s12 =	sadd.s32 s3, s26;
	s1 =	sshrl.u32 s13, $0x3;
	[dreg:$0xd] =	wrdreg s17  }
0x13: {  	s18 =	sadd.s32 $0x70, s8;
	s26 =	sor.u32 $0x7, s6;
	[dreg:$0x8] =	wrdreg s12  }
0x14: {  	s24 =	simm.s32 $0x80;
	s13 =	simm.s32 $0x5;
	[dreg:$0xf] =	wrdreg s18  }
0x15: {  	s9 =	sadd.s32 $0x40, s8;
	s14 =	sadd.s32 $0xC80, s12;
	[dreg:$0x19] =	wrdreg s26  }
0x16: {  	s16 =	sadd.s32 $0x1900, s12;
	s2 =	sadd.s32 $0x2580, s12;
	[dreg:$0x9] =	wrdreg s9  }
0x17: {  	s1 =	sadd.s32 s3, s1;
	s12 =	simm.s32 $0x48;
	[dreg:$0xa] =	wrdreg s14  }
0x18: {  	s10 =	simm.s32 $0xCC00;
	s15 =	simm.s32 $0x3;
	[dreg:$0xc] =	wrdreg s16  }
0x19: {  	s17 =	simm.s32 $0x13000;
	[dreg:$0xe] =	wrdreg s2;
	s20 =	sadd.s32 $0x60E00, s1  }
0x1a: {  	s8 =	simm.s32 $0x6;
	s21 =	sadd.s32 $0x61A80, s1;
	[dreg:$0x11] =	wrdreg s20  }
0x1b: {  	s11 =	simm.s32 $0x19400;
	s22 =	sadd.s32 $0x62700, s1;
	[dreg:$0x12] =	wrdreg s21  }
0x1c: {  	s26 =	simm.s32 $0x8;
	s1 =	sadd.s32 $0x63380, s1;
	[dreg:$0x13] =	wrdreg s22  }
0x1d: {  	s9 =	simm.s32 $0x2;
	[dreg:$0x14] =	wrdreg s1;
	s20 =	simm.s32 $0x9  }
0x1e: {  	s1 =	simm.s32 $0x0;
	s21 =	simm.s32 $0x6600;
	s22 =	simm.s32 $0x6480  }
.LBB2_1:
0x1f: {  	[dreg:$0x1a] =	wrdreg s1  }
0x20: {  	s0 =	rddreg [dreg:$0x1];
	s14 =	simm.s32 $0xD  }
0x21: {  	[tilespmem:s4], [sflag:$0xD] =	stream.linear.gather [hbm4b:s0+s4], $0x6400, $0x38;
	[tilespmem:$0x1F800] =	vst v63  }
0x22: {  	_ =	swait.ge [sflag:s14], $0x6400  }
0x23: {  	[sflag:s14] =	ssyncset.done $0x0  }
0x24: {  	s1 =	simm.s32 $0x6400;
	s16 =	rddreg [dreg:$0x4];
	[sflag:s14] =	ssyncadd.s32 $0xFFFF9C00  }
0x25: {  	[tilespmem:s1], [sflag:$0x1] =	stream.linear.gather [hbm4b:s16+s4], $0x80, $0x38;
	[tilespmem:$0x1F800] =	vst v63  }
0x26: {  	s2 =	simm.s32 $0x6600;
	s0 =	sadd.s32 $0x80, s16  }
0x27: {  	[tilespmem:s2], [sflag:$0x1] =	stream.linear.gather [hbm4b:s0+s4], $0x80, $0x38;
	[tilespmem:$0x1F800] =	vst v63  }
0x28: {  	s18 =	rddreg [dreg:$0x5];
	s14 =	simm.s32 $0x6480  }
0x29: {  	[tilespmem:s14], [sflag:$0x2] =	stream.linear.gather [hbm4b:s18+s4], $0x80, $0x38;
	[tilespmem:$0x1F800] =	vst v63  }
0x2a: {  	s16 =	simm.s32 $0x6680;
	s0 =	sadd.s32 $0x80, s18  }
0x2b: {  	[tilespmem:s16], [sflag:$0x2] =	stream.linear.gather [hbm4b:s0+s4], $0x80, $0x38;
	[tilespmem:$0x1F800] =	vst v63  }
0x2c: {  	s18 =	simm.s32 $0x6500;
	s0 =	rddreg [dreg:$0x6]  }
0x2d: {  	[tilespmem:s18], [sflag:$0x3] =	stream.linear.gather [hbm4b:s0+s4], $0x80, $0x38;
	[tilespmem:$0x1F800] =	vst v63  }
0x2e: {  	s0 =	sadd.s32 $0x80, s0;
	s18 =	simm.s32 $0x6700  }
0x2f: {  	[tilespmem:s18], [sflag:$0x3] =	stream.linear.gather [hbm4b:s0+s4], $0x80, $0x38;
	[tilespmem:$0x1F800] =	vst v63  }
0x30: {  	s0 =	rddreg [dreg:$0x7];
	s18 =	simm.s32 $0x6580  }
0x31: {  	[tilespmem:s18], [sflag:$0x4] =	stream.linear.gather [hbm4b:s0+s4], $0x80, $0x38;
	[tilespmem:$0x1F800] =	vst v63  }
0x32: {  	s0 =	sadd.s32 $0x80, s0;
	s18 =	simm.s32 $0x6780  }
0x33: {  	[tilespmem:s18], [sflag:$0x4] =	stream.linear.gather [hbm4b:s0+s4], $0x80, $0x38;
	[tilespmem:$0x1F800] =	vst v63  }
0x34: {  	_ =	swait.ge [sflag:s23], $0x100  }
0x35: {  	[sflag:s23] =	ssyncset.done $0x0  }
0x36: {  	s0 =	simm.s32 $0x6800;
	[sflag:s23] =	ssyncadd.s32 $0xFFFFFF00  }
0x37: {  	[tilespmem:s0], [sflag:$0x5] =	stream.indirect.gather [hbm4b:s5+s24], $0x80, s1, s24, $0xb8;
	[tilespmem:$0x1F800] =	vst v63  }
0x38: {  	s1 =	simm.s32 $0xA800  }
0x39: {  	[tilespmem:s1], [sflag:$0x5] =	stream.indirect.gather [hbm4b:s5+s12], $0x80, s2, s12, $0xb8;
	[tilespmem:$0x1F800] =	vst v63  }
0x3a: {  	_ =	swait.ge [sflag:s9], $0x100  }
0x3b: {  	[sflag:s9] =	ssyncset.done $0x0  }
0x3c: {  	[sflag:s9] =	ssyncadd.s32 $0xFFFFFF00  }
0x3d: {  	[tilespmem:s10], [sflag:$0x6] =	stream.indirect.gather [hbm4b:s5+s24], $0x80, s14, s24, $0xb8;
	[tilespmem:$0x1F800] =	vst v63  }
0x3e: {  	s14 =	simm.s32 $0x10C00  }
0x3f: {  	[tilespmem:s14], [sflag:$0x6] =	stream.indirect.gather [hbm4b:s5+s12], $0x80, s16, s12, $0xb8;
	[tilespmem:$0x1F800] =	vst v63  }
0x40: {  	_ =	swait.ge [sflag:s13], $0x4000  }
0x41: {  	[sflag:s13] =	ssyncset.done $0x0  }
0x42: {  	[sflag:s13] =	ssyncadd.s32 $0xFFFFC000  }
0x43: {  	_ =	swait.ge [sflag:s13], $0x2400  }
0x44: {  	[sflag:s13] =	ssyncset.done $0x0  }
0x45: {  	s0 =	simm.s32 $0x0;
	[sflag:s13] =	ssyncadd.s32 $0xFFFFDC00  }
0x46: {  	v0 =	vld [tilespmem:s0+$0x1F0]  }
0x47: {  	v1 =	vld [tilespmem:s0+$0x0]  }
0x48: {  	v2 =	vld [tilespmem:s0+$0x10]  }
0x49: {  	v3 =	vld [tilespmem:s0+$0x20]  }
0x4a: {  	v4 =	vld [tilespmem:s0+$0x30]  }
0x4b: {  	v5 =	vld [tilespmem:s0+$0x40]  }
0x4c: {  	v6 =	vld [tilespmem:s0+$0x50]  }
0x4d: {  	v7 =	vld [tilespmem:s0+$0x60]  }
0x4e: {  	v8 =	vld [tilespmem:s0+$0x70]  }
0x4f: {  	v9 =	vld [tilespmem:s0+$0x80]  }
0x50: {  	v10 =	vld [tilespmem:s0+$0x90]  }
0x51: {  	v11 =	vld [tilespmem:s0+$0xA0]  }
0x52: {  	v12 =	vld [tilespmem:s0+$0xB0]  }
0x53: {  	v13 =	vld [tilespmem:s0+$0xC0]  }
0x54: {  	v14 =	vld [tilespmem:s0+$0xD0]  }
0x55: {  	v15 =	vld [tilespmem:s0+$0xE0]  }
0x56: {  	v16 =	vld [tilespmem:s0+$0xF0]  }
0x57: {  	v17 =	vld [tilespmem:s0+$0x100]  }
0x58: {  	v18 =	vld [tilespmem:s0+$0x110]  }
0x59: {  	v19 =	vld [tilespmem:s0+$0x120]  }
0x5a: {  	v20 =	vld [tilespmem:s0+$0x130]  }
0x5b: {  	v21 =	vld [tilespmem:s0+$0x140]  }
0x5c: {  	v22 =	vld [tilespmem:s0+$0x150]  }
0x5d: {  	v23 =	vld [tilespmem:s0+$0x160]  }
0x5e: {  	v24 =	vld [tilespmem:s0+$0x170]  }
0x5f: {  	v25 =	vld [tilespmem:s0+$0x180]  }
0x60: {  	v26 =	vld [tilespmem:s0+$0x190]  }
0x61: {  	v27 =	vld [tilespmem:s0+$0x1A0]  }
0x62: {  	v28 =	vld [tilespmem:s0+$0x1B0]  }
0x63: {  	v29 =	vld [tilespmem:s0+$0x1C0]  }
0x64: {  	v30 =	vld [tilespmem:s0+$0x1D0]  }
0x65: {  	[tilespmem:s0+$0x69F0] =	vst.add.f32.msk $0xffff, v0  }
0x66: {  	v0 =	vld [tilespmem:s0+$0x1E0]  }
0x67: {  	[tilespmem:s0+$0x6800] =	vst.add.f32.msk $0xffff, v1  }
0x68: {  	[tilespmem:s0+$0x6810] =	vst.add.f32.msk $0xffff, v2  }
0x69: {  	[tilespmem:s0+$0x6820] =	vst.add.f32.msk $0xffff, v3  }
0x6a: {  	[tilespmem:s0+$0x6830] =	vst.add.f32.msk $0xffff, v4  }
0x6b: {  	[tilespmem:s0+$0x6840] =	vst.add.f32.msk $0xffff, v5  }
0x6c: {  	[tilespmem:s0+$0x6850] =	vst.add.f32.msk $0xffff, v6  }
0x6d: {  	[tilespmem:s0+$0x6860] =	vst.add.f32.msk $0xffff, v7  }
0x6e: {  	[tilespmem:s0+$0x6870] =	vst.add.f32.msk $0xffff, v8  }
0x6f: {  	[tilespmem:s0+$0x6880] =	vst.add.f32.msk $0xffff, v9  }
0x70: {  	[tilespmem:s0+$0x6890] =	vst.add.f32.msk $0xffff, v10  }
0x71: {  	[tilespmem:s0+$0x68A0] =	vst.add.f32.msk $0xffff, v11  }
0x72: {  	[tilespmem:s0+$0x68B0] =	vst.add.f32.msk $0xffff, v12  }
0x73: {  	[tilespmem:s0+$0x68C0] =	vst.add.f32.msk $0xffff, v13  }
0x74: {  	[tilespmem:s0+$0x68D0] =	vst.add.f32.msk $0xffff, v14  }
0x75: {  	[tilespmem:s0+$0x68E0] =	vst.add.f32.msk $0xffff, v15  }
0x76: {  	[tilespmem:s0+$0x68F0] =	vst.add.f32.msk $0xffff, v16  }
0x77: {  	[tilespmem:s0+$0x6900] =	vst.add.f32.msk $0xffff, v17  }
0x78: {  	[tilespmem:s0+$0x6910] =	vst.add.f32.msk $0xffff, v18  }
0x79: {  	[tilespmem:s0+$0x6920] =	vst.add.f32.msk $0xffff, v19  }
0x7a: {  	[tilespmem:s0+$0x6930] =	vst.add.f32.msk $0xffff, v20  }
0x7b: {  	[tilespmem:s0+$0x6940] =	vst.add.f32.msk $0xffff, v21  }
0x7c: {  	[tilespmem:s0+$0x6950] =	vst.add.f32.msk $0xffff, v22  }
0x7d: {  	[tilespmem:s0+$0x6960] =	vst.add.f32.msk $0xffff, v23  }
0x7e: {  	[tilespmem:s0+$0x6970] =	vst.add.f32.msk $0xffff, v24  }
0x7f: {  	[tilespmem:s0+$0x6980] =	vst.add.f32.msk $0xffff, v25  }
0x80: {  	[tilespmem:s0+$0x6990] =	vst.add.f32.msk $0xffff, v26  }
0x81: {  	[tilespmem:s0+$0x69A0] =	vst.add.f32.msk $0xffff, v27  }
0x82: {  	[tilespmem:s0+$0x69B0] =	vst.add.f32.msk $0xffff, v28  }
0x83: {  	[tilespmem:s0+$0x69C0] =	vst.add.f32.msk $0xffff, v29  }
0x84: {  	s18 =	simm.s32 $0x6400;
	s1 =	simm.s32 $0x0;
	s2 =	simm.s32 $0x800;
	[tilespmem:s0+$0x69D0] =	vst.add.f32.msk $0xffff, v30  }
.LBB2_2:
0x85: {  	s1 =	sadd.s32 $0x4, s1;
	[tilespmem:s0+$0x69E0] =	vst.add.f32.msk $0xffff, v0;
	s0 =	sshra.s32 s2, $0x2  }
0x86: {  	v0 =	vld [tilespmem:s0+$0x1F0];
	p0 =	slt.u32 s1, $0xC4  }
0x87: {  	v1 =	vld [tilespmem:s0+$0x0]  }
0x88: {  	v2 =	vld [tilespmem:s0+$0x10]  }
0x89: {  	v3 =	vld [tilespmem:s0+$0x20]  }
0x8a: {  	v4 =	vld [tilespmem:s0+$0x30]  }
0x8b: {  	[tilespmem:s0+$0x69F0] =	vst.add.f32.msk $0xffff, v0  }
0x8c: {  	v5 =	vld [tilespmem:s0+$0x40]  }
0x8d: {  	v6 =	vld [tilespmem:s0+$0x50]  }
0x8e: {  	v7 =	vld [tilespmem:s0+$0x60]  }
0x8f: {  	v8 =	vld [tilespmem:s0+$0x70]  }
0x90: {  	v9 =	vld [tilespmem:s0+$0x80]  }
0x91: {  	v10 =	vld [tilespmem:s0+$0x90]  }
0x92: {  	v11 =	vld [tilespmem:s0+$0xA0]  }
0x93: {  	v12 =	vld [tilespmem:s0+$0xB0]  }
0x94: {  	v13 =	vld [tilespmem:s0+$0xC0]  }
0x95: {  	v14 =	vld [tilespmem:s0+$0xD0]  }
0x96: {  	v15 =	vld [tilespmem:s0+$0xE0]  }
0x97: {  	v16 =	vld [tilespmem:s0+$0xF0]  }
0x98: {  	v17 =	vld [tilespmem:s0+$0x100]  }
0x99: {  	v18 =	vld [tilespmem:s0+$0x110]  }
0x9a: {  	v19 =	vld [tilespmem:s0+$0x120]  }
0x9b: {  	v20 =	vld [tilespmem:s0+$0x130]  }
0x9c: {  	v21 =	vld [tilespmem:s0+$0x140]  }
0x9d: {  	v22 =	vld [tilespmem:s0+$0x150]  }
0x9e: {  	v23 =	vld [tilespmem:s0+$0x160]  }
0x9f: {  	v24 =	vld [tilespmem:s0+$0x170]  }
0xa0: {  	v25 =	vld [tilespmem:s0+$0x180]  }
0xa1: {  	v26 =	vld [tilespmem:s0+$0x190]  }
0xa2: {  	v27 =	vld [tilespmem:s0+$0x1A0]  }
0xa3: {  	v28 =	vld [tilespmem:s0+$0x1B0]  }
0xa4: {  	v29 =	vld [tilespmem:s0+$0x1C0]  }
0xa5: {  	v30 =	vld [tilespmem:s0+$0x1D0]  }
0xa6: {  	v0 =	vld [tilespmem:s0+$0x1E0]  }
0xa7: {  	[tilespmem:s0+$0x6800] =	vst.add.f32.msk $0xffff, v1  }
0xa8: {  	[tilespmem:s0+$0x6810] =	vst.add.f32.msk $0xffff, v2  }
0xa9: {  	[tilespmem:s0+$0x6820] =	vst.add.f32.msk $0xffff, v3  }
0xaa: {  	[tilespmem:s0+$0x6830] =	vst.add.f32.msk $0xffff, v4  }
0xab: {  	[tilespmem:s0+$0x6840] =	vst.add.f32.msk $0xffff, v5  }
0xac: {  	[tilespmem:s0+$0x6850] =	vst.add.f32.msk $0xffff, v6  }
0xad: {  	[tilespmem:s0+$0x6860] =	vst.add.f32.msk $0xffff, v7  }
0xae: {  	[tilespmem:s0+$0x6870] =	vst.add.f32.msk $0xffff, v8  }
0xaf: {  	[tilespmem:s0+$0x6880] =	vst.add.f32.msk $0xffff, v9  }
0xb0: {  	[tilespmem:s0+$0x6890] =	vst.add.f32.msk $0xffff, v10  }
0xb1: {  	[tilespmem:s0+$0x68A0] =	vst.add.f32.msk $0xffff, v11  }
0xb2: {  	[tilespmem:s0+$0x68B0] =	vst.add.f32.msk $0xffff, v12  }
0xb3: {  	[tilespmem:s0+$0x68C0] =	vst.add.f32.msk $0xffff, v13  }
0xb4: {  	[tilespmem:s0+$0x68D0] =	vst.add.f32.msk $0xffff, v14  }
0xb5: {  	[tilespmem:s0+$0x68E0] =	vst.add.f32.msk $0xffff, v15  }
0xb6: {  	[tilespmem:s0+$0x68F0] =	vst.add.f32.msk $0xffff, v16  }
0xb7: {  	[tilespmem:s0+$0x6900] =	vst.add.f32.msk $0xffff, v17  }
0xb8: {  	[tilespmem:s0+$0x6910] =	vst.add.f32.msk $0xffff, v18  }
0xb9: {  	[tilespmem:s0+$0x6920] =	vst.add.f32.msk $0xffff, v19  }
0xba: {  	[tilespmem:s0+$0x6930] =	vst.add.f32.msk $0xffff, v20  }
0xbb: {  	[tilespmem:s0+$0x6940] =	vst.add.f32.msk $0xffff, v21  }
0xbc: {  	[tilespmem:s0+$0x6950] =	vst.add.f32.msk $0xffff, v22  }
0xbd: {  	[tilespmem:s0+$0x6960] =	vst.add.f32.msk $0xffff, v23  }
0xbe: {  	[tilespmem:s0+$0x6970] =	vst.add.f32.msk $0xffff, v24  }
0xbf: {  	[tilespmem:s0+$0x6980] =	vst.add.f32.msk $0xffff, v25  }
.Ltmp0:
0xc0: {  	[tilespmem:s0+$0x6990] =	vst.add.f32.msk $0xffff, v26;
	(pc) =	sbr.rel @p0 .LBB2_2-.Ltmp0, $4  }
0xc1: {  	[tilespmem:s0+$0x69A0] =	vst.add.f32.msk $0xffff, v27  }
0xc2: {  	[tilespmem:s0+$0x69B0] =	vst.add.f32.msk $0xffff, v28  }
0xc3: {  	[tilespmem:s0+$0x69C0] =	vst.add.f32.msk $0xffff, v29  }
0xc4: {  	s2 =	sadd.s32 $0x800, s2;
	[tilespmem:s0+$0x69D0] =	vst.add.f32.msk $0xffff, v30  }
0xc5: {  	[tilespmem:s0+$0x69E0] =	vst.add.f32.msk $0xffff, v0  }
0xc6: {  	s0 =	simm.s32 $0x0;
	s2 =	simm.s32 $0x6800;
	s1 =	rddreg [dreg:$0x8]  }
0xc7: {  	[hbm4b:s1+s0] =	stream.linear.scatter [tilespmem:s2], [sflag:$0x9], $0x6400, $0x38;
	[tilespmem:$0x1F800] =	vst v63  }
0xc8: {  	_ =	swait.ge [sflag:s15], $0x100  }
0xc9: {  	[sflag:s15] =	ssyncset.done $0x0  }
0xca: {  	s16 =	simm.s32 $0x6500;
	[sflag:s15] =	ssyncadd.s32 $0xFFFFFF00  }
0xcb: {  	[tilespmem:s17], [sflag:$0x7] =	stream.indirect.gather [hbm4b:s5+s24], $0x80, s16, s24, $0xb8;
	[tilespmem:$0x1F800] =	vst v63  }
0xcc: {  	s14 =	simm.s32 $0x17000;
	s2 =	simm.s32 $0x6700  }
0xcd: {  	[tilespmem:s14], [sflag:$0x7] =	stream.indirect.gather [hbm4b:s5+s12], $0x80, s2, s12, $0xb8;
	[tilespmem:$0x1F800] =	vst v63  }
0xce: {  	s16 =	rddreg [dreg:$0x9]  }
0xcf: {  	[tilespmem:s18], [sflag:$0x1] =	stream.linear.gather [hbm4b:s16+s0], $0x80, $0x38;
	[tilespmem:$0x1F800] =	vst v63  }
0xd0: {  	s1 =	sadd.s32 $0x80, s16  }
0xd1: {  	[tilespmem:s21], [sflag:$0x1] =	stream.linear.gather [hbm4b:s1+s0], $0x80, $0x38;
	[tilespmem:$0x1F800] =	vst v63  }
0xd2: {  	_ =	swait.ge [sflag:s8], $0x4000  }
0xd3: {  	[sflag:s8] =	ssyncset.done $0x0  }
0xd4: {  	[sflag:s8] =	ssyncadd.s32 $0xFFFFC000  }
0xd5: {  	_ =	swait.ge [sflag:s8], $0x2400  }
0xd6: {  	[sflag:s8] =	ssyncset.done $0x0  }
0xd7: {  	s0 =	simm.s32 $0x0;
	[sflag:s8] =	ssyncadd.s32 $0xFFFFDC00  }
0xd8: {  	v0 =	vld [tilespmem:s0+$0x1F0]  }
0xd9: {  	v1 =	vld [tilespmem:s0+$0x0]  }
0xda: {  	v2 =	vld [tilespmem:s0+$0x10]  }
0xdb: {  	v3 =	vld [tilespmem:s0+$0x20]  }
0xdc: {  	v4 =	vld [tilespmem:s0+$0x30]  }
0xdd: {  	v5 =	vld [tilespmem:s0+$0x40]  }
0xde: {  	v6 =	vld [tilespmem:s0+$0x50]  }
0xdf: {  	v7 =	vld [tilespmem:s0+$0x60]  }
0xe0: {  	v8 =	vld [tilespmem:s0+$0x70]  }
0xe1: {  	v9 =	vld [tilespmem:s0+$0x80]  }
0xe2: {  	v10 =	vld [tilespmem:s0+$0x90]  }
0xe3: {  	v11 =	vld [tilespmem:s0+$0xA0]  }
0xe4: {  	v12 =	vld [tilespmem:s0+$0xB0]  }
0xe5: {  	v13 =	vld [tilespmem:s0+$0xC0]  }
0xe6: {  	v14 =	vld [tilespmem:s0+$0xD0]  }
0xe7: {  	v15 =	vld [tilespmem:s0+$0xE0]  }
0xe8: {  	v16 =	vld [tilespmem:s0+$0xF0]  }
0xe9: {  	v17 =	vld [tilespmem:s0+$0x100]  }
0xea: {  	v18 =	vld [tilespmem:s0+$0x110]  }
0xeb: {  	v19 =	vld [tilespmem:s0+$0x120]  }
0xec: {  	v20 =	vld [tilespmem:s0+$0x130]  }
0xed: {  	v21 =	vld [tilespmem:s0+$0x140]  }
0xee: {  	v22 =	vld [tilespmem:s0+$0x150]  }
0xef: {  	v23 =	vld [tilespmem:s0+$0x160]  }
0xf0: {  	v24 =	vld [tilespmem:s0+$0x170]  }
0xf1: {  	v25 =	vld [tilespmem:s0+$0x180]  }
0xf2: {  	v26 =	vld [tilespmem:s0+$0x190]  }
0xf3: {  	v27 =	vld [tilespmem:s0+$0x1A0]  }
0xf4: {  	v28 =	vld [tilespmem:s0+$0x1B0]  }
0xf5: {  	v29 =	vld [tilespmem:s0+$0x1C0]  }
0xf6: {  	v30 =	vld [tilespmem:s0+$0x1D0]  }
0xf7: {  	[tilespmem:s0+$0xCDF0] =	vst.add.f32.msk $0xffff, v0  }
0xf8: {  	v0 =	vld [tilespmem:s0+$0x1E0]  }
0xf9: {  	[tilespmem:s0+$0xCC00] =	vst.add.f32.msk $0xffff, v1  }
0xfa: {  	[tilespmem:s0+$0xCC10] =	vst.add.f32.msk $0xffff, v2  }
0xfb: {  	[tilespmem:s0+$0xCC20] =	vst.add.f32.msk $0xffff, v3  }
0xfc: {  	[tilespmem:s0+$0xCC30] =	vst.add.f32.msk $0xffff, v4  }
0xfd: {  	[tilespmem:s0+$0xCC40] =	vst.add.f32.msk $0xffff, v5  }
0xfe: {  	[tilespmem:s0+$0xCC50] =	vst.add.f32.msk $0xffff, v6  }
0xff: {  	[tilespmem:s0+$0xCC60] =	vst.add.f32.msk $0xffff, v7  }
0x100: {  	[tilespmem:s0+$0xCC70] =	vst.add.f32.msk $0xffff, v8  }
0x101: {  	[tilespmem:s0+$0xCC80] =	vst.add.f32.msk $0xffff, v9  }
0x102: {  	[tilespmem:s0+$0xCC90] =	vst.add.f32.msk $0xffff, v10  }
0x103: {  	[tilespmem:s0+$0xCCA0] =	vst.add.f32.msk $0xffff, v11  }
0x104: {  	[tilespmem:s0+$0xCCB0] =	vst.add.f32.msk $0xffff, v12  }
0x105: {  	[tilespmem:s0+$0xCCC0] =	vst.add.f32.msk $0xffff, v13  }
0x106: {  	[tilespmem:s0+$0xCCD0] =	vst.add.f32.msk $0xffff, v14  }
0x107: {  	[tilespmem:s0+$0xCCE0] =	vst.add.f32.msk $0xffff, v15  }
0x108: {  	[tilespmem:s0+$0xCCF0] =	vst.add.f32.msk $0xffff, v16  }
0x109: {  	[tilespmem:s0+$0xCD00] =	vst.add.f32.msk $0xffff, v17  }
0x10a: {  	[tilespmem:s0+$0xCD10] =	vst.add.f32.msk $0xffff, v18  }
0x10b: {  	[tilespmem:s0+$0xCD20] =	vst.add.f32.msk $0xffff, v19  }
0x10c: {  	[tilespmem:s0+$0xCD30] =	vst.add.f32.msk $0xffff, v20  }
0x10d: {  	[tilespmem:s0+$0xCD40] =	vst.add.f32.msk $0xffff, v21  }
0x10e: {  	[tilespmem:s0+$0xCD50] =	vst.add.f32.msk $0xffff, v22  }
0x10f: {  	[tilespmem:s0+$0xCD60] =	vst.add.f32.msk $0xffff, v23  }
0x110: {  	[tilespmem:s0+$0xCD70] =	vst.add.f32.msk $0xffff, v24  }
0x111: {  	[tilespmem:s0+$0xCD80] =	vst.add.f32.msk $0xffff, v25  }
0x112: {  	[tilespmem:s0+$0xCD90] =	vst.add.f32.msk $0xffff, v26  }
0x113: {  	[tilespmem:s0+$0xCDA0] =	vst.add.f32.msk $0xffff, v27  }
0x114: {  	[tilespmem:s0+$0xCDB0] =	vst.add.f32.msk $0xffff, v28  }
0x115: {  	[tilespmem:s0+$0xCDC0] =	vst.add.f32.msk $0xffff, v29  }
0x116: {  	s2 =	simm.s32 $0x800;
	s1 =	simm.s32 $0x0;
	[tilespmem:s0+$0xCDD0] =	vst.add.f32.msk $0xffff, v30  }
.LBB2_4:
0x117: {  	s1 =	sadd.s32 $0x4, s1;
	[tilespmem:s0+$0xCDE0] =	vst.add.f32.msk $0xffff, v0;
	s0 =	sshra.s32 s2, $0x2  }
0x118: {  	v0 =	vld [tilespmem:s0+$0x1F0];
	p0 =	slt.u32 s1, $0xC4  }
0x119: {  	v1 =	vld [tilespmem:s0+$0x0]  }
0x11a: {  	v2 =	vld [tilespmem:s0+$0x10]  }
0x11b: {  	v3 =	vld [tilespmem:s0+$0x20]  }
0x11c: {  	v4 =	vld [tilespmem:s0+$0x30]  }
0x11d: {  	[tilespmem:s0+$0xCDF0] =	vst.add.f32.msk $0xffff, v0  }
0x11e: {  	v5 =	vld [tilespmem:s0+$0x40]  }
0x11f: {  	v6 =	vld [tilespmem:s0+$0x50]  }
0x120: {  	v7 =	vld [tilespmem:s0+$0x60]  }
0x121: {  	v8 =	vld [tilespmem:s0+$0x70]  }
0x122: {  	v9 =	vld [tilespmem:s0+$0x80]  }
0x123: {  	v10 =	vld [tilespmem:s0+$0x90]  }
0x124: {  	v11 =	vld [tilespmem:s0+$0xA0]  }
0x125: {  	v12 =	vld [tilespmem:s0+$0xB0]  }
0x126: {  	v13 =	vld [tilespmem:s0+$0xC0]  }
0x127: {  	v14 =	vld [tilespmem:s0+$0xD0]  }
0x128: {  	v15 =	vld [tilespmem:s0+$0xE0]  }
0x129: {  	v16 =	vld [tilespmem:s0+$0xF0]  }
0x12a: {  	v17 =	vld [tilespmem:s0+$0x100]  }
0x12b: {  	v18 =	vld [tilespmem:s0+$0x110]  }
0x12c: {  	v19 =	vld [tilespmem:s0+$0x120]  }
0x12d: {  	v20 =	vld [tilespmem:s0+$0x130]  }
0x12e: {  	v21 =	vld [tilespmem:s0+$0x140]  }
0x12f: {  	v22 =	vld [tilespmem:s0+$0x150]  }
0x130: {  	v23 =	vld [tilespmem:s0+$0x160]  }
0x131: {  	v24 =	vld [tilespmem:s0+$0x170]  }
0x132: {  	v25 =	vld [tilespmem:s0+$0x180]  }
0x133: {  	v26 =	vld [tilespmem:s0+$0x190]  }
0x134: {  	v27 =	vld [tilespmem:s0+$0x1A0]  }
0x135: {  	v28 =	vld [tilespmem:s0+$0x1B0]  }
0x136: {  	v29 =	vld [tilespmem:s0+$0x1C0]  }
0x137: {  	v30 =	vld [tilespmem:s0+$0x1D0]  }
0x138: {  	v0 =	vld [tilespmem:s0+$0x1E0]  }
0x139: {  	[tilespmem:s0+$0xCC00] =	vst.add.f32.msk $0xffff, v1  }
0x13a: {  	[tilespmem:s0+$0xCC10] =	vst.add.f32.msk $0xffff, v2  }
0x13b: {  	[tilespmem:s0+$0xCC20] =	vst.add.f32.msk $0xffff, v3  }
0x13c: {  	[tilespmem:s0+$0xCC30] =	vst.add.f32.msk $0xffff, v4  }
0x13d: {  	[tilespmem:s0+$0xCC40] =	vst.add.f32.msk $0xffff, v5  }
0x13e: {  	[tilespmem:s0+$0xCC50] =	vst.add.f32.msk $0xffff, v6  }
0x13f: {  	[tilespmem:s0+$0xCC60] =	vst.add.f32.msk $0xffff, v7  }
0x140: {  	[tilespmem:s0+$0xCC70] =	vst.add.f32.msk $0xffff, v8  }
0x141: {  	[tilespmem:s0+$0xCC80] =	vst.add.f32.msk $0xffff, v9  }
0x142: {  	[tilespmem:s0+$0xCC90] =	vst.add.f32.msk $0xffff, v10  }
0x143: {  	[tilespmem:s0+$0xCCA0] =	vst.add.f32.msk $0xffff, v11  }
0x144: {  	[tilespmem:s0+$0xCCB0] =	vst.add.f32.msk $0xffff, v12  }
0x145: {  	[tilespmem:s0+$0xCCC0] =	vst.add.f32.msk $0xffff, v13  }
0x146: {  	[tilespmem:s0+$0xCCD0] =	vst.add.f32.msk $0xffff, v14  }
0x147: {  	[tilespmem:s0+$0xCCE0] =	vst.add.f32.msk $0xffff, v15  }
0x148: {  	[tilespmem:s0+$0xCCF0] =	vst.add.f32.msk $0xffff, v16  }
0x149: {  	[tilespmem:s0+$0xCD00] =	vst.add.f32.msk $0xffff, v17  }
0x14a: {  	[tilespmem:s0+$0xCD10] =	vst.add.f32.msk $0xffff, v18  }
0x14b: {  	[tilespmem:s0+$0xCD20] =	vst.add.f32.msk $0xffff, v19  }
0x14c: {  	[tilespmem:s0+$0xCD30] =	vst.add.f32.msk $0xffff, v20  }
0x14d: {  	[tilespmem:s0+$0xCD40] =	vst.add.f32.msk $0xffff, v21  }
0x14e: {  	[tilespmem:s0+$0xCD50] =	vst.add.f32.msk $0xffff, v22  }
0x14f: {  	[tilespmem:s0+$0xCD60] =	vst.add.f32.msk $0xffff, v23  }
0x150: {  	[tilespmem:s0+$0xCD70] =	vst.add.f32.msk $0xffff, v24  }
0x151: {  	[tilespmem:s0+$0xCD80] =	vst.add.f32.msk $0xffff, v25  }
.Ltmp1:
0x152: {  	[tilespmem:s0+$0xCD90] =	vst.add.f32.msk $0xffff, v26;
	(pc) =	sbr.rel @p0 .LBB2_4-.Ltmp1, $4  }
0x153: {  	[tilespmem:s0+$0xCDA0] =	vst.add.f32.msk $0xffff, v27  }
0x154: {  	[tilespmem:s0+$0xCDB0] =	vst.add.f32.msk $0xffff, v28  }
0x155: {  	[tilespmem:s0+$0xCDC0] =	vst.add.f32.msk $0xffff, v29  }
0x156: {  	s2 =	sadd.s32 $0x800, s2;
	[tilespmem:s0+$0xCDD0] =	vst.add.f32.msk $0xffff, v30  }
0x157: {  	[tilespmem:s0+$0xCDE0] =	vst.add.f32.msk $0xffff, v0  }
0x158: {  	s0 =	simm.s32 $0x0;
	s1 =	rddreg [dreg:$0xa]  }
0x159: {  	[hbm4b:s1+s0] =	stream.linear.scatter [tilespmem:s10], [sflag:$0xA], $0x6400, $0x38;
	[tilespmem:$0x1F800] =	vst v63  }
0x15a: {  	_ =	swait.ge [sflag:s31], $0x100  }
0x15b: {  	[sflag:s31] =	ssyncset.done $0x0  }
0x15c: {  	s2 =	simm.s32 $0x6580;
	[sflag:s31] =	ssyncadd.s32 $0xFFFFFF00  }
0x15d: {  	[tilespmem:s11], [sflag:$0x8] =	stream.indirect.gather [hbm4b:s5+s24], $0x80, s2, s24, $0xb8;
	[tilespmem:$0x1F800] =	vst v63  }
0x15e: {  	s14 =	simm.s32 $0x6780;
	s2 =	simm.s32 $0x1D400  }
0x15f: {  	[tilespmem:s2], [sflag:$0x8] =	stream.indirect.gather [hbm4b:s5+s12], $0x80, s14, s12, $0xb8;
	[tilespmem:$0x1F800] =	vst v63  }
0x160: {  	s16 =	rddreg [dreg:$0xb]  }
0x161: {  	[tilespmem:s22], [sflag:$0x2] =	stream.linear.gather [hbm4b:s16+s0], $0x80, $0x38;
	[tilespmem:$0x1F800] =	vst v63  }
0x162: {  	s1 =	sadd.s32 $0x80, s16  }
0x163: {  	[tilespmem:s25], [sflag:$0x2] =	stream.linear.gather [hbm4b:s1+s0], $0x80, $0x38;
	[tilespmem:$0x1F800] =	vst v63  }
0x164: {  	_ =	swait.ge [sflag:s19], $0x4000  }
0x165: {  	[sflag:s19] =	ssyncset.done $0x0  }
0x166: {  	[sflag:s19] =	ssyncadd.s32 $0xFFFFC000  }
0x167: {  	_ =	swait.ge [sflag:s19], $0x2400  }
0x168: {  	[sflag:s19] =	ssyncset.done $0x0  }
0x169: {  	s0 =	simm.s32 $0x0;
	[sflag:s19] =	ssyncadd.s32 $0xFFFFDC00  }
0x16a: {  	v0 =	vld [tilespmem:s0+$0x1F0]  }
0x16b: {  	v1 =	vld [tilespmem:s0+$0x0]  }
0x16c: {  	v2 =	vld [tilespmem:s0+$0x10]  }
0x16d: {  	v3 =	vld [tilespmem:s0+$0x20]  }
0x16e: {  	v4 =	vld [tilespmem:s0+$0x30]  }
0x16f: {  	v5 =	vld [tilespmem:s0+$0x40]  }
0x170: {  	v6 =	vld [tilespmem:s0+$0x50]  }
0x171: {  	v7 =	vld [tilespmem:s0+$0x60]  }
0x172: {  	v8 =	vld [tilespmem:s0+$0x70]  }
0x173: {  	v9 =	vld [tilespmem:s0+$0x80]  }
0x174: {  	v10 =	vld [tilespmem:s0+$0x90]  }
0x175: {  	v11 =	vld [tilespmem:s0+$0xA0]  }
0x176: {  	v12 =	vld [tilespmem:s0+$0xB0]  }
0x177: {  	v13 =	vld [tilespmem:s0+$0xC0]  }
0x178: {  	v14 =	vld [tilespmem:s0+$0xD0]  }
0x179: {  	v15 =	vld [tilespmem:s0+$0xE0]  }
0x17a: {  	v16 =	vld [tilespmem:s0+$0xF0]  }
0x17b: {  	v17 =	vld [tilespmem:s0+$0x100]  }
0x17c: {  	v18 =	vld [tilespmem:s0+$0x110]  }
0x17d: {  	v19 =	vld [tilespmem:s0+$0x120]  }
0x17e: {  	v20 =	vld [tilespmem:s0+$0x130]  }
0x17f: {  	v21 =	vld [tilespmem:s0+$0x140]  }
0x180: {  	v22 =	vld [tilespmem:s0+$0x150]  }
0x181: {  	v23 =	vld [tilespmem:s0+$0x160]  }
0x182: {  	v24 =	vld [tilespmem:s0+$0x170]  }
0x183: {  	v25 =	vld [tilespmem:s0+$0x180]  }
0x184: {  	v26 =	vld [tilespmem:s0+$0x190]  }
0x185: {  	v27 =	vld [tilespmem:s0+$0x1A0]  }
0x186: {  	v28 =	vld [tilespmem:s0+$0x1B0]  }
0x187: {  	v29 =	vld [tilespmem:s0+$0x1C0]  }
0x188: {  	v30 =	vld [tilespmem:s0+$0x1D0]  }
0x189: {  	[tilespmem:s0+$0x131F0] =	vst.add.f32.msk $0xffff, v0  }
0x18a: {  	v0 =	vld [tilespmem:s0+$0x1E0]  }
0x18b: {  	[tilespmem:s0+$0x13000] =	vst.add.f32.msk $0xffff, v1  }
0x18c: {  	[tilespmem:s0+$0x13010] =	vst.add.f32.msk $0xffff, v2  }
0x18d: {  	[tilespmem:s0+$0x13020] =	vst.add.f32.msk $0xffff, v3  }
0x18e: {  	[tilespmem:s0+$0x13030] =	vst.add.f32.msk $0xffff, v4  }
0x18f: {  	[tilespmem:s0+$0x13040] =	vst.add.f32.msk $0xffff, v5  }
0x190: {  	[tilespmem:s0+$0x13050] =	vst.add.f32.msk $0xffff, v6  }
0x191: {  	[tilespmem:s0+$0x13060] =	vst.add.f32.msk $0xffff, v7  }
0x192: {  	[tilespmem:s0+$0x13070] =	vst.add.f32.msk $0xffff, v8  }
0x193: {  	[tilespmem:s0+$0x13080] =	vst.add.f32.msk $0xffff, v9  }
0x194: {  	[tilespmem:s0+$0x13090] =	vst.add.f32.msk $0xffff, v10  }
0x195: {  	[tilespmem:s0+$0x130A0] =	vst.add.f32.msk $0xffff, v11  }
0x196: {  	[tilespmem:s0+$0x130B0] =	vst.add.f32.msk $0xffff, v12  }
0x197: {  	[tilespmem:s0+$0x130C0] =	vst.add.f32.msk $0xffff, v13  }
0x198: {  	[tilespmem:s0+$0x130D0] =	vst.add.f32.msk $0xffff, v14  }
0x199: {  	[tilespmem:s0+$0x130E0] =	vst.add.f32.msk $0xffff, v15  }
0x19a: {  	[tilespmem:s0+$0x130F0] =	vst.add.f32.msk $0xffff, v16  }
0x19b: {  	[tilespmem:s0+$0x13100] =	vst.add.f32.msk $0xffff, v17  }
0x19c: {  	[tilespmem:s0+$0x13110] =	vst.add.f32.msk $0xffff, v18  }
0x19d: {  	[tilespmem:s0+$0x13120] =	vst.add.f32.msk $0xffff, v19  }
0x19e: {  	[tilespmem:s0+$0x13130] =	vst.add.f32.msk $0xffff, v20  }
0x19f: {  	[tilespmem:s0+$0x13140] =	vst.add.f32.msk $0xffff, v21  }
0x1a0: {  	[tilespmem:s0+$0x13150] =	vst.add.f32.msk $0xffff, v22  }
0x1a1: {  	[tilespmem:s0+$0x13160] =	vst.add.f32.msk $0xffff, v23  }
0x1a2: {  	[tilespmem:s0+$0x13170] =	vst.add.f32.msk $0xffff, v24  }
0x1a3: {  	[tilespmem:s0+$0x13180] =	vst.add.f32.msk $0xffff, v25  }
0x1a4: {  	[tilespmem:s0+$0x13190] =	vst.add.f32.msk $0xffff, v26  }
0x1a5: {  	[tilespmem:s0+$0x131A0] =	vst.add.f32.msk $0xffff, v27  }
0x1a6: {  	[tilespmem:s0+$0x131B0] =	vst.add.f32.msk $0xffff, v28  }
0x1a7: {  	[tilespmem:s0+$0x131C0] =	vst.add.f32.msk $0xffff, v29  }
0x1a8: {  	s2 =	simm.s32 $0x800;
	s1 =	simm.s32 $0x0;
	[tilespmem:s0+$0x131D0] =	vst.add.f32.msk $0xffff, v30  }
.LBB2_6:
0x1a9: {  	s1 =	sadd.s32 $0x4, s1;
	[tilespmem:s0+$0x131E0] =	vst.add.f32.msk $0xffff, v0;
	s0 =	sshra.s32 s2, $0x2  }
0x1aa: {  	v0 =	vld [tilespmem:s0+$0x1F0];
	p0 =	slt.u32 s1, $0xC4  }
0x1ab: {  	v1 =	vld [tilespmem:s0+$0x0]  }
0x1ac: {  	v2 =	vld [tilespmem:s0+$0x10]  }
0x1ad: {  	v3 =	vld [tilespmem:s0+$0x20]  }
0x1ae: {  	v4 =	vld [tilespmem:s0+$0x30]  }
0x1af: {  	[tilespmem:s0+$0x131F0] =	vst.add.f32.msk $0xffff, v0  }
0x1b0: {  	v5 =	vld [tilespmem:s0+$0x40]  }
0x1b1: {  	v6 =	vld [tilespmem:s0+$0x50]  }
0x1b2: {  	v7 =	vld [tilespmem:s0+$0x60]  }
0x1b3: {  	v8 =	vld [tilespmem:s0+$0x70]  }
0x1b4: {  	v9 =	vld [tilespmem:s0+$0x80]  }
0x1b5: {  	v10 =	vld [tilespmem:s0+$0x90]  }
0x1b6: {  	v11 =	vld [tilespmem:s0+$0xA0]  }
0x1b7: {  	v12 =	vld [tilespmem:s0+$0xB0]  }
0x1b8: {  	v13 =	vld [tilespmem:s0+$0xC0]  }
0x1b9: {  	v14 =	vld [tilespmem:s0+$0xD0]  }
0x1ba: {  	v15 =	vld [tilespmem:s0+$0xE0]  }
0x1bb: {  	v16 =	vld [tilespmem:s0+$0xF0]  }
0x1bc: {  	v17 =	vld [tilespmem:s0+$0x100]  }
0x1bd: {  	v18 =	vld [tilespmem:s0+$0x110]  }
0x1be: {  	v19 =	vld [tilespmem:s0+$0x120]  }
0x1bf: {  	v20 =	vld [tilespmem:s0+$0x130]  }
0x1c0: {  	v21 =	vld [tilespmem:s0+$0x140]  }
0x1c1: {  	v22 =	vld [tilespmem:s0+$0x150]  }
0x1c2: {  	v23 =	vld [tilespmem:s0+$0x160]  }
0x1c3: {  	v24 =	vld [tilespmem:s0+$0x170]  }
0x1c4: {  	v25 =	vld [tilespmem:s0+$0x180]  }
0x1c5: {  	v26 =	vld [tilespmem:s0+$0x190]  }
0x1c6: {  	v27 =	vld [tilespmem:s0+$0x1A0]  }
0x1c7: {  	v28 =	vld [tilespmem:s0+$0x1B0]  }
0x1c8: {  	v29 =	vld [tilespmem:s0+$0x1C0]  }
0x1c9: {  	v30 =	vld [tilespmem:s0+$0x1D0]  }
0x1ca: {  	v0 =	vld [tilespmem:s0+$0x1E0]  }
0x1cb: {  	[tilespmem:s0+$0x13000] =	vst.add.f32.msk $0xffff, v1  }
0x1cc: {  	[tilespmem:s0+$0x13010] =	vst.add.f32.msk $0xffff, v2  }
0x1cd: {  	[tilespmem:s0+$0x13020] =	vst.add.f32.msk $0xffff, v3  }
0x1ce: {  	[tilespmem:s0+$0x13030] =	vst.add.f32.msk $0xffff, v4  }
0x1cf: {  	[tilespmem:s0+$0x13040] =	vst.add.f32.msk $0xffff, v5  }
0x1d0: {  	[tilespmem:s0+$0x13050] =	vst.add.f32.msk $0xffff, v6  }
0x1d1: {  	[tilespmem:s0+$0x13060] =	vst.add.f32.msk $0xffff, v7  }
0x1d2: {  	[tilespmem:s0+$0x13070] =	vst.add.f32.msk $0xffff, v8  }
0x1d3: {  	[tilespmem:s0+$0x13080] =	vst.add.f32.msk $0xffff, v9  }
0x1d4: {  	[tilespmem:s0+$0x13090] =	vst.add.f32.msk $0xffff, v10  }
0x1d5: {  	[tilespmem:s0+$0x130A0] =	vst.add.f32.msk $0xffff, v11  }
0x1d6: {  	[tilespmem:s0+$0x130B0] =	vst.add.f32.msk $0xffff, v12  }
0x1d7: {  	[tilespmem:s0+$0x130C0] =	vst.add.f32.msk $0xffff, v13  }
0x1d8: {  	[tilespmem:s0+$0x130D0] =	vst.add.f32.msk $0xffff, v14  }
0x1d9: {  	[tilespmem:s0+$0x130E0] =	vst.add.f32.msk $0xffff, v15  }
0x1da: {  	[tilespmem:s0+$0x130F0] =	vst.add.f32.msk $0xffff, v16  }
0x1db: {  	[tilespmem:s0+$0x13100] =	vst.add.f32.msk $0xffff, v17  }
0x1dc: {  	[tilespmem:s0+$0x13110] =	vst.add.f32.msk $0xffff, v18  }
0x1dd: {  	[tilespmem:s0+$0x13120] =	vst.add.f32.msk $0xffff, v19  }
0x1de: {  	[tilespmem:s0+$0x13130] =	vst.add.f32.msk $0xffff, v20  }
0x1df: {  	[tilespmem:s0+$0x13140] =	vst.add.f32.msk $0xffff, v21  }
0x1e0: {  	[tilespmem:s0+$0x13150] =	vst.add.f32.msk $0xffff, v22  }
0x1e1: {  	[tilespmem:s0+$0x13160] =	vst.add.f32.msk $0xffff, v23  }
0x1e2: {  	[tilespmem:s0+$0x13170] =	vst.add.f32.msk $0xffff, v24  }
0x1e3: {  	[tilespmem:s0+$0x13180] =	vst.add.f32.msk $0xffff, v25  }
.Ltmp2:
0x1e4: {  	[tilespmem:s0+$0x13190] =	vst.add.f32.msk $0xffff, v26;
	(pc) =	sbr.rel @p0 .LBB2_6-.Ltmp2, $4  }
0x1e5: {  	[tilespmem:s0+$0x131A0] =	vst.add.f32.msk $0xffff, v27  }
0x1e6: {  	[tilespmem:s0+$0x131B0] =	vst.add.f32.msk $0xffff, v28  }
0x1e7: {  	[tilespmem:s0+$0x131C0] =	vst.add.f32.msk $0xffff, v29  }
0x1e8: {  	s2 =	sadd.s32 $0x800, s2;
	[tilespmem:s0+$0x131D0] =	vst.add.f32.msk $0xffff, v30  }
0x1e9: {  	[tilespmem:s0+$0x131E0] =	vst.add.f32.msk $0xffff, v0  }
0x1ea: {  	s0 =	simm.s32 $0x0;
	s1 =	rddreg [dreg:$0xc]  }
0x1eb: {  	[hbm4b:s1+s0] =	stream.linear.scatter [tilespmem:s17], [sflag:$0xB], $0x6400, $0x38;
	[tilespmem:$0x1F800] =	vst v63  }
0x1ec: {  	_ =	swait.ge [sflag:s20], $0x6400  }
0x1ed: {  	[sflag:s20] =	ssyncset.done $0x0  }
0x1ee: {  	[sflag:s20] =	ssyncadd.s32 $0xFFFF9C00  }
0x1ef: {  	_ =	swait.ge [sflag:s23], $0x100  }
0x1f0: {  	[sflag:s23] =	ssyncset.done $0x0  }
0x1f1: {  	s16 =	simm.s32 $0x6800;
	[sflag:s23] =	ssyncadd.s32 $0xFFFFFF00  }
0x1f2: {  	[tilespmem:s16], [sflag:$0x5] =	stream.indirect.gather [hbm4b:s5+s24], $0x80, s18, s24, $0xb8;
	[tilespmem:$0x1F800] =	vst v63  }
0x1f3: {  	s2 =	simm.s32 $0xA800  }
0x1f4: {  	[tilespmem:s2], [sflag:$0x5] =	stream.indirect.gather [hbm4b:s5+s12], $0x80, s21, s12, $0xb8;
	[tilespmem:$0x1F800] =	vst v63  }
0x1f5: {  	s14 =	rddreg [dreg:$0xd];
	s2 =	simm.s32 $0x6500  }
0x1f6: {  	[tilespmem:s2], [sflag:$0x3] =	stream.linear.gather [hbm4b:s14+s0], $0x80, $0x38;
	[tilespmem:$0x1F800] =	vst v63  }
0x1f7: {  	s1 =	sadd.s32 $0x80, s14;
	s16 =	simm.s32 $0x6700  }
0x1f8: {  	[tilespmem:s16], [sflag:$0x3] =	stream.linear.gather [hbm4b:s1+s0], $0x80, $0x38;
	[tilespmem:$0x1F800] =	vst v63  }
0x1f9: {  	_ =	swait.ge [sflag:s26], $0x4000  }
0x1fa: {  	[sflag:s26] =	ssyncset.done $0x0  }
0x1fb: {  	[sflag:s26] =	ssyncadd.s32 $0xFFFFC000  }
0x1fc: {  	_ =	swait.ge [sflag:s26], $0x2400  }
0x1fd: {  	[sflag:s26] =	ssyncset.done $0x0  }
0x1fe: {  	s0 =	simm.s32 $0x0;
	[sflag:s26] =	ssyncadd.s32 $0xFFFFDC00  }
0x1ff: {  	v0 =	vld [tilespmem:s0+$0x1F0]  }
0x200: {  	v1 =	vld [tilespmem:s0+$0x0]  }
0x201: {  	v2 =	vld [tilespmem:s0+$0x10]  }
0x202: {  	v3 =	vld [tilespmem:s0+$0x20]  }
0x203: {  	v4 =	vld [tilespmem:s0+$0x30]  }
0x204: {  	v5 =	vld [tilespmem:s0+$0x40]  }
0x205: {  	v6 =	vld [tilespmem:s0+$0x50]  }
0x206: {  	v7 =	vld [tilespmem:s0+$0x60]  }
0x207: {  	v8 =	vld [tilespmem:s0+$0x70]  }
0x208: {  	v9 =	vld [tilespmem:s0+$0x80]  }
0x209: {  	v10 =	vld [tilespmem:s0+$0x90]  }
0x20a: {  	v11 =	vld [tilespmem:s0+$0xA0]  }
0x20b: {  	v12 =	vld [tilespmem:s0+$0xB0]  }
0x20c: {  	v13 =	vld [tilespmem:s0+$0xC0]  }
0x20d: {  	v14 =	vld [tilespmem:s0+$0xD0]  }
0x20e: {  	v15 =	vld [tilespmem:s0+$0xE0]  }
0x20f: {  	v16 =	vld [tilespmem:s0+$0xF0]  }
0x210: {  	v17 =	vld [tilespmem:s0+$0x100]  }
0x211: {  	v18 =	vld [tilespmem:s0+$0x110]  }
0x212: {  	v19 =	vld [tilespmem:s0+$0x120]  }
0x213: {  	v20 =	vld [tilespmem:s0+$0x130]  }
0x214: {  	v21 =	vld [tilespmem:s0+$0x140]  }
0x215: {  	v22 =	vld [tilespmem:s0+$0x150]  }
0x216: {  	v23 =	vld [tilespmem:s0+$0x160]  }
0x217: {  	v24 =	vld [tilespmem:s0+$0x170]  }
0x218: {  	v25 =	vld [tilespmem:s0+$0x180]  }
0x219: {  	v26 =	vld [tilespmem:s0+$0x190]  }
0x21a: {  	v27 =	vld [tilespmem:s0+$0x1A0]  }
0x21b: {  	v28 =	vld [tilespmem:s0+$0x1B0]  }
0x21c: {  	v29 =	vld [tilespmem:s0+$0x1C0]  }
0x21d: {  	v30 =	vld [tilespmem:s0+$0x1D0]  }
0x21e: {  	[tilespmem:s0+$0x195F0] =	vst.add.f32.msk $0xffff, v0  }
0x21f: {  	v0 =	vld [tilespmem:s0+$0x1E0]  }
0x220: {  	[tilespmem:s0+$0x19400] =	vst.add.f32.msk $0xffff, v1  }
0x221: {  	[tilespmem:s0+$0x19410] =	vst.add.f32.msk $0xffff, v2  }
0x222: {  	[tilespmem:s0+$0x19420] =	vst.add.f32.msk $0xffff, v3  }
0x223: {  	[tilespmem:s0+$0x19430] =	vst.add.f32.msk $0xffff, v4  }
0x224: {  	[tilespmem:s0+$0x19440] =	vst.add.f32.msk $0xffff, v5  }
0x225: {  	[tilespmem:s0+$0x19450] =	vst.add.f32.msk $0xffff, v6  }
0x226: {  	[tilespmem:s0+$0x19460] =	vst.add.f32.msk $0xffff, v7  }
0x227: {  	[tilespmem:s0+$0x19470] =	vst.add.f32.msk $0xffff, v8  }
0x228: {  	[tilespmem:s0+$0x19480] =	vst.add.f32.msk $0xffff, v9  }
0x229: {  	[tilespmem:s0+$0x19490] =	vst.add.f32.msk $0xffff, v10  }
0x22a: {  	[tilespmem:s0+$0x194A0] =	vst.add.f32.msk $0xffff, v11  }
0x22b: {  	[tilespmem:s0+$0x194B0] =	vst.add.f32.msk $0xffff, v12  }
0x22c: {  	[tilespmem:s0+$0x194C0] =	vst.add.f32.msk $0xffff, v13  }
0x22d: {  	[tilespmem:s0+$0x194D0] =	vst.add.f32.msk $0xffff, v14  }
0x22e: {  	[tilespmem:s0+$0x194E0] =	vst.add.f32.msk $0xffff, v15  }
0x22f: {  	[tilespmem:s0+$0x194F0] =	vst.add.f32.msk $0xffff, v16  }
0x230: {  	[tilespmem:s0+$0x19500] =	vst.add.f32.msk $0xffff, v17  }
0x231: {  	[tilespmem:s0+$0x19510] =	vst.add.f32.msk $0xffff, v18  }
0x232: {  	[tilespmem:s0+$0x19520] =	vst.add.f32.msk $0xffff, v19  }
0x233: {  	[tilespmem:s0+$0x19530] =	vst.add.f32.msk $0xffff, v20  }
0x234: {  	[tilespmem:s0+$0x19540] =	vst.add.f32.msk $0xffff, v21  }
0x235: {  	[tilespmem:s0+$0x19550] =	vst.add.f32.msk $0xffff, v22  }
0x236: {  	[tilespmem:s0+$0x19560] =	vst.add.f32.msk $0xffff, v23  }
0x237: {  	[tilespmem:s0+$0x19570] =	vst.add.f32.msk $0xffff, v24  }
0x238: {  	[tilespmem:s0+$0x19580] =	vst.add.f32.msk $0xffff, v25  }
0x239: {  	[tilespmem:s0+$0x19590] =	vst.add.f32.msk $0xffff, v26  }
0x23a: {  	[tilespmem:s0+$0x195A0] =	vst.add.f32.msk $0xffff, v27  }
0x23b: {  	[tilespmem:s0+$0x195B0] =	vst.add.f32.msk $0xffff, v28  }
0x23c: {  	[tilespmem:s0+$0x195C0] =	vst.add.f32.msk $0xffff, v29  }
0x23d: {  	s2 =	simm.s32 $0x800;
	s1 =	simm.s32 $0x0;
	[tilespmem:s0+$0x195D0] =	vst.add.f32.msk $0xffff, v30  }
.LBB2_8:
0x23e: {  	s1 =	sadd.s32 $0x4, s1;
	[tilespmem:s0+$0x195E0] =	vst.add.f32.msk $0xffff, v0;
	s0 =	sshra.s32 s2, $0x2  }
0x23f: {  	v0 =	vld [tilespmem:s0+$0x1F0];
	p0 =	slt.u32 s1, $0xC4  }
0x240: {  	v1 =	vld [tilespmem:s0+$0x0]  }
0x241: {  	v2 =	vld [tilespmem:s0+$0x10]  }
0x242: {  	v3 =	vld [tilespmem:s0+$0x20]  }
0x243: {  	v4 =	vld [tilespmem:s0+$0x30]  }
0x244: {  	[tilespmem:s0+$0x195F0] =	vst.add.f32.msk $0xffff, v0  }
0x245: {  	v5 =	vld [tilespmem:s0+$0x40]  }
0x246: {  	v6 =	vld [tilespmem:s0+$0x50]  }
0x247: {  	v7 =	vld [tilespmem:s0+$0x60]  }
0x248: {  	v8 =	vld [tilespmem:s0+$0x70]  }
0x249: {  	v9 =	vld [tilespmem:s0+$0x80]  }
0x24a: {  	v10 =	vld [tilespmem:s0+$0x90]  }
0x24b: {  	v11 =	vld [tilespmem:s0+$0xA0]  }
0x24c: {  	v12 =	vld [tilespmem:s0+$0xB0]  }
0x24d: {  	v13 =	vld [tilespmem:s0+$0xC0]  }
0x24e: {  	v14 =	vld [tilespmem:s0+$0xD0]  }
0x24f: {  	v15 =	vld [tilespmem:s0+$0xE0]  }
0x250: {  	v16 =	vld [tilespmem:s0+$0xF0]  }
0x251: {  	v17 =	vld [tilespmem:s0+$0x100]  }
0x252: {  	v18 =	vld [tilespmem:s0+$0x110]  }
0x253: {  	v19 =	vld [tilespmem:s0+$0x120]  }
0x254: {  	v20 =	vld [tilespmem:s0+$0x130]  }
0x255: {  	v21 =	vld [tilespmem:s0+$0x140]  }
0x256: {  	v22 =	vld [tilespmem:s0+$0x150]  }
0x257: {  	v23 =	vld [tilespmem:s0+$0x160]  }
0x258: {  	v24 =	vld [tilespmem:s0+$0x170]  }
0x259: {  	v25 =	vld [tilespmem:s0+$0x180]  }
0x25a: {  	v26 =	vld [tilespmem:s0+$0x190]  }
0x25b: {  	v27 =	vld [tilespmem:s0+$0x1A0]  }
0x25c: {  	v28 =	vld [tilespmem:s0+$0x1B0]  }
0x25d: {  	v29 =	vld [tilespmem:s0+$0x1C0]  }
0x25e: {  	v30 =	vld [tilespmem:s0+$0x1D0]  }
0x25f: {  	v0 =	vld [tilespmem:s0+$0x1E0]  }
0x260: {  	[tilespmem:s0+$0x19400] =	vst.add.f32.msk $0xffff, v1  }
0x261: {  	[tilespmem:s0+$0x19410] =	vst.add.f32.msk $0xffff, v2  }
0x262: {  	[tilespmem:s0+$0x19420] =	vst.add.f32.msk $0xffff, v3  }
0x263: {  	[tilespmem:s0+$0x19430] =	vst.add.f32.msk $0xffff, v4  }
0x264: {  	[tilespmem:s0+$0x19440] =	vst.add.f32.msk $0xffff, v5  }
0x265: {  	[tilespmem:s0+$0x19450] =	vst.add.f32.msk $0xffff, v6  }
0x266: {  	[tilespmem:s0+$0x19460] =	vst.add.f32.msk $0xffff, v7  }
0x267: {  	[tilespmem:s0+$0x19470] =	vst.add.f32.msk $0xffff, v8  }
0x268: {  	[tilespmem:s0+$0x19480] =	vst.add.f32.msk $0xffff, v9  }
0x269: {  	[tilespmem:s0+$0x19490] =	vst.add.f32.msk $0xffff, v10  }
0x26a: {  	[tilespmem:s0+$0x194A0] =	vst.add.f32.msk $0xffff, v11  }
0x26b: {  	[tilespmem:s0+$0x194B0] =	vst.add.f32.msk $0xffff, v12  }
0x26c: {  	[tilespmem:s0+$0x194C0] =	vst.add.f32.msk $0xffff, v13  }
0x26d: {  	[tilespmem:s0+$0x194D0] =	vst.add.f32.msk $0xffff, v14  }
0x26e: {  	[tilespmem:s0+$0x194E0] =	vst.add.f32.msk $0xffff, v15  }
0x26f: {  	[tilespmem:s0+$0x194F0] =	vst.add.f32.msk $0xffff, v16  }
0x270: {  	[tilespmem:s0+$0x19500] =	vst.add.f32.msk $0xffff, v17  }
0x271: {  	[tilespmem:s0+$0x19510] =	vst.add.f32.msk $0xffff, v18  }
0x272: {  	[tilespmem:s0+$0x19520] =	vst.add.f32.msk $0xffff, v19  }
0x273: {  	[tilespmem:s0+$0x19530] =	vst.add.f32.msk $0xffff, v20  }
0x274: {  	[tilespmem:s0+$0x19540] =	vst.add.f32.msk $0xffff, v21  }
0x275: {  	[tilespmem:s0+$0x19550] =	vst.add.f32.msk $0xffff, v22  }
0x276: {  	[tilespmem:s0+$0x19560] =	vst.add.f32.msk $0xffff, v23  }
0x277: {  	[tilespmem:s0+$0x19570] =	vst.add.f32.msk $0xffff, v24  }
0x278: {  	[tilespmem:s0+$0x19580] =	vst.add.f32.msk $0xffff, v25  }
.Ltmp3:
0x279: {  	[tilespmem:s0+$0x19590] =	vst.add.f32.msk $0xffff, v26;
	(pc) =	sbr.rel @p0 .LBB2_8-.Ltmp3, $4  }
0x27a: {  	[tilespmem:s0+$0x195A0] =	vst.add.f32.msk $0xffff, v27  }
0x27b: {  	[tilespmem:s0+$0x195B0] =	vst.add.f32.msk $0xffff, v28  }
0x27c: {  	[tilespmem:s0+$0x195C0] =	vst.add.f32.msk $0xffff, v29  }
0x27d: {  	s2 =	sadd.s32 $0x800, s2;
	[tilespmem:s0+$0x195D0] =	vst.add.f32.msk $0xffff, v30  }
0x27e: {  	[tilespmem:s0+$0x195E0] =	vst.add.f32.msk $0xffff, v0  }
0x27f: {  	s0 =	simm.s32 $0x0;
	s1 =	rddreg [dreg:$0xe]  }
0x280: {  	[hbm4b:s1+s0] =	stream.linear.scatter [tilespmem:s11], [sflag:$0xC], $0x6400, $0x38;
	[tilespmem:$0x1F800] =	vst v63  }
0x281: {  	_ =	swait.ge [sflag:s28], $0x6400  }
0x282: {  	[sflag:s28] =	ssyncset.done $0x0  }
0x283: {  	[sflag:s28] =	ssyncadd.s32 $0xFFFF9C00  }
0x284: {  	_ =	swait.ge [sflag:s9], $0x100  }
0x285: {  	[sflag:s9] =	ssyncset.done $0x0  }
0x286: {  	[sflag:s9] =	ssyncadd.s32 $0xFFFFFF00  }
0x287: {  	[tilespmem:s10], [sflag:$0x6] =	stream.indirect.gather [hbm4b:s5+s24], $0x80, s22, s24, $0xb8;
	[tilespmem:$0x1F800] =	vst v63  }
0x288: {  	s2 =	simm.s32 $0x10C00  }
0x289: {  	[tilespmem:s2], [sflag:$0x6] =	stream.indirect.gather [hbm4b:s5+s12], $0x80, s25, s12, $0xb8;
	[tilespmem:$0x1F800] =	vst v63  }
0x28a: {  	s14 =	rddreg [dreg:$0xf];
	s2 =	simm.s32 $0x6580  }
0x28b: {  	[tilespmem:s2], [sflag:$0x4] =	stream.linear.gather [hbm4b:s14+s0], $0x80, $0x38;
	[tilespmem:$0x1F800] =	vst v63  }
0x28c: {  	s16 =	simm.s32 $0x6780;
	s1 =	sadd.s32 $0x80, s14  }
0x28d: {  	[tilespmem:s16], [sflag:$0x4] =	stream.linear.gather [hbm4b:s1+s0], $0x80, $0x38;
	[tilespmem:$0x1F800] =	vst v63  }
.LBB2_10:
0x28e: {  	_ =	swait.ge [sflag:s13], $0x4000  }
0x28f: {  	[sflag:s13] =	ssyncset.done $0x0  }
0x290: {  	[sflag:s13] =	ssyncadd.s32 $0xFFFFC000  }
0x291: {  	_ =	swait.ge [sflag:s13], $0x2400  }
0x292: {  	[sflag:s13] =	ssyncset.done $0x0  }
0x293: {  	s1 =	simm.s32 $0x0;
	[sflag:s13] =	ssyncadd.s32 $0xFFFFDC00  }
0x294: {  	v0 =	vld [tilespmem:s1+$0x1F0]  }
0x295: {  	v1 =	vld [tilespmem:s1+$0x0]  }
0x296: {  	v2 =	vld [tilespmem:s1+$0x10]  }
0x297: {  	v3 =	vld [tilespmem:s1+$0x20]  }
0x298: {  	v4 =	vld [tilespmem:s1+$0x30]  }
0x299: {  	v5 =	vld [tilespmem:s1+$0x40]  }
0x29a: {  	v6 =	vld [tilespmem:s1+$0x50]  }
0x29b: {  	v7 =	vld [tilespmem:s1+$0x60]  }
0x29c: {  	v8 =	vld [tilespmem:s1+$0x70]  }
0x29d: {  	v9 =	vld [tilespmem:s1+$0x80]  }
0x29e: {  	v10 =	vld [tilespmem:s1+$0x90]  }
0x29f: {  	v11 =	vld [tilespmem:s1+$0xA0]  }
0x2a0: {  	v12 =	vld [tilespmem:s1+$0xB0]  }
0x2a1: {  	v13 =	vld [tilespmem:s1+$0xC0]  }
0x2a2: {  	v14 =	vld [tilespmem:s1+$0xD0]  }
0x2a3: {  	v15 =	vld [tilespmem:s1+$0xE0]  }
0x2a4: {  	v16 =	vld [tilespmem:s1+$0xF0]  }
0x2a5: {  	v17 =	vld [tilespmem:s1+$0x100]  }
0x2a6: {  	v18 =	vld [tilespmem:s1+$0x110]  }
0x2a7: {  	v19 =	vld [tilespmem:s1+$0x120]  }
0x2a8: {  	v20 =	vld [tilespmem:s1+$0x130]  }
0x2a9: {  	v21 =	vld [tilespmem:s1+$0x140]  }
0x2aa: {  	v22 =	vld [tilespmem:s1+$0x150]  }
0x2ab: {  	v23 =	vld [tilespmem:s1+$0x160]  }
0x2ac: {  	v24 =	vld [tilespmem:s1+$0x170]  }
0x2ad: {  	v25 =	vld [tilespmem:s1+$0x180]  }
0x2ae: {  	v26 =	vld [tilespmem:s1+$0x190]  }
0x2af: {  	v27 =	vld [tilespmem:s1+$0x1A0]  }
0x2b0: {  	v28 =	vld [tilespmem:s1+$0x1B0]  }
0x2b1: {  	v29 =	vld [tilespmem:s1+$0x1C0]  }
0x2b2: {  	v30 =	vld [tilespmem:s1+$0x1D0]  }
0x2b3: {  	[tilespmem:s1+$0x69F0] =	vst.add.f32.msk $0xffff, v0  }
0x2b4: {  	v0 =	vld [tilespmem:s1+$0x1E0]  }
0x2b5: {  	[tilespmem:s1+$0x6800] =	vst.add.f32.msk $0xffff, v1  }
0x2b6: {  	[tilespmem:s1+$0x6810] =	vst.add.f32.msk $0xffff, v2  }
0x2b7: {  	[tilespmem:s1+$0x6820] =	vst.add.f32.msk $0xffff, v3  }
0x2b8: {  	[tilespmem:s1+$0x6830] =	vst.add.f32.msk $0xffff, v4  }
0x2b9: {  	[tilespmem:s1+$0x6840] =	vst.add.f32.msk $0xffff, v5  }
0x2ba: {  	[tilespmem:s1+$0x6850] =	vst.add.f32.msk $0xffff, v6  }
0x2bb: {  	[tilespmem:s1+$0x6860] =	vst.add.f32.msk $0xffff, v7  }
0x2bc: {  	[tilespmem:s1+$0x6870] =	vst.add.f32.msk $0xffff, v8  }
0x2bd: {  	[tilespmem:s1+$0x6880] =	vst.add.f32.msk $0xffff, v9  }
0x2be: {  	[tilespmem:s1+$0x6890] =	vst.add.f32.msk $0xffff, v10  }
0x2bf: {  	[tilespmem:s1+$0x68A0] =	vst.add.f32.msk $0xffff, v11  }
0x2c0: {  	[tilespmem:s1+$0x68B0] =	vst.add.f32.msk $0xffff, v12  }
0x2c1: {  	[tilespmem:s1+$0x68C0] =	vst.add.f32.msk $0xffff, v13  }
0x2c2: {  	[tilespmem:s1+$0x68D0] =	vst.add.f32.msk $0xffff, v14  }
0x2c3: {  	[tilespmem:s1+$0x68E0] =	vst.add.f32.msk $0xffff, v15  }
0x2c4: {  	[tilespmem:s1+$0x68F0] =	vst.add.f32.msk $0xffff, v16  }
0x2c5: {  	[tilespmem:s1+$0x6900] =	vst.add.f32.msk $0xffff, v17  }
0x2c6: {  	[tilespmem:s1+$0x6910] =	vst.add.f32.msk $0xffff, v18  }
0x2c7: {  	[tilespmem:s1+$0x6920] =	vst.add.f32.msk $0xffff, v19  }
0x2c8: {  	[tilespmem:s1+$0x6930] =	vst.add.f32.msk $0xffff, v20  }
0x2c9: {  	[tilespmem:s1+$0x6940] =	vst.add.f32.msk $0xffff, v21  }
0x2ca: {  	[tilespmem:s1+$0x6950] =	vst.add.f32.msk $0xffff, v22  }
0x2cb: {  	[tilespmem:s1+$0x6960] =	vst.add.f32.msk $0xffff, v23  }
0x2cc: {  	[tilespmem:s1+$0x6970] =	vst.add.f32.msk $0xffff, v24  }
0x2cd: {  	[tilespmem:s1+$0x6980] =	vst.add.f32.msk $0xffff, v25  }
0x2ce: {  	[tilespmem:s1+$0x6990] =	vst.add.f32.msk $0xffff, v26  }
0x2cf: {  	[tilespmem:s1+$0x69A0] =	vst.add.f32.msk $0xffff, v27  }
0x2d0: {  	[tilespmem:s1+$0x69B0] =	vst.add.f32.msk $0xffff, v28  }
0x2d1: {  	[tilespmem:s1+$0x69C0] =	vst.add.f32.msk $0xffff, v29  }
0x2d2: {  	s2 =	simm.s32 $0x0;
	s14 =	simm.s32 $0x800;
	[tilespmem:s1+$0x69D0] =	vst.add.f32.msk $0xffff, v30  }
.LBB2_11:
0x2d3: {  	s2 =	sadd.s32 $0x4, s2;
	[tilespmem:s1+$0x69E0] =	vst.add.f32.msk $0xffff, v0;
	s1 =	sshra.s32 s14, $0x2  }
0x2d4: {  	v0 =	vld [tilespmem:s1+$0x1F0];
	p0 =	slt.u32 s2, $0xC4  }
0x2d5: {  	v1 =	vld [tilespmem:s1+$0x0]  }
0x2d6: {  	v2 =	vld [tilespmem:s1+$0x10]  }
0x2d7: {  	v3 =	vld [tilespmem:s1+$0x20]  }
0x2d8: {  	v4 =	vld [tilespmem:s1+$0x30]  }
0x2d9: {  	[tilespmem:s1+$0x69F0] =	vst.add.f32.msk $0xffff, v0  }
0x2da: {  	v5 =	vld [tilespmem:s1+$0x40]  }
0x2db: {  	v6 =	vld [tilespmem:s1+$0x50]  }
0x2dc: {  	v7 =	vld [tilespmem:s1+$0x60]  }
0x2dd: {  	v8 =	vld [tilespmem:s1+$0x70]  }
0x2de: {  	v9 =	vld [tilespmem:s1+$0x80]  }
0x2df: {  	v10 =	vld [tilespmem:s1+$0x90]  }
0x2e0: {  	v11 =	vld [tilespmem:s1+$0xA0]  }
0x2e1: {  	v12 =	vld [tilespmem:s1+$0xB0]  }
0x2e2: {  	v13 =	vld [tilespmem:s1+$0xC0]  }
0x2e3: {  	v14 =	vld [tilespmem:s1+$0xD0]  }
0x2e4: {  	v15 =	vld [tilespmem:s1+$0xE0]  }
0x2e5: {  	v16 =	vld [tilespmem:s1+$0xF0]  }
0x2e6: {  	v17 =	vld [tilespmem:s1+$0x100]  }
0x2e7: {  	v18 =	vld [tilespmem:s1+$0x110]  }
0x2e8: {  	v19 =	vld [tilespmem:s1+$0x120]  }
0x2e9: {  	v20 =	vld [tilespmem:s1+$0x130]  }
0x2ea: {  	v21 =	vld [tilespmem:s1+$0x140]  }
0x2eb: {  	v22 =	vld [tilespmem:s1+$0x150]  }
0x2ec: {  	v23 =	vld [tilespmem:s1+$0x160]  }
0x2ed: {  	v24 =	vld [tilespmem:s1+$0x170]  }
0x2ee: {  	v25 =	vld [tilespmem:s1+$0x180]  }
0x2ef: {  	v26 =	vld [tilespmem:s1+$0x190]  }
0x2f0: {  	v27 =	vld [tilespmem:s1+$0x1A0]  }
0x2f1: {  	v28 =	vld [tilespmem:s1+$0x1B0]  }
0x2f2: {  	v29 =	vld [tilespmem:s1+$0x1C0]  }
0x2f3: {  	v30 =	vld [tilespmem:s1+$0x1D0]  }
0x2f4: {  	v0 =	vld [tilespmem:s1+$0x1E0]  }
0x2f5: {  	[tilespmem:s1+$0x6800] =	vst.add.f32.msk $0xffff, v1  }
0x2f6: {  	[tilespmem:s1+$0x6810] =	vst.add.f32.msk $0xffff, v2  }
0x2f7: {  	[tilespmem:s1+$0x6820] =	vst.add.f32.msk $0xffff, v3  }
0x2f8: {  	[tilespmem:s1+$0x6830] =	vst.add.f32.msk $0xffff, v4  }
0x2f9: {  	[tilespmem:s1+$0x6840] =	vst.add.f32.msk $0xffff, v5  }
0x2fa: {  	[tilespmem:s1+$0x6850] =	vst.add.f32.msk $0xffff, v6  }
0x2fb: {  	[tilespmem:s1+$0x6860] =	vst.add.f32.msk $0xffff, v7  }
0x2fc: {  	[tilespmem:s1+$0x6870] =	vst.add.f32.msk $0xffff, v8  }
0x2fd: {  	[tilespmem:s1+$0x6880] =	vst.add.f32.msk $0xffff, v9  }
0x2fe: {  	[tilespmem:s1+$0x6890] =	vst.add.f32.msk $0xffff, v10  }
0x2ff: {  	[tilespmem:s1+$0x68A0] =	vst.add.f32.msk $0xffff, v11  }
0x300: {  	[tilespmem:s1+$0x68B0] =	vst.add.f32.msk $0xffff, v12  }
0x301: {  	[tilespmem:s1+$0x68C0] =	vst.add.f32.msk $0xffff, v13  }
0x302: {  	[tilespmem:s1+$0x68D0] =	vst.add.f32.msk $0xffff, v14  }
0x303: {  	[tilespmem:s1+$0x68E0] =	vst.add.f32.msk $0xffff, v15  }
0x304: {  	[tilespmem:s1+$0x68F0] =	vst.add.f32.msk $0xffff, v16  }
0x305: {  	[tilespmem:s1+$0x6900] =	vst.add.f32.msk $0xffff, v17  }
0x306: {  	[tilespmem:s1+$0x6910] =	vst.add.f32.msk $0xffff, v18  }
0x307: {  	[tilespmem:s1+$0x6920] =	vst.add.f32.msk $0xffff, v19  }
0x308: {  	[tilespmem:s1+$0x6930] =	vst.add.f32.msk $0xffff, v20  }
0x309: {  	[tilespmem:s1+$0x6940] =	vst.add.f32.msk $0xffff, v21  }
0x30a: {  	[tilespmem:s1+$0x6950] =	vst.add.f32.msk $0xffff, v22  }
0x30b: {  	[tilespmem:s1+$0x6960] =	vst.add.f32.msk $0xffff, v23  }
0x30c: {  	[tilespmem:s1+$0x6970] =	vst.add.f32.msk $0xffff, v24  }
0x30d: {  	[tilespmem:s1+$0x6980] =	vst.add.f32.msk $0xffff, v25  }
.Ltmp4:
0x30e: {  	[tilespmem:s1+$0x6990] =	vst.add.f32.msk $0xffff, v26;
	(pc) =	sbr.rel @p0 .LBB2_11-.Ltmp4, $4  }
0x30f: {  	[tilespmem:s1+$0x69A0] =	vst.add.f32.msk $0xffff, v27  }
0x310: {  	[tilespmem:s1+$0x69B0] =	vst.add.f32.msk $0xffff, v28  }
0x311: {  	[tilespmem:s1+$0x69C0] =	vst.add.f32.msk $0xffff, v29  }
0x312: {  	s14 =	sadd.s32 $0x800, s14;
	[tilespmem:s1+$0x69D0] =	vst.add.f32.msk $0xffff, v30  }
0x313: {  	s2 =	sshll.u32 s0, $0x2;
	s14 =	rddreg [dreg:$0x10]  }
0x314: {  	s14 =	sadd.s32 s2, s14  }
0x315: {  	s14 =	smul.u32 $0xC80, s14;
	_ =	sdelay $0x1  }
0x316: {  	[tilespmem:s1+$0x69E0] =	vst.add.f32.msk $0xffff, v0;
	s16 =	simm.s32 $0x6800;
	s1 =	sadd.s32 s3, s14;
	s14 =	simm.s32 $0x0  }
0x317: {  	[hbm4b:s1+s14] =	stream.linear.scatter [tilespmem:s16], [sflag:$0x9], $0x6400, $0x38;
	[tilespmem:$0x1F800] =	vst v63  }
0x318: {  	_ =	swait.ge [sflag:s29], $0x6400  }
0x319: {  	[sflag:s29] =	ssyncset.done $0x0  }
0x31a: {  	[sflag:s29] =	ssyncadd.s32 $0xFFFF9C00  }
0x31b: {  	_ =	swait.ge [sflag:s15], $0x100  }
0x31c: {  	[sflag:s15] =	ssyncset.done $0x0  }
0x31d: {  	s16 =	simm.s32 $0x6500;
	[sflag:s15] =	ssyncadd.s32 $0xFFFFFF00  }
0x31e: {  	[tilespmem:s17], [sflag:$0x7] =	stream.indirect.gather [hbm4b:s5+s24], $0x80, s16, s24, $0xb8;
	[tilespmem:$0x1F800] =	vst v63  }
0x31f: {  	s1 =	simm.s32 $0x6700;
	s16 =	simm.s32 $0x17000  }
0x320: {  	[tilespmem:s16], [sflag:$0x7] =	stream.indirect.gather [hbm4b:s5+s12], $0x80, s1, s12, $0xb8;
	[tilespmem:$0x1F800] =	vst v63  }
0x321: {  	s16 =	rddreg [dreg:$0x16]  }
0x322: {  	s1 =	sadd.s32 s2, s16;
	s16 =	sshll.u32 s0, $0x6  }
0x323: {  	s1 =	sshll.u32 s1, $0x5;
	s16 =	sand.u32 $0x40, s16  }
0x324: {  	s1 =	sand.u32 $0x3FF00, s1;
	s16 =	sadd.s32 s7, s16  }
0x325: {  	s1 =	sadd.s32 s1, s16  }
0x326: {  	[tilespmem:s18], [sflag:$0x1] =	stream.linear.gather [hbm4b:s1+s14], $0x80, $0x38;
	[tilespmem:$0x1F800] =	vst v63  }
0x327: {  	s1 =	sadd.s32 $0x80, s1  }
0x328: {  	[tilespmem:s21], [sflag:$0x1] =	stream.linear.gather [hbm4b:s1+s14], $0x80, $0x38;
	[tilespmem:$0x1F800] =	vst v63  }
0x329: {  	_ =	swait.ge [sflag:s8], $0x4000  }
0x32a: {  	[sflag:s8] =	ssyncset.done $0x0  }
0x32b: {  	[sflag:s8] =	ssyncadd.s32 $0xFFFFC000  }
0x32c: {  	_ =	swait.ge [sflag:s8], $0x2400  }
0x32d: {  	[sflag:s8] =	ssyncset.done $0x0  }
0x32e: {  	s1 =	simm.s32 $0x0;
	[sflag:s8] =	ssyncadd.s32 $0xFFFFDC00  }
0x32f: {  	v0 =	vld [tilespmem:s1+$0x1F0]  }
0x330: {  	v1 =	vld [tilespmem:s1+$0x0]  }
0x331: {  	v2 =	vld [tilespmem:s1+$0x10]  }
0x332: {  	v3 =	vld [tilespmem:s1+$0x20]  }
0x333: {  	v4 =	vld [tilespmem:s1+$0x30]  }
0x334: {  	v5 =	vld [tilespmem:s1+$0x40]  }
0x335: {  	v6 =	vld [tilespmem:s1+$0x50]  }
0x336: {  	v7 =	vld [tilespmem:s1+$0x60]  }
0x337: {  	v8 =	vld [tilespmem:s1+$0x70]  }
0x338: {  	v9 =	vld [tilespmem:s1+$0x80]  }
0x339: {  	v10 =	vld [tilespmem:s1+$0x90]  }
0x33a: {  	v11 =	vld [tilespmem:s1+$0xA0]  }
0x33b: {  	v12 =	vld [tilespmem:s1+$0xB0]  }
0x33c: {  	v13 =	vld [tilespmem:s1+$0xC0]  }
0x33d: {  	v14 =	vld [tilespmem:s1+$0xD0]  }
0x33e: {  	v15 =	vld [tilespmem:s1+$0xE0]  }
0x33f: {  	v16 =	vld [tilespmem:s1+$0xF0]  }
0x340: {  	v17 =	vld [tilespmem:s1+$0x100]  }
0x341: {  	v18 =	vld [tilespmem:s1+$0x110]  }
0x342: {  	v19 =	vld [tilespmem:s1+$0x120]  }
0x343: {  	v20 =	vld [tilespmem:s1+$0x130]  }
0x344: {  	v21 =	vld [tilespmem:s1+$0x140]  }
0x345: {  	v22 =	vld [tilespmem:s1+$0x150]  }
0x346: {  	v23 =	vld [tilespmem:s1+$0x160]  }
0x347: {  	v24 =	vld [tilespmem:s1+$0x170]  }
0x348: {  	v25 =	vld [tilespmem:s1+$0x180]  }
0x349: {  	v26 =	vld [tilespmem:s1+$0x190]  }
0x34a: {  	v27 =	vld [tilespmem:s1+$0x1A0]  }
0x34b: {  	v28 =	vld [tilespmem:s1+$0x1B0]  }
0x34c: {  	v29 =	vld [tilespmem:s1+$0x1C0]  }
0x34d: {  	v30 =	vld [tilespmem:s1+$0x1D0]  }
0x34e: {  	[tilespmem:s1+$0xCDF0] =	vst.add.f32.msk $0xffff, v0  }
0x34f: {  	v0 =	vld [tilespmem:s1+$0x1E0]  }
0x350: {  	[tilespmem:s1+$0xCC00] =	vst.add.f32.msk $0xffff, v1  }
0x351: {  	[tilespmem:s1+$0xCC10] =	vst.add.f32.msk $0xffff, v2  }
0x352: {  	[tilespmem:s1+$0xCC20] =	vst.add.f32.msk $0xffff, v3  }
0x353: {  	[tilespmem:s1+$0xCC30] =	vst.add.f32.msk $0xffff, v4  }
0x354: {  	[tilespmem:s1+$0xCC40] =	vst.add.f32.msk $0xffff, v5  }
0x355: {  	[tilespmem:s1+$0xCC50] =	vst.add.f32.msk $0xffff, v6  }
0x356: {  	[tilespmem:s1+$0xCC60] =	vst.add.f32.msk $0xffff, v7  }
0x357: {  	[tilespmem:s1+$0xCC70] =	vst.add.f32.msk $0xffff, v8  }
0x358: {  	[tilespmem:s1+$0xCC80] =	vst.add.f32.msk $0xffff, v9  }
0x359: {  	[tilespmem:s1+$0xCC90] =	vst.add.f32.msk $0xffff, v10  }
0x35a: {  	[tilespmem:s1+$0xCCA0] =	vst.add.f32.msk $0xffff, v11  }
0x35b: {  	[tilespmem:s1+$0xCCB0] =	vst.add.f32.msk $0xffff, v12  }
0x35c: {  	[tilespmem:s1+$0xCCC0] =	vst.add.f32.msk $0xffff, v13  }
0x35d: {  	[tilespmem:s1+$0xCCD0] =	vst.add.f32.msk $0xffff, v14  }
0x35e: {  	[tilespmem:s1+$0xCCE0] =	vst.add.f32.msk $0xffff, v15  }
0x35f: {  	[tilespmem:s1+$0xCCF0] =	vst.add.f32.msk $0xffff, v16  }
0x360: {  	[tilespmem:s1+$0xCD00] =	vst.add.f32.msk $0xffff, v17  }
0x361: {  	[tilespmem:s1+$0xCD10] =	vst.add.f32.msk $0xffff, v18  }
0x362: {  	[tilespmem:s1+$0xCD20] =	vst.add.f32.msk $0xffff, v19  }
0x363: {  	[tilespmem:s1+$0xCD30] =	vst.add.f32.msk $0xffff, v20  }
0x364: {  	[tilespmem:s1+$0xCD40] =	vst.add.f32.msk $0xffff, v21  }
0x365: {  	[tilespmem:s1+$0xCD50] =	vst.add.f32.msk $0xffff, v22  }
0x366: {  	[tilespmem:s1+$0xCD60] =	vst.add.f32.msk $0xffff, v23  }
0x367: {  	[tilespmem:s1+$0xCD70] =	vst.add.f32.msk $0xffff, v24  }
0x368: {  	[tilespmem:s1+$0xCD80] =	vst.add.f32.msk $0xffff, v25  }
0x369: {  	[tilespmem:s1+$0xCD90] =	vst.add.f32.msk $0xffff, v26  }
0x36a: {  	[tilespmem:s1+$0xCDA0] =	vst.add.f32.msk $0xffff, v27  }
0x36b: {  	[tilespmem:s1+$0xCDB0] =	vst.add.f32.msk $0xffff, v28  }
0x36c: {  	[tilespmem:s1+$0xCDC0] =	vst.add.f32.msk $0xffff, v29  }
0x36d: {  	s16 =	simm.s32 $0x800;
	s14 =	simm.s32 $0x0;
	[tilespmem:s1+$0xCDD0] =	vst.add.f32.msk $0xffff, v30  }
.LBB2_13:
0x36e: {  	s14 =	sadd.s32 $0x4, s14;
	[tilespmem:s1+$0xCDE0] =	vst.add.f32.msk $0xffff, v0;
	s1 =	sshra.s32 s16, $0x2  }
0x36f: {  	v0 =	vld [tilespmem:s1+$0x1F0];
	p0 =	slt.u32 s14, $0xC4  }
0x370: {  	v1 =	vld [tilespmem:s1+$0x0]  }
0x371: {  	v2 =	vld [tilespmem:s1+$0x10]  }
0x372: {  	v3 =	vld [tilespmem:s1+$0x20]  }
0x373: {  	v4 =	vld [tilespmem:s1+$0x30]  }
0x374: {  	[tilespmem:s1+$0xCDF0] =	vst.add.f32.msk $0xffff, v0  }
0x375: {  	v5 =	vld [tilespmem:s1+$0x40]  }
0x376: {  	v6 =	vld [tilespmem:s1+$0x50]  }
0x377: {  	v7 =	vld [tilespmem:s1+$0x60]  }
0x378: {  	v8 =	vld [tilespmem:s1+$0x70]  }
0x379: {  	v9 =	vld [tilespmem:s1+$0x80]  }
0x37a: {  	v10 =	vld [tilespmem:s1+$0x90]  }
0x37b: {  	v11 =	vld [tilespmem:s1+$0xA0]  }
0x37c: {  	v12 =	vld [tilespmem:s1+$0xB0]  }
0x37d: {  	v13 =	vld [tilespmem:s1+$0xC0]  }
0x37e: {  	v14 =	vld [tilespmem:s1+$0xD0]  }
0x37f: {  	v15 =	vld [tilespmem:s1+$0xE0]  }
0x380: {  	v16 =	vld [tilespmem:s1+$0xF0]  }
0x381: {  	v17 =	vld [tilespmem:s1+$0x100]  }
0x382: {  	v18 =	vld [tilespmem:s1+$0x110]  }
0x383: {  	v19 =	vld [tilespmem:s1+$0x120]  }
0x384: {  	v20 =	vld [tilespmem:s1+$0x130]  }
0x385: {  	v21 =	vld [tilespmem:s1+$0x140]  }
0x386: {  	v22 =	vld [tilespmem:s1+$0x150]  }
0x387: {  	v23 =	vld [tilespmem:s1+$0x160]  }
0x388: {  	v24 =	vld [tilespmem:s1+$0x170]  }
0x389: {  	v25 =	vld [tilespmem:s1+$0x180]  }
0x38a: {  	v26 =	vld [tilespmem:s1+$0x190]  }
0x38b: {  	v27 =	vld [tilespmem:s1+$0x1A0]  }
0x38c: {  	v28 =	vld [tilespmem:s1+$0x1B0]  }
0x38d: {  	v29 =	vld [tilespmem:s1+$0x1C0]  }
0x38e: {  	v30 =	vld [tilespmem:s1+$0x1D0]  }
0x38f: {  	v0 =	vld [tilespmem:s1+$0x1E0]  }
0x390: {  	[tilespmem:s1+$0xCC00] =	vst.add.f32.msk $0xffff, v1  }
0x391: {  	[tilespmem:s1+$0xCC10] =	vst.add.f32.msk $0xffff, v2  }
0x392: {  	[tilespmem:s1+$0xCC20] =	vst.add.f32.msk $0xffff, v3  }
0x393: {  	[tilespmem:s1+$0xCC30] =	vst.add.f32.msk $0xffff, v4  }
0x394: {  	[tilespmem:s1+$0xCC40] =	vst.add.f32.msk $0xffff, v5  }
0x395: {  	[tilespmem:s1+$0xCC50] =	vst.add.f32.msk $0xffff, v6  }
0x396: {  	[tilespmem:s1+$0xCC60] =	vst.add.f32.msk $0xffff, v7  }
0x397: {  	[tilespmem:s1+$0xCC70] =	vst.add.f32.msk $0xffff, v8  }
0x398: {  	[tilespmem:s1+$0xCC80] =	vst.add.f32.msk $0xffff, v9  }
0x399: {  	[tilespmem:s1+$0xCC90] =	vst.add.f32.msk $0xffff, v10  }
0x39a: {  	[tilespmem:s1+$0xCCA0] =	vst.add.f32.msk $0xffff, v11  }
0x39b: {  	[tilespmem:s1+$0xCCB0] =	vst.add.f32.msk $0xffff, v12  }
0x39c: {  	[tilespmem:s1+$0xCCC0] =	vst.add.f32.msk $0xffff, v13  }
0x39d: {  	[tilespmem:s1+$0xCCD0] =	vst.add.f32.msk $0xffff, v14  }
0x39e: {  	[tilespmem:s1+$0xCCE0] =	vst.add.f32.msk $0xffff, v15  }
0x39f: {  	[tilespmem:s1+$0xCCF0] =	vst.add.f32.msk $0xffff, v16  }
0x3a0: {  	[tilespmem:s1+$0xCD00] =	vst.add.f32.msk $0xffff, v17  }
0x3a1: {  	[tilespmem:s1+$0xCD10] =	vst.add.f32.msk $0xffff, v18  }
0x3a2: {  	[tilespmem:s1+$0xCD20] =	vst.add.f32.msk $0xffff, v19  }
0x3a3: {  	[tilespmem:s1+$0xCD30] =	vst.add.f32.msk $0xffff, v20  }
0x3a4: {  	[tilespmem:s1+$0xCD40] =	vst.add.f32.msk $0xffff, v21  }
0x3a5: {  	[tilespmem:s1+$0xCD50] =	vst.add.f32.msk $0xffff, v22  }
0x3a6: {  	[tilespmem:s1+$0xCD60] =	vst.add.f32.msk $0xffff, v23  }
0x3a7: {  	[tilespmem:s1+$0xCD70] =	vst.add.f32.msk $0xffff, v24  }
0x3a8: {  	[tilespmem:s1+$0xCD80] =	vst.add.f32.msk $0xffff, v25  }
.Ltmp5:
0x3a9: {  	[tilespmem:s1+$0xCD90] =	vst.add.f32.msk $0xffff, v26;
	(pc) =	sbr.rel @p0 .LBB2_13-.Ltmp5, $4  }
0x3aa: {  	[tilespmem:s1+$0xCDA0] =	vst.add.f32.msk $0xffff, v27  }
0x3ab: {  	[tilespmem:s1+$0xCDB0] =	vst.add.f32.msk $0xffff, v28  }
0x3ac: {  	[tilespmem:s1+$0xCDC0] =	vst.add.f32.msk $0xffff, v29  }
0x3ad: {  	s16 =	sadd.s32 $0x800, s16;
	[tilespmem:s1+$0xCDD0] =	vst.add.f32.msk $0xffff, v30  }
0x3ae: {  	s14 =	rddreg [dreg:$0x17]  }
0x3af: {  	s14 =	sadd.s32 s2, s14  }
0x3b0: {  	s14 =	smul.u32 $0xC80, s14;
	_ =	sdelay $0x1  }
0x3b1: {  	[tilespmem:s1+$0xCDE0] =	vst.add.f32.msk $0xffff, v0;
	s16 =	sadd.s32 s3, s14;
	s14 =	simm.s32 $0x0  }
0x3b2: {  	[hbm4b:s16+s14] =	stream.linear.scatter [tilespmem:s10], [sflag:$0xA], $0x6400, $0x38;
	[tilespmem:$0x1F800] =	vst v63  }
0x3b3: {  	_ =	swait.ge [sflag:s30], $0x6400  }
0x3b4: {  	[sflag:s30] =	ssyncset.done $0x0  }
0x3b5: {  	[sflag:s30] =	ssyncadd.s32 $0xFFFF9C00  }
0x3b6: {  	_ =	swait.ge [sflag:s31], $0x100  }
0x3b7: {  	[sflag:s31] =	ssyncset.done $0x0  }
0x3b8: {  	s16 =	simm.s32 $0x6580;
	[sflag:s31] =	ssyncadd.s32 $0xFFFFFF00  }
0x3b9: {  	[tilespmem:s11], [sflag:$0x8] =	stream.indirect.gather [hbm4b:s5+s24], $0x80, s16, s24, $0xb8;
	[tilespmem:$0x1F800] =	vst v63  }
0x3ba: {  	s1 =	simm.s32 $0x6780;
	s16 =	simm.s32 $0x1D400  }
0x3bb: {  	[tilespmem:s16], [sflag:$0x8] =	stream.indirect.gather [hbm4b:s5+s12], $0x80, s1, s12, $0xb8;
	[tilespmem:$0x1F800] =	vst v63  }
0x3bc: {  	s1 =	sadd.s32 $0x9, s2  }
0x3bd: {  	s16 =	sadd.s32 s6, s1;
	s1 =	sshll.u32 s1, $0x4  }
0x3be: {  	s16 =	sshll.u32 s16, $0x5;
	s1 =	sand.u32 $0x50, s1  }
0x3bf: {  	s16 =	sand.u32 $0x3FF00, s16;
	s1 =	sadd.s32 s7, s1  }
0x3c0: {  	s1 =	sadd.s32 s16, s1  }
0x3c1: {  	[tilespmem:s22], [sflag:$0x2] =	stream.linear.gather [hbm4b:s1+s14], $0x80, $0x38;
	[tilespmem:$0x1F800] =	vst v63  }
0x3c2: {  	s1 =	sadd.s32 $0x80, s1  }
0x3c3: {  	[tilespmem:s25], [sflag:$0x2] =	stream.linear.gather [hbm4b:s1+s14], $0x80, $0x38;
	[tilespmem:$0x1F800] =	vst v63  }
0x3c4: {  	_ =	swait.ge [sflag:s19], $0x4000  }
0x3c5: {  	[sflag:s19] =	ssyncset.done $0x0  }
0x3c6: {  	[sflag:s19] =	ssyncadd.s32 $0xFFFFC000  }
0x3c7: {  	_ =	swait.ge [sflag:s19], $0x2400  }
0x3c8: {  	[sflag:s19] =	ssyncset.done $0x0  }
0x3c9: {  	s1 =	simm.s32 $0x0;
	[sflag:s19] =	ssyncadd.s32 $0xFFFFDC00  }
0x3ca: {  	v0 =	vld [tilespmem:s1+$0x1F0]  }
0x3cb: {  	v1 =	vld [tilespmem:s1+$0x0]  }
0x3cc: {  	v2 =	vld [tilespmem:s1+$0x10]  }
0x3cd: {  	v3 =	vld [tilespmem:s1+$0x20]  }
0x3ce: {  	v4 =	vld [tilespmem:s1+$0x30]  }
0x3cf: {  	v5 =	vld [tilespmem:s1+$0x40]  }
0x3d0: {  	v6 =	vld [tilespmem:s1+$0x50]  }
0x3d1: {  	v7 =	vld [tilespmem:s1+$0x60]  }
0x3d2: {  	v8 =	vld [tilespmem:s1+$0x70]  }
0x3d3: {  	v9 =	vld [tilespmem:s1+$0x80]  }
0x3d4: {  	v10 =	vld [tilespmem:s1+$0x90]  }
0x3d5: {  	v11 =	vld [tilespmem:s1+$0xA0]  }
0x3d6: {  	v12 =	vld [tilespmem:s1+$0xB0]  }
0x3d7: {  	v13 =	vld [tilespmem:s1+$0xC0]  }
0x3d8: {  	v14 =	vld [tilespmem:s1+$0xD0]  }
0x3d9: {  	v15 =	vld [tilespmem:s1+$0xE0]  }
0x3da: {  	v16 =	vld [tilespmem:s1+$0xF0]  }
0x3db: {  	v17 =	vld [tilespmem:s1+$0x100]  }
0x3dc: {  	v18 =	vld [tilespmem:s1+$0x110]  }
0x3dd: {  	v19 =	vld [tilespmem:s1+$0x120]  }
0x3de: {  	v20 =	vld [tilespmem:s1+$0x130]  }
0x3df: {  	v21 =	vld [tilespmem:s1+$0x140]  }
0x3e0: {  	v22 =	vld [tilespmem:s1+$0x150]  }
0x3e1: {  	v23 =	vld [tilespmem:s1+$0x160]  }
0x3e2: {  	v24 =	vld [tilespmem:s1+$0x170]  }
0x3e3: {  	v25 =	vld [tilespmem:s1+$0x180]  }
0x3e4: {  	v26 =	vld [tilespmem:s1+$0x190]  }
0x3e5: {  	v27 =	vld [tilespmem:s1+$0x1A0]  }
0x3e6: {  	v28 =	vld [tilespmem:s1+$0x1B0]  }
0x3e7: {  	v29 =	vld [tilespmem:s1+$0x1C0]  }
0x3e8: {  	v30 =	vld [tilespmem:s1+$0x1D0]  }
0x3e9: {  	[tilespmem:s1+$0x131F0] =	vst.add.f32.msk $0xffff, v0  }
0x3ea: {  	v0 =	vld [tilespmem:s1+$0x1E0]  }
0x3eb: {  	[tilespmem:s1+$0x13000] =	vst.add.f32.msk $0xffff, v1  }
0x3ec: {  	[tilespmem:s1+$0x13010] =	vst.add.f32.msk $0xffff, v2  }
0x3ed: {  	[tilespmem:s1+$0x13020] =	vst.add.f32.msk $0xffff, v3  }
0x3ee: {  	[tilespmem:s1+$0x13030] =	vst.add.f32.msk $0xffff, v4  }
0x3ef: {  	[tilespmem:s1+$0x13040] =	vst.add.f32.msk $0xffff, v5  }
0x3f0: {  	[tilespmem:s1+$0x13050] =	vst.add.f32.msk $0xffff, v6  }
0x3f1: {  	[tilespmem:s1+$0x13060] =	vst.add.f32.msk $0xffff, v7  }
0x3f2: {  	[tilespmem:s1+$0x13070] =	vst.add.f32.msk $0xffff, v8  }
0x3f3: {  	[tilespmem:s1+$0x13080] =	vst.add.f32.msk $0xffff, v9  }
0x3f4: {  	[tilespmem:s1+$0x13090] =	vst.add.f32.msk $0xffff, v10  }
0x3f5: {  	[tilespmem:s1+$0x130A0] =	vst.add.f32.msk $0xffff, v11  }
0x3f6: {  	[tilespmem:s1+$0x130B0] =	vst.add.f32.msk $0xffff, v12  }
0x3f7: {  	[tilespmem:s1+$0x130C0] =	vst.add.f32.msk $0xffff, v13  }
0x3f8: {  	[tilespmem:s1+$0x130D0] =	vst.add.f32.msk $0xffff, v14  }
0x3f9: {  	[tilespmem:s1+$0x130E0] =	vst.add.f32.msk $0xffff, v15  }
0x3fa: {  	[tilespmem:s1+$0x130F0] =	vst.add.f32.msk $0xffff, v16  }
0x3fb: {  	[tilespmem:s1+$0x13100] =	vst.add.f32.msk $0xffff, v17  }
0x3fc: {  	[tilespmem:s1+$0x13110] =	vst.add.f32.msk $0xffff, v18  }
0x3fd: {  	[tilespmem:s1+$0x13120] =	vst.add.f32.msk $0xffff, v19  }
0x3fe: {  	[tilespmem:s1+$0x13130] =	vst.add.f32.msk $0xffff, v20  }
0x3ff: {  	[tilespmem:s1+$0x13140] =	vst.add.f32.msk $0xffff, v21  }
0x400: {  	[tilespmem:s1+$0x13150] =	vst.add.f32.msk $0xffff, v22  }
0x401: {  	[tilespmem:s1+$0x13160] =	vst.add.f32.msk $0xffff, v23  }
0x402: {  	[tilespmem:s1+$0x13170] =	vst.add.f32.msk $0xffff, v24  }
0x403: {  	[tilespmem:s1+$0x13180] =	vst.add.f32.msk $0xffff, v25  }
0x404: {  	[tilespmem:s1+$0x13190] =	vst.add.f32.msk $0xffff, v26  }
0x405: {  	[tilespmem:s1+$0x131A0] =	vst.add.f32.msk $0xffff, v27  }
0x406: {  	[tilespmem:s1+$0x131B0] =	vst.add.f32.msk $0xffff, v28  }
0x407: {  	[tilespmem:s1+$0x131C0] =	vst.add.f32.msk $0xffff, v29  }
0x408: {  	s16 =	simm.s32 $0x800;
	s14 =	simm.s32 $0x0;
	[tilespmem:s1+$0x131D0] =	vst.add.f32.msk $0xffff, v30  }
.LBB2_15:
0x409: {  	s14 =	sadd.s32 $0x4, s14;
	[tilespmem:s1+$0x131E0] =	vst.add.f32.msk $0xffff, v0;
	s1 =	sshra.s32 s16, $0x2  }
0x40a: {  	v0 =	vld [tilespmem:s1+$0x1F0];
	p0 =	slt.u32 s14, $0xC4  }
0x40b: {  	v1 =	vld [tilespmem:s1+$0x0]  }
0x40c: {  	v2 =	vld [tilespmem:s1+$0x10]  }
0x40d: {  	v3 =	vld [tilespmem:s1+$0x20]  }
0x40e: {  	v4 =	vld [tilespmem:s1+$0x30]  }
0x40f: {  	[tilespmem:s1+$0x131F0] =	vst.add.f32.msk $0xffff, v0  }
0x410: {  	v5 =	vld [tilespmem:s1+$0x40]  }
0x411: {  	v6 =	vld [tilespmem:s1+$0x50]  }
0x412: {  	v7 =	vld [tilespmem:s1+$0x60]  }
0x413: {  	v8 =	vld [tilespmem:s1+$0x70]  }
0x414: {  	v9 =	vld [tilespmem:s1+$0x80]  }
0x415: {  	v10 =	vld [tilespmem:s1+$0x90]  }
0x416: {  	v11 =	vld [tilespmem:s1+$0xA0]  }
0x417: {  	v12 =	vld [tilespmem:s1+$0xB0]  }
0x418: {  	v13 =	vld [tilespmem:s1+$0xC0]  }
0x419: {  	v14 =	vld [tilespmem:s1+$0xD0]  }
0x41a: {  	v15 =	vld [tilespmem:s1+$0xE0]  }
0x41b: {  	v16 =	vld [tilespmem:s1+$0xF0]  }
0x41c: {  	v17 =	vld [tilespmem:s1+$0x100]  }
0x41d: {  	v18 =	vld [tilespmem:s1+$0x110]  }
0x41e: {  	v19 =	vld [tilespmem:s1+$0x120]  }
0x41f: {  	v20 =	vld [tilespmem:s1+$0x130]  }
0x420: {  	v21 =	vld [tilespmem:s1+$0x140]  }
0x421: {  	v22 =	vld [tilespmem:s1+$0x150]  }
0x422: {  	v23 =	vld [tilespmem:s1+$0x160]  }
0x423: {  	v24 =	vld [tilespmem:s1+$0x170]  }
0x424: {  	v25 =	vld [tilespmem:s1+$0x180]  }
0x425: {  	v26 =	vld [tilespmem:s1+$0x190]  }
0x426: {  	v27 =	vld [tilespmem:s1+$0x1A0]  }
0x427: {  	v28 =	vld [tilespmem:s1+$0x1B0]  }
0x428: {  	v29 =	vld [tilespmem:s1+$0x1C0]  }
0x429: {  	v30 =	vld [tilespmem:s1+$0x1D0]  }
0x42a: {  	v0 =	vld [tilespmem:s1+$0x1E0]  }
0x42b: {  	[tilespmem:s1+$0x13000] =	vst.add.f32.msk $0xffff, v1  }
0x42c: {  	[tilespmem:s1+$0x13010] =	vst.add.f32.msk $0xffff, v2  }
0x42d: {  	[tilespmem:s1+$0x13020] =	vst.add.f32.msk $0xffff, v3  }
0x42e: {  	[tilespmem:s1+$0x13030] =	vst.add.f32.msk $0xffff, v4  }
0x42f: {  	[tilespmem:s1+$0x13040] =	vst.add.f32.msk $0xffff, v5  }
0x430: {  	[tilespmem:s1+$0x13050] =	vst.add.f32.msk $0xffff, v6  }
0x431: {  	[tilespmem:s1+$0x13060] =	vst.add.f32.msk $0xffff, v7  }
0x432: {  	[tilespmem:s1+$0x13070] =	vst.add.f32.msk $0xffff, v8  }
0x433: {  	[tilespmem:s1+$0x13080] =	vst.add.f32.msk $0xffff, v9  }
0x434: {  	[tilespmem:s1+$0x13090] =	vst.add.f32.msk $0xffff, v10  }
0x435: {  	[tilespmem:s1+$0x130A0] =	vst.add.f32.msk $0xffff, v11  }
0x436: {  	[tilespmem:s1+$0x130B0] =	vst.add.f32.msk $0xffff, v12  }
0x437: {  	[tilespmem:s1+$0x130C0] =	vst.add.f32.msk $0xffff, v13  }
0x438: {  	[tilespmem:s1+$0x130D0] =	vst.add.f32.msk $0xffff, v14  }
0x439: {  	[tilespmem:s1+$0x130E0] =	vst.add.f32.msk $0xffff, v15  }
0x43a: {  	[tilespmem:s1+$0x130F0] =	vst.add.f32.msk $0xffff, v16  }
0x43b: {  	[tilespmem:s1+$0x13100] =	vst.add.f32.msk $0xffff, v17  }
0x43c: {  	[tilespmem:s1+$0x13110] =	vst.add.f32.msk $0xffff, v18  }
0x43d: {  	[tilespmem:s1+$0x13120] =	vst.add.f32.msk $0xffff, v19  }
0x43e: {  	[tilespmem:s1+$0x13130] =	vst.add.f32.msk $0xffff, v20  }
0x43f: {  	[tilespmem:s1+$0x13140] =	vst.add.f32.msk $0xffff, v21  }
0x440: {  	[tilespmem:s1+$0x13150] =	vst.add.f32.msk $0xffff, v22  }
0x441: {  	[tilespmem:s1+$0x13160] =	vst.add.f32.msk $0xffff, v23  }
0x442: {  	[tilespmem:s1+$0x13170] =	vst.add.f32.msk $0xffff, v24  }
0x443: {  	[tilespmem:s1+$0x13180] =	vst.add.f32.msk $0xffff, v25  }
.Ltmp6:
0x444: {  	[tilespmem:s1+$0x13190] =	vst.add.f32.msk $0xffff, v26;
	(pc) =	sbr.rel @p0 .LBB2_15-.Ltmp6, $4  }
0x445: {  	[tilespmem:s1+$0x131A0] =	vst.add.f32.msk $0xffff, v27  }
0x446: {  	[tilespmem:s1+$0x131B0] =	vst.add.f32.msk $0xffff, v28  }
0x447: {  	[tilespmem:s1+$0x131C0] =	vst.add.f32.msk $0xffff, v29  }
0x448: {  	s16 =	sadd.s32 $0x800, s16;
	[tilespmem:s1+$0x131D0] =	vst.add.f32.msk $0xffff, v30  }
0x449: {  	s14 =	rddreg [dreg:$0x18]  }
0x44a: {  	s14 =	sadd.s32 s2, s14  }
0x44b: {  	s14 =	smul.u32 $0xC80, s14;
	_ =	sdelay $0x1  }
0x44c: {  	[tilespmem:s1+$0x131E0] =	vst.add.f32.msk $0xffff, v0;
	s16 =	sadd.s32 s3, s14;
	s14 =	simm.s32 $0x0  }
0x44d: {  	[hbm4b:s16+s14] =	stream.linear.scatter [tilespmem:s17], [sflag:$0xB], $0x6400, $0x38;
	[tilespmem:$0x1F800] =	vst v63  }
0x44e: {  	_ =	swait.ge [sflag:s20], $0x6400  }
0x44f: {  	[sflag:s20] =	ssyncset.done $0x0  }
0x450: {  	[sflag:s20] =	ssyncadd.s32 $0xFFFF9C00  }
0x451: {  	_ =	swait.ge [sflag:s23], $0x100  }
0x452: {  	[sflag:s23] =	ssyncset.done $0x0  }
0x453: {  	s16 =	simm.s32 $0x6800;
	[sflag:s23] =	ssyncadd.s32 $0xFFFFFF00  }
0x454: {  	[tilespmem:s16], [sflag:$0x5] =	stream.indirect.gather [hbm4b:s5+s24], $0x80, s18, s24, $0xb8;
	[tilespmem:$0x1F800] =	vst v63  }
0x455: {  	s1 =	sadd.s32 $0xA, s2;
	s16 =	simm.s32 $0xA800  }
0x456: {  	[tilespmem:s16], [sflag:$0x5] =	stream.indirect.gather [hbm4b:s5+s12], $0x80, s21, s12, $0xb8;
	[tilespmem:$0x1F800] =	vst v63  }
0x457: {  	s16 =	sadd.s32 s6, s1;
	s1 =	sshll.u32 s1, $0x4  }
0x458: {  	s16 =	sshll.u32 s16, $0x5;
	s1 =	sand.u32 $0x60, s1  }
0x459: {  	s16 =	sand.u32 $0x3FF00, s16;
	s1 =	sadd.s32 s7, s1  }
0x45a: {  	s1 =	sadd.s32 s16, s1;
	s16 =	simm.s32 $0x6500  }
0x45b: {  	[tilespmem:s16], [sflag:$0x3] =	stream.linear.gather [hbm4b:s1+s14], $0x80, $0x38;
	[tilespmem:$0x1F800] =	vst v63  }
0x45c: {  	s1 =	sadd.s32 $0x80, s1;
	s16 =	simm.s32 $0x6700  }
0x45d: {  	[tilespmem:s16], [sflag:$0x3] =	stream.linear.gather [hbm4b:s1+s14], $0x80, $0x38;
	[tilespmem:$0x1F800] =	vst v63  }
0x45e: {  	_ =	swait.ge [sflag:s26], $0x4000  }
0x45f: {  	[sflag:s26] =	ssyncset.done $0x0  }
0x460: {  	[sflag:s26] =	ssyncadd.s32 $0xFFFFC000  }
0x461: {  	_ =	swait.ge [sflag:s26], $0x2400  }
0x462: {  	[sflag:s26] =	ssyncset.done $0x0  }
0x463: {  	s1 =	simm.s32 $0x0;
	[sflag:s26] =	ssyncadd.s32 $0xFFFFDC00  }
0x464: {  	v0 =	vld [tilespmem:s1+$0x1F0]  }
0x465: {  	v1 =	vld [tilespmem:s1+$0x0]  }
0x466: {  	v2 =	vld [tilespmem:s1+$0x10]  }
0x467: {  	v3 =	vld [tilespmem:s1+$0x20]  }
0x468: {  	v4 =	vld [tilespmem:s1+$0x30]  }
0x469: {  	v5 =	vld [tilespmem:s1+$0x40]  }
0x46a: {  	v6 =	vld [tilespmem:s1+$0x50]  }
0x46b: {  	v7 =	vld [tilespmem:s1+$0x60]  }
0x46c: {  	v8 =	vld [tilespmem:s1+$0x70]  }
0x46d: {  	v9 =	vld [tilespmem:s1+$0x80]  }
0x46e: {  	v10 =	vld [tilespmem:s1+$0x90]  }
0x46f: {  	v11 =	vld [tilespmem:s1+$0xA0]  }
0x470: {  	v12 =	vld [tilespmem:s1+$0xB0]  }
0x471: {  	v13 =	vld [tilespmem:s1+$0xC0]  }
0x472: {  	v14 =	vld [tilespmem:s1+$0xD0]  }
0x473: {  	v15 =	vld [tilespmem:s1+$0xE0]  }
0x474: {  	v16 =	vld [tilespmem:s1+$0xF0]  }
0x475: {  	v17 =	vld [tilespmem:s1+$0x100]  }
0x476: {  	v18 =	vld [tilespmem:s1+$0x110]  }
0x477: {  	v19 =	vld [tilespmem:s1+$0x120]  }
0x478: {  	v20 =	vld [tilespmem:s1+$0x130]  }
0x479: {  	v21 =	vld [tilespmem:s1+$0x140]  }
0x47a: {  	v22 =	vld [tilespmem:s1+$0x150]  }
0x47b: {  	v23 =	vld [tilespmem:s1+$0x160]  }
0x47c: {  	v24 =	vld [tilespmem:s1+$0x170]  }
0x47d: {  	v25 =	vld [tilespmem:s1+$0x180]  }
0x47e: {  	v26 =	vld [tilespmem:s1+$0x190]  }
0x47f: {  	v27 =	vld [tilespmem:s1+$0x1A0]  }
0x480: {  	v28 =	vld [tilespmem:s1+$0x1B0]  }
0x481: {  	v29 =	vld [tilespmem:s1+$0x1C0]  }
0x482: {  	v30 =	vld [tilespmem:s1+$0x1D0]  }
0x483: {  	[tilespmem:s1+$0x195F0] =	vst.add.f32.msk $0xffff, v0  }
0x484: {  	v0 =	vld [tilespmem:s1+$0x1E0]  }
0x485: {  	[tilespmem:s1+$0x19400] =	vst.add.f32.msk $0xffff, v1  }
0x486: {  	[tilespmem:s1+$0x19410] =	vst.add.f32.msk $0xffff, v2  }
0x487: {  	[tilespmem:s1+$0x19420] =	vst.add.f32.msk $0xffff, v3  }
0x488: {  	[tilespmem:s1+$0x19430] =	vst.add.f32.msk $0xffff, v4  }
0x489: {  	[tilespmem:s1+$0x19440] =	vst.add.f32.msk $0xffff, v5  }
0x48a: {  	[tilespmem:s1+$0x19450] =	vst.add.f32.msk $0xffff, v6  }
0x48b: {  	[tilespmem:s1+$0x19460] =	vst.add.f32.msk $0xffff, v7  }
0x48c: {  	[tilespmem:s1+$0x19470] =	vst.add.f32.msk $0xffff, v8  }
0x48d: {  	[tilespmem:s1+$0x19480] =	vst.add.f32.msk $0xffff, v9  }
0x48e: {  	[tilespmem:s1+$0x19490] =	vst.add.f32.msk $0xffff, v10  }
0x48f: {  	[tilespmem:s1+$0x194A0] =	vst.add.f32.msk $0xffff, v11  }
0x490: {  	[tilespmem:s1+$0x194B0] =	vst.add.f32.msk $0xffff, v12  }
0x491: {  	[tilespmem:s1+$0x194C0] =	vst.add.f32.msk $0xffff, v13  }
0x492: {  	[tilespmem:s1+$0x194D0] =	vst.add.f32.msk $0xffff, v14  }
0x493: {  	[tilespmem:s1+$0x194E0] =	vst.add.f32.msk $0xffff, v15  }
0x494: {  	[tilespmem:s1+$0x194F0] =	vst.add.f32.msk $0xffff, v16  }
0x495: {  	[tilespmem:s1+$0x19500] =	vst.add.f32.msk $0xffff, v17  }
0x496: {  	[tilespmem:s1+$0x19510] =	vst.add.f32.msk $0xffff, v18  }
0x497: {  	[tilespmem:s1+$0x19520] =	vst.add.f32.msk $0xffff, v19  }
0x498: {  	[tilespmem:s1+$0x19530] =	vst.add.f32.msk $0xffff, v20  }
0x499: {  	[tilespmem:s1+$0x19540] =	vst.add.f32.msk $0xffff, v21  }
0x49a: {  	[tilespmem:s1+$0x19550] =	vst.add.f32.msk $0xffff, v22  }
0x49b: {  	[tilespmem:s1+$0x19560] =	vst.add.f32.msk $0xffff, v23  }
0x49c: {  	[tilespmem:s1+$0x19570] =	vst.add.f32.msk $0xffff, v24  }
0x49d: {  	[tilespmem:s1+$0x19580] =	vst.add.f32.msk $0xffff, v25  }
0x49e: {  	[tilespmem:s1+$0x19590] =	vst.add.f32.msk $0xffff, v26  }
0x49f: {  	[tilespmem:s1+$0x195A0] =	vst.add.f32.msk $0xffff, v27  }
0x4a0: {  	[tilespmem:s1+$0x195B0] =	vst.add.f32.msk $0xffff, v28  }
0x4a1: {  	[tilespmem:s1+$0x195C0] =	vst.add.f32.msk $0xffff, v29  }
0x4a2: {  	s14 =	simm.s32 $0x0;
	s16 =	simm.s32 $0x800;
	[tilespmem:s1+$0x195D0] =	vst.add.f32.msk $0xffff, v30  }
.LBB2_17:
0x4a3: {  	s14 =	sadd.s32 $0x4, s14;
	[tilespmem:s1+$0x195E0] =	vst.add.f32.msk $0xffff, v0;
	s1 =	sshra.s32 s16, $0x2  }
0x4a4: {  	v0 =	vld [tilespmem:s1+$0x1F0];
	p0 =	slt.u32 s14, $0xC4  }
0x4a5: {  	v1 =	vld [tilespmem:s1+$0x0]  }
0x4a6: {  	v2 =	vld [tilespmem:s1+$0x10]  }
0x4a7: {  	v3 =	vld [tilespmem:s1+$0x20]  }
0x4a8: {  	v4 =	vld [tilespmem:s1+$0x30]  }
0x4a9: {  	[tilespmem:s1+$0x195F0] =	vst.add.f32.msk $0xffff, v0  }
0x4aa: {  	v5 =	vld [tilespmem:s1+$0x40]  }
0x4ab: {  	v6 =	vld [tilespmem:s1+$0x50]  }
0x4ac: {  	v7 =	vld [tilespmem:s1+$0x60]  }
0x4ad: {  	v8 =	vld [tilespmem:s1+$0x70]  }
0x4ae: {  	v9 =	vld [tilespmem:s1+$0x80]  }
0x4af: {  	v10 =	vld [tilespmem:s1+$0x90]  }
0x4b0: {  	v11 =	vld [tilespmem:s1+$0xA0]  }
0x4b1: {  	v12 =	vld [tilespmem:s1+$0xB0]  }
0x4b2: {  	v13 =	vld [tilespmem:s1+$0xC0]  }
0x4b3: {  	v14 =	vld [tilespmem:s1+$0xD0]  }
0x4b4: {  	v15 =	vld [tilespmem:s1+$0xE0]  }
0x4b5: {  	v16 =	vld [tilespmem:s1+$0xF0]  }
0x4b6: {  	v17 =	vld [tilespmem:s1+$0x100]  }
0x4b7: {  	v18 =	vld [tilespmem:s1+$0x110]  }
0x4b8: {  	v19 =	vld [tilespmem:s1+$0x120]  }
0x4b9: {  	v20 =	vld [tilespmem:s1+$0x130]  }
0x4ba: {  	v21 =	vld [tilespmem:s1+$0x140]  }
0x4bb: {  	v22 =	vld [tilespmem:s1+$0x150]  }
0x4bc: {  	v23 =	vld [tilespmem:s1+$0x160]  }
0x4bd: {  	v24 =	vld [tilespmem:s1+$0x170]  }
0x4be: {  	v25 =	vld [tilespmem:s1+$0x180]  }
0x4bf: {  	v26 =	vld [tilespmem:s1+$0x190]  }
0x4c0: {  	v27 =	vld [tilespmem:s1+$0x1A0]  }
0x4c1: {  	v28 =	vld [tilespmem:s1+$0x1B0]  }
0x4c2: {  	v29 =	vld [tilespmem:s1+$0x1C0]  }
0x4c3: {  	v30 =	vld [tilespmem:s1+$0x1D0]  }
0x4c4: {  	v0 =	vld [tilespmem:s1+$0x1E0]  }
0x4c5: {  	[tilespmem:s1+$0x19400] =	vst.add.f32.msk $0xffff, v1  }
0x4c6: {  	[tilespmem:s1+$0x19410] =	vst.add.f32.msk $0xffff, v2  }
0x4c7: {  	[tilespmem:s1+$0x19420] =	vst.add.f32.msk $0xffff, v3  }
0x4c8: {  	[tilespmem:s1+$0x19430] =	vst.add.f32.msk $0xffff, v4  }
0x4c9: {  	[tilespmem:s1+$0x19440] =	vst.add.f32.msk $0xffff, v5  }
0x4ca: {  	[tilespmem:s1+$0x19450] =	vst.add.f32.msk $0xffff, v6  }
0x4cb: {  	[tilespmem:s1+$0x19460] =	vst.add.f32.msk $0xffff, v7  }
0x4cc: {  	[tilespmem:s1+$0x19470] =	vst.add.f32.msk $0xffff, v8  }
0x4cd: {  	[tilespmem:s1+$0x19480] =	vst.add.f32.msk $0xffff, v9  }
0x4ce: {  	[tilespmem:s1+$0x19490] =	vst.add.f32.msk $0xffff, v10  }
0x4cf: {  	[tilespmem:s1+$0x194A0] =	vst.add.f32.msk $0xffff, v11  }
0x4d0: {  	[tilespmem:s1+$0x194B0] =	vst.add.f32.msk $0xffff, v12  }
0x4d1: {  	[tilespmem:s1+$0x194C0] =	vst.add.f32.msk $0xffff, v13  }
0x4d2: {  	[tilespmem:s1+$0x194D0] =	vst.add.f32.msk $0xffff, v14  }
0x4d3: {  	[tilespmem:s1+$0x194E0] =	vst.add.f32.msk $0xffff, v15  }
0x4d4: {  	[tilespmem:s1+$0x194F0] =	vst.add.f32.msk $0xffff, v16  }
0x4d5: {  	[tilespmem:s1+$0x19500] =	vst.add.f32.msk $0xffff, v17  }
0x4d6: {  	[tilespmem:s1+$0x19510] =	vst.add.f32.msk $0xffff, v18  }
0x4d7: {  	[tilespmem:s1+$0x19520] =	vst.add.f32.msk $0xffff, v19  }
0x4d8: {  	[tilespmem:s1+$0x19530] =	vst.add.f32.msk $0xffff, v20  }
0x4d9: {  	[tilespmem:s1+$0x19540] =	vst.add.f32.msk $0xffff, v21  }
0x4da: {  	[tilespmem:s1+$0x19550] =	vst.add.f32.msk $0xffff, v22  }
0x4db: {  	[tilespmem:s1+$0x19560] =	vst.add.f32.msk $0xffff, v23  }
0x4dc: {  	[tilespmem:s1+$0x19570] =	vst.add.f32.msk $0xffff, v24  }
0x4dd: {  	[tilespmem:s1+$0x19580] =	vst.add.f32.msk $0xffff, v25  }
.Ltmp7:
0x4de: {  	[tilespmem:s1+$0x19590] =	vst.add.f32.msk $0xffff, v26;
	(pc) =	sbr.rel @p0 .LBB2_17-.Ltmp7, $4  }
0x4df: {  	[tilespmem:s1+$0x195A0] =	vst.add.f32.msk $0xffff, v27  }
0x4e0: {  	[tilespmem:s1+$0x195B0] =	vst.add.f32.msk $0xffff, v28  }
0x4e1: {  	[tilespmem:s1+$0x195C0] =	vst.add.f32.msk $0xffff, v29  }
0x4e2: {  	s16 =	sadd.s32 $0x800, s16;
	[tilespmem:s1+$0x195D0] =	vst.add.f32.msk $0xffff, v30  }
0x4e3: {  	s14 =	rddreg [dreg:$0x19]  }
0x4e4: {  	s14 =	sadd.s32 s2, s14  }
0x4e5: {  	s14 =	smul.u32 $0xC80, s14;
	_ =	sdelay $0x1  }
0x4e6: {  	[tilespmem:s1+$0x195E0] =	vst.add.f32.msk $0xffff, v0;
	s16 =	sadd.s32 s3, s14  }
0x4e7: {  	[hbm4b:s16+s4] =	stream.linear.scatter [tilespmem:s11], [sflag:$0xC], $0x6400, $0x38;
	[tilespmem:$0x1F800] =	vst v63  }
0x4e8: {  	_ =	swait.ge [sflag:s28], $0x6400  }
0x4e9: {  	[sflag:s28] =	ssyncset.done $0x0  }
0x4ea: {  	[sflag:s28] =	ssyncadd.s32 $0xFFFF9C00  }
0x4eb: {  	s0 =	sadd.s32 $0x1, s0;
	_ =	swait.ge [sflag:s9], $0x100  }
0x4ec: {  	p0 =	sne.s32 s0, $0x1E;
	s16 =	sadd.s32 $0xB, s2;
	[sflag:s9] =	ssyncset.done $0x0  }
0x4ed: {  	s2 =	sadd.s32 s6, s16;
	s1 =	sshll.u32 s16, $0x4;
	[sflag:s9] =	ssyncadd.s32 $0xFFFFFF00  }
0x4ee: {  	[tilespmem:s10], [sflag:$0x6] =	stream.indirect.gather [hbm4b:s5+s24], $0x80, s22, s24, $0xb8;
	[tilespmem:$0x1F800] =	vst v63  }
0x4ef: {  	s14 =	simm.s32 $0x10C00;
	s2 =	sshll.u32 s2, $0x5;
	s1 =	sand.u32 $0x70, s1  }
0x4f0: {  	[tilespmem:s14], [sflag:$0x6] =	stream.indirect.gather [hbm4b:s5+s12], $0x80, s25, s12, $0xb8;
	[tilespmem:$0x1F800] =	vst v63  }
.Ltmp8:
0x4f1: {  	s2 =	sand.u32 $0x3FF00, s2;
	s1 =	sadd.s32 s7, s1;
	(pc) =	sbr.rel @p0 .LBB2_10-.Ltmp8, $4  }
0x4f2: {  	s1 =	sadd.s32 s2, s1;
	s14 =	simm.s32 $0x6580  }
0x4f3: {  	[tilespmem:s14], [sflag:$0x4] =	stream.linear.gather [hbm4b:s1+s4], $0x80, $0x38;
	[tilespmem:$0x1F800] =	vst v63  }
0x4f4: {  	s16 =	simm.s32 $0x6780;
	s1 =	sadd.s32 $0x80, s1  }
0x4f5: {  	[tilespmem:s16], [sflag:$0x4] =	stream.linear.gather [hbm4b:s1+s4], $0x80, $0x38;
	[tilespmem:$0x1F800] =	vst v63  }
0x4f6: {  	_ =	swait.ge [sflag:s13], $0x4000  }
0x4f7: {  	[sflag:s13] =	ssyncset.done $0x0  }
0x4f8: {  	[sflag:s13] =	ssyncadd.s32 $0xFFFFC000  }
0x4f9: {  	_ =	swait.ge [sflag:s13], $0x2400  }
0x4fa: {  	[sflag:s13] =	ssyncset.done $0x0  }
0x4fb: {  	s0 =	simm.s32 $0x0;
	[sflag:s13] =	ssyncadd.s32 $0xFFFFDC00  }
0x4fc: {  	v0 =	vld [tilespmem:s0+$0x1F0]  }
0x4fd: {  	v1 =	vld [tilespmem:s0+$0x0]  }
0x4fe: {  	v2 =	vld [tilespmem:s0+$0x10]  }
0x4ff: {  	v3 =	vld [tilespmem:s0+$0x20]  }
0x500: {  	v4 =	vld [tilespmem:s0+$0x30]  }
0x501: {  	v5 =	vld [tilespmem:s0+$0x40]  }
0x502: {  	v6 =	vld [tilespmem:s0+$0x50]  }
0x503: {  	v7 =	vld [tilespmem:s0+$0x60]  }
0x504: {  	v8 =	vld [tilespmem:s0+$0x70]  }
0x505: {  	v9 =	vld [tilespmem:s0+$0x80]  }
0x506: {  	v10 =	vld [tilespmem:s0+$0x90]  }
0x507: {  	v11 =	vld [tilespmem:s0+$0xA0]  }
0x508: {  	v12 =	vld [tilespmem:s0+$0xB0]  }
0x509: {  	v13 =	vld [tilespmem:s0+$0xC0]  }
0x50a: {  	v14 =	vld [tilespmem:s0+$0xD0]  }
0x50b: {  	v15 =	vld [tilespmem:s0+$0xE0]  }
0x50c: {  	v16 =	vld [tilespmem:s0+$0xF0]  }
0x50d: {  	v17 =	vld [tilespmem:s0+$0x100]  }
0x50e: {  	v18 =	vld [tilespmem:s0+$0x110]  }
0x50f: {  	v19 =	vld [tilespmem:s0+$0x120]  }
0x510: {  	v20 =	vld [tilespmem:s0+$0x130]  }
0x511: {  	v21 =	vld [tilespmem:s0+$0x140]  }
0x512: {  	v22 =	vld [tilespmem:s0+$0x150]  }
0x513: {  	v23 =	vld [tilespmem:s0+$0x160]  }
0x514: {  	v24 =	vld [tilespmem:s0+$0x170]  }
0x515: {  	v25 =	vld [tilespmem:s0+$0x180]  }
0x516: {  	v26 =	vld [tilespmem:s0+$0x190]  }
0x517: {  	v27 =	vld [tilespmem:s0+$0x1A0]  }
0x518: {  	v28 =	vld [tilespmem:s0+$0x1B0]  }
0x519: {  	v29 =	vld [tilespmem:s0+$0x1C0]  }
0x51a: {  	v30 =	vld [tilespmem:s0+$0x1D0]  }
0x51b: {  	[tilespmem:s0+$0x69F0] =	vst.add.f32.msk $0xffff, v0  }
0x51c: {  	v0 =	vld [tilespmem:s0+$0x1E0]  }
0x51d: {  	[tilespmem:s0+$0x6800] =	vst.add.f32.msk $0xffff, v1  }
0x51e: {  	[tilespmem:s0+$0x6810] =	vst.add.f32.msk $0xffff, v2  }
0x51f: {  	[tilespmem:s0+$0x6820] =	vst.add.f32.msk $0xffff, v3  }
0x520: {  	[tilespmem:s0+$0x6830] =	vst.add.f32.msk $0xffff, v4  }
0x521: {  	[tilespmem:s0+$0x6840] =	vst.add.f32.msk $0xffff, v5  }
0x522: {  	[tilespmem:s0+$0x6850] =	vst.add.f32.msk $0xffff, v6  }
0x523: {  	[tilespmem:s0+$0x6860] =	vst.add.f32.msk $0xffff, v7  }
0x524: {  	[tilespmem:s0+$0x6870] =	vst.add.f32.msk $0xffff, v8  }
0x525: {  	[tilespmem:s0+$0x6880] =	vst.add.f32.msk $0xffff, v9  }
0x526: {  	[tilespmem:s0+$0x6890] =	vst.add.f32.msk $0xffff, v10  }
0x527: {  	[tilespmem:s0+$0x68A0] =	vst.add.f32.msk $0xffff, v11  }
0x528: {  	[tilespmem:s0+$0x68B0] =	vst.add.f32.msk $0xffff, v12  }
0x529: {  	[tilespmem:s0+$0x68C0] =	vst.add.f32.msk $0xffff, v13  }
0x52a: {  	[tilespmem:s0+$0x68D0] =	vst.add.f32.msk $0xffff, v14  }
0x52b: {  	[tilespmem:s0+$0x68E0] =	vst.add.f32.msk $0xffff, v15  }
0x52c: {  	[tilespmem:s0+$0x68F0] =	vst.add.f32.msk $0xffff, v16  }
0x52d: {  	[tilespmem:s0+$0x6900] =	vst.add.f32.msk $0xffff, v17  }
0x52e: {  	[tilespmem:s0+$0x6910] =	vst.add.f32.msk $0xffff, v18  }
0x52f: {  	[tilespmem:s0+$0x6920] =	vst.add.f32.msk $0xffff, v19  }
0x530: {  	[tilespmem:s0+$0x6930] =	vst.add.f32.msk $0xffff, v20  }
0x531: {  	[tilespmem:s0+$0x6940] =	vst.add.f32.msk $0xffff, v21  }
0x532: {  	[tilespmem:s0+$0x6950] =	vst.add.f32.msk $0xffff, v22  }
0x533: {  	[tilespmem:s0+$0x6960] =	vst.add.f32.msk $0xffff, v23  }
0x534: {  	[tilespmem:s0+$0x6970] =	vst.add.f32.msk $0xffff, v24  }
0x535: {  	[tilespmem:s0+$0x6980] =	vst.add.f32.msk $0xffff, v25  }
0x536: {  	[tilespmem:s0+$0x6990] =	vst.add.f32.msk $0xffff, v26  }
0x537: {  	[tilespmem:s0+$0x69A0] =	vst.add.f32.msk $0xffff, v27  }
0x538: {  	[tilespmem:s0+$0x69B0] =	vst.add.f32.msk $0xffff, v28  }
0x539: {  	[tilespmem:s0+$0x69C0] =	vst.add.f32.msk $0xffff, v29  }
0x53a: {  	s1 =	simm.s32 $0x0;
	s2 =	simm.s32 $0x800;
	[tilespmem:s0+$0x69D0] =	vst.add.f32.msk $0xffff, v30  }
.LBB2_20:
0x53b: {  	s1 =	sadd.s32 $0x4, s1;
	[tilespmem:s0+$0x69E0] =	vst.add.f32.msk $0xffff, v0;
	s0 =	sshra.s32 s2, $0x2  }
0x53c: {  	v0 =	vld [tilespmem:s0+$0x1F0];
	p0 =	slt.u32 s1, $0xC4  }
0x53d: {  	v1 =	vld [tilespmem:s0+$0x0]  }
0x53e: {  	v2 =	vld [tilespmem:s0+$0x10]  }
0x53f: {  	v3 =	vld [tilespmem:s0+$0x20]  }
0x540: {  	v4 =	vld [tilespmem:s0+$0x30]  }
0x541: {  	[tilespmem:s0+$0x69F0] =	vst.add.f32.msk $0xffff, v0  }
0x542: {  	v5 =	vld [tilespmem:s0+$0x40]  }
0x543: {  	v6 =	vld [tilespmem:s0+$0x50]  }
0x544: {  	v7 =	vld [tilespmem:s0+$0x60]  }
0x545: {  	v8 =	vld [tilespmem:s0+$0x70]  }
0x546: {  	v9 =	vld [tilespmem:s0+$0x80]  }
0x547: {  	v10 =	vld [tilespmem:s0+$0x90]  }
0x548: {  	v11 =	vld [tilespmem:s0+$0xA0]  }
0x549: {  	v12 =	vld [tilespmem:s0+$0xB0]  }
0x54a: {  	v13 =	vld [tilespmem:s0+$0xC0]  }
0x54b: {  	v14 =	vld [tilespmem:s0+$0xD0]  }
0x54c: {  	v15 =	vld [tilespmem:s0+$0xE0]  }
0x54d: {  	v16 =	vld [tilespmem:s0+$0xF0]  }
0x54e: {  	v17 =	vld [tilespmem:s0+$0x100]  }
0x54f: {  	v18 =	vld [tilespmem:s0+$0x110]  }
0x550: {  	v19 =	vld [tilespmem:s0+$0x120]  }
0x551: {  	v20 =	vld [tilespmem:s0+$0x130]  }
0x552: {  	v21 =	vld [tilespmem:s0+$0x140]  }
0x553: {  	v22 =	vld [tilespmem:s0+$0x150]  }
0x554: {  	v23 =	vld [tilespmem:s0+$0x160]  }
0x555: {  	v24 =	vld [tilespmem:s0+$0x170]  }
0x556: {  	v25 =	vld [tilespmem:s0+$0x180]  }
0x557: {  	v26 =	vld [tilespmem:s0+$0x190]  }
0x558: {  	v27 =	vld [tilespmem:s0+$0x1A0]  }
0x559: {  	v28 =	vld [tilespmem:s0+$0x1B0]  }
0x55a: {  	v29 =	vld [tilespmem:s0+$0x1C0]  }
0x55b: {  	v30 =	vld [tilespmem:s0+$0x1D0]  }
0x55c: {  	v0 =	vld [tilespmem:s0+$0x1E0]  }
0x55d: {  	[tilespmem:s0+$0x6800] =	vst.add.f32.msk $0xffff, v1  }
0x55e: {  	[tilespmem:s0+$0x6810] =	vst.add.f32.msk $0xffff, v2  }
0x55f: {  	[tilespmem:s0+$0x6820] =	vst.add.f32.msk $0xffff, v3  }
0x560: {  	[tilespmem:s0+$0x6830] =	vst.add.f32.msk $0xffff, v4  }
0x561: {  	[tilespmem:s0+$0x6840] =	vst.add.f32.msk $0xffff, v5  }
0x562: {  	[tilespmem:s0+$0x6850] =	vst.add.f32.msk $0xffff, v6  }
0x563: {  	[tilespmem:s0+$0x6860] =	vst.add.f32.msk $0xffff, v7  }
0x564: {  	[tilespmem:s0+$0x6870] =	vst.add.f32.msk $0xffff, v8  }
0x565: {  	[tilespmem:s0+$0x6880] =	vst.add.f32.msk $0xffff, v9  }
0x566: {  	[tilespmem:s0+$0x6890] =	vst.add.f32.msk $0xffff, v10  }
0x567: {  	[tilespmem:s0+$0x68A0] =	vst.add.f32.msk $0xffff, v11  }
0x568: {  	[tilespmem:s0+$0x68B0] =	vst.add.f32.msk $0xffff, v12  }
0x569: {  	[tilespmem:s0+$0x68C0] =	vst.add.f32.msk $0xffff, v13  }
0x56a: {  	[tilespmem:s0+$0x68D0] =	vst.add.f32.msk $0xffff, v14  }
0x56b: {  	[tilespmem:s0+$0x68E0] =	vst.add.f32.msk $0xffff, v15  }
0x56c: {  	[tilespmem:s0+$0x68F0] =	vst.add.f32.msk $0xffff, v16  }
0x56d: {  	[tilespmem:s0+$0x6900] =	vst.add.f32.msk $0xffff, v17  }
0x56e: {  	[tilespmem:s0+$0x6910] =	vst.add.f32.msk $0xffff, v18  }
0x56f: {  	[tilespmem:s0+$0x6920] =	vst.add.f32.msk $0xffff, v19  }
0x570: {  	[tilespmem:s0+$0x6930] =	vst.add.f32.msk $0xffff, v20  }
0x571: {  	[tilespmem:s0+$0x6940] =	vst.add.f32.msk $0xffff, v21  }
0x572: {  	[tilespmem:s0+$0x6950] =	vst.add.f32.msk $0xffff, v22  }
0x573: {  	[tilespmem:s0+$0x6960] =	vst.add.f32.msk $0xffff, v23  }
0x574: {  	[tilespmem:s0+$0x6970] =	vst.add.f32.msk $0xffff, v24  }
0x575: {  	[tilespmem:s0+$0x6980] =	vst.add.f32.msk $0xffff, v25  }
.Ltmp9:
0x576: {  	[tilespmem:s0+$0x6990] =	vst.add.f32.msk $0xffff, v26;
	(pc) =	sbr.rel @p0 .LBB2_20-.Ltmp9, $4  }
0x577: {  	[tilespmem:s0+$0x69A0] =	vst.add.f32.msk $0xffff, v27  }
0x578: {  	[tilespmem:s0+$0x69B0] =	vst.add.f32.msk $0xffff, v28  }
0x579: {  	[tilespmem:s0+$0x69C0] =	vst.add.f32.msk $0xffff, v29  }
0x57a: {  	s2 =	sadd.s32 $0x800, s2;
	[tilespmem:s0+$0x69D0] =	vst.add.f32.msk $0xffff, v30  }
0x57b: {  	[tilespmem:s0+$0x69E0] =	vst.add.f32.msk $0xffff, v0  }
0x57c: {  	s18 =	simm.s32 $0x0;
	s2 =	simm.s32 $0x6800;
	s1 =	rddreg [dreg:$0x11]  }
0x57d: {  	[hbm4b:s1+s18] =	stream.linear.scatter [tilespmem:s2], [sflag:$0x9], $0x6400, $0x38;
	[tilespmem:$0x1F800] =	vst v63  }
0x57e: {  	_ =	swait.ge [sflag:s29], $0x6400  }
0x57f: {  	[sflag:s29] =	ssyncset.done $0x0  }
0x580: {  	[sflag:s29] =	ssyncadd.s32 $0xFFFF9C00  }
0x581: {  	_ =	swait.ge [sflag:s15], $0x100  }
0x582: {  	[sflag:s15] =	ssyncset.done $0x0  }
0x583: {  	s14 =	simm.s32 $0x6500;
	[sflag:s15] =	ssyncadd.s32 $0xFFFFFF00  }
0x584: {  	[tilespmem:s17], [sflag:$0x7] =	stream.indirect.gather [hbm4b:s5+s24], $0x80, s14, s24, $0xb8;
	[tilespmem:$0x1F800] =	vst v63  }
0x585: {  	s16 =	simm.s32 $0x6700;
	s18 =	simm.s32 $0x17000  }
0x586: {  	[tilespmem:s18], [sflag:$0x7] =	stream.indirect.gather [hbm4b:s5+s12], $0x80, s16, s12, $0xb8;
	[tilespmem:$0x1F800] =	vst v63  }
0x587: {  	_ =	swait.ge [sflag:s8], $0x4000  }
0x588: {  	[sflag:s8] =	ssyncset.done $0x0  }
0x589: {  	[sflag:s8] =	ssyncadd.s32 $0xFFFFC000  }
0x58a: {  	_ =	swait.ge [sflag:s8], $0x2400  }
0x58b: {  	[sflag:s8] =	ssyncset.done $0x0  }
0x58c: {  	s0 =	simm.s32 $0x0;
	[sflag:s8] =	ssyncadd.s32 $0xFFFFDC00  }
0x58d: {  	v0 =	vld [tilespmem:s0+$0x1F0]  }
0x58e: {  	v1 =	vld [tilespmem:s0+$0x0]  }
0x58f: {  	v2 =	vld [tilespmem:s0+$0x10]  }
0x590: {  	v3 =	vld [tilespmem:s0+$0x20]  }
0x591: {  	v4 =	vld [tilespmem:s0+$0x30]  }
0x592: {  	v5 =	vld [tilespmem:s0+$0x40]  }
0x593: {  	v6 =	vld [tilespmem:s0+$0x50]  }
0x594: {  	v7 =	vld [tilespmem:s0+$0x60]  }
0x595: {  	v8 =	vld [tilespmem:s0+$0x70]  }
0x596: {  	v9 =	vld [tilespmem:s0+$0x80]  }
0x597: {  	v10 =	vld [tilespmem:s0+$0x90]  }
0x598: {  	v11 =	vld [tilespmem:s0+$0xA0]  }
0x599: {  	v12 =	vld [tilespmem:s0+$0xB0]  }
0x59a: {  	v13 =	vld [tilespmem:s0+$0xC0]  }
0x59b: {  	v14 =	vld [tilespmem:s0+$0xD0]  }
0x59c: {  	v15 =	vld [tilespmem:s0+$0xE0]  }
0x59d: {  	v16 =	vld [tilespmem:s0+$0xF0]  }
0x59e: {  	v17 =	vld [tilespmem:s0+$0x100]  }
0x59f: {  	v18 =	vld [tilespmem:s0+$0x110]  }
0x5a0: {  	v19 =	vld [tilespmem:s0+$0x120]  }
0x5a1: {  	v20 =	vld [tilespmem:s0+$0x130]  }
0x5a2: {  	v21 =	vld [tilespmem:s0+$0x140]  }
0x5a3: {  	v22 =	vld [tilespmem:s0+$0x150]  }
0x5a4: {  	v23 =	vld [tilespmem:s0+$0x160]  }
0x5a5: {  	v24 =	vld [tilespmem:s0+$0x170]  }
0x5a6: {  	v25 =	vld [tilespmem:s0+$0x180]  }
0x5a7: {  	v26 =	vld [tilespmem:s0+$0x190]  }
0x5a8: {  	v27 =	vld [tilespmem:s0+$0x1A0]  }
0x5a9: {  	v28 =	vld [tilespmem:s0+$0x1B0]  }
0x5aa: {  	v29 =	vld [tilespmem:s0+$0x1C0]  }
0x5ab: {  	v30 =	vld [tilespmem:s0+$0x1D0]  }
0x5ac: {  	[tilespmem:s0+$0xCDF0] =	vst.add.f32.msk $0xffff, v0  }
0x5ad: {  	v0 =	vld [tilespmem:s0+$0x1E0]  }
0x5ae: {  	[tilespmem:s0+$0xCC00] =	vst.add.f32.msk $0xffff, v1  }
0x5af: {  	[tilespmem:s0+$0xCC10] =	vst.add.f32.msk $0xffff, v2  }
0x5b0: {  	[tilespmem:s0+$0xCC20] =	vst.add.f32.msk $0xffff, v3  }
0x5b1: {  	[tilespmem:s0+$0xCC30] =	vst.add.f32.msk $0xffff, v4  }
0x5b2: {  	[tilespmem:s0+$0xCC40] =	vst.add.f32.msk $0xffff, v5  }
0x5b3: {  	[tilespmem:s0+$0xCC50] =	vst.add.f32.msk $0xffff, v6  }
0x5b4: {  	[tilespmem:s0+$0xCC60] =	vst.add.f32.msk $0xffff, v7  }
0x5b5: {  	[tilespmem:s0+$0xCC70] =	vst.add.f32.msk $0xffff, v8  }
0x5b6: {  	[tilespmem:s0+$0xCC80] =	vst.add.f32.msk $0xffff, v9  }
0x5b7: {  	[tilespmem:s0+$0xCC90] =	vst.add.f32.msk $0xffff, v10  }
0x5b8: {  	[tilespmem:s0+$0xCCA0] =	vst.add.f32.msk $0xffff, v11  }
0x5b9: {  	[tilespmem:s0+$0xCCB0] =	vst.add.f32.msk $0xffff, v12  }
0x5ba: {  	[tilespmem:s0+$0xCCC0] =	vst.add.f32.msk $0xffff, v13  }
0x5bb: {  	[tilespmem:s0+$0xCCD0] =	vst.add.f32.msk $0xffff, v14  }
0x5bc: {  	[tilespmem:s0+$0xCCE0] =	vst.add.f32.msk $0xffff, v15  }
0x5bd: {  	[tilespmem:s0+$0xCCF0] =	vst.add.f32.msk $0xffff, v16  }
0x5be: {  	[tilespmem:s0+$0xCD00] =	vst.add.f32.msk $0xffff, v17  }
0x5bf: {  	[tilespmem:s0+$0xCD10] =	vst.add.f32.msk $0xffff, v18  }
0x5c0: {  	[tilespmem:s0+$0xCD20] =	vst.add.f32.msk $0xffff, v19  }
0x5c1: {  	[tilespmem:s0+$0xCD30] =	vst.add.f32.msk $0xffff, v20  }
0x5c2: {  	[tilespmem:s0+$0xCD40] =	vst.add.f32.msk $0xffff, v21  }
0x5c3: {  	[tilespmem:s0+$0xCD50] =	vst.add.f32.msk $0xffff, v22  }
0x5c4: {  	[tilespmem:s0+$0xCD60] =	vst.add.f32.msk $0xffff, v23  }
0x5c5: {  	[tilespmem:s0+$0xCD70] =	vst.add.f32.msk $0xffff, v24  }
0x5c6: {  	[tilespmem:s0+$0xCD80] =	vst.add.f32.msk $0xffff, v25  }
0x5c7: {  	[tilespmem:s0+$0xCD90] =	vst.add.f32.msk $0xffff, v26  }
0x5c8: {  	[tilespmem:s0+$0xCDA0] =	vst.add.f32.msk $0xffff, v27  }
0x5c9: {  	[tilespmem:s0+$0xCDB0] =	vst.add.f32.msk $0xffff, v28  }
0x5ca: {  	[tilespmem:s0+$0xCDC0] =	vst.add.f32.msk $0xffff, v29  }
0x5cb: {  	s1 =	simm.s32 $0x0;
	s2 =	simm.s32 $0x800;
	[tilespmem:s0+$0xCDD0] =	vst.add.f32.msk $0xffff, v30  }
.LBB2_22:
0x5cc: {  	s1 =	sadd.s32 $0x4, s1;
	[tilespmem:s0+$0xCDE0] =	vst.add.f32.msk $0xffff, v0;
	s0 =	sshra.s32 s2, $0x2  }
0x5cd: {  	v0 =	vld [tilespmem:s0+$0x1F0];
	p0 =	slt.u32 s1, $0xC4  }
0x5ce: {  	v1 =	vld [tilespmem:s0+$0x0]  }
0x5cf: {  	v2 =	vld [tilespmem:s0+$0x10]  }
0x5d0: {  	v3 =	vld [tilespmem:s0+$0x20]  }
0x5d1: {  	v4 =	vld [tilespmem:s0+$0x30]  }
0x5d2: {  	[tilespmem:s0+$0xCDF0] =	vst.add.f32.msk $0xffff, v0  }
0x5d3: {  	v5 =	vld [tilespmem:s0+$0x40]  }
0x5d4: {  	v6 =	vld [tilespmem:s0+$0x50]  }
0x5d5: {  	v7 =	vld [tilespmem:s0+$0x60]  }
0x5d6: {  	v8 =	vld [tilespmem:s0+$0x70]  }
0x5d7: {  	v9 =	vld [tilespmem:s0+$0x80]  }
0x5d8: {  	v10 =	vld [tilespmem:s0+$0x90]  }
0x5d9: {  	v11 =	vld [tilespmem:s0+$0xA0]  }
0x5da: {  	v12 =	vld [tilespmem:s0+$0xB0]  }
0x5db: {  	v13 =	vld [tilespmem:s0+$0xC0]  }
0x5dc: {  	v14 =	vld [tilespmem:s0+$0xD0]  }
0x5dd: {  	v15 =	vld [tilespmem:s0+$0xE0]  }
0x5de: {  	v16 =	vld [tilespmem:s0+$0xF0]  }
0x5df: {  	v17 =	vld [tilespmem:s0+$0x100]  }
0x5e0: {  	v18 =	vld [tilespmem:s0+$0x110]  }
0x5e1: {  	v19 =	vld [tilespmem:s0+$0x120]  }
0x5e2: {  	v20 =	vld [tilespmem:s0+$0x130]  }
0x5e3: {  	v21 =	vld [tilespmem:s0+$0x140]  }
0x5e4: {  	v22 =	vld [tilespmem:s0+$0x150]  }
0x5e5: {  	v23 =	vld [tilespmem:s0+$0x160]  }
0x5e6: {  	v24 =	vld [tilespmem:s0+$0x170]  }
0x5e7: {  	v25 =	vld [tilespmem:s0+$0x180]  }
0x5e8: {  	v26 =	vld [tilespmem:s0+$0x190]  }
0x5e9: {  	v27 =	vld [tilespmem:s0+$0x1A0]  }
0x5ea: {  	v28 =	vld [tilespmem:s0+$0x1B0]  }
0x5eb: {  	v29 =	vld [tilespmem:s0+$0x1C0]  }
0x5ec: {  	v30 =	vld [tilespmem:s0+$0x1D0]  }
0x5ed: {  	v0 =	vld [tilespmem:s0+$0x1E0]  }
0x5ee: {  	[tilespmem:s0+$0xCC00] =	vst.add.f32.msk $0xffff, v1  }
0x5ef: {  	[tilespmem:s0+$0xCC10] =	vst.add.f32.msk $0xffff, v2  }
0x5f0: {  	[tilespmem:s0+$0xCC20] =	vst.add.f32.msk $0xffff, v3  }
0x5f1: {  	[tilespmem:s0+$0xCC30] =	vst.add.f32.msk $0xffff, v4  }
0x5f2: {  	[tilespmem:s0+$0xCC40] =	vst.add.f32.msk $0xffff, v5  }
0x5f3: {  	[tilespmem:s0+$0xCC50] =	vst.add.f32.msk $0xffff, v6  }
0x5f4: {  	[tilespmem:s0+$0xCC60] =	vst.add.f32.msk $0xffff, v7  }
0x5f5: {  	[tilespmem:s0+$0xCC70] =	vst.add.f32.msk $0xffff, v8  }
0x5f6: {  	[tilespmem:s0+$0xCC80] =	vst.add.f32.msk $0xffff, v9  }
0x5f7: {  	[tilespmem:s0+$0xCC90] =	vst.add.f32.msk $0xffff, v10  }
0x5f8: {  	[tilespmem:s0+$0xCCA0] =	vst.add.f32.msk $0xffff, v11  }
0x5f9: {  	[tilespmem:s0+$0xCCB0] =	vst.add.f32.msk $0xffff, v12  }
0x5fa: {  	[tilespmem:s0+$0xCCC0] =	vst.add.f32.msk $0xffff, v13  }
0x5fb: {  	[tilespmem:s0+$0xCCD0] =	vst.add.f32.msk $0xffff, v14  }
0x5fc: {  	[tilespmem:s0+$0xCCE0] =	vst.add.f32.msk $0xffff, v15  }
0x5fd: {  	[tilespmem:s0+$0xCCF0] =	vst.add.f32.msk $0xffff, v16  }
0x5fe: {  	[tilespmem:s0+$0xCD00] =	vst.add.f32.msk $0xffff, v17  }
0x5ff: {  	[tilespmem:s0+$0xCD10] =	vst.add.f32.msk $0xffff, v18  }
0x600: {  	[tilespmem:s0+$0xCD20] =	vst.add.f32.msk $0xffff, v19  }
0x601: {  	[tilespmem:s0+$0xCD30] =	vst.add.f32.msk $0xffff, v20  }
0x602: {  	[tilespmem:s0+$0xCD40] =	vst.add.f32.msk $0xffff, v21  }
0x603: {  	[tilespmem:s0+$0xCD50] =	vst.add.f32.msk $0xffff, v22  }
0x604: {  	[tilespmem:s0+$0xCD60] =	vst.add.f32.msk $0xffff, v23  }
0x605: {  	[tilespmem:s0+$0xCD70] =	vst.add.f32.msk $0xffff, v24  }
0x606: {  	[tilespmem:s0+$0xCD80] =	vst.add.f32.msk $0xffff, v25  }
.Ltmp10:
0x607: {  	[tilespmem:s0+$0xCD90] =	vst.add.f32.msk $0xffff, v26;
	(pc) =	sbr.rel @p0 .LBB2_22-.Ltmp10, $4  }
0x608: {  	[tilespmem:s0+$0xCDA0] =	vst.add.f32.msk $0xffff, v27  }
0x609: {  	[tilespmem:s0+$0xCDB0] =	vst.add.f32.msk $0xffff, v28  }
0x60a: {  	[tilespmem:s0+$0xCDC0] =	vst.add.f32.msk $0xffff, v29  }
0x60b: {  	s2 =	sadd.s32 $0x800, s2;
	[tilespmem:s0+$0xCDD0] =	vst.add.f32.msk $0xffff, v30  }
0x60c: {  	[tilespmem:s0+$0xCDE0] =	vst.add.f32.msk $0xffff, v0  }
0x60d: {  	s2 =	simm.s32 $0x0;
	s1 =	rddreg [dreg:$0x12]  }
0x60e: {  	[hbm4b:s1+s2] =	stream.linear.scatter [tilespmem:s10], [sflag:$0xA], $0x6400, $0x38;
	[tilespmem:$0x1F800] =	vst v63  }
0x60f: {  	_ =	swait.ge [sflag:s30], $0x6400  }
0x610: {  	[sflag:s30] =	ssyncset.done $0x0  }
0x611: {  	[sflag:s30] =	ssyncadd.s32 $0xFFFF9C00  }
0x612: {  	_ =	swait.ge [sflag:s31], $0x100  }
0x613: {  	[sflag:s31] =	ssyncset.done $0x0  }
0x614: {  	s14 =	simm.s32 $0x6580;
	[sflag:s31] =	ssyncadd.s32 $0xFFFFFF00  }
0x615: {  	[tilespmem:s11], [sflag:$0x8] =	stream.indirect.gather [hbm4b:s5+s24], $0x80, s14, s24, $0xb8;
	[tilespmem:$0x1F800] =	vst v63  }
0x616: {  	s16 =	simm.s32 $0x6780;
	s18 =	simm.s32 $0x1D400  }
0x617: {  	[tilespmem:s18], [sflag:$0x8] =	stream.indirect.gather [hbm4b:s5+s12], $0x80, s16, s12, $0xb8;
	[tilespmem:$0x1F800] =	vst v63  }
0x618: {  	_ =	swait.ge [sflag:s19], $0x4000  }
0x619: {  	[sflag:s19] =	ssyncset.done $0x0  }
0x61a: {  	[sflag:s19] =	ssyncadd.s32 $0xFFFFC000  }
0x61b: {  	_ =	swait.ge [sflag:s19], $0x2400  }
0x61c: {  	[sflag:s19] =	ssyncset.done $0x0  }
0x61d: {  	s0 =	simm.s32 $0x0;
	[sflag:s19] =	ssyncadd.s32 $0xFFFFDC00  }
0x61e: {  	v0 =	vld [tilespmem:s0+$0x1F0]  }
0x61f: {  	v1 =	vld [tilespmem:s0+$0x0]  }
0x620: {  	v2 =	vld [tilespmem:s0+$0x10]  }
0x621: {  	v3 =	vld [tilespmem:s0+$0x20]  }
0x622: {  	v4 =	vld [tilespmem:s0+$0x30]  }
0x623: {  	v5 =	vld [tilespmem:s0+$0x40]  }
0x624: {  	v6 =	vld [tilespmem:s0+$0x50]  }
0x625: {  	v7 =	vld [tilespmem:s0+$0x60]  }
0x626: {  	v8 =	vld [tilespmem:s0+$0x70]  }
0x627: {  	v9 =	vld [tilespmem:s0+$0x80]  }
0x628: {  	v10 =	vld [tilespmem:s0+$0x90]  }
0x629: {  	v11 =	vld [tilespmem:s0+$0xA0]  }
0x62a: {  	v12 =	vld [tilespmem:s0+$0xB0]  }
0x62b: {  	v13 =	vld [tilespmem:s0+$0xC0]  }
0x62c: {  	v14 =	vld [tilespmem:s0+$0xD0]  }
0x62d: {  	v15 =	vld [tilespmem:s0+$0xE0]  }
0x62e: {  	v16 =	vld [tilespmem:s0+$0xF0]  }
0x62f: {  	v17 =	vld [tilespmem:s0+$0x100]  }
0x630: {  	v18 =	vld [tilespmem:s0+$0x110]  }
0x631: {  	v19 =	vld [tilespmem:s0+$0x120]  }
0x632: {  	v20 =	vld [tilespmem:s0+$0x130]  }
0x633: {  	v21 =	vld [tilespmem:s0+$0x140]  }
0x634: {  	v22 =	vld [tilespmem:s0+$0x150]  }
0x635: {  	v23 =	vld [tilespmem:s0+$0x160]  }
0x636: {  	v24 =	vld [tilespmem:s0+$0x170]  }
0x637: {  	v25 =	vld [tilespmem:s0+$0x180]  }
0x638: {  	v26 =	vld [tilespmem:s0+$0x190]  }
0x639: {  	v27 =	vld [tilespmem:s0+$0x1A0]  }
0x63a: {  	v28 =	vld [tilespmem:s0+$0x1B0]  }
0x63b: {  	v29 =	vld [tilespmem:s0+$0x1C0]  }
0x63c: {  	v30 =	vld [tilespmem:s0+$0x1D0]  }
0x63d: {  	[tilespmem:s0+$0x131F0] =	vst.add.f32.msk $0xffff, v0  }
0x63e: {  	v0 =	vld [tilespmem:s0+$0x1E0]  }
0x63f: {  	[tilespmem:s0+$0x13000] =	vst.add.f32.msk $0xffff, v1  }
0x640: {  	[tilespmem:s0+$0x13010] =	vst.add.f32.msk $0xffff, v2  }
0x641: {  	[tilespmem:s0+$0x13020] =	vst.add.f32.msk $0xffff, v3  }
0x642: {  	[tilespmem:s0+$0x13030] =	vst.add.f32.msk $0xffff, v4  }
0x643: {  	[tilespmem:s0+$0x13040] =	vst.add.f32.msk $0xffff, v5  }
0x644: {  	[tilespmem:s0+$0x13050] =	vst.add.f32.msk $0xffff, v6  }
0x645: {  	[tilespmem:s0+$0x13060] =	vst.add.f32.msk $0xffff, v7  }
0x646: {  	[tilespmem:s0+$0x13070] =	vst.add.f32.msk $0xffff, v8  }
0x647: {  	[tilespmem:s0+$0x13080] =	vst.add.f32.msk $0xffff, v9  }
0x648: {  	[tilespmem:s0+$0x13090] =	vst.add.f32.msk $0xffff, v10  }
0x649: {  	[tilespmem:s0+$0x130A0] =	vst.add.f32.msk $0xffff, v11  }
0x64a: {  	[tilespmem:s0+$0x130B0] =	vst.add.f32.msk $0xffff, v12  }
0x64b: {  	[tilespmem:s0+$0x130C0] =	vst.add.f32.msk $0xffff, v13  }
0x64c: {  	[tilespmem:s0+$0x130D0] =	vst.add.f32.msk $0xffff, v14  }
0x64d: {  	[tilespmem:s0+$0x130E0] =	vst.add.f32.msk $0xffff, v15  }
0x64e: {  	[tilespmem:s0+$0x130F0] =	vst.add.f32.msk $0xffff, v16  }
0x64f: {  	[tilespmem:s0+$0x13100] =	vst.add.f32.msk $0xffff, v17  }
0x650: {  	[tilespmem:s0+$0x13110] =	vst.add.f32.msk $0xffff, v18  }
0x651: {  	[tilespmem:s0+$0x13120] =	vst.add.f32.msk $0xffff, v19  }
0x652: {  	[tilespmem:s0+$0x13130] =	vst.add.f32.msk $0xffff, v20  }
0x653: {  	[tilespmem:s0+$0x13140] =	vst.add.f32.msk $0xffff, v21  }
0x654: {  	[tilespmem:s0+$0x13150] =	vst.add.f32.msk $0xffff, v22  }
0x655: {  	[tilespmem:s0+$0x13160] =	vst.add.f32.msk $0xffff, v23  }
0x656: {  	[tilespmem:s0+$0x13170] =	vst.add.f32.msk $0xffff, v24  }
0x657: {  	[tilespmem:s0+$0x13180] =	vst.add.f32.msk $0xffff, v25  }
0x658: {  	[tilespmem:s0+$0x13190] =	vst.add.f32.msk $0xffff, v26  }
0x659: {  	[tilespmem:s0+$0x131A0] =	vst.add.f32.msk $0xffff, v27  }
0x65a: {  	[tilespmem:s0+$0x131B0] =	vst.add.f32.msk $0xffff, v28  }
0x65b: {  	[tilespmem:s0+$0x131C0] =	vst.add.f32.msk $0xffff, v29  }
0x65c: {  	s1 =	simm.s32 $0x0;
	s2 =	simm.s32 $0x800;
	[tilespmem:s0+$0x131D0] =	vst.add.f32.msk $0xffff, v30  }
.LBB2_24:
0x65d: {  	s1 =	sadd.s32 $0x4, s1;
	[tilespmem:s0+$0x131E0] =	vst.add.f32.msk $0xffff, v0;
	s0 =	sshra.s32 s2, $0x2  }
0x65e: {  	v0 =	vld [tilespmem:s0+$0x1F0];
	p0 =	slt.u32 s1, $0xC4  }
0x65f: {  	v1 =	vld [tilespmem:s0+$0x0]  }
0x660: {  	v2 =	vld [tilespmem:s0+$0x10]  }
0x661: {  	v3 =	vld [tilespmem:s0+$0x20]  }
0x662: {  	v4 =	vld [tilespmem:s0+$0x30]  }
0x663: {  	[tilespmem:s0+$0x131F0] =	vst.add.f32.msk $0xffff, v0  }
0x664: {  	v5 =	vld [tilespmem:s0+$0x40]  }
0x665: {  	v6 =	vld [tilespmem:s0+$0x50]  }
0x666: {  	v7 =	vld [tilespmem:s0+$0x60]  }
0x667: {  	v8 =	vld [tilespmem:s0+$0x70]  }
0x668: {  	v9 =	vld [tilespmem:s0+$0x80]  }
0x669: {  	v10 =	vld [tilespmem:s0+$0x90]  }
0x66a: {  	v11 =	vld [tilespmem:s0+$0xA0]  }
0x66b: {  	v12 =	vld [tilespmem:s0+$0xB0]  }
0x66c: {  	v13 =	vld [tilespmem:s0+$0xC0]  }
0x66d: {  	v14 =	vld [tilespmem:s0+$0xD0]  }
0x66e: {  	v15 =	vld [tilespmem:s0+$0xE0]  }
0x66f: {  	v16 =	vld [tilespmem:s0+$0xF0]  }
0x670: {  	v17 =	vld [tilespmem:s0+$0x100]  }
0x671: {  	v18 =	vld [tilespmem:s0+$0x110]  }
0x672: {  	v19 =	vld [tilespmem:s0+$0x120]  }
0x673: {  	v20 =	vld [tilespmem:s0+$0x130]  }
0x674: {  	v21 =	vld [tilespmem:s0+$0x140]  }
0x675: {  	v22 =	vld [tilespmem:s0+$0x150]  }
0x676: {  	v23 =	vld [tilespmem:s0+$0x160]  }
0x677: {  	v24 =	vld [tilespmem:s0+$0x170]  }
0x678: {  	v25 =	vld [tilespmem:s0+$0x180]  }
0x679: {  	v26 =	vld [tilespmem:s0+$0x190]  }
0x67a: {  	v27 =	vld [tilespmem:s0+$0x1A0]  }
0x67b: {  	v28 =	vld [tilespmem:s0+$0x1B0]  }
0x67c: {  	v29 =	vld [tilespmem:s0+$0x1C0]  }
0x67d: {  	v30 =	vld [tilespmem:s0+$0x1D0]  }
0x67e: {  	v0 =	vld [tilespmem:s0+$0x1E0]  }
0x67f: {  	[tilespmem:s0+$0x13000] =	vst.add.f32.msk $0xffff, v1  }
0x680: {  	[tilespmem:s0+$0x13010] =	vst.add.f32.msk $0xffff, v2  }
0x681: {  	[tilespmem:s0+$0x13020] =	vst.add.f32.msk $0xffff, v3  }
0x682: {  	[tilespmem:s0+$0x13030] =	vst.add.f32.msk $0xffff, v4  }
0x683: {  	[tilespmem:s0+$0x13040] =	vst.add.f32.msk $0xffff, v5  }
0x684: {  	[tilespmem:s0+$0x13050] =	vst.add.f32.msk $0xffff, v6  }
0x685: {  	[tilespmem:s0+$0x13060] =	vst.add.f32.msk $0xffff, v7  }
0x686: {  	[tilespmem:s0+$0x13070] =	vst.add.f32.msk $0xffff, v8  }
0x687: {  	[tilespmem:s0+$0x13080] =	vst.add.f32.msk $0xffff, v9  }
0x688: {  	[tilespmem:s0+$0x13090] =	vst.add.f32.msk $0xffff, v10  }
0x689: {  	[tilespmem:s0+$0x130A0] =	vst.add.f32.msk $0xffff, v11  }
0x68a: {  	[tilespmem:s0+$0x130B0] =	vst.add.f32.msk $0xffff, v12  }
0x68b: {  	[tilespmem:s0+$0x130C0] =	vst.add.f32.msk $0xffff, v13  }
0x68c: {  	[tilespmem:s0+$0x130D0] =	vst.add.f32.msk $0xffff, v14  }
0x68d: {  	[tilespmem:s0+$0x130E0] =	vst.add.f32.msk $0xffff, v15  }
0x68e: {  	[tilespmem:s0+$0x130F0] =	vst.add.f32.msk $0xffff, v16  }
0x68f: {  	[tilespmem:s0+$0x13100] =	vst.add.f32.msk $0xffff, v17  }
0x690: {  	[tilespmem:s0+$0x13110] =	vst.add.f32.msk $0xffff, v18  }
0x691: {  	[tilespmem:s0+$0x13120] =	vst.add.f32.msk $0xffff, v19  }
0x692: {  	[tilespmem:s0+$0x13130] =	vst.add.f32.msk $0xffff, v20  }
0x693: {  	[tilespmem:s0+$0x13140] =	vst.add.f32.msk $0xffff, v21  }
0x694: {  	[tilespmem:s0+$0x13150] =	vst.add.f32.msk $0xffff, v22  }
0x695: {  	[tilespmem:s0+$0x13160] =	vst.add.f32.msk $0xffff, v23  }
0x696: {  	[tilespmem:s0+$0x13170] =	vst.add.f32.msk $0xffff, v24  }
0x697: {  	[tilespmem:s0+$0x13180] =	vst.add.f32.msk $0xffff, v25  }
.Ltmp11:
0x698: {  	[tilespmem:s0+$0x13190] =	vst.add.f32.msk $0xffff, v26;
	(pc) =	sbr.rel @p0 .LBB2_24-.Ltmp11, $4  }
0x699: {  	[tilespmem:s0+$0x131A0] =	vst.add.f32.msk $0xffff, v27  }
0x69a: {  	[tilespmem:s0+$0x131B0] =	vst.add.f32.msk $0xffff, v28  }
0x69b: {  	[tilespmem:s0+$0x131C0] =	vst.add.f32.msk $0xffff, v29  }
0x69c: {  	s2 =	sadd.s32 $0x800, s2;
	[tilespmem:s0+$0x131D0] =	vst.add.f32.msk $0xffff, v30  }
0x69d: {  	[tilespmem:s0+$0x131E0] =	vst.add.f32.msk $0xffff, v0  }
0x69e: {  	s18 =	simm.s32 $0x0;
	s1 =	rddreg [dreg:$0x13]  }
0x69f: {  	[hbm4b:s1+s18] =	stream.linear.scatter [tilespmem:s17], [sflag:$0xB], $0x6400, $0x38;
	[tilespmem:$0x1F800] =	vst v63  }
0x6a0: {  	_ =	swait.ge [sflag:s20], $0x6400  }
0x6a1: {  	[sflag:s20] =	ssyncset.done $0x0  }
0x6a2: {  	[sflag:s20] =	ssyncadd.s32 $0xFFFF9C00  }
0x6a3: {  	_ =	swait.ge [sflag:s26], $0x4000  }
0x6a4: {  	[sflag:s26] =	ssyncset.done $0x0  }
0x6a5: {  	[sflag:s26] =	ssyncadd.s32 $0xFFFFC000  }
0x6a6: {  	_ =	swait.ge [sflag:s26], $0x2400  }
0x6a7: {  	[sflag:s26] =	ssyncset.done $0x0  }
0x6a8: {  	s0 =	simm.s32 $0x0;
	[sflag:s26] =	ssyncadd.s32 $0xFFFFDC00  }
0x6a9: {  	v0 =	vld [tilespmem:s0+$0x1F0]  }
0x6aa: {  	v1 =	vld [tilespmem:s0+$0x0]  }
0x6ab: {  	v2 =	vld [tilespmem:s0+$0x10]  }
0x6ac: {  	v3 =	vld [tilespmem:s0+$0x20]  }
0x6ad: {  	v4 =	vld [tilespmem:s0+$0x30]  }
0x6ae: {  	v5 =	vld [tilespmem:s0+$0x40]  }
0x6af: {  	v6 =	vld [tilespmem:s0+$0x50]  }
0x6b0: {  	v7 =	vld [tilespmem:s0+$0x60]  }
0x6b1: {  	v8 =	vld [tilespmem:s0+$0x70]  }
0x6b2: {  	v9 =	vld [tilespmem:s0+$0x80]  }
0x6b3: {  	v10 =	vld [tilespmem:s0+$0x90]  }
0x6b4: {  	v11 =	vld [tilespmem:s0+$0xA0]  }
0x6b5: {  	v12 =	vld [tilespmem:s0+$0xB0]  }
0x6b6: {  	v13 =	vld [tilespmem:s0+$0xC0]  }
0x6b7: {  	v14 =	vld [tilespmem:s0+$0xD0]  }
0x6b8: {  	v15 =	vld [tilespmem:s0+$0xE0]  }
0x6b9: {  	v16 =	vld [tilespmem:s0+$0xF0]  }
0x6ba: {  	v17 =	vld [tilespmem:s0+$0x100]  }
0x6bb: {  	v18 =	vld [tilespmem:s0+$0x110]  }
0x6bc: {  	v19 =	vld [tilespmem:s0+$0x120]  }
0x6bd: {  	v20 =	vld [tilespmem:s0+$0x130]  }
0x6be: {  	v21 =	vld [tilespmem:s0+$0x140]  }
0x6bf: {  	v22 =	vld [tilespmem:s0+$0x150]  }
0x6c0: {  	v23 =	vld [tilespmem:s0+$0x160]  }
0x6c1: {  	v24 =	vld [tilespmem:s0+$0x170]  }
0x6c2: {  	v25 =	vld [tilespmem:s0+$0x180]  }
0x6c3: {  	v26 =	vld [tilespmem:s0+$0x190]  }
0x6c4: {  	v27 =	vld [tilespmem:s0+$0x1A0]  }
0x6c5: {  	v28 =	vld [tilespmem:s0+$0x1B0]  }
0x6c6: {  	v29 =	vld [tilespmem:s0+$0x1C0]  }
0x6c7: {  	v30 =	vld [tilespmem:s0+$0x1D0]  }
0x6c8: {  	[tilespmem:s0+$0x195F0] =	vst.add.f32.msk $0xffff, v0  }
0x6c9: {  	v0 =	vld [tilespmem:s0+$0x1E0]  }
0x6ca: {  	[tilespmem:s0+$0x19400] =	vst.add.f32.msk $0xffff, v1  }
0x6cb: {  	[tilespmem:s0+$0x19410] =	vst.add.f32.msk $0xffff, v2  }
0x6cc: {  	[tilespmem:s0+$0x19420] =	vst.add.f32.msk $0xffff, v3  }
0x6cd: {  	[tilespmem:s0+$0x19430] =	vst.add.f32.msk $0xffff, v4  }
0x6ce: {  	[tilespmem:s0+$0x19440] =	vst.add.f32.msk $0xffff, v5  }
0x6cf: {  	[tilespmem:s0+$0x19450] =	vst.add.f32.msk $0xffff, v6  }
0x6d0: {  	[tilespmem:s0+$0x19460] =	vst.add.f32.msk $0xffff, v7  }
0x6d1: {  	[tilespmem:s0+$0x19470] =	vst.add.f32.msk $0xffff, v8  }
0x6d2: {  	[tilespmem:s0+$0x19480] =	vst.add.f32.msk $0xffff, v9  }
0x6d3: {  	[tilespmem:s0+$0x19490] =	vst.add.f32.msk $0xffff, v10  }
0x6d4: {  	[tilespmem:s0+$0x194A0] =	vst.add.f32.msk $0xffff, v11  }
0x6d5: {  	[tilespmem:s0+$0x194B0] =	vst.add.f32.msk $0xffff, v12  }
0x6d6: {  	[tilespmem:s0+$0x194C0] =	vst.add.f32.msk $0xffff, v13  }
0x6d7: {  	[tilespmem:s0+$0x194D0] =	vst.add.f32.msk $0xffff, v14  }
0x6d8: {  	[tilespmem:s0+$0x194E0] =	vst.add.f32.msk $0xffff, v15  }
0x6d9: {  	[tilespmem:s0+$0x194F0] =	vst.add.f32.msk $0xffff, v16  }
0x6da: {  	[tilespmem:s0+$0x19500] =	vst.add.f32.msk $0xffff, v17  }
0x6db: {  	[tilespmem:s0+$0x19510] =	vst.add.f32.msk $0xffff, v18  }
0x6dc: {  	[tilespmem:s0+$0x19520] =	vst.add.f32.msk $0xffff, v19  }
0x6dd: {  	[tilespmem:s0+$0x19530] =	vst.add.f32.msk $0xffff, v20  }
0x6de: {  	[tilespmem:s0+$0x19540] =	vst.add.f32.msk $0xffff, v21  }
0x6df: {  	[tilespmem:s0+$0x19550] =	vst.add.f32.msk $0xffff, v22  }
0x6e0: {  	[tilespmem:s0+$0x19560] =	vst.add.f32.msk $0xffff, v23  }
0x6e1: {  	[tilespmem:s0+$0x19570] =	vst.add.f32.msk $0xffff, v24  }
0x6e2: {  	[tilespmem:s0+$0x19580] =	vst.add.f32.msk $0xffff, v25  }
0x6e3: {  	[tilespmem:s0+$0x19590] =	vst.add.f32.msk $0xffff, v26  }
0x6e4: {  	[tilespmem:s0+$0x195A0] =	vst.add.f32.msk $0xffff, v27  }
0x6e5: {  	[tilespmem:s0+$0x195B0] =	vst.add.f32.msk $0xffff, v28  }
0x6e6: {  	[tilespmem:s0+$0x195C0] =	vst.add.f32.msk $0xffff, v29  }
0x6e7: {  	s2 =	simm.s32 $0x800;
	s1 =	simm.s32 $0x0;
	[tilespmem:s0+$0x195D0] =	vst.add.f32.msk $0xffff, v30  }
.LBB2_26:
0x6e8: {  	s1 =	sadd.s32 $0x4, s1;
	[tilespmem:s0+$0x195E0] =	vst.add.f32.msk $0xffff, v0;
	s0 =	sshra.s32 s2, $0x2  }
0x6e9: {  	v0 =	vld [tilespmem:s0+$0x1F0];
	p0 =	slt.u32 s1, $0xC4  }
0x6ea: {  	v1 =	vld [tilespmem:s0+$0x0]  }
0x6eb: {  	v2 =	vld [tilespmem:s0+$0x10]  }
0x6ec: {  	v3 =	vld [tilespmem:s0+$0x20]  }
0x6ed: {  	v4 =	vld [tilespmem:s0+$0x30]  }
0x6ee: {  	[tilespmem:s0+$0x195F0] =	vst.add.f32.msk $0xffff, v0  }
0x6ef: {  	v5 =	vld [tilespmem:s0+$0x40]  }
0x6f0: {  	v6 =	vld [tilespmem:s0+$0x50]  }
0x6f1: {  	v7 =	vld [tilespmem:s0+$0x60]  }
0x6f2: {  	v8 =	vld [tilespmem:s0+$0x70]  }
0x6f3: {  	v9 =	vld [tilespmem:s0+$0x80]  }
0x6f4: {  	v10 =	vld [tilespmem:s0+$0x90]  }
0x6f5: {  	v11 =	vld [tilespmem:s0+$0xA0]  }
0x6f6: {  	v12 =	vld [tilespmem:s0+$0xB0]  }
0x6f7: {  	v13 =	vld [tilespmem:s0+$0xC0]  }
0x6f8: {  	v14 =	vld [tilespmem:s0+$0xD0]  }
0x6f9: {  	v15 =	vld [tilespmem:s0+$0xE0]  }
0x6fa: {  	v16 =	vld [tilespmem:s0+$0xF0]  }
0x6fb: {  	v17 =	vld [tilespmem:s0+$0x100]  }
0x6fc: {  	v18 =	vld [tilespmem:s0+$0x110]  }
0x6fd: {  	v19 =	vld [tilespmem:s0+$0x120]  }
0x6fe: {  	v20 =	vld [tilespmem:s0+$0x130]  }
0x6ff: {  	v21 =	vld [tilespmem:s0+$0x140]  }
0x700: {  	v22 =	vld [tilespmem:s0+$0x150]  }
0x701: {  	v23 =	vld [tilespmem:s0+$0x160]  }
0x702: {  	v24 =	vld [tilespmem:s0+$0x170]  }
0x703: {  	v25 =	vld [tilespmem:s0+$0x180]  }
0x704: {  	v26 =	vld [tilespmem:s0+$0x190]  }
0x705: {  	v27 =	vld [tilespmem:s0+$0x1A0]  }
0x706: {  	v28 =	vld [tilespmem:s0+$0x1B0]  }
0x707: {  	v29 =	vld [tilespmem:s0+$0x1C0]  }
0x708: {  	v30 =	vld [tilespmem:s0+$0x1D0]  }
0x709: {  	v0 =	vld [tilespmem:s0+$0x1E0]  }
0x70a: {  	[tilespmem:s0+$0x19400] =	vst.add.f32.msk $0xffff, v1  }
0x70b: {  	[tilespmem:s0+$0x19410] =	vst.add.f32.msk $0xffff, v2  }
0x70c: {  	[tilespmem:s0+$0x19420] =	vst.add.f32.msk $0xffff, v3  }
0x70d: {  	[tilespmem:s0+$0x19430] =	vst.add.f32.msk $0xffff, v4  }
0x70e: {  	[tilespmem:s0+$0x19440] =	vst.add.f32.msk $0xffff, v5  }
0x70f: {  	[tilespmem:s0+$0x19450] =	vst.add.f32.msk $0xffff, v6  }
0x710: {  	[tilespmem:s0+$0x19460] =	vst.add.f32.msk $0xffff, v7  }
0x711: {  	[tilespmem:s0+$0x19470] =	vst.add.f32.msk $0xffff, v8  }
0x712: {  	[tilespmem:s0+$0x19480] =	vst.add.f32.msk $0xffff, v9  }
0x713: {  	[tilespmem:s0+$0x19490] =	vst.add.f32.msk $0xffff, v10  }
0x714: {  	[tilespmem:s0+$0x194A0] =	vst.add.f32.msk $0xffff, v11  }
0x715: {  	[tilespmem:s0+$0x194B0] =	vst.add.f32.msk $0xffff, v12  }
0x716: {  	[tilespmem:s0+$0x194C0] =	vst.add.f32.msk $0xffff, v13  }
0x717: {  	[tilespmem:s0+$0x194D0] =	vst.add.f32.msk $0xffff, v14  }
0x718: {  	[tilespmem:s0+$0x194E0] =	vst.add.f32.msk $0xffff, v15  }
0x719: {  	[tilespmem:s0+$0x194F0] =	vst.add.f32.msk $0xffff, v16  }
0x71a: {  	[tilespmem:s0+$0x19500] =	vst.add.f32.msk $0xffff, v17  }
0x71b: {  	[tilespmem:s0+$0x19510] =	vst.add.f32.msk $0xffff, v18  }
0x71c: {  	[tilespmem:s0+$0x19520] =	vst.add.f32.msk $0xffff, v19  }
0x71d: {  	[tilespmem:s0+$0x19530] =	vst.add.f32.msk $0xffff, v20  }
0x71e: {  	[tilespmem:s0+$0x19540] =	vst.add.f32.msk $0xffff, v21  }
0x71f: {  	[tilespmem:s0+$0x19550] =	vst.add.f32.msk $0xffff, v22  }
0x720: {  	[tilespmem:s0+$0x19560] =	vst.add.f32.msk $0xffff, v23  }
0x721: {  	[tilespmem:s0+$0x19570] =	vst.add.f32.msk $0xffff, v24  }
0x722: {  	[tilespmem:s0+$0x19580] =	vst.add.f32.msk $0xffff, v25  }
.Ltmp12:
0x723: {  	[tilespmem:s0+$0x19590] =	vst.add.f32.msk $0xffff, v26;
	(pc) =	sbr.rel @p0 .LBB2_26-.Ltmp12, $4  }
0x724: {  	[tilespmem:s0+$0x195A0] =	vst.add.f32.msk $0xffff, v27  }
0x725: {  	[tilespmem:s0+$0x195B0] =	vst.add.f32.msk $0xffff, v28  }
0x726: {  	[tilespmem:s0+$0x195C0] =	vst.add.f32.msk $0xffff, v29  }
0x727: {  	s2 =	sadd.s32 $0x800, s2;
	[tilespmem:s0+$0x195D0] =	vst.add.f32.msk $0xffff, v30  }
0x728: {  	[tilespmem:s0+$0x195E0] =	vst.add.f32.msk $0xffff, v0  }
0x729: {  	s0 =	rddreg [dreg:$0x14]  }
0x72a: {  	[hbm4b:s0+s4] =	stream.linear.scatter [tilespmem:s11], [sflag:$0xC], $0x6400, $0x38;
	[tilespmem:$0x1F800] =	vst v63  }
0x72b: {  	_ =	swait.ge [sflag:s28], $0x6400  }
0x72c: {  	[sflag:s28] =	ssyncset.done $0x0  }
0x72d: {  	[sflag:s28] =	ssyncadd.s32 $0xFFFF9C00  }
0x72e: {  	_ =	swait.ge [sflag:s29], $0x6400  }
0x72f: {  	[sflag:s29] =	ssyncset.done $0x0  }
0x730: {  	[sflag:s29] =	ssyncadd.s32 $0xFFFF9C00  }
0x731: {  	_ =	swait.ge [sflag:s30], $0x6400  }
0x732: {  	s1 =	rddreg [dreg:$0x1a]  }
0x733: {  	s18 =	rddreg [dreg:$0x15];
	s1 =	sadd.s32 $0x1, s1  }
0x734: {  	p0 =	sne.s32 s1, s18  }
.Ltmp13:
0x735: {  	_ = 	snop;
	(pc) =	sbr.rel @p0 .LBB2_1-.Ltmp13, $3  }
0x736: {  	_ =	sdelay $0x1  }
0x737: {  	[sflag:s30] =	ssyncset.done $0x0  }
0x738: {  	[sflag:s30] =	ssyncadd.s32 $0xFFFF9C00  }
0x739: {  	_ =	sfence.sel $0x180000  }
0x73a: {  	[bflag:$0x0] =	sbarrier.arrive $0xFFFF  }
0x73b: {  	_ =	strace $0x90000047  }
0x73c: {  	s0 =	stileid.u32;
	[bflag:$0x2] =	sbarrier.arrive $0xFFFF  }
0x73d: {  	p0 =	sne.s32 s0, $0x0;
	s0 =	rddreg [dreg:$0x3]  }
0x73e: {  	s0 =	sadd.s32 @!p0 $0x100000, s0  }
0x73f: {  	[sflag:s0] =	ssyncadd.tile.s32 @!p0 $0x1;
	_ =	shalt  }
.Lfunc_end2:
_tile_overlayer_lowered:
.L_overlay_start_2:
0x740: {  	(tag) =	ssettag $0x2  }
0x741: {  	s0 =	rddreg [dreg:$0x0];
	s2 =	stileid.u32  }
0x742: {  	s1 =	rddreg [dreg:$0x1];
	p0 =	sne.s32 s2, $0x0  }
0x743: {  	s3 =	rddreg [dreg:$0x2];
	[bflag:$0x3] =	sbarrier.arrive $0xFFFF;
	s2 =	simm.s32 @!p0 $0x1C0D  }
0x744: {  	[timem:s3], [sflag:s2] =	dma.local @!p0 [hbm:s0], s1  }
0x745: {  	s0 =	simm.s32 @!p0 $0xD  }
0x746: {  	_ =	swait.ge @!p0 [sflag:s0], s1  }
0x747: {  	s1 =	ssub.s32 @!p0 $0x0, s1;
	[sflag:s0] =	ssyncset.done @!p0 $0x0  }
0x748: {  	[sflag:s0] =	ssyncadd.s32 @!p0 s1  }
0x749: {  	[bflag:$0x3] =	sbarrier.arrive $0xFFFF  }
0x74a: {  	_ =	shalt  }

</sc_bundles>
